<compile_context>
chip_gen: v7x
topology: tpu7x:2x2x1
jax: 0.10.2.dev20260603
libtpu: 0.0.44.dev20260713+nightly
codegen_flags: <defaults>
</compile_context>

<pallas_src>
import functools

import jax
import jax.numpy as jnp
from jax import lax
from jax.experimental import pallas as pl
from jax.experimental.pallas import tpu as pltpu
from jax.experimental.pallas import tpu_sc as plsc

N = 10000
NP = 10240
E = 160000
D = 256
H = 128
DO = 64
R = 1024
SLAB = NP // 16
NBUF = 4
ANB = 3

_mesh = plsc.VectorSubcoreMesh(core_axis_name="c", subcore_axis_name="s")


EPT = E // 16
DCH = 80
DIT = EPT // DCH


def _agg_pipeline(u_hbm, acc_sh, adjs_hbm, srcbuf, dst_base,
                  dst_vs, rows_vs, isems, gsems, ssems, chunk, nchunks):

    groups = nchunks // ANB

    def body(g, carry):
        idescs = []
        gdescs = []
        for j in range(ANB):
            off = (g * ANB + j) * chunk

            @pl.when(g > 0)
            def _():
                pltpu.make_async_copy(rows_vs[j], acc_sh.at[dst_vs[j]],
                                      ssems[j]).wait()

            idescs.append(pltpu.async_copy(
                adjs_hbm.at[pl.ds(dst_base + off, chunk)], dst_vs[j],
                isems[j]))
            gdescs.append(pltpu.async_copy(
                u_hbm.at[srcbuf.at[pl.ds(off, chunk)]], rows_vs[j],
                gsems[j]))
        for j in range(ANB):
            idescs[j].wait()
            gdescs[j].wait()
            pltpu.async_copy(rows_vs[j], acc_sh.at[dst_vs[j]], ssems[j],
                             add=True)
        return carry

    lax.fori_loop(0, groups, body, 0)
    for j in range(ANB):
        pltpu.make_async_copy(rows_vs[j], acc_sh.at[dst_vs[j]],
                              ssems[j]).wait()
    for t in range(nchunks - groups * ANB):
        off = (groups * ANB + t) * chunk
        pltpu.sync_copy(adjs_hbm.at[pl.ds(dst_base + off, chunk)], dst_vs[t])
        pltpu.sync_copy(u_hbm.at[srcbuf.at[pl.ds(off, chunk)]], rows_vs[t])
        pltpu.sync_copy(rows_vs[t], acc_sh.at[dst_vs[t]], add=True)


@functools.partial(
    pl.kernel,
    out_type=jax.ShapeDtypeStruct((2 * NP,), jnp.float32),
    mesh=_mesh,
    scratch_types=(
        [pltpu.VMEM((DCH,), jnp.int32)] * NBUF
        + [pltpu.VMEM((DCH,), jnp.float32)]
        + [pltpu.SemaphoreType.DMA]
        + [pltpu.VMEM_SHARED((NP,), jnp.float32)]
    ),
)
def _sc_degree(adjs_hbm, zeros1_hbm, deg_hbm, *scratch):
    idx_vs = scratch[0:NBUF]
    ones_v = scratch[NBUF]
    isem = scratch[NBUF + 1]
    acc_sh = scratch[NBUF + 2]
    c = lax.axis_index("c")
    s = lax.axis_index("s")
    pltpu.sync_copy(zeros1_hbm.at[pl.ds(s * SLAB, SLAB)],
                    acc_sh.at[pl.ds(s * SLAB, SLAB)])
    for j in range(DCH // 16):
        ones_v[pl.ds(j * 16, 16)] = jnp.full((16,), 1.0, jnp.float32)
    plsc.subcore_barrier()

    def body(g, carry):
        descs = []
        for j in range(NBUF):
            off = c * E + s * EPT + (g * NBUF + j) * DCH
            descs.append(pltpu.async_copy(
                adjs_hbm.at[pl.ds(off, DCH)], idx_vs[j], isem))
        for j in range(NBUF):
            descs[j].wait()
            pltpu.sync_copy(ones_v, acc_sh.at[idx_vs[j]], add=True)
        return carry

    lax.fori_loop(0, DIT // NBUF, body, 0)
    for t in range(DIT - (DIT // NBUF) * NBUF):
        off = c * E + s * EPT + ((DIT // NBUF) * NBUF + t) * DCH
        pltpu.sync_copy(adjs_hbm.at[pl.ds(off, DCH)], idx_vs[t])
        pltpu.sync_copy(ones_v, acc_sh.at[idx_vs[t]], add=True)
    plsc.subcore_barrier()
    pltpu.sync_copy(acc_sh.at[pl.ds(s * SLAB, SLAB)],
                    deg_hbm.at[pl.ds(c * NP + s * SLAB, SLAB)])


@functools.partial(
    pl.kernel,
    out_type=[jax.ShapeDtypeStruct((NP, H), jnp.float32)] * 2,
    mesh=_mesh,
    scratch_types=(
        [pltpu.VMEM((EPT,), jnp.int32)]
        + [pltpu.VMEM((DCH,), jnp.int32)] * ANB
        + [pltpu.VMEM((DCH, H), jnp.float32)] * ANB
        + [pltpu.SemaphoreType.DMA] * (3 * ANB)
        + [pltpu.VMEM_SHARED((NP, H), jnp.float32)]
    ),
)
def _sc_agg_split(u0_hbm, u1_hbm, adjs_hbm, zeros_hbm, z0_hbm, z1_hbm,
                  *scratch):
    srcbuf = scratch[0]
    dst_vs = scratch[1:1 + ANB]
    rows_vs = scratch[1 + ANB:1 + 2 * ANB]
    isems = scratch[1 + 2 * ANB:1 + 3 * ANB]
    gsems = scratch[1 + 3 * ANB:1 + 4 * ANB]
    ssems = scratch[1 + 4 * ANB:1 + 5 * ANB]
    acc_sh = scratch[1 + 5 * ANB]

    c = lax.axis_index("c")
    s = lax.axis_index("s")
    pltpu.sync_copy(zeros_hbm.at[pl.ds(s * SLAB, SLAB)],
                    acc_sh.at[pl.ds(s * SLAB, SLAB)])
    pltpu.sync_copy(adjs_hbm.at[pl.ds(s * EPT, EPT)], srcbuf)
    plsc.subcore_barrier()

    @pl.when(c == 0)
    def _():
        _agg_pipeline(u0_hbm, acc_sh, adjs_hbm, srcbuf, E + s * EPT,
                      dst_vs, rows_vs, isems, gsems, ssems, DCH, DIT)

    @pl.when(c == 1)
    def _():
        _agg_pipeline(u1_hbm, acc_sh, adjs_hbm, srcbuf, E + s * EPT,
                      dst_vs, rows_vs, isems, gsems, ssems, DCH, DIT)

    plsc.subcore_barrier()

    @pl.when(c == 0)
    def _():
        pltpu.sync_copy(acc_sh.at[pl.ds(s * SLAB, SLAB)],
                        z0_hbm.at[pl.ds(s * SLAB, SLAB)])

    @pl.when(c == 1)
    def _():
        pltpu.sync_copy(acc_sh.at[pl.ds(s * SLAB, SLAB)],
                        z1_hbm.at[pl.ds(s * SLAB, SLAB)])



def _first_body(x_ref, w_ref, dego_ref, u0_ref, u1_ref):
    so = lax.rsqrt(jnp.maximum(dego_ref[...], 1.0))
    u = jnp.dot(x_ref[...], w_ref[...], preferred_element_type=jnp.float32)
    u = u * so[:, None]
    u0_ref[...] = u[:, :H]
    u1_ref[...] = u[:, H:]


def _tc_first(x, W1, dego):
    return pl.pallas_call(
        _first_body,
        grid=(NP // R,),
        in_specs=[
            pl.BlockSpec((R, D), lambda i: (i, 0)),
            pl.BlockSpec((D, D), lambda i: (0, 0)),
            pl.BlockSpec((R,), lambda i: (i,)),
        ],
        out_specs=[
            pl.BlockSpec((R, H), lambda i: (i, 0)),
            pl.BlockSpec((R, H), lambda i: (i, 0)),
        ],
        out_shape=[jax.ShapeDtypeStruct((NP, H), jnp.float32)] * 2,
    )(x, W1, dego)


def _mid_body(z0_ref, z1_ref, w_ref, b_ref, degi_ref, dego_ref, u0_ref, u1_ref):
    si = lax.rsqrt(jnp.maximum(degi_ref[...], 1.0))[:, None]
    so = lax.rsqrt(jnp.maximum(dego_ref[...], 1.0))[:, None]
    b = b_ref[...]
    a0 = jnp.maximum(z0_ref[...] * si + b[:H][None, :], 0.0)
    a1 = jnp.maximum(z1_ref[...] * si + b[H:][None, :], 0.0)
    u = (jnp.dot(a0, w_ref[:H, :], preferred_element_type=jnp.float32)
         + jnp.dot(a1, w_ref[H:, :], preferred_element_type=jnp.float32))
    u = u * so
    u0_ref[...] = u[:, :H]
    u1_ref[...] = u[:, H:]


def _tc_mid(z0, z1, W, b, degi, dego):
    return pl.pallas_call(
        _mid_body,
        grid=(NP // R,),
        in_specs=[
            pl.BlockSpec((R, H), lambda i: (i, 0)),
            pl.BlockSpec((R, H), lambda i: (i, 0)),
            pl.BlockSpec((D, D), lambda i: (0, 0)),
            pl.BlockSpec((D,), lambda i: (0,)),
            pl.BlockSpec((R,), lambda i: (i,)),
            pl.BlockSpec((R,), lambda i: (i,)),
        ],
        out_specs=[
            pl.BlockSpec((R, H), lambda i: (i, 0)),
            pl.BlockSpec((R, H), lambda i: (i, 0)),
        ],
        out_shape=[jax.ShapeDtypeStruct((NP, H), jnp.float32)] * 2,
    )(z0, z1, W, b, degi, dego)


def _last_body(z0_ref, z1_ref, w_ref, b_ref, degi_ref, dego_ref, u_ref):
    si = lax.rsqrt(jnp.maximum(degi_ref[...], 1.0))[:, None]
    so = lax.rsqrt(jnp.maximum(dego_ref[...], 1.0))[:, None]
    b = b_ref[...]
    a0 = jnp.maximum(z0_ref[...] * si + b[:H][None, :], 0.0)
    a1 = jnp.maximum(z1_ref[...] * si + b[H:][None, :], 0.0)
    u = (jnp.dot(a0, w_ref[:H, :], preferred_element_type=jnp.float32)
         + jnp.dot(a1, w_ref[H:, :], preferred_element_type=jnp.float32))
    u = u * so
    u_ref[...] = jnp.concatenate([u, jnp.zeros_like(u)], axis=1)


def _tc_last(z0, z1, W3, b, degi, dego):
    return pl.pallas_call(
        _last_body,
        grid=(NP // R,),
        in_specs=[
            pl.BlockSpec((R, H), lambda i: (i, 0)),
            pl.BlockSpec((R, H), lambda i: (i, 0)),
            pl.BlockSpec((D, DO), lambda i: (0, 0)),
            pl.BlockSpec((D,), lambda i: (0,)),
            pl.BlockSpec((R,), lambda i: (i,)),
            pl.BlockSpec((R,), lambda i: (i,)),
        ],
        out_specs=pl.BlockSpec((R, H), lambda i: (i, 0)),
        out_shape=jax.ShapeDtypeStruct((NP, H), jnp.float32),
    )(z0, z1, W3, b, degi, dego)


def _fin_body(z3_ref, b3_ref, degi_ref, out_ref):
    si = lax.rsqrt(jnp.maximum(degi_ref[...], 1.0))[:, None]
    out_ref[...] = z3_ref[:, :DO] * si + b3_ref[...][None, :]


def _tc_fin(z3, b3, degi):
    return pl.pallas_call(
        _fin_body,
        grid=(NP // R,),
        in_specs=[
            pl.BlockSpec((R, H), lambda i: (i, 0)),
            pl.BlockSpec((DO,), lambda i: (0,)),
            pl.BlockSpec((R,), lambda i: (i,)),
        ],
        out_specs=pl.BlockSpec((R, DO), lambda i: (i, 0)),
        out_shape=jax.ShapeDtypeStruct((NP, DO), jnp.float32),
    )(z3, b3, degi)



def kernel(x, adjs, W1, b1, W2, b2, W3, b3):
    xp = jnp.pad(x, ((0, NP - N), (0, 0)))
    zeros1 = jnp.zeros((NP,), jnp.float32)
    zerosH = jnp.zeros((NP, H), jnp.float32)

    adjs_flat = adjs.reshape(2 * E)
    deg = _sc_degree(adjs_flat, zeros1)
    dego = deg[:NP]
    degi = deg[NP:]

    u0, u1 = _tc_first(xp, W1, dego)
    z0, z1 = _sc_agg_split(u0, u1, adjs_flat, zerosH)
    u0, u1 = _tc_mid(z0, z1, W2, b1, degi, dego)
    z0, z1 = _sc_agg_split(u0, u1, adjs_flat, zerosH)
    u3 = _tc_last(z0, z1, W3, b2, degi, dego)
    z3, _unused = _sc_agg_split(u3, u3, adjs_flat, zerosH)
    out = _tc_fin(z3, b3, degi)
    return out[:N]

# --- scband reference (transcript-rebuilt; emitter-appended) ---
"""Pipeline reference for scband-gcn-6545530159140 (READ-ONLY COPY).

The authoritative reference and input builder live on the scoring server;
editing this copy changes nothing except your own understanding.
"""

import jax, jax.numpy as jnp
import numpy as np

N_NODES = 10000
N_EDGES = 160000
D_IN = 256
D_HID = 256
D_OUT = 64


def setup_inputs(seed: int = 0) -> dict:
    key = jax.random.key(seed)
    ks = jax.random.split(key, 9)
    x = jax.random.normal(ks[0], (N_NODES, D_IN), dtype=jnp.float32)
    adjs = jax.random.randint(ks[1], (2, N_EDGES), 0, N_NODES, dtype=jnp.int32)
    W1 = jax.random.normal(ks[2], (D_IN, D_HID), dtype=jnp.float32) * 0.05
    b1 = jnp.zeros((D_HID,), dtype=jnp.float32)
    W2 = jax.random.normal(ks[3], (D_HID, D_HID), dtype=jnp.float32) * 0.05
    b2 = jnp.zeros((D_HID,), dtype=jnp.float32)
    W3 = jax.random.normal(ks[4], (D_HID, D_OUT), dtype=jnp.float32) * 0.05
    b3 = jnp.zeros((D_OUT,), dtype=jnp.float32)
    return {"x": x, "adjs": adjs, "W1": W1, "b1": b1, "W2": W2, "b2": b2, "W3": W3, "b3": b3}


def _gcn_layer(h, src, dst, norm, W, b):
    # GConv: symmetric-normalized aggregation of linearly transformed features
    h = h @ W
    msg = h[src] * norm[:, None]
    out = jax.ops.segment_sum(msg, dst, num_segments=N_NODES)
    return out + b


def reference(x, adjs, W1, b1, W2, b2, W3, b3):
    src = adjs[0]
    dst = adjs[1]
    deg_out = jax.ops.segment_sum(jnp.ones((N_EDGES,), dtype=jnp.float32), src, num_segments=N_NODES)
    deg_in = jax.ops.segment_sum(jnp.ones((N_EDGES,), dtype=jnp.float32), dst, num_segments=N_NODES)
    inv_sqrt_out = jax.lax.rsqrt(jnp.maximum(deg_out, 1.0))
    inv_sqrt_in = jax.lax.rsqrt(jnp.maximum(deg_in, 1.0))
    norm = inv_sqrt_out[src] * inv_sqrt_in[dst]

    h = _gcn_layer(x, src, dst, norm, W1, b1)
    h = jax.nn.relu(h)
    h = _gcn_layer(h, src, dst, norm, W2, b2)
    h = jax.nn.relu(h)
    h = _gcn_layer(h, src, dst, norm, W3, b3)
    return h

if __name__ == "__main__":
    import jax
    _d = setup_inputs()
    print(jax.jit(kernel)(*tuple(_d.values())))

</pallas_src>

<mosaic_0001>
#map = affine_map<(d0, d1) -> (0)>
module attributes {stable_mosaic.version = 14 : i64} {
  func.func @_sc_degree(%arg0: i32, %arg1: i32, %arg2: memref<320000xi32, #tpu.memory_space<hbm>>, %arg3: memref<10240xf32, #tpu.memory_space<hbm>>, %arg4: memref<20480xf32, #tpu.memory_space<hbm>>, %arg5: memref<80xi32, #tpu.memory_space<vmem>>, %arg6: memref<80xi32, #tpu.memory_space<vmem>>, %arg7: memref<80xi32, #tpu.memory_space<vmem>>, %arg8: memref<80xi32, #tpu.memory_space<vmem>>, %arg9: memref<80xf32, #tpu.memory_space<vmem>>, %arg10: memref<!tpu.dma_semaphore, #tpu.memory_space<semaphore_mem>>, %arg11: memref<10240xf32, #tpu.memory_space<vmem_shared>>) attributes {dimension_semantics = [#tpu.dimension_semantics<core_parallel>, #tpu.dimension_semantics<subcore_parallel>], iteration_bounds = array<i64: 2, 16>, scalar_prefetch = 0 : i64, scratch_operands = 7 : i64, tpu.core_type = #tpu.core_type<sc_vector_subcore>, window_params = [{transform_indices = #map}, {transform_indices = #map}, {transform_indices = #map}]} {
    %mul3A = arith.constant 640 : i32
    %mul3A_0 = arith.muli %arg1, %mul3A : i32
    %mul3A_1 = arith.constant 640 : i32
    %mul3A_2 = arith.muli %arg1, %mul3A_1 : i32
    "tpu.region"() ({
      %run_scoped3A = tpu.sem_alloc : memref<!tpu.dma_semaphore, #tpu.memory_space<semaphore_mem>>
      %dma_start3A = tpu.memref_slice %arg11[%mul3A_2] : memref<10240xf32, #tpu.memory_space<vmem_shared>> -> memref<640xf32, #tpu.memory_space<vmem_shared>>
      %dma_start3A_50 = tpu.memref_slice %arg3[%mul3A_0] : memref<10240xf32, #tpu.memory_space<hbm>> -> memref<640xf32, #tpu.memory_space<hbm>>
      tpu.enqueue_dma source(%dma_start3A_50 : memref<640xf32, #tpu.memory_space<hbm>>) target(%dma_start3A : memref<640xf32, #tpu.memory_space<vmem_shared>>) target_semaphore(%run_scoped3A : memref<!tpu.dma_semaphore, #tpu.memory_space<semaphore_mem>>)
      %dma_wait3A = tpu.memref_slice %arg11[%mul3A_2] : memref<10240xf32, #tpu.memory_space<vmem_shared>> -> memref<640xf32, #tpu.memory_space<vmem_shared>>
      %dma_wait3A_51 = tpu.memref_slice %arg3[%mul3A_0] : memref<10240xf32, #tpu.memory_space<hbm>> -> memref<640xf32, #tpu.memory_space<hbm>>
      tpu.wait_dma2 semaphore(%run_scoped3A : memref<!tpu.dma_semaphore, #tpu.memory_space<semaphore_mem>>) src(%dma_wait3A_51 : memref<640xf32, #tpu.memory_space<hbm>>) dst(%dma_wait3A : memref<640xf32, #tpu.memory_space<vmem_shared>>)
      tpu.yield
    }) : () -> ()
    %broadcast_in_dim3A = arith.constant 1.000000e+00 : f32
    %broadcast_in_dim3A_3 = vector.broadcast %broadcast_in_dim3A : f32 to vector<16xf32>
    %swap3A = arith.constant 0 : index
    %swap3A_4 = tpu.vector_load %arg9[%swap3A] {strides = array<i32>} : memref<80xf32, #tpu.memory_space<vmem>>, vector<16xf32>,
    %swap3A_5 = vector.shape_cast %swap3A_4 : vector<16xf32> to vector<16xf32>
    %swap3A_6 = vector.shape_cast %broadcast_in_dim3A_3 : vector<16xf32> to vector<16xf32>
    tpu.vector_store %arg9[%swap3A], %swap3A_6 {strides = array<i32>} : memref<80xf32, #tpu.memory_space<vmem>>, vector<16xf32>,
    %broadcast_in_dim3A_7 = arith.constant 1.000000e+00 : f32
    %broadcast_in_dim3A_8 = vector.broadcast %broadcast_in_dim3A_7 : f32 to vector<16xf32>
    %swap3A_9 = arith.constant 16 : index
    %swap3A_10 = tpu.vector_load %arg9[%swap3A_9] {strides = array<i32>} : memref<80xf32, #tpu.memory_space<vmem>>, vector<16xf32>,
    %swap3A_11 = vector.shape_cast %swap3A_10 : vector<16xf32> to vector<16xf32>
    %swap3A_12 = vector.shape_cast %broadcast_in_dim3A_8 : vector<16xf32> to vector<16xf32>
    tpu.vector_store %arg9[%swap3A_9], %swap3A_12 {strides = array<i32>} : memref<80xf32, #tpu.memory_space<vmem>>, vector<16xf32>,
    %broadcast_in_dim3A_13 = arith.constant 1.000000e+00 : f32
    %broadcast_in_dim3A_14 = vector.broadcast %broadcast_in_dim3A_13 : f32 to vector<16xf32>
    %swap3A_15 = arith.constant 32 : index
    %swap3A_16 = tpu.vector_load %arg9[%swap3A_15] {strides = array<i32>} : memref<80xf32, #tpu.memory_space<vmem>>, vector<16xf32>,
    %swap3A_17 = vector.shape_cast %swap3A_16 : vector<16xf32> to vector<16xf32>
    %swap3A_18 = vector.shape_cast %broadcast_in_dim3A_14 : vector<16xf32> to vector<16xf32>
    tpu.vector_store %arg9[%swap3A_15], %swap3A_18 {strides = array<i32>} : memref<80xf32, #tpu.memory_space<vmem>>, vector<16xf32>,
    %broadcast_in_dim3A_19 = arith.constant 1.000000e+00 : f32
    %broadcast_in_dim3A_20 = vector.broadcast %broadcast_in_dim3A_19 : f32 to vector<16xf32>
    %swap3A_21 = arith.constant 48 : index
    %swap3A_22 = tpu.vector_load %arg9[%swap3A_21] {strides = array<i32>} : memref<80xf32, #tpu.memory_space<vmem>>, vector<16xf32>,
    %swap3A_23 = vector.shape_cast %swap3A_22 : vector<16xf32> to vector<16xf32>
    %swap3A_24 = vector.shape_cast %broadcast_in_dim3A_20 : vector<16xf32> to vector<16xf32>
    tpu.vector_store %arg9[%swap3A_21], %swap3A_24 {strides = array<i32>} : memref<80xf32, #tpu.memory_space<vmem>>, vector<16xf32>,
    %broadcast_in_dim3A_25 = arith.constant 1.000000e+00 : f32
    %broadcast_in_dim3A_26 = vector.broadcast %broadcast_in_dim3A_25 : f32 to vector<16xf32>
    %swap3A_27 = arith.constant 64 : index
    %swap3A_28 = tpu.vector_load %arg9[%swap3A_27] {strides = array<i32>} : memref<80xf32, #tpu.memory_space<vmem>>, vector<16xf32>,
    %swap3A_29 = vector.shape_cast %swap3A_28 : vector<16xf32> to vector<16xf32>
    %swap3A_30 = vector.shape_cast %broadcast_in_dim3A_26 : vector<16xf32> to vector<16xf32>
    tpu.vector_store %arg9[%swap3A_27], %swap3A_30 {strides = array<i32>} : memref<80xf32, #tpu.memory_space<vmem>>, vector<16xf32>,
    %barrier3A = arith.constant 0 : index
    tpu.barrier barrier_id(%barrier3A)
    %scan3A = arith.constant 0 : i32
    %scan3A_31 = arith.constant 0 : i32
    %scan3A_32 = arith.constant 31 : i32
    %scan3A_33 = arith.addi %scan3A_31, %scan3A_32 : i32
    %scan3A_34 = arith.constant 1 : i32
    scf.for %scan3A_50 = %scan3A_31 to %scan3A_33 step %scan3A_34  : i32 {
      %mul3A_51 = arith.constant 160000 : i32
      %mul3A_52 = arith.muli %arg0, %mul3A_51 : i32
      %mul3A_53 = arith.constant 10000 : i32
      %mul3A_54 = arith.muli %arg1, %mul3A_53 : i32
      %add3A_55 = arith.addi %mul3A_52, %mul3A_54 : i32
      %mul3A_56 = arith.constant 4 : i32
      %mul3A_57 = arith.muli %scan3A_50, %mul3A_56 : i32
      %add3A_58 = arith.constant 0 : i32
      %add3A_59 = arith.addi %mul3A_57, %add3A_58 : i32
      %mul3A_60 = arith.constant 80 : i32
      %mul3A_61 = arith.muli %add3A_59, %mul3A_60 : i32
      %add3A_62 = arith.addi %add3A_55, %mul3A_61 : i32
      %dma_start3A = tpu.memref_slice %arg2[%add3A_62] : memref<320000xi32, #tpu.memory_space<hbm>> -> memref<80xi32, #tpu.memory_space<hbm>>
      %dma_start3A_63 = tpu.memref_slice %arg2[%add3A_62] : memref<320000xi32, #tpu.memory_space<hbm>> -> memref<80xi32, #tpu.memory_space<hbm>>
      tpu.enqueue_dma source(%dma_start3A_63 : memref<80xi32, #tpu.memory_space<hbm>>) target(%arg5 : memref<80xi32, #tpu.memory_space<vmem>>) target_semaphore(%arg10 : memref<!tpu.dma_semaphore, #tpu.memory_space<semaphore_mem>>)
      %mul3A_64 = arith.constant 160000 : i32
      %mul3A_65 = arith.muli %arg0, %mul3A_64 : i32
      %mul3A_66 = arith.constant 10000 : i32
      %mul3A_67 = arith.muli %arg1, %mul3A_66 : i32
      %add3A_68 = arith.addi %mul3A_65, %mul3A_67 : i32
      %mul3A_69 = arith.constant 4 : i32
      %mul3A_70 = arith.muli %scan3A_50, %mul3A_69 : i32
      %add3A_71 = arith.constant 1 : i32
      %add3A_72 = arith.addi %mul3A_70, %add3A_71 : i32
      %mul3A_73 = arith.constant 80 : i32
      %mul3A_74 = arith.muli %add3A_72, %mul3A_73 : i32
      %add3A_75 = arith.addi %add3A_68, %mul3A_74 : i32
      %dma_start3A_76 = tpu.memref_slice %arg2[%add3A_75] : memref<320000xi32, #tpu.memory_space<hbm>> -> memref<80xi32, #tpu.memory_space<hbm>>
      %dma_start3A_77 = tpu.memref_slice %arg2[%add3A_75] : memref<320000xi32, #tpu.memory_space<hbm>> -> memref<80xi32, #tpu.memory_space<hbm>>
      tpu.enqueue_dma source(%dma_start3A_77 : memref<80xi32, #tpu.memory_space<hbm>>) target(%arg6 : memref<80xi32, #tpu.memory_space<vmem>>) target_semaphore(%arg10 : memref<!tpu.dma_semaphore, #tpu.memory_space<semaphore_mem>>)
      %mul3A_78 = arith.constant 160000 : i32
      %mul3A_79 = arith.muli %arg0, %mul3A_78 : i32
      %mul3A_80 = arith.constant 10000 : i32
      %mul3A_81 = arith.muli %arg1, %mul3A_80 : i32
      %add3A_82 = arith.addi %mul3A_79, %mul3A_81 : i32
      %mul3A_83 = arith.constant 4 : i32
      %mul3A_84 = arith.muli %scan3A_50, %mul3A_83 : i32
      %add3A_85 = arith.constant 2 : i32
      %add3A_86 = arith.addi %mul3A_84, %add3A_85 : i32
      %mul3A_87 = arith.constant 80 : i32
      %mul3A_88 = arith.muli %add3A_86, %mul3A_87 : i32
      %add3A_89 = arith.addi %add3A_82, %mul3A_88 : i32
      %dma_start3A_90 = tpu.memref_slice %arg2[%add3A_89] : memref<320000xi32, #tpu.memory_space<hbm>> -> memref<80xi32, #tpu.memory_space<hbm>>
      %dma_start3A_91 = tpu.memref_slice %arg2[%add3A_89] : memref<320000xi32, #tpu.memory_space<hbm>> -> memref<80xi32, #tpu.memory_space<hbm>>
      tpu.enqueue_dma source(%dma_start3A_91 : memref<80xi32, #tpu.memory_space<hbm>>) target(%arg7 : memref<80xi32, #tpu.memory_space<vmem>>) target_semaphore(%arg10 : memref<!tpu.dma_semaphore, #tpu.memory_space<semaphore_mem>>)
      %mul3A_92 = arith.constant 160000 : i32
      %mul3A_93 = arith.muli %arg0, %mul3A_92 : i32
      %mul3A_94 = arith.constant 10000 : i32
      %mul3A_95 = arith.muli %arg1, %mul3A_94 : i32
      %add3A_96 = arith.addi %mul3A_93, %mul3A_95 : i32
      %mul3A_97 = arith.constant 4 : i32
      %mul3A_98 = arith.muli %scan3A_50, %mul3A_97 : i32
      %add3A_99 = arith.constant 3 : i32
      %add3A_100 = arith.addi %mul3A_98, %add3A_99 : i32
      %mul3A_101 = arith.constant 80 : i32
      %mul3A_102 = arith.muli %add3A_100, %mul3A_101 : i32
      %add3A_103 = arith.addi %add3A_96, %mul3A_102 : i32
      %dma_start3A_104 = tpu.memref_slice %arg2[%add3A_103] : memref<320000xi32, #tpu.memory_space<hbm>> -> memref<80xi32, #tpu.memory_space<hbm>>
      %dma_start3A_105 = tpu.memref_slice %arg2[%add3A_103] : memref<320000xi32, #tpu.memory_space<hbm>> -> memref<80xi32, #tpu.memory_space<hbm>>
      tpu.enqueue_dma source(%dma_start3A_105 : memref<80xi32, #tpu.memory_space<hbm>>) target(%arg8 : memref<80xi32, #tpu.memory_space<vmem>>) target_semaphore(%arg10 : memref<!tpu.dma_semaphore, #tpu.memory_space<semaphore_mem>>)
      %dma_wait3A = tpu.memref_slice %arg2[%add3A_62] : memref<320000xi32, #tpu.memory_space<hbm>> -> memref<80xi32, #tpu.memory_space<hbm>>
      %dma_wait3A_106 = tpu.memref_slice %arg2[%add3A_62] : memref<320000xi32, #tpu.memory_space<hbm>> -> memref<80xi32, #tpu.memory_space<hbm>>
      tpu.wait_dma2 semaphore(%arg10 : memref<!tpu.dma_semaphore, #tpu.memory_space<semaphore_mem>>) src(%dma_wait3A_106 : memref<80xi32, #tpu.memory_space<hbm>>) dst(%arg5 : memref<80xi32, #tpu.memory_space<vmem>>)
      "tpu.region"() ({
        %run_scoped3A = tpu.sem_alloc : memref<!tpu.dma_semaphore, #tpu.memory_space<semaphore_mem>>
        %dma_start3A_113 = arith.constant 0 : i32
        %dma_start3A_114 = tpu.memref_slice %arg11[%dma_start3A_113] : memref<10240xf32, #tpu.memory_space<vmem_shared>> -> memref<10240xf32, #tpu.memory_space<vmem_shared>>
        tpu.enqueue_indirect_dma source(%arg9 : memref<80xf32, #tpu.memory_space<vmem>>) target(%dma_start3A_114 : memref<10240xf32, #tpu.memory_space<vmem_shared>>) offsets(%arg5 : memref<80xi32, #tpu.memory_space<vmem>>) semaphore(%run_scoped3A : memref<!tpu.dma_semaphore, #tpu.memory_space<semaphore_mem>>) {add = true}
        %dma_wait3A_115 = arith.constant 0 : i32
        %dma_wait3A_116 = tpu.memref_slice %arg11[%dma_wait3A_115] : memref<10240xf32, #tpu.memory_space<vmem_shared>> -> memref<10240xf32, #tpu.memory_space<vmem_shared>>
        tpu.wait_indirect_dma semaphore(%run_scoped3A : memref<!tpu.dma_semaphore, #tpu.memory_space<semaphore_mem>>) src(%arg9 : memref<80xf32, #tpu.memory_space<vmem>>) dst(%dma_wait3A_116 : memref<10240xf32, #tpu.memory_space<vmem_shared>>)
        tpu.yield
      }) : () -> ()
      %dma_wait3A_107 = tpu.memref_slice %arg2[%add3A_75] : memref<320000xi32, #tpu.memory_space<hbm>> -> memref<80xi32, #tpu.memory_space<hbm>>
      %dma_wait3A_108 = tpu.memref_slice %arg2[%add3A_75] : memref<320000xi32, #tpu.memory_space<hbm>> -> memref<80xi32, #tpu.memory_space<hbm>>
      tpu.wait_dma2 semaphore(%arg10 : memref<!tpu.dma_semaphore, #tpu.memory_space<semaphore_mem>>) src(%dma_wait3A_108 : memref<80xi32, #tpu.memory_space<hbm>>) dst(%arg6 : memref<80xi32, #tpu.memory_space<vmem>>)
      "tpu.region"() ({
        %run_scoped3A = tpu.sem_alloc : memref<!tpu.dma_semaphore, #tpu.memory_space<semaphore_mem>>
        %dma_start3A_113 = arith.constant 0 : i32
        %dma_start3A_114 = tpu.memref_slice %arg11[%dma_start3A_113] : memref<10240xf32, #tpu.memory_space<vmem_shared>> -> memref<10240xf32, #tpu.memory_space<vmem_shared>>
        tpu.enqueue_indirect_dma source(%arg9 : memref<80xf32, #tpu.memory_space<vmem>>) target(%dma_start3A_114 : memref<10240xf32, #tpu.memory_space<vmem_shared>>) offsets(%arg6 : memref<80xi32, #tpu.memory_space<vmem>>) semaphore(%run_scoped3A : memref<!tpu.dma_semaphore, #tpu.memory_space<semaphore_mem>>) {add = true}
        %dma_wait3A_115 = arith.constant 0 : i32
        %dma_wait3A_116 = tpu.memref_slice %arg11[%dma_wait3A_115] : memref<10240xf32, #tpu.memory_space<vmem_shared>> -> memref<10240xf32, #tpu.memory_space<vmem_shared>>
        tpu.wait_indirect_dma semaphore(%run_scoped3A : memref<!tpu.dma_semaphore, #tpu.memory_space<semaphore_mem>>) src(%arg9 : memref<80xf32, #tpu.memory_space<vmem>>) dst(%dma_wait3A_116 : memref<10240xf32, #tpu.memory_space<vmem_shared>>)
        tpu.yield
      }) : () -> ()
      %dma_wait3A_109 = tpu.memref_slice %arg2[%add3A_89] : memref<320000xi32, #tpu.memory_space<hbm>> -> memref<80xi32, #tpu.memory_space<hbm>>
      %dma_wait3A_110 = tpu.memref_slice %arg2[%add3A_89] : memref<320000xi32, #tpu.memory_space<hbm>> -> memref<80xi32, #tpu.memory_space<hbm>>
      tpu.wait_dma2 semaphore(%arg10 : memref<!tpu.dma_semaphore, #tpu.memory_space<semaphore_mem>>) src(%dma_wait3A_110 : memref<80xi32, #tpu.memory_space<hbm>>) dst(%arg7 : memref<80xi32, #tpu.memory_space<vmem>>)
      "tpu.region"() ({
        %run_scoped3A = tpu.sem_alloc : memref<!tpu.dma_semaphore, #tpu.memory_space<semaphore_mem>>
        %dma_start3A_113 = arith.constant 0 : i32
        %dma_start3A_114 = tpu.memref_slice %arg11[%dma_start3A_113] : memref<10240xf32, #tpu.memory_space<vmem_shared>> -> memref<10240xf32, #tpu.memory_space<vmem_shared>>
        tpu.enqueue_indirect_dma source(%arg9 : memref<80xf32, #tpu.memory_space<vmem>>) target(%dma_start3A_114 : memref<10240xf32, #tpu.memory_space<vmem_shared>>) offsets(%arg7 : memref<80xi32, #tpu.memory_space<vmem>>) semaphore(%run_scoped3A : memref<!tpu.dma_semaphore, #tpu.memory_space<semaphore_mem>>) {add = true}
        %dma_wait3A_115 = arith.constant 0 : i32
        %dma_wait3A_116 = tpu.memref_slice %arg11[%dma_wait3A_115] : memref<10240xf32, #tpu.memory_space<vmem_shared>> -> memref<10240xf32, #tpu.memory_space<vmem_shared>>
        tpu.wait_indirect_dma semaphore(%run_scoped3A : memref<!tpu.dma_semaphore, #tpu.memory_space<semaphore_mem>>) src(%arg9 : memref<80xf32, #tpu.memory_space<vmem>>) dst(%dma_wait3A_116 : memref<10240xf32, #tpu.memory_space<vmem_shared>>)
        tpu.yield
      }) : () -> ()
      %dma_wait3A_111 = tpu.memref_slice %arg2[%add3A_103] : memref<320000xi32, #tpu.memory_space<hbm>> -> memref<80xi32, #tpu.memory_space<hbm>>
      %dma_wait3A_112 = tpu.memref_slice %arg2[%add3A_103] : memref<320000xi32, #tpu.memory_space<hbm>> -> memref<80xi32, #tpu.memory_space<hbm>>
      tpu.wait_dma2 semaphore(%arg10 : memref<!tpu.dma_semaphore, #tpu.memory_space<semaphore_mem>>) src(%dma_wait3A_112 : memref<80xi32, #tpu.memory_space<hbm>>) dst(%arg8 : memref<80xi32, #tpu.memory_space<vmem>>)
      "tpu.region"() ({
        %run_scoped3A = tpu.sem_alloc : memref<!tpu.dma_semaphore, #tpu.memory_space<semaphore_mem>>
        %dma_start3A_113 = arith.constant 0 : i32
        %dma_start3A_114 = tpu.memref_slice %arg11[%dma_start3A_113] : memref<10240xf32, #tpu.memory_space<vmem_shared>> -> memref<10240xf32, #tpu.memory_space<vmem_shared>>
        tpu.enqueue_indirect_dma source(%arg9 : memref<80xf32, #tpu.memory_space<vmem>>) target(%dma_start3A_114 : memref<10240xf32, #tpu.memory_space<vmem_shared>>) offsets(%arg8 : memref<80xi32, #tpu.memory_space<vmem>>) semaphore(%run_scoped3A : memref<!tpu.dma_semaphore, #tpu.memory_space<semaphore_mem>>) {add = true}
        %dma_wait3A_115 = arith.constant 0 : i32
        %dma_wait3A_116 = tpu.memref_slice %arg11[%dma_wait3A_115] : memref<10240xf32, #tpu.memory_space<vmem_shared>> -> memref<10240xf32, #tpu.memory_space<vmem_shared>>
        tpu.wait_indirect_dma semaphore(%run_scoped3A : memref<!tpu.dma_semaphore, #tpu.memory_space<semaphore_mem>>) src(%arg9 : memref<80xf32, #tpu.memory_space<vmem>>) dst(%dma_wait3A_116 : memref<10240xf32, #tpu.memory_space<vmem_shared>>)
        tpu.yield
      }) : () -> ()
    }
    %scan3A_35 = arith.constant 31 : i32
    %mul3A_36 = arith.constant 160000 : i32
    %mul3A_37 = arith.muli %arg0, %mul3A_36 : i32
    %mul3A_38 = arith.constant 10000 : i32
    %mul3A_39 = arith.muli %arg1, %mul3A_38 : i32
    %add3A = arith.addi %mul3A_37, %mul3A_39 : i32
    %add3A_40 = arith.constant 9920 : i32
    %add3A_41 = arith.addi %add3A, %add3A_40 : i32
    "tpu.region"() ({
      %run_scoped3A = tpu.sem_alloc : memref<!tpu.dma_semaphore, #tpu.memory_space<semaphore_mem>>
      %dma_start3A = tpu.memref_slice %arg2[%add3A_41] : memref<320000xi32, #tpu.memory_space<hbm>> -> memref<80xi32, #tpu.memory_space<hbm>>
      %dma_start3A_50 = tpu.memref_slice %arg2[%add3A_41] : memref<320000xi32, #tpu.memory_space<hbm>> -> memref<80xi32, #tpu.memory_space<hbm>>
      tpu.enqueue_dma source(%dma_start3A_50 : memref<80xi32, #tpu.memory_space<hbm>>) target(%arg5 : memref<80xi32, #tpu.memory_space<vmem>>) target_semaphore(%run_scoped3A : memref<!tpu.dma_semaphore, #tpu.memory_space<semaphore_mem>>)
      %dma_wait3A = tpu.memref_slice %arg2[%add3A_41] : memref<320000xi32, #tpu.memory_space<hbm>> -> memref<80xi32, #tpu.memory_space<hbm>>
      %dma_wait3A_51 = tpu.memref_slice %arg2[%add3A_41] : memref<320000xi32, #tpu.memory_space<hbm>> -> memref<80xi32, #tpu.memory_space<hbm>>
      tpu.wait_dma2 semaphore(%run_scoped3A : memref<!tpu.dma_semaphore, #tpu.memory_space<semaphore_mem>>) src(%dma_wait3A_51 : memref<80xi32, #tpu.memory_space<hbm>>) dst(%arg5 : memref<80xi32, #tpu.memory_space<vmem>>)
      tpu.yield
    }) : () -> ()
    "tpu.region"() ({
      %run_scoped3A = tpu.sem_alloc : memref<!tpu.dma_semaphore, #tpu.memory_space<semaphore_mem>>
      %dma_start3A = arith.constant 0 : i32
      %dma_start3A_50 = tpu.memref_slice %arg11[%dma_start3A] : memref<10240xf32, #tpu.memory_space<vmem_shared>> -> memref<10240xf32, #tpu.memory_space<vmem_shared>>
      tpu.enqueue_indirect_dma source(%arg9 : memref<80xf32, #tpu.memory_space<vmem>>) target(%dma_start3A_50 : memref<10240xf32, #tpu.memory_space<vmem_shared>>) offsets(%arg5 : memref<80xi32, #tpu.memory_space<vmem>>) semaphore(%run_scoped3A : memref<!tpu.dma_semaphore, #tpu.memory_space<semaphore_mem>>) {add = true}
      %dma_wait3A = arith.constant 0 : i32
      %dma_wait3A_51 = tpu.memref_slice %arg11[%dma_wait3A] : memref<10240xf32, #tpu.memory_space<vmem_shared>> -> memref<10240xf32, #tpu.memory_space<vmem_shared>>
      tpu.wait_indirect_dma semaphore(%run_scoped3A : memref<!tpu.dma_semaphore, #tpu.memory_space<semaphore_mem>>) src(%arg9 : memref<80xf32, #tpu.memory_space<vmem>>) dst(%dma_wait3A_51 : memref<10240xf32, #tpu.memory_space<vmem_shared>>)
      tpu.yield
    }) : () -> ()
    %barrier3A_42 = arith.constant 0 : index
    tpu.barrier barrier_id(%barrier3A_42)
    %mul3A_43 = arith.constant 640 : i32
    %mul3A_44 = arith.muli %arg1, %mul3A_43 : i32
    %mul3A_45 = arith.constant 10240 : i32
    %mul3A_46 = arith.muli %arg0, %mul3A_45 : i32
    %mul3A_47 = arith.constant 640 : i32
    %mul3A_48 = arith.muli %arg1, %mul3A_47 : i32
    %add3A_49 = arith.addi %mul3A_46, %mul3A_48 : i32
    "tpu.region"() ({
      %run_scoped3A = tpu.sem_alloc : memref<!tpu.dma_semaphore, #tpu.memory_space<semaphore_mem>>
      %dma_start3A = tpu.memref_slice %arg4[%add3A_49] : memref<20480xf32, #tpu.memory_space<hbm>> -> memref<640xf32, #tpu.memory_space<hbm>>
      %dma_start3A_50 = tpu.memref_slice %arg11[%mul3A_44] : memref<10240xf32, #tpu.memory_space<vmem_shared>> -> memref<640xf32, #tpu.memory_space<vmem_shared>>
      tpu.enqueue_dma source(%dma_start3A_50 : memref<640xf32, #tpu.memory_space<vmem_shared>>) target(%dma_start3A : memref<640xf32, #tpu.memory_space<hbm>>) target_semaphore(%run_scoped3A : memref<!tpu.dma_semaphore, #tpu.memory_space<semaphore_mem>>)
      %dma_wait3A = tpu.memref_slice %arg4[%add3A_49] : memref<20480xf32, #tpu.memory_space<hbm>> -> memref<640xf32, #tpu.memory_space<hbm>>
      %dma_wait3A_51 = tpu.memref_slice %arg11[%mul3A_44] : memref<10240xf32, #tpu.memory_space<vmem_shared>> -> memref<640xf32, #tpu.memory_space<vmem_shared>>
      tpu.wait_dma2 semaphore(%run_scoped3A : memref<!tpu.dma_semaphore, #tpu.memory_space<semaphore_mem>>) src(%dma_wait3A_51 : memref<640xf32, #tpu.memory_space<vmem_shared>>) dst(%dma_wait3A : memref<640xf32, #tpu.memory_space<hbm>>)
      tpu.yield
    }) : () -> ()
    return
  }
}

#map = affine_map<(d0, d1) -> (0, 0)>
#map1 = affine_map<(d0, d1) -> (0)>
module attributes {stable_mosaic.version = 14 : i64} {
  func.func @_sc_agg_split(%arg0: i32, %arg1: i32, %arg2: memref<10240x128xf32, #tpu.memory_space<hbm>>, %arg3: memref<10240x128xf32, #tpu.memory_space<hbm>>, %arg4: memref<320000xi32, #tpu.memory_space<hbm>>, %arg5: memref<10240x128xf32, #tpu.memory_space<hbm>>, %arg6: memref<10240x128xf32, #tpu.memory_space<hbm>>, %arg7: memref<10240x128xf32, #tpu.memory_space<hbm>>, %arg8: memref<10000xi32, #tpu.memory_space<vmem>>, %arg9: memref<80xi32, #tpu.memory_space<vmem>>, %arg10: memref<80xi32, #tpu.memory_space<vmem>>, %arg11: memref<80xi32, #tpu.memory_space<vmem>>, %arg12: memref<80x128xf32, #tpu.memory_space<vmem>>, %arg13: memref<80x128xf32, #tpu.memory_space<vmem>>, %arg14: memref<80x128xf32, #tpu.memory_space<vmem>>, %arg15: memref<!tpu.dma_semaphore, #tpu.memory_space<semaphore_mem>>, %arg16: memref<!tpu.dma_semaphore, #tpu.memory_space<semaphore_mem>>, %arg17: memref<!tpu.dma_semaphore, #tpu.memory_space<semaphore_mem>>, %arg18: memref<!tpu.dma_semaphore, #tpu.memory_space<semaphore_mem>>, %arg19: memref<!tpu.dma_semaphore, #tpu.memory_space<semaphore_mem>>, %arg20: memref<!tpu.dma_semaphore, #tpu.memory_space<semaphore_mem>>, %arg21: memref<!tpu.dma_semaphore, #tpu.memory_space<semaphore_mem>>, %arg22: memref<!tpu.dma_semaphore, #tpu.memory_space<semaphore_mem>>, %arg23: memref<!tpu.dma_semaphore, #tpu.memory_space<semaphore_mem>>, %arg24: memref<10240x128xf32, #tpu.memory_space<vmem_shared>>) attributes {dimension_semantics = [#tpu.dimension_semantics<core_parallel>, #tpu.dimension_semantics<subcore_parallel>], iteration_bounds = array<i64: 2, 16>, scalar_prefetch = 0 : i64, scratch_operands = 17 : i64, tpu.core_type = #tpu.core_type<sc_vector_subcore>, window_params = [{transform_indices = #map}, {transform_indices = #map}, {transform_indices = #map1}, {transform_indices = #map}, {transform_indices = #map}, {transform_indices = #map}]} {
    %mul3A = arith.constant 640 : i32
    %mul3A_0 = arith.muli %arg1, %mul3A : i32
    %mul3A_1 = arith.constant 640 : i32
    %mul3A_2 = arith.muli %arg1, %mul3A_1 : i32
    "tpu.region"() ({
      %run_scoped3A = tpu.sem_alloc : memref<!tpu.dma_semaphore, #tpu.memory_space<semaphore_mem>>
      %dma_start3A = arith.constant 0 : i32
      %dma_start3A_23 = tpu.memref_slice %arg24[%mul3A_2, %dma_start3A] : memref<10240x128xf32, #tpu.memory_space<vmem_shared>> -> memref<640x128xf32, #tpu.memory_space<vmem_shared>>
      %dma_start3A_24 = arith.constant 0 : i32
      %dma_start3A_25 = tpu.memref_slice %arg5[%mul3A_0, %dma_start3A_24] : memref<10240x128xf32, #tpu.memory_space<hbm>> -> memref<640x128xf32, #tpu.memory_space<hbm>>
      tpu.enqueue_dma source(%dma_start3A_25 : memref<640x128xf32, #tpu.memory_space<hbm>>) target(%dma_start3A_23 : memref<640x128xf32, #tpu.memory_space<vmem_shared>>) target_semaphore(%run_scoped3A : memref<!tpu.dma_semaphore, #tpu.memory_space<semaphore_mem>>)
      %dma_wait3A = arith.constant 0 : i32
      %dma_wait3A_26 = tpu.memref_slice %arg24[%mul3A_2, %dma_wait3A] : memref<10240x128xf32, #tpu.memory_space<vmem_shared>> -> memref<640x128xf32, #tpu.memory_space<vmem_shared>>
      %dma_wait3A_27 = arith.constant 0 : i32
      %dma_wait3A_28 = tpu.memref_slice %arg5[%mul3A_0, %dma_wait3A_27] : memref<10240x128xf32, #tpu.memory_space<hbm>> -> memref<640x128xf32, #tpu.memory_space<hbm>>
      tpu.wait_dma2 semaphore(%run_scoped3A : memref<!tpu.dma_semaphore, #tpu.memory_space<semaphore_mem>>) src(%dma_wait3A_28 : memref<640x128xf32, #tpu.memory_space<hbm>>) dst(%dma_wait3A_26 : memref<640x128xf32, #tpu.memory_space<vmem_shared>>)
      tpu.yield
    }) : () -> ()
    %mul3A_3 = arith.constant 10000 : i32
    %mul3A_4 = arith.muli %arg1, %mul3A_3 : i32
    "tpu.region"() ({
      %run_scoped3A = tpu.sem_alloc : memref<!tpu.dma_semaphore, #tpu.memory_space<semaphore_mem>>
      %dma_start3A = tpu.memref_slice %arg4[%mul3A_4] : memref<320000xi32, #tpu.memory_space<hbm>> -> memref<10000xi32, #tpu.memory_space<hbm>>
      %dma_start3A_23 = tpu.memref_slice %arg4[%mul3A_4] : memref<320000xi32, #tpu.memory_space<hbm>> -> memref<10000xi32, #tpu.memory_space<hbm>>
      tpu.enqueue_dma source(%dma_start3A_23 : memref<10000xi32, #tpu.memory_space<hbm>>) target(%arg8 : memref<10000xi32, #tpu.memory_space<vmem>>) target_semaphore(%run_scoped3A : memref<!tpu.dma_semaphore, #tpu.memory_space<semaphore_mem>>)
      %dma_wait3A = tpu.memref_slice %arg4[%mul3A_4] : memref<320000xi32, #tpu.memory_space<hbm>> -> memref<10000xi32, #tpu.memory_space<hbm>>
      %dma_wait3A_24 = tpu.memref_slice %arg4[%mul3A_4] : memref<320000xi32, #tpu.memory_space<hbm>> -> memref<10000xi32, #tpu.memory_space<hbm>>
      tpu.wait_dma2 semaphore(%run_scoped3A : memref<!tpu.dma_semaphore, #tpu.memory_space<semaphore_mem>>) src(%dma_wait3A_24 : memref<10000xi32, #tpu.memory_space<hbm>>) dst(%arg8 : memref<10000xi32, #tpu.memory_space<vmem>>)
      tpu.yield
    }) : () -> ()
    %barrier3A = arith.constant 0 : index
    tpu.barrier barrier_id(%barrier3A)
    %eq3A = arith.constant 0 : i32
    %eq3A_5 = arith.cmpi eq, %arg0, %eq3A : i32
    %convert_element_type3A = arith.extui %eq3A_5 : i1 to i32
    %cond3A = arith.constant 0 : i32
    %cond3A_6 = arith.cmpi ne, %convert_element_type3A, %cond3A : i32
    scf.if %cond3A_6 {
      %mul3A_23 = arith.constant 10000 : i32
      %mul3A_24 = arith.muli %arg1, %mul3A_23 : i32
      %add3A = arith.constant 160000 : i32
      %add3A_25 = arith.addi %add3A, %mul3A_24 : i32
      %scan3A = arith.constant 0 : i32
      %scan3A_26 = arith.constant 0 : i32
      %scan3A_27 = arith.constant 41 : i32
      %scan3A_28 = arith.addi %scan3A_26, %scan3A_27 : i32
      %scan3A_29 = arith.constant 1 : i32
      scf.for %scan3A_43 = %scan3A_26 to %scan3A_28 step %scan3A_29  : i32 {
        %mul3A_44 = arith.constant 3 : i32
        %mul3A_45 = arith.muli %scan3A_43, %mul3A_44 : i32
        %add3A_46 = arith.constant 0 : i32
        %add3A_47 = arith.addi %mul3A_45, %add3A_46 : i32
        %mul3A_48 = arith.constant 80 : i32
        %mul3A_49 = arith.muli %add3A_47, %mul3A_48 : i32
        %gt3A = arith.constant 0 : i32
        %gt3A_50 = arith.cmpi sgt, %scan3A_43, %gt3A : i32
        %convert_element_type3A_51 = arith.extui %gt3A_50 : i1 to i32
        %cond3A_52 = arith.constant 0 : i32
        %cond3A_53 = arith.cmpi ne, %convert_element_type3A_51, %cond3A_52 : i32
        scf.if %cond3A_53 {
          %dma_wait3A_123 = arith.constant 0 : i32
          %dma_wait3A_124 = arith.constant 0 : i32
          %dma_wait3A_125 = tpu.memref_slice %arg24[%dma_wait3A_123, %dma_wait3A_124] : memref<10240x128xf32, #tpu.memory_space<vmem_shared>> -> memref<10240x128xf32, #tpu.memory_space<vmem_shared>>
          tpu.wait_indirect_dma semaphore(%arg21 : memref<!tpu.dma_semaphore, #tpu.memory_space<semaphore_mem>>) src(%arg12 : memref<80x128xf32, #tpu.memory_space<vmem>>) dst(%dma_wait3A_125 : memref<10240x128xf32, #tpu.memory_space<vmem_shared>>)
        } else {
        }
        %add3A_54 = arith.addi %add3A_25, %mul3A_49 : i32
        %dma_start3A = tpu.memref_slice %arg4[%add3A_54] : memref<320000xi32, #tpu.memory_space<hbm>> -> memref<80xi32, #tpu.memory_space<hbm>>
        %dma_start3A_55 = tpu.memref_slice %arg4[%add3A_54] : memref<320000xi32, #tpu.memory_space<hbm>> -> memref<80xi32, #tpu.memory_space<hbm>>
        tpu.enqueue_dma source(%dma_start3A_55 : memref<80xi32, #tpu.memory_space<hbm>>) target(%arg9 : memref<80xi32, #tpu.memory_space<vmem>>) target_semaphore(%arg15 : memref<!tpu.dma_semaphore, #tpu.memory_space<semaphore_mem>>)
        %dma_start3A_56 = tpu.memref_slice %arg8[%mul3A_49] : memref<10000xi32, #tpu.memory_space<vmem>> -> memref<80xi32, #tpu.memory_space<vmem>>
        %dma_start3A_57 = arith.constant 0 : i32
        %dma_start3A_58 = arith.constant 0 : i32
        %dma_start3A_59 = tpu.memref_slice %arg2[%dma_start3A_57, %dma_start3A_58] : memref<10240x128xf32, #tpu.memory_space<hbm>> -> memref<10240x128xf32, #tpu.memory_space<hbm>>
        tpu.enqueue_indirect_dma source(%dma_start3A_59 : memref<10240x128xf32, #tpu.memory_space<hbm>>) target(%arg12 : memref<80x128xf32, #tpu.memory_space<vmem>>) offsets(%dma_start3A_56 : memref<80xi32, #tpu.memory_space<vmem>>) semaphore(%arg18 : memref<!tpu.dma_semaphore, #tpu.memory_space<semaphore_mem>>)
        %mul3A_60 = arith.constant 3 : i32
        %mul3A_61 = arith.muli %scan3A_43, %mul3A_60 : i32
        %add3A_62 = arith.constant 1 : i32
        %add3A_63 = arith.addi %mul3A_61, %add3A_62 : i32
        %mul3A_64 = arith.constant 80 : i32
        %mul3A_65 = arith.muli %add3A_63, %mul3A_64 : i32
        %gt3A_66 = arith.constant 0 : i32
        %gt3A_67 = arith.cmpi sgt, %scan3A_43, %gt3A_66 : i32
        %convert_element_type3A_68 = arith.extui %gt3A_67 : i1 to i32
        %cond3A_69 = arith.constant 0 : i32
        %cond3A_70 = arith.cmpi ne, %convert_element_type3A_68, %cond3A_69 : i32
        scf.if %cond3A_70 {
          %dma_wait3A_123 = arith.constant 0 : i32
          %dma_wait3A_124 = arith.constant 0 : i32
          %dma_wait3A_125 = tpu.memref_slice %arg24[%dma_wait3A_123, %dma_wait3A_124] : memref<10240x128xf32, #tpu.memory_space<vmem_shared>> -> memref<10240x128xf32, #tpu.memory_space<vmem_shared>>
          tpu.wait_indirect_dma semaphore(%arg22 : memref<!tpu.dma_semaphore, #tpu.memory_space<semaphore_mem>>) src(%arg13 : memref<80x128xf32, #tpu.memory_space<vmem>>) dst(%dma_wait3A_125 : memref<10240x128xf32, #tpu.memory_space<vmem_shared>>)
        } else {
        }
        %add3A_71 = arith.addi %add3A_25, %mul3A_65 : i32
        %dma_start3A_72 = tpu.memref_slice %arg4[%add3A_71] : memref<320000xi32, #tpu.memory_space<hbm>> -> memref<80xi32, #tpu.memory_space<hbm>>
        %dma_start3A_73 = tpu.memref_slice %arg4[%add3A_71] : memref<320000xi32, #tpu.memory_space<hbm>> -> memref<80xi32, #tpu.memory_space<hbm>>
        tpu.enqueue_dma source(%dma_start3A_73 : memref<80xi32, #tpu.memory_space<hbm>>) target(%arg10 : memref<80xi32, #tpu.memory_space<vmem>>) target_semaphore(%arg16 : memref<!tpu.dma_semaphore, #tpu.memory_space<semaphore_mem>>)
        %dma_start3A_74 = tpu.memref_slice %arg8[%mul3A_65] : memref<10000xi32, #tpu.memory_space<vmem>> -> memref<80xi32, #tpu.memory_space<vmem>>
        %dma_start3A_75 = arith.constant 0 : i32
        %dma_start3A_76 = arith.constant 0 : i32
        %dma_start3A_77 = tpu.memref_slice %arg2[%dma_start3A_75, %dma_start3A_76] : memref<10240x128xf32, #tpu.memory_space<hbm>> -> memref<10240x128xf32, #tpu.memory_space<hbm>>
        tpu.enqueue_indirect_dma source(%dma_start3A_77 : memref<10240x128xf32, #tpu.memory_space<hbm>>) target(%arg13 : memref<80x128xf32, #tpu.memory_space<vmem>>) offsets(%dma_start3A_74 : memref<80xi32, #tpu.memory_space<vmem>>) semaphore(%arg19 : memref<!tpu.dma_semaphore, #tpu.memory_space<semaphore_mem>>)
        %mul3A_78 = arith.constant 3 : i32
        %mul3A_79 = arith.muli %scan3A_43, %mul3A_78 : i32
        %add3A_80 = arith.constant 2 : i32
        %add3A_81 = arith.addi %mul3A_79, %add3A_80 : i32
        %mul3A_82 = arith.constant 80 : i32
        %mul3A_83 = arith.muli %add3A_81, %mul3A_82 : i32
        %gt3A_84 = arith.constant 0 : i32
        %gt3A_85 = arith.cmpi sgt, %scan3A_43, %gt3A_84 : i32
        %convert_element_type3A_86 = arith.extui %gt3A_85 : i1 to i32
        %cond3A_87 = arith.constant 0 : i32
        %cond3A_88 = arith.cmpi ne, %convert_element_type3A_86, %cond3A_87 : i32
        scf.if %cond3A_88 {
          %dma_wait3A_123 = arith.constant 0 : i32
          %dma_wait3A_124 = arith.constant 0 : i32
          %dma_wait3A_125 = tpu.memref_slice %arg24[%dma_wait3A_123, %dma_wait3A_124] : memref<10240x128xf32, #tpu.memory_space<vmem_shared>> -> memref<10240x128xf32, #tpu.memory_space<vmem_shared>>
          tpu.wait_indirect_dma semaphore(%arg23 : memref<!tpu.dma_semaphore, #tpu.memory_space<semaphore_mem>>) src(%arg14 : memref<80x128xf32, #tpu.memory_space<vmem>>) dst(%dma_wait3A_125 : memref<10240x128xf32, #tpu.memory_space<vmem_shared>>)
        } else {
        }
        %add3A_89 = arith.addi %add3A_25, %mul3A_83 : i32
        %dma_start3A_90 = tpu.memref_slice %arg4[%add3A_89] : memref<320000xi32, #tpu.memory_space<hbm>> -> memref<80xi32, #tpu.memory_space<hbm>>
        %dma_start3A_91 = tpu.memref_slice %arg4[%add3A_89] : memref<320000xi32, #tpu.memory_space<hbm>> -> memref<80xi32, #tpu.memory_space<hbm>>
        tpu.enqueue_dma source(%dma_start3A_91 : memref<80xi32, #tpu.memory_space<hbm>>) target(%arg11 : memref<80xi32, #tpu.memory_space<vmem>>) target_semaphore(%arg17 : memref<!tpu.dma_semaphore, #tpu.memory_space<semaphore_mem>>)
        %dma_start3A_92 = tpu.memref_slice %arg8[%mul3A_83] : memref<10000xi32, #tpu.memory_space<vmem>> -> memref<80xi32, #tpu.memory_space<vmem>>
        %dma_start3A_93 = arith.constant 0 : i32
        %dma_start3A_94 = arith.constant 0 : i32
        %dma_start3A_95 = tpu.memref_slice %arg2[%dma_start3A_93, %dma_start3A_94] : memref<10240x128xf32, #tpu.memory_space<hbm>> -> memref<10240x128xf32, #tpu.memory_space<hbm>>
        tpu.enqueue_indirect_dma source(%dma_start3A_95 : memref<10240x128xf32, #tpu.memory_space<hbm>>) target(%arg14 : memref<80x128xf32, #tpu.memory_space<vmem>>) offsets(%dma_start3A_92 : memref<80xi32, #tpu.memory_space<vmem>>) semaphore(%arg20 : memref<!tpu.dma_semaphore, #tpu.memory_space<semaphore_mem>>)
        %dma_wait3A_96 = tpu.memref_slice %arg4[%add3A_54] : memref<320000xi32, #tpu.memory_space<hbm>> -> memref<80xi32, #tpu.memory_space<hbm>>
        %dma_wait3A_97 = tpu.memref_slice %arg4[%add3A_54] : memref<320000xi32, #tpu.memory_space<hbm>> -> memref<80xi32, #tpu.memory_space<hbm>>
        tpu.wait_dma2 semaphore(%arg15 : memref<!tpu.dma_semaphore, #tpu.memory_space<semaphore_mem>>) src(%dma_wait3A_97 : memref<80xi32, #tpu.memory_space<hbm>>) dst(%arg9 : memref<80xi32, #tpu.memory_space<vmem>>)
        %dma_wait3A_98 = tpu.memref_slice %arg8[%mul3A_49] : memref<10000xi32, #tpu.memory_space<vmem>> -> memref<80xi32, #tpu.memory_space<vmem>>
        %dma_wait3A_99 = arith.constant 0 : i32
        %dma_wait3A_100 = arith.constant 0 : i32
        %dma_wait3A_101 = tpu.memref_slice %arg2[%dma_wait3A_99, %dma_wait3A_100] : memref<10240x128xf32, #tpu.memory_space<hbm>> -> memref<10240x128xf32, #tpu.memory_space<hbm>>
        tpu.wait_indirect_dma semaphore(%arg18 : memref<!tpu.dma_semaphore, #tpu.memory_space<semaphore_mem>>) src(%dma_wait3A_101 : memref<10240x128xf32, #tpu.memory_space<hbm>>) dst(%arg12 : memref<80x128xf32, #tpu.memory_space<vmem>>)
        %dma_start3A_102 = arith.constant 0 : i32
        %dma_start3A_103 = arith.constant 0 : i32
        %dma_start3A_104 = tpu.memref_slice %arg24[%dma_start3A_102, %dma_start3A_103] : memref<10240x128xf32, #tpu.memory_space<vmem_shared>> -> memref<10240x128xf32, #tpu.memory_space<vmem_shared>>
        tpu.enqueue_indirect_dma source(%arg12 : memref<80x128xf32, #tpu.memory_space<vmem>>) target(%dma_start3A_104 : memref<10240x128xf32, #tpu.memory_space<vmem_shared>>) offsets(%arg9 : memref<80xi32, #tpu.memory_space<vmem>>) semaphore(%arg21 : memref<!tpu.dma_semaphore, #tpu.memory_space<semaphore_mem>>) {add = true}
        %dma_wait3A_105 = tpu.memref_slice %arg4[%add3A_71] : memref<320000xi32, #tpu.memory_space<hbm>> -> memref<80xi32, #tpu.memory_space<hbm>>
        %dma_wait3A_106 = tpu.memref_slice %arg4[%add3A_71] : memref<320000xi32, #tpu.memory_space<hbm>> -> memref<80xi32, #tpu.memory_space<hbm>>
        tpu.wait_dma2 semaphore(%arg16 : memref<!tpu.dma_semaphore, #tpu.memory_space<semaphore_mem>>) src(%dma_wait3A_106 : memref<80xi32, #tpu.memory_space<hbm>>) dst(%arg10 : memref<80xi32, #tpu.memory_space<vmem>>)
        %dma_wait3A_107 = tpu.memref_slice %arg8[%mul3A_65] : memref<10000xi32, #tpu.memory_space<vmem>> -> memref<80xi32, #tpu.memory_space<vmem>>
        %dma_wait3A_108 = arith.constant 0 : i32
        %dma_wait3A_109 = arith.constant 0 : i32
        %dma_wait3A_110 = tpu.memref_slice %arg2[%dma_wait3A_108, %dma_wait3A_109] : memref<10240x128xf32, #tpu.memory_space<hbm>> -> memref<10240x128xf32, #tpu.memory_space<hbm>>
        tpu.wait_indirect_dma semaphore(%arg19 : memref<!tpu.dma_semaphore, #tpu.memory_space<semaphore_mem>>) src(%dma_wait3A_110 : memref<10240x128xf32, #tpu.memory_space<hbm>>) dst(%arg13 : memref<80x128xf32, #tpu.memory_space<vmem>>)
        %dma_start3A_111 = arith.constant 0 : i32
        %dma_start3A_112 = arith.constant 0 : i32
        %dma_start3A_113 = tpu.memref_slice %arg24[%dma_start3A_111, %dma_start3A_112] : memref<10240x128xf32, #tpu.memory_space<vmem_shared>> -> memref<10240x128xf32, #tpu.memory_space<vmem_shared>>
        tpu.enqueue_indirect_dma source(%arg13 : memref<80x128xf32, #tpu.memory_space<vmem>>) target(%dma_start3A_113 : memref<10240x128xf32, #tpu.memory_space<vmem_shared>>) offsets(%arg10 : memref<80xi32, #tpu.memory_space<vmem>>) semaphore(%arg22 : memref<!tpu.dma_semaphore, #tpu.memory_space<semaphore_mem>>) {add = true}
        %dma_wait3A_114 = tpu.memref_slice %arg4[%add3A_89] : memref<320000xi32, #tpu.memory_space<hbm>> -> memref<80xi32, #tpu.memory_space<hbm>>
        %dma_wait3A_115 = tpu.memref_slice %arg4[%add3A_89] : memref<320000xi32, #tpu.memory_space<hbm>> -> memref<80xi32, #tpu.memory_space<hbm>>
        tpu.wait_dma2 semaphore(%arg17 : memref<!tpu.dma_semaphore, #tpu.memory_space<semaphore_mem>>) src(%dma_wait3A_115 : memref<80xi32, #tpu.memory_space<hbm>>) dst(%arg11 : memref<80xi32, #tpu.memory_space<vmem>>)
        %dma_wait3A_116 = tpu.memref_slice %arg8[%mul3A_83] : memref<10000xi32, #tpu.memory_space<vmem>> -> memref<80xi32, #tpu.memory_space<vmem>>
        %dma_wait3A_117 = arith.constant 0 : i32
        %dma_wait3A_118 = arith.constant 0 : i32
        %dma_wait3A_119 = tpu.memref_slice %arg2[%dma_wait3A_117, %dma_wait3A_118] : memref<10240x128xf32, #tpu.memory_space<hbm>> -> memref<10240x128xf32, #tpu.memory_space<hbm>>
        tpu.wait_indirect_dma semaphore(%arg20 : memref<!tpu.dma_semaphore, #tpu.memory_space<semaphore_mem>>) src(%dma_wait3A_119 : memref<10240x128xf32, #tpu.memory_space<hbm>>) dst(%arg14 : memref<80x128xf32, #tpu.memory_space<vmem>>)
        %dma_start3A_120 = arith.constant 0 : i32
        %dma_start3A_121 = arith.constant 0 : i32
        %dma_start3A_122 = tpu.memref_slice %arg24[%dma_start3A_120, %dma_start3A_121] : memref<10240x128xf32, #tpu.memory_space<vmem_shared>> -> memref<10240x128xf32, #tpu.memory_space<vmem_shared>>
        tpu.enqueue_indirect_dma source(%arg14 : memref<80x128xf32, #tpu.memory_space<vmem>>) target(%dma_start3A_122 : memref<10240x128xf32, #tpu.memory_space<vmem_shared>>) offsets(%arg11 : memref<80xi32, #tpu.memory_space<vmem>>) semaphore(%arg23 : memref<!tpu.dma_semaphore, #tpu.memory_space<semaphore_mem>>) {add = true}
      }
      %scan3A_30 = arith.constant 41 : i32
      %dma_wait3A = arith.constant 0 : i32
      %dma_wait3A_31 = arith.constant 0 : i32
      %dma_wait3A_32 = tpu.memref_slice %arg24[%dma_wait3A, %dma_wait3A_31] : memref<10240x128xf32, #tpu.memory_space<vmem_shared>> -> memref<10240x128xf32, #tpu.memory_space<vmem_shared>>
      tpu.wait_indirect_dma semaphore(%arg21 : memref<!tpu.dma_semaphore, #tpu.memory_space<semaphore_mem>>) src(%arg12 : memref<80x128xf32, #tpu.memory_space<vmem>>) dst(%dma_wait3A_32 : memref<10240x128xf32, #tpu.memory_space<vmem_shared>>)
      %dma_wait3A_33 = arith.constant 0 : i32
      %dma_wait3A_34 = arith.constant 0 : i32
      %dma_wait3A_35 = tpu.memref_slice %arg24[%dma_wait3A_33, %dma_wait3A_34] : memref<10240x128xf32, #tpu.memory_space<vmem_shared>> -> memref<10240x128xf32, #tpu.memory_space<vmem_shared>>
      tpu.wait_indirect_dma semaphore(%arg22 : memref<!tpu.dma_semaphore, #tpu.memory_space<semaphore_mem>>) src(%arg13 : memref<80x128xf32, #tpu.memory_space<vmem>>) dst(%dma_wait3A_35 : memref<10240x128xf32, #tpu.memory_space<vmem_shared>>)
      %dma_wait3A_36 = arith.constant 0 : i32
      %dma_wait3A_37 = arith.constant 0 : i32
      %dma_wait3A_38 = tpu.memref_slice %arg24[%dma_wait3A_36, %dma_wait3A_37] : memref<10240x128xf32, #tpu.memory_space<vmem_shared>> -> memref<10240x128xf32, #tpu.memory_space<vmem_shared>>
      tpu.wait_indirect_dma semaphore(%arg23 : memref<!tpu.dma_semaphore, #tpu.memory_space<semaphore_mem>>) src(%arg14 : memref<80x128xf32, #tpu.memory_space<vmem>>) dst(%dma_wait3A_38 : memref<10240x128xf32, #tpu.memory_space<vmem_shared>>)
      %add3A_39 = arith.constant 9840 : i32
      %add3A_40 = arith.addi %add3A_25, %add3A_39 : i32
      "tpu.region"() ({
        %run_scoped3A = tpu.sem_alloc : memref<!tpu.dma_semaphore, #tpu.memory_space<semaphore_mem>>
        %dma_start3A = tpu.memref_slice %arg4[%add3A_40] : memref<320000xi32, #tpu.memory_space<hbm>> -> memref<80xi32, #tpu.memory_space<hbm>>
        %dma_start3A_43 = tpu.memref_slice %arg4[%add3A_40] : memref<320000xi32, #tpu.memory_space<hbm>> -> memref<80xi32, #tpu.memory_space<hbm>>
        tpu.enqueue_dma source(%dma_start3A_43 : memref<80xi32, #tpu.memory_space<hbm>>) target(%arg9 : memref<80xi32, #tpu.memory_space<vmem>>) target_semaphore(%run_scoped3A : memref<!tpu.dma_semaphore, #tpu.memory_space<semaphore_mem>>)
        %dma_wait3A_44 = tpu.memref_slice %arg4[%add3A_40] : memref<320000xi32, #tpu.memory_space<hbm>> -> memref<80xi32, #tpu.memory_space<hbm>>
        %dma_wait3A_45 = tpu.memref_slice %arg4[%add3A_40] : memref<320000xi32, #tpu.memory_space<hbm>> -> memref<80xi32, #tpu.memory_space<hbm>>
        tpu.wait_dma2 semaphore(%run_scoped3A : memref<!tpu.dma_semaphore, #tpu.memory_space<semaphore_mem>>) src(%dma_wait3A_45 : memref<80xi32, #tpu.memory_space<hbm>>) dst(%arg9 : memref<80xi32, #tpu.memory_space<vmem>>)
        tpu.yield
      }) : () -> ()
      "tpu.region"() ({
        %run_scoped3A = tpu.sem_alloc : memref<!tpu.dma_semaphore, #tpu.memory_space<semaphore_mem>>
        %dma_start3A = arith.constant 9840 : i32
        %dma_start3A_43 = tpu.memref_slice %arg8[%dma_start3A] : memref<10000xi32, #tpu.memory_space<vmem>> -> memref<80xi32, #tpu.memory_space<vmem>>
        %dma_start3A_44 = arith.constant 0 : i32
        %dma_start3A_45 = arith.constant 0 : i32
        %dma_start3A_46 = tpu.memref_slice %arg2[%dma_start3A_44, %dma_start3A_45] : memref<10240x128xf32, #tpu.memory_space<hbm>> -> memref<10240x128xf32, #tpu.memory_space<hbm>>
        tpu.enqueue_indirect_dma source(%dma_start3A_46 : memref<10240x128xf32, #tpu.memory_space<hbm>>) target(%arg12 : memref<80x128xf32, #tpu.memory_space<vmem>>) offsets(%dma_start3A_43 : memref<80xi32, #tpu.memory_space<vmem>>) semaphore(%run_scoped3A : memref<!tpu.dma_semaphore, #tpu.memory_space<semaphore_mem>>)
        %dma_wait3A_47 = arith.constant 9840 : i32
        %dma_wait3A_48 = tpu.memref_slice %arg8[%dma_wait3A_47] : memref<10000xi32, #tpu.memory_space<vmem>> -> memref<80xi32, #tpu.memory_space<vmem>>
        %dma_wait3A_49 = arith.constant 0 : i32
        %dma_wait3A_50 = arith.constant 0 : i32
        %dma_wait3A_51 = tpu.memref_slice %arg2[%dma_wait3A_49, %dma_wait3A_50] : memref<10240x128xf32, #tpu.memory_space<hbm>> -> memref<10240x128xf32, #tpu.memory_space<hbm>>
        tpu.wait_indirect_dma semaphore(%run_scoped3A : memref<!tpu.dma_semaphore, #tpu.memory_space<semaphore_mem>>) src(%dma_wait3A_51 : memref<10240x128xf32, #tpu.memory_space<hbm>>) dst(%arg12 : memref<80x128xf32, #tpu.memory_space<vmem>>)
        tpu.yield
      }) : () -> ()
      "tpu.region"() ({
        %run_scoped3A = tpu.sem_alloc : memref<!tpu.dma_semaphore, #tpu.memory_space<semaphore_mem>>
        %dma_start3A = arith.constant 0 : i32
        %dma_start3A_43 = arith.constant 0 : i32
        %dma_start3A_44 = tpu.memref_slice %arg24[%dma_start3A, %dma_start3A_43] : memref<10240x128xf32, #tpu.memory_space<vmem_shared>> -> memref<10240x128xf32, #tpu.memory_space<vmem_shared>>
        tpu.enqueue_indirect_dma source(%arg12 : memref<80x128xf32, #tpu.memory_space<vmem>>) target(%dma_start3A_44 : memref<10240x128xf32, #tpu.memory_space<vmem_shared>>) offsets(%arg9 : memref<80xi32, #tpu.memory_space<vmem>>) semaphore(%run_scoped3A : memref<!tpu.dma_semaphore, #tpu.memory_space<semaphore_mem>>) {add = true}
        %dma_wait3A_45 = arith.constant 0 : i32
        %dma_wait3A_46 = arith.constant 0 : i32
        %dma_wait3A_47 = tpu.memref_slice %arg24[%dma_wait3A_45, %dma_wait3A_46] : memref<10240x128xf32, #tpu.memory_space<vmem_shared>> -> memref<10240x128xf32, #tpu.memory_space<vmem_shared>>
        tpu.wait_indirect_dma semaphore(%run_scoped3A : memref<!tpu.dma_semaphore, #tpu.memory_space<semaphore_mem>>) src(%arg12 : memref<80x128xf32, #tpu.memory_space<vmem>>) dst(%dma_wait3A_47 : memref<10240x128xf32, #tpu.memory_space<vmem_shared>>)
        tpu.yield
      }) : () -> ()
      %add3A_41 = arith.constant 9920 : i32
      %add3A_42 = arith.addi %add3A_25, %add3A_41 : i32
      "tpu.region"() ({
        %run_scoped3A = tpu.sem_alloc : memref<!tpu.dma_semaphore, #tpu.memory_space<semaphore_mem>>
        %dma_start3A = tpu.memref_slice %arg4[%add3A_42] : memref<320000xi32, #tpu.memory_space<hbm>> -> memref<80xi32, #tpu.memory_space<hbm>>
        %dma_start3A_43 = tpu.memref_slice %arg4[%add3A_42] : memref<320000xi32, #tpu.memory_space<hbm>> -> memref<80xi32, #tpu.memory_space<hbm>>
        tpu.enqueue_dma source(%dma_start3A_43 : memref<80xi32, #tpu.memory_space<hbm>>) target(%arg10 : memref<80xi32, #tpu.memory_space<vmem>>) target_semaphore(%run_scoped3A : memref<!tpu.dma_semaphore, #tpu.memory_space<semaphore_mem>>)
        %dma_wait3A_44 = tpu.memref_slice %arg4[%add3A_42] : memref<320000xi32, #tpu.memory_space<hbm>> -> memref<80xi32, #tpu.memory_space<hbm>>
        %dma_wait3A_45 = tpu.memref_slice %arg4[%add3A_42] : memref<320000xi32, #tpu.memory_space<hbm>> -> memref<80xi32, #tpu.memory_space<hbm>>
        tpu.wait_dma2 semaphore(%run_scoped3A : memref<!tpu.dma_semaphore, #tpu.memory_space<semaphore_mem>>) src(%dma_wait3A_45 : memref<80xi32, #tpu.memory_space<hbm>>) dst(%arg10 : memref<80xi32, #tpu.memory_space<vmem>>)
        tpu.yield
      }) : () -> ()
      "tpu.region"() ({
        %run_scoped3A = tpu.sem_alloc : memref<!tpu.dma_semaphore, #tpu.memory_space<semaphore_mem>>
        %dma_start3A = arith.constant 9920 : i32
        %dma_start3A_43 = tpu.memref_slice %arg8[%dma_start3A] : memref<10000xi32, #tpu.memory_space<vmem>> -> memref<80xi32, #tpu.memory_space<vmem>>
        %dma_start3A_44 = arith.constant 0 : i32
        %dma_start3A_45 = arith.constant 0 : i32
        %dma_start3A_46 = tpu.memref_slice %arg2[%dma_start3A_44, %dma_start3A_45] : memref<10240x128xf32, #tpu.memory_space<hbm>> -> memref<10240x128xf32, #tpu.memory_space<hbm>>
        tpu.enqueue_indirect_dma source(%dma_start3A_46 : memref<10240x128xf32, #tpu.memory_space<hbm>>) target(%arg13 : memref<80x128xf32, #tpu.memory_space<vmem>>) offsets(%dma_start3A_43 : memref<80xi32, #tpu.memory_space<vmem>>) semaphore(%run_scoped3A : memref<!tpu.dma_semaphore, #tpu.memory_space<semaphore_mem>>)
        %dma_wait3A_47 = arith.constant 9920 : i32
        %dma_wait3A_48 = tpu.memref_slice %arg8[%dma_wait3A_47] : memref<10000xi32, #tpu.memory_space<vmem>> -> memref<80xi32, #tpu.memory_space<vmem>>
        %dma_wait3A_49 = arith.constant 0 : i32
        %dma_wait3A_50 = arith.constant 0 : i32
        %dma_wait3A_51 = tpu.memref_slice %arg2[%dma_wait3A_49, %dma_wait3A_50] : memref<10240x128xf32, #tpu.memory_space<hbm>> -> memref<10240x128xf32, #tpu.memory_space<hbm>>
        tpu.wait_indirect_dma semaphore(%run_scoped3A : memref<!tpu.dma_semaphore, #tpu.memory_space<semaphore_mem>>) src(%dma_wait3A_51 : memref<10240x128xf32, #tpu.memory_space<hbm>>) dst(%arg13 : memref<80x128xf32, #tpu.memory_space<vmem>>)
        tpu.yield
      }) : () -> ()
      "tpu.region"() ({
        %run_scoped3A = tpu.sem_alloc : memref<!tpu.dma_semaphore, #tpu.memory_space<semaphore_mem>>
        %dma_start3A = arith.constant 0 : i32
        %dma_start3A_43 = arith.constant 0 : i32
        %dma_start3A_44 = tpu.memref_slice %arg24[%dma_start3A, %dma_start3A_43] : memref<10240x128xf32, #tpu.memory_space<vmem_shared>> -> memref<10240x128xf32, #tpu.memory_space<vmem_shared>>
        tpu.enqueue_indirect_dma source(%arg13 : memref<80x128xf32, #tpu.memory_space<vmem>>) target(%dma_start3A_44 : memref<10240x128xf32, #tpu.memory_space<vmem_shared>>) offsets(%arg10 : memref<80xi32, #tpu.memory_space<vmem>>) semaphore(%run_scoped3A : memref<!tpu.dma_semaphore, #tpu.memory_space<semaphore_mem>>) {add = true}
        %dma_wait3A_45 = arith.constant 0 : i32
        %dma_wait3A_46 = arith.constant 0 : i32
        %dma_wait3A_47 = tpu.memref_slice %arg24[%dma_wait3A_45, %dma_wait3A_46] : memref<10240x128xf32, #tpu.memory_space<vmem_shared>> -> memref<10240x128xf32, #tpu.memory_space<vmem_shared>>
        tpu.wait_indirect_dma semaphore(%run_scoped3A : memref<!tpu.dma_semaphore, #tpu.memory_space<semaphore_mem>>) src(%arg13 : memref<80x128xf32, #tpu.memory_space<vmem>>) dst(%dma_wait3A_47 : memref<10240x128xf32, #tpu.memory_space<vmem_shared>>)
        tpu.yield
      }) : () -> ()
    } else {
    }
    %eq3A_7 = arith.constant 1 : i32
    %eq3A_8 = arith.cmpi eq, %arg0, %eq3A_7 : i32
    %convert_element_type3A_9 = arith.extui %eq3A_8 : i1 to i32
    %cond3A_10 = arith.constant 0 : i32
    %cond3A_11 = arith.cmpi ne, %convert_element_type3A_9, %cond3A_10 : i32
    scf.if %cond3A_11 {
      %mul3A_23 = arith.constant 10000 : i32
      %mul3A_24 = arith.muli %arg1, %mul3A_23 : i32
      %add3A = arith.constant 160000 : i32
      %add3A_25 = arith.addi %add3A, %mul3A_24 : i32
      %scan3A = arith.constant 0 : i32
      %scan3A_26 = arith.constant 0 : i32
      %scan3A_27 = arith.constant 41 : i32
      %scan3A_28 = arith.addi %scan3A_26, %scan3A_27 : i32
      %scan3A_29 = arith.constant 1 : i32
      scf.for %scan3A_43 = %scan3A_26 to %scan3A_28 step %scan3A_29  : i32 {
        %mul3A_44 = arith.constant 3 : i32
        %mul3A_45 = arith.muli %scan3A_43, %mul3A_44 : i32
        %add3A_46 = arith.constant 0 : i32
        %add3A_47 = arith.addi %mul3A_45, %add3A_46 : i32
        %mul3A_48 = arith.constant 80 : i32
        %mul3A_49 = arith.muli %add3A_47, %mul3A_48 : i32
        %gt3A = arith.constant 0 : i32
        %gt3A_50 = arith.cmpi sgt, %scan3A_43, %gt3A : i32
        %convert_element_type3A_51 = arith.extui %gt3A_50 : i1 to i32
        %cond3A_52 = arith.constant 0 : i32
        %cond3A_53 = arith.cmpi ne, %convert_element_type3A_51, %cond3A_52 : i32
        scf.if %cond3A_53 {
          %dma_wait3A_123 = arith.constant 0 : i32
          %dma_wait3A_124 = arith.constant 0 : i32
          %dma_wait3A_125 = tpu.memref_slice %arg24[%dma_wait3A_123, %dma_wait3A_124] : memref<10240x128xf32, #tpu.memory_space<vmem_shared>> -> memref<10240x128xf32, #tpu.memory_space<vmem_shared>>
          tpu.wait_indirect_dma semaphore(%arg21 : memref<!tpu.dma_semaphore, #tpu.memory_space<semaphore_mem>>) src(%arg12 : memref<80x128xf32, #tpu.memory_space<vmem>>) dst(%dma_wait3A_125 : memref<10240x128xf32, #tpu.memory_space<vmem_shared>>)
        } else {
        }
        %add3A_54 = arith.addi %add3A_25, %mul3A_49 : i32
        %dma_start3A = tpu.memref_slice %arg4[%add3A_54] : memref<320000xi32, #tpu.memory_space<hbm>> -> memref<80xi32, #tpu.memory_space<hbm>>
        %dma_start3A_55 = tpu.memref_slice %arg4[%add3A_54] : memref<320000xi32, #tpu.memory_space<hbm>> -> memref<80xi32, #tpu.memory_space<hbm>>
        tpu.enqueue_dma source(%dma_start3A_55 : memref<80xi32, #tpu.memory_space<hbm>>) target(%arg9 : memref<80xi32, #tpu.memory_space<vmem>>) target_semaphore(%arg15 : memref<!tpu.dma_semaphore, #tpu.memory_space<semaphore_mem>>)
        %dma_start3A_56 = tpu.memref_slice %arg8[%mul3A_49] : memref<10000xi32, #tpu.memory_space<vmem>> -> memref<80xi32, #tpu.memory_space<vmem>>
        %dma_start3A_57 = arith.constant 0 : i32
        %dma_start3A_58 = arith.constant 0 : i32
        %dma_start3A_59 = tpu.memref_slice %arg3[%dma_start3A_57, %dma_start3A_58] : memref<10240x128xf32, #tpu.memory_space<hbm>> -> memref<10240x128xf32, #tpu.memory_space<hbm>>
        tpu.enqueue_indirect_dma source(%dma_start3A_59 : memref<10240x128xf32, #tpu.memory_space<hbm>>) target(%arg12 : memref<80x128xf32, #tpu.memory_space<vmem>>) offsets(%dma_start3A_56 : memref<80xi32, #tpu.memory_space<vmem>>) semaphore(%arg18 : memref<!tpu.dma_semaphore, #tpu.memory_space<semaphore_mem>>)
        %mul3A_60 = arith.constant 3 : i32
        %mul3A_61 = arith.muli %scan3A_43, %mul3A_60 : i32
        %add3A_62 = arith.constant 1 : i32
        %add3A_63 = arith.addi %mul3A_61, %add3A_62 : i32
        %mul3A_64 = arith.constant 80 : i32
        %mul3A_65 = arith.muli %add3A_63, %mul3A_64 : i32
        %gt3A_66 = arith.constant 0 : i32
        %gt3A_67 = arith.cmpi sgt, %scan3A_43, %gt3A_66 : i32
        %convert_element_type3A_68 = arith.extui %gt3A_67 : i1 to i32
        %cond3A_69 = arith.constant 0 : i32
        %cond3A_70 = arith.cmpi ne, %convert_element_type3A_68, %cond3A_69 : i32
        scf.if %cond3A_70 {
          %dma_wait3A_123 = arith.constant 0 : i32
          %dma_wait3A_124 = arith.constant 0 : i32
          %dma_wait3A_125 = tpu.memref_slice %arg24[%dma_wait3A_123, %dma_wait3A_124] : memref<10240x128xf32, #tpu.memory_space<vmem_shared>> -> memref<10240x128xf32, #tpu.memory_space<vmem_shared>>
          tpu.wait_indirect_dma semaphore(%arg22 : memref<!tpu.dma_semaphore, #tpu.memory_space<semaphore_mem>>) src(%arg13 : memref<80x128xf32, #tpu.memory_space<vmem>>) dst(%dma_wait3A_125 : memref<10240x128xf32, #tpu.memory_space<vmem_shared>>)
        } else {
        }
        %add3A_71 = arith.addi %add3A_25, %mul3A_65 : i32
        %dma_start3A_72 = tpu.memref_slice %arg4[%add3A_71] : memref<320000xi32, #tpu.memory_space<hbm>> -> memref<80xi32, #tpu.memory_space<hbm>>
        %dma_start3A_73 = tpu.memref_slice %arg4[%add3A_71] : memref<320000xi32, #tpu.memory_space<hbm>> -> memref<80xi32, #tpu.memory_space<hbm>>
        tpu.enqueue_dma source(%dma_start3A_73 : memref<80xi32, #tpu.memory_space<hbm>>) target(%arg10 : memref<80xi32, #tpu.memory_space<vmem>>) target_semaphore(%arg16 : memref<!tpu.dma_semaphore, #tpu.memory_space<semaphore_mem>>)
        %dma_start3A_74 = tpu.memref_slice %arg8[%mul3A_65] : memref<10000xi32, #tpu.memory_space<vmem>> -> memref<80xi32, #tpu.memory_space<vmem>>
        %dma_start3A_75 = arith.constant 0 : i32
        %dma_start3A_76 = arith.constant 0 : i32
        %dma_start3A_77 = tpu.memref_slice %arg3[%dma_start3A_75, %dma_start3A_76] : memref<10240x128xf32, #tpu.memory_space<hbm>> -> memref<10240x128xf32, #tpu.memory_space<hbm>>
        tpu.enqueue_indirect_dma source(%dma_start3A_77 : memref<10240x128xf32, #tpu.memory_space<hbm>>) target(%arg13 : memref<80x128xf32, #tpu.memory_space<vmem>>) offsets(%dma_start3A_74 : memref<80xi32, #tpu.memory_space<vmem>>) semaphore(%arg19 : memref<!tpu.dma_semaphore, #tpu.memory_space<semaphore_mem>>)
        %mul3A_78 = arith.constant 3 : i32
        %mul3A_79 = arith.muli %scan3A_43, %mul3A_78 : i32
        %add3A_80 = arith.constant 2 : i32
        %add3A_81 = arith.addi %mul3A_79, %add3A_80 : i32
        %mul3A_82 = arith.constant 80 : i32
        %mul3A_83 = arith.muli %add3A_81, %mul3A_82 : i32
        %gt3A_84 = arith.constant 0 : i32
        %gt3A_85 = arith.cmpi sgt, %scan3A_43, %gt3A_84 : i32
        %convert_element_type3A_86 = arith.extui %gt3A_85 : i1 to i32
        %cond3A_87 = arith.constant 0 : i32
        %cond3A_88 = arith.cmpi ne, %convert_element_type3A_86, %cond3A_87 : i32
        scf.if %cond3A_88 {
          %dma_wait3A_123 = arith.constant 0 : i32
          %dma_wait3A_124 = arith.constant 0 : i32
          %dma_wait3A_125 = tpu.memref_slice %arg24[%dma_wait3A_123, %dma_wait3A_124] : memref<10240x128xf32, #tpu.memory_space<vmem_shared>> -> memref<10240x128xf32, #tpu.memory_space<vmem_shared>>
          tpu.wait_indirect_dma semaphore(%arg23 : memref<!tpu.dma_semaphore, #tpu.memory_space<semaphore_mem>>) src(%arg14 : memref<80x128xf32, #tpu.memory_space<vmem>>) dst(%dma_wait3A_125 : memref<10240x128xf32, #tpu.memory_space<vmem_shared>>)
        } else {
        }
        %add3A_89 = arith.addi %add3A_25, %mul3A_83 : i32
        %dma_start3A_90 = tpu.memref_slice %arg4[%add3A_89] : memref<320000xi32, #tpu.memory_space<hbm>> -> memref<80xi32, #tpu.memory_space<hbm>>
        %dma_start3A_91 = tpu.memref_slice %arg4[%add3A_89] : memref<320000xi32, #tpu.memory_space<hbm>> -> memref<80xi32, #tpu.memory_space<hbm>>
        tpu.enqueue_dma source(%dma_start3A_91 : memref<80xi32, #tpu.memory_space<hbm>>) target(%arg11 : memref<80xi32, #tpu.memory_space<vmem>>) target_semaphore(%arg17 : memref<!tpu.dma_semaphore, #tpu.memory_space<semaphore_mem>>)
        %dma_start3A_92 = tpu.memref_slice %arg8[%mul3A_83] : memref<10000xi32, #tpu.memory_space<vmem>> -> memref<80xi32, #tpu.memory_space<vmem>>
        %dma_start3A_93 = arith.constant 0 : i32
        %dma_start3A_94 = arith.constant 0 : i32
        %dma_start3A_95 = tpu.memref_slice %arg3[%dma_start3A_93, %dma_start3A_94] : memref<10240x128xf32, #tpu.memory_space<hbm>> -> memref<10240x128xf32, #tpu.memory_space<hbm>>
        tpu.enqueue_indirect_dma source(%dma_start3A_95 : memref<10240x128xf32, #tpu.memory_space<hbm>>) target(%arg14 : memref<80x128xf32, #tpu.memory_space<vmem>>) offsets(%dma_start3A_92 : memref<80xi32, #tpu.memory_space<vmem>>) semaphore(%arg20 : memref<!tpu.dma_semaphore, #tpu.memory_space<semaphore_mem>>)
        %dma_wait3A_96 = tpu.memref_slice %arg4[%add3A_54] : memref<320000xi32, #tpu.memory_space<hbm>> -> memref<80xi32, #tpu.memory_space<hbm>>
        %dma_wait3A_97 = tpu.memref_slice %arg4[%add3A_54] : memref<320000xi32, #tpu.memory_space<hbm>> -> memref<80xi32, #tpu.memory_space<hbm>>
        tpu.wait_dma2 semaphore(%arg15 : memref<!tpu.dma_semaphore, #tpu.memory_space<semaphore_mem>>) src(%dma_wait3A_97 : memref<80xi32, #tpu.memory_space<hbm>>) dst(%arg9 : memref<80xi32, #tpu.memory_space<vmem>>)
        %dma_wait3A_98 = tpu.memref_slice %arg8[%mul3A_49] : memref<10000xi32, #tpu.memory_space<vmem>> -> memref<80xi32, #tpu.memory_space<vmem>>
        %dma_wait3A_99 = arith.constant 0 : i32
        %dma_wait3A_100 = arith.constant 0 : i32
        %dma_wait3A_101 = tpu.memref_slice %arg3[%dma_wait3A_99, %dma_wait3A_100] : memref<10240x128xf32, #tpu.memory_space<hbm>> -> memref<10240x128xf32, #tpu.memory_space<hbm>>
        tpu.wait_indirect_dma semaphore(%arg18 : memref<!tpu.dma_semaphore, #tpu.memory_space<semaphore_mem>>) src(%dma_wait3A_101 : memref<10240x128xf32, #tpu.memory_space<hbm>>) dst(%arg12 : memref<80x128xf32, #tpu.memory_space<vmem>>)
        %dma_start3A_102 = arith.constant 0 : i32
        %dma_start3A_103 = arith.constant 0 : i32
        %dma_start3A_104 = tpu.memref_slice %arg24[%dma_start3A_102, %dma_start3A_103] : memref<10240x128xf32, #tpu.memory_space<vmem_shared>> -> memref<10240x128xf32, #tpu.memory_space<vmem_shared>>
        tpu.enqueue_indirect_dma source(%arg12 : memref<80x128xf32, #tpu.memory_space<vmem>>) target(%dma_start3A_104 : memref<10240x128xf32, #tpu.memory_space<vmem_shared>>) offsets(%arg9 : memref<80xi32, #tpu.memory_space<vmem>>) semaphore(%arg21 : memref<!tpu.dma_semaphore, #tpu.memory_space<semaphore_mem>>) {add = true}
        %dma_wait3A_105 = tpu.memref_slice %arg4[%add3A_71] : memref<320000xi32, #tpu.memory_space<hbm>> -> memref<80xi32, #tpu.memory_space<hbm>>
        %dma_wait3A_106 = tpu.memref_slice %arg4[%add3A_71] : memref<320000xi32, #tpu.memory_space<hbm>> -> memref<80xi32, #tpu.memory_space<hbm>>
        tpu.wait_dma2 semaphore(%arg16 : memref<!tpu.dma_semaphore, #tpu.memory_space<semaphore_mem>>) src(%dma_wait3A_106 : memref<80xi32, #tpu.memory_space<hbm>>) dst(%arg10 : memref<80xi32, #tpu.memory_space<vmem>>)
        %dma_wait3A_107 = tpu.memref_slice %arg8[%mul3A_65] : memref<10000xi32, #tpu.memory_space<vmem>> -> memref<80xi32, #tpu.memory_space<vmem>>
        %dma_wait3A_108 = arith.constant 0 : i32
        %dma_wait3A_109 = arith.constant 0 : i32
        %dma_wait3A_110 = tpu.memref_slice %arg3[%dma_wait3A_108, %dma_wait3A_109] : memref<10240x128xf32, #tpu.memory_space<hbm>> -> memref<10240x128xf32, #tpu.memory_space<hbm>>
        tpu.wait_indirect_dma semaphore(%arg19 : memref<!tpu.dma_semaphore, #tpu.memory_space<semaphore_mem>>) src(%dma_wait3A_110 : memref<10240x128xf32, #tpu.memory_space<hbm>>) dst(%arg13 : memref<80x128xf32, #tpu.memory_space<vmem>>)
        %dma_start3A_111 = arith.constant 0 : i32
        %dma_start3A_112 = arith.constant 0 : i32
        %dma_start3A_113 = tpu.memref_slice %arg24[%dma_start3A_111, %dma_start3A_112] : memref<10240x128xf32, #tpu.memory_space<vmem_shared>> -> memref<10240x128xf32, #tpu.memory_space<vmem_shared>>
        tpu.enqueue_indirect_dma source(%arg13 : memref<80x128xf32, #tpu.memory_space<vmem>>) target(%dma_start3A_113 : memref<10240x128xf32, #tpu.memory_space<vmem_shared>>) offsets(%arg10 : memref<80xi32, #tpu.memory_space<vmem>>) semaphore(%arg22 : memref<!tpu.dma_semaphore, #tpu.memory_space<semaphore_mem>>) {add = true}
        %dma_wait3A_114 = tpu.memref_slice %arg4[%add3A_89] : memref<320000xi32, #tpu.memory_space<hbm>> -> memref<80xi32, #tpu.memory_space<hbm>>
        %dma_wait3A_115 = tpu.memref_slice %arg4[%add3A_89] : memref<320000xi32, #tpu.memory_space<hbm>> -> memref<80xi32, #tpu.memory_space<hbm>>
        tpu.wait_dma2 semaphore(%arg17 : memref<!tpu.dma_semaphore, #tpu.memory_space<semaphore_mem>>) src(%dma_wait3A_115 : memref<80xi32, #tpu.memory_space<hbm>>) dst(%arg11 : memref<80xi32, #tpu.memory_space<vmem>>)
        %dma_wait3A_116 = tpu.memref_slice %arg8[%mul3A_83] : memref<10000xi32, #tpu.memory_space<vmem>> -> memref<80xi32, #tpu.memory_space<vmem>>
        %dma_wait3A_117 = arith.constant 0 : i32
        %dma_wait3A_118 = arith.constant 0 : i32
        %dma_wait3A_119 = tpu.memref_slice %arg3[%dma_wait3A_117, %dma_wait3A_118] : memref<10240x128xf32, #tpu.memory_space<hbm>> -> memref<10240x128xf32, #tpu.memory_space<hbm>>
        tpu.wait_indirect_dma semaphore(%arg20 : memref<!tpu.dma_semaphore, #tpu.memory_space<semaphore_mem>>) src(%dma_wait3A_119 : memref<10240x128xf32, #tpu.memory_space<hbm>>) dst(%arg14 : memref<80x128xf32, #tpu.memory_space<vmem>>)
        %dma_start3A_120 = arith.constant 0 : i32
        %dma_start3A_121 = arith.constant 0 : i32
        %dma_start3A_122 = tpu.memref_slice %arg24[%dma_start3A_120, %dma_start3A_121] : memref<10240x128xf32, #tpu.memory_space<vmem_shared>> -> memref<10240x128xf32, #tpu.memory_space<vmem_shared>>
        tpu.enqueue_indirect_dma source(%arg14 : memref<80x128xf32, #tpu.memory_space<vmem>>) target(%dma_start3A_122 : memref<10240x128xf32, #tpu.memory_space<vmem_shared>>) offsets(%arg11 : memref<80xi32, #tpu.memory_space<vmem>>) semaphore(%arg23 : memref<!tpu.dma_semaphore, #tpu.memory_space<semaphore_mem>>) {add = true}
      }
      %scan3A_30 = arith.constant 41 : i32
      %dma_wait3A = arith.constant 0 : i32
      %dma_wait3A_31 = arith.constant 0 : i32
      %dma_wait3A_32 = tpu.memref_slice %arg24[%dma_wait3A, %dma_wait3A_31] : memref<10240x128xf32, #tpu.memory_space<vmem_shared>> -> memref<10240x128xf32, #tpu.memory_space<vmem_shared>>
      tpu.wait_indirect_dma semaphore(%arg21 : memref<!tpu.dma_semaphore, #tpu.memory_space<semaphore_mem>>) src(%arg12 : memref<80x128xf32, #tpu.memory_space<vmem>>) dst(%dma_wait3A_32 : memref<10240x128xf32, #tpu.memory_space<vmem_shared>>)
      %dma_wait3A_33 = arith.constant 0 : i32
      %dma_wait3A_34 = arith.constant 0 : i32
      %dma_wait3A_35 = tpu.memref_slice %arg24[%dma_wait3A_33, %dma_wait3A_34] : memref<10240x128xf32, #tpu.memory_space<vmem_shared>> -> memref<10240x128xf32, #tpu.memory_space<vmem_shared>>
      tpu.wait_indirect_dma semaphore(%arg22 : memref<!tpu.dma_semaphore, #tpu.memory_space<semaphore_mem>>) src(%arg13 : memref<80x128xf32, #tpu.memory_space<vmem>>) dst(%dma_wait3A_35 : memref<10240x128xf32, #tpu.memory_space<vmem_shared>>)
      %dma_wait3A_36 = arith.constant 0 : i32
      %dma_wait3A_37 = arith.constant 0 : i32
      %dma_wait3A_38 = tpu.memref_slice %arg24[%dma_wait3A_36, %dma_wait3A_37] : memref<10240x128xf32, #tpu.memory_space<vmem_shared>> -> memref<10240x128xf32, #tpu.memory_space<vmem_shared>>
      tpu.wait_indirect_dma semaphore(%arg23 : memref<!tpu.dma_semaphore, #tpu.memory_space<semaphore_mem>>) src(%arg14 : memref<80x128xf32, #tpu.memory_space<vmem>>) dst(%dma_wait3A_38 : memref<10240x128xf32, #tpu.memory_space<vmem_shared>>)
      %add3A_39 = arith.constant 9840 : i32
      %add3A_40 = arith.addi %add3A_25, %add3A_39 : i32
      "tpu.region"() ({
        %run_scoped3A = tpu.sem_alloc : memref<!tpu.dma_semaphore, #tpu.memory_space<semaphore_mem>>
        %dma_start3A = tpu.memref_slice %arg4[%add3A_40] : memref<320000xi32, #tpu.memory_space<hbm>> -> memref<80xi32, #tpu.memory_space<hbm>>
        %dma_start3A_43 = tpu.memref_slice %arg4[%add3A_40] : memref<320000xi32, #tpu.memory_space<hbm>> -> memref<80xi32, #tpu.memory_space<hbm>>
        tpu.enqueue_dma source(%dma_start3A_43 : memref<80xi32, #tpu.memory_space<hbm>>) target(%arg9 : memref<80xi32, #tpu.memory_space<vmem>>) target_semaphore(%run_scoped3A : memref<!tpu.dma_semaphore, #tpu.memory_space<semaphore_mem>>)
        %dma_wait3A_44 = tpu.memref_slice %arg4[%add3A_40] : memref<320000xi32, #tpu.memory_space<hbm>> -> memref<80xi32, #tpu.memory_space<hbm>>
        %dma_wait3A_45 = tpu.memref_slice %arg4[%add3A_40] : memref<320000xi32, #tpu.memory_space<hbm>> -> memref<80xi32, #tpu.memory_space<hbm>>
        tpu.wait_dma2 semaphore(%run_scoped3A : memref<!tpu.dma_semaphore, #tpu.memory_space<semaphore_mem>>) src(%dma_wait3A_45 : memref<80xi32, #tpu.memory_space<hbm>>) dst(%arg9 : memref<80xi32, #tpu.memory_space<vmem>>)
        tpu.yield
      }) : () -> ()
      "tpu.region"() ({
        %run_scoped3A = tpu.sem_alloc : memref<!tpu.dma_semaphore, #tpu.memory_space<semaphore_mem>>
        %dma_start3A = arith.constant 9840 : i32
        %dma_start3A_43 = tpu.memref_slice %arg8[%dma_start3A] : memref<10000xi32, #tpu.memory_space<vmem>> -> memref<80xi32, #tpu.memory_space<vmem>>
        %dma_start3A_44 = arith.constant 0 : i32
        %dma_start3A_45 = arith.constant 0 : i32
        %dma_start3A_46 = tpu.memref_slice %arg3[%dma_start3A_44, %dma_start3A_45] : memref<10240x128xf32, #tpu.memory_space<hbm>> -> memref<10240x128xf32, #tpu.memory_space<hbm>>
        tpu.enqueue_indirect_dma source(%dma_start3A_46 : memref<10240x128xf32, #tpu.memory_space<hbm>>) target(%arg12 : memref<80x128xf32, #tpu.memory_space<vmem>>) offsets(%dma_start3A_43 : memref<80xi32, #tpu.memory_space<vmem>>) semaphore(%run_scoped3A : memref<!tpu.dma_semaphore, #tpu.memory_space<semaphore_mem>>)
        %dma_wait3A_47 = arith.constant 9840 : i32
        %dma_wait3A_48 = tpu.memref_slice %arg8[%dma_wait3A_47] : memref<10000xi32, #tpu.memory_space<vmem>> -> memref<80xi32, #tpu.memory_space<vmem>>
        %dma_wait3A_49 = arith.constant 0 : i32
        %dma_wait3A_50 = arith.constant 0 : i32
        %dma_wait3A_51 = tpu.memref_slice %arg3[%dma_wait3A_49, %dma_wait3A_50] : memref<10240x128xf32, #tpu.memory_space<hbm>> -> memref<10240x128xf32, #tpu.memory_space<hbm>>
        tpu.wait_indirect_dma semaphore(%run_scoped3A : memref<!tpu.dma_semaphore, #tpu.memory_space<semaphore_mem>>) src(%dma_wait3A_51 : memref<10240x128xf32, #tpu.memory_space<hbm>>) dst(%arg12 : memref<80x128xf32, #tpu.memory_space<vmem>>)
        tpu.yield
      }) : () -> ()
      "tpu.region"() ({
        %run_scoped3A = tpu.sem_alloc : memref<!tpu.dma_semaphore, #tpu.memory_space<semaphore_mem>>
        %dma_start3A = arith.constant 0 : i32
        %dma_start3A_43 = arith.constant 0 : i32
        %dma_start3A_44 = tpu.memref_slice %arg24[%dma_start3A, %dma_start3A_43] : memref<10240x128xf32, #tpu.memory_space<vmem_shared>> -> memref<10240x128xf32, #tpu.memory_space<vmem_shared>>
        tpu.enqueue_indirect_dma source(%arg12 : memref<80x128xf32, #tpu.memory_space<vmem>>) target(%dma_start3A_44 : memref<10240x128xf32, #tpu.memory_space<vmem_shared>>) offsets(%arg9 : memref<80xi32, #tpu.memory_space<vmem>>) semaphore(%run_scoped3A : memref<!tpu.dma_semaphore, #tpu.memory_space<semaphore_mem>>) {add = true}
        %dma_wait3A_45 = arith.constant 0 : i32
        %dma_wait3A_46 = arith.constant 0 : i32
        %dma_wait3A_47 = tpu.memref_slice %arg24[%dma_wait3A_45, %dma_wait3A_46] : memref<10240x128xf32, #tpu.memory_space<vmem_shared>> -> memref<10240x128xf32, #tpu.memory_space<vmem_shared>>
        tpu.wait_indirect_dma semaphore(%run_scoped3A : memref<!tpu.dma_semaphore, #tpu.memory_space<semaphore_mem>>) src(%arg12 : memref<80x128xf32, #tpu.memory_space<vmem>>) dst(%dma_wait3A_47 : memref<10240x128xf32, #tpu.memory_space<vmem_shared>>)
        tpu.yield
      }) : () -> ()
      %add3A_41 = arith.constant 9920 : i32
      %add3A_42 = arith.addi %add3A_25, %add3A_41 : i32
      "tpu.region"() ({
        %run_scoped3A = tpu.sem_alloc : memref<!tpu.dma_semaphore, #tpu.memory_space<semaphore_mem>>
        %dma_start3A = tpu.memref_slice %arg4[%add3A_42] : memref<320000xi32, #tpu.memory_space<hbm>> -> memref<80xi32, #tpu.memory_space<hbm>>
        %dma_start3A_43 = tpu.memref_slice %arg4[%add3A_42] : memref<320000xi32, #tpu.memory_space<hbm>> -> memref<80xi32, #tpu.memory_space<hbm>>
        tpu.enqueue_dma source(%dma_start3A_43 : memref<80xi32, #tpu.memory_space<hbm>>) target(%arg10 : memref<80xi32, #tpu.memory_space<vmem>>) target_semaphore(%run_scoped3A : memref<!tpu.dma_semaphore, #tpu.memory_space<semaphore_mem>>)
        %dma_wait3A_44 = tpu.memref_slice %arg4[%add3A_42] : memref<320000xi32, #tpu.memory_space<hbm>> -> memref<80xi32, #tpu.memory_space<hbm>>
        %dma_wait3A_45 = tpu.memref_slice %arg4[%add3A_42] : memref<320000xi32, #tpu.memory_space<hbm>> -> memref<80xi32, #tpu.memory_space<hbm>>
        tpu.wait_dma2 semaphore(%run_scoped3A : memref<!tpu.dma_semaphore, #tpu.memory_space<semaphore_mem>>) src(%dma_wait3A_45 : memref<80xi32, #tpu.memory_space<hbm>>) dst(%arg10 : memref<80xi32, #tpu.memory_space<vmem>>)
        tpu.yield
      }) : () -> ()
      "tpu.region"() ({
        %run_scoped3A = tpu.sem_alloc : memref<!tpu.dma_semaphore, #tpu.memory_space<semaphore_mem>>
        %dma_start3A = arith.constant 9920 : i32
        %dma_start3A_43 = tpu.memref_slice %arg8[%dma_start3A] : memref<10000xi32, #tpu.memory_space<vmem>> -> memref<80xi32, #tpu.memory_space<vmem>>
        %dma_start3A_44 = arith.constant 0 : i32
        %dma_start3A_45 = arith.constant 0 : i32
        %dma_start3A_46 = tpu.memref_slice %arg3[%dma_start3A_44, %dma_start3A_45] : memref<10240x128xf32, #tpu.memory_space<hbm>> -> memref<10240x128xf32, #tpu.memory_space<hbm>>
        tpu.enqueue_indirect_dma source(%dma_start3A_46 : memref<10240x128xf32, #tpu.memory_space<hbm>>) target(%arg13 : memref<80x128xf32, #tpu.memory_space<vmem>>) offsets(%dma_start3A_43 : memref<80xi32, #tpu.memory_space<vmem>>) semaphore(%run_scoped3A : memref<!tpu.dma_semaphore, #tpu.memory_space<semaphore_mem>>)
        %dma_wait3A_47 = arith.constant 9920 : i32
        %dma_wait3A_48 = tpu.memref_slice %arg8[%dma_wait3A_47] : memref<10000xi32, #tpu.memory_space<vmem>> -> memref<80xi32, #tpu.memory_space<vmem>>
        %dma_wait3A_49 = arith.constant 0 : i32
        %dma_wait3A_50 = arith.constant 0 : i32
        %dma_wait3A_51 = tpu.memref_slice %arg3[%dma_wait3A_49, %dma_wait3A_50] : memref<10240x128xf32, #tpu.memory_space<hbm>> -> memref<10240x128xf32, #tpu.memory_space<hbm>>
        tpu.wait_indirect_dma semaphore(%run_scoped3A : memref<!tpu.dma_semaphore, #tpu.memory_space<semaphore_mem>>) src(%dma_wait3A_51 : memref<10240x128xf32, #tpu.memory_space<hbm>>) dst(%arg13 : memref<80x128xf32, #tpu.memory_space<vmem>>)
        tpu.yield
      }) : () -> ()
      "tpu.region"() ({
        %run_scoped3A = tpu.sem_alloc : memref<!tpu.dma_semaphore, #tpu.memory_space<semaphore_mem>>
        %dma_start3A = arith.constant 0 : i32
        %dma_start3A_43 = arith.constant 0 : i32
        %dma_start3A_44 = tpu.memref_slice %arg24[%dma_start3A, %dma_start3A_43] : memref<10240x128xf32, #tpu.memory_space<vmem_shared>> -> memref<10240x128xf32, #tpu.memory_space<vmem_shared>>
        tpu.enqueue_indirect_dma source(%arg13 : memref<80x128xf32, #tpu.memory_space<vmem>>) target(%dma_start3A_44 : memref<10240x128xf32, #tpu.memory_space<vmem_shared>>) offsets(%arg10 : memref<80xi32, #tpu.memory_space<vmem>>) semaphore(%run_scoped3A : memref<!tpu.dma_semaphore, #tpu.memory_space<semaphore_mem>>) {add = true}
        %dma_wait3A_45 = arith.constant 0 : i32
        %dma_wait3A_46 = arith.constant 0 : i32
        %dma_wait3A_47 = tpu.memref_slice %arg24[%dma_wait3A_45, %dma_wait3A_46] : memref<10240x128xf32, #tpu.memory_space<vmem_shared>> -> memref<10240x128xf32, #tpu.memory_space<vmem_shared>>
        tpu.wait_indirect_dma semaphore(%run_scoped3A : memref<!tpu.dma_semaphore, #tpu.memory_space<semaphore_mem>>) src(%arg13 : memref<80x128xf32, #tpu.memory_space<vmem>>) dst(%dma_wait3A_47 : memref<10240x128xf32, #tpu.memory_space<vmem_shared>>)
        tpu.yield
      }) : () -> ()
    } else {
    }
    %barrier3A_12 = arith.constant 0 : index
    tpu.barrier barrier_id(%barrier3A_12)
    %eq3A_13 = arith.constant 0 : i32
    %eq3A_14 = arith.cmpi eq, %arg0, %eq3A_13 : i32
    %convert_element_type3A_15 = arith.extui %eq3A_14 : i1 to i32
    %cond3A_16 = arith.constant 0 : i32
    %cond3A_17 = arith.cmpi ne, %convert_element_type3A_15, %cond3A_16 : i32
    scf.if %cond3A_17 {
      %mul3A_23 = arith.constant 640 : i32
      %mul3A_24 = arith.muli %arg1, %mul3A_23 : i32
      %mul3A_25 = arith.constant 640 : i32
      %mul3A_26 = arith.muli %arg1, %mul3A_25 : i32
      "tpu.region"() ({
        %run_scoped3A = tpu.sem_alloc : memref<!tpu.dma_semaphore, #tpu.memory_space<semaphore_mem>>
        %dma_start3A = arith.constant 0 : i32
        %dma_start3A_27 = tpu.memref_slice %arg6[%mul3A_26, %dma_start3A] : memref<10240x128xf32, #tpu.memory_space<hbm>> -> memref<640x128xf32, #tpu.memory_space<hbm>>
        %dma_start3A_28 = arith.constant 0 : i32
        %dma_start3A_29 = tpu.memref_slice %arg24[%mul3A_24, %dma_start3A_28] : memref<10240x128xf32, #tpu.memory_space<vmem_shared>> -> memref<640x128xf32, #tpu.memory_space<vmem_shared>>
        tpu.enqueue_dma source(%dma_start3A_29 : memref<640x128xf32, #tpu.memory_space<vmem_shared>>) target(%dma_start3A_27 : memref<640x128xf32, #tpu.memory_space<hbm>>) target_semaphore(%run_scoped3A : memref<!tpu.dma_semaphore, #tpu.memory_space<semaphore_mem>>)
        %dma_wait3A = arith.constant 0 : i32
        %dma_wait3A_30 = tpu.memref_slice %arg6[%mul3A_26, %dma_wait3A] : memref<10240x128xf32, #tpu.memory_space<hbm>> -> memref<640x128xf32, #tpu.memory_space<hbm>>
        %dma_wait3A_31 = arith.constant 0 : i32
        %dma_wait3A_32 = tpu.memref_slice %arg24[%mul3A_24, %dma_wait3A_31] : memref<10240x128xf32, #tpu.memory_space<vmem_shared>> -> memref<640x128xf32, #tpu.memory_space<vmem_shared>>
        tpu.wait_dma2 semaphore(%run_scoped3A : memref<!tpu.dma_semaphore, #tpu.memory_space<semaphore_mem>>) src(%dma_wait3A_32 : memref<640x128xf32, #tpu.memory_space<vmem_shared>>) dst(%dma_wait3A_30 : memref<640x128xf32, #tpu.memory_space<hbm>>)
        tpu.yield
      }) : () -> ()
    } else {
    }
    %eq3A_18 = arith.constant 1 : i32
    %eq3A_19 = arith.cmpi eq, %arg0, %eq3A_18 : i32
    %convert_element_type3A_20 = arith.extui %eq3A_19 : i1 to i32
    %cond3A_21 = arith.constant 0 : i32
    %cond3A_22 = arith.cmpi ne, %convert_element_type3A_20, %cond3A_21 : i32
    scf.if %cond3A_22 {
      %mul3A_23 = arith.constant 640 : i32
      %mul3A_24 = arith.muli %arg1, %mul3A_23 : i32
      %mul3A_25 = arith.constant 640 : i32
      %mul3A_26 = arith.muli %arg1, %mul3A_25 : i32
      "tpu.region"() ({
        %run_scoped3A = tpu.sem_alloc : memref<!tpu.dma_semaphore, #tpu.memory_space<semaphore_mem>>
        %dma_start3A = arith.constant 0 : i32
        %dma_start3A_27 = tpu.memref_slice %arg7[%mul3A_26, %dma_start3A] : memref<10240x128xf32, #tpu.memory_space<hbm>> -> memref<640x128xf32, #tpu.memory_space<hbm>>
        %dma_start3A_28 = arith.constant 0 : i32
        %dma_start3A_29 = tpu.memref_slice %arg24[%mul3A_24, %dma_start3A_28] : memref<10240x128xf32, #tpu.memory_space<vmem_shared>> -> memref<640x128xf32, #tpu.memory_space<vmem_shared>>
        tpu.enqueue_dma source(%dma_start3A_29 : memref<640x128xf32, #tpu.memory_space<vmem_shared>>) target(%dma_start3A_27 : memref<640x128xf32, #tpu.memory_space<hbm>>) target_semaphore(%run_scoped3A : memref<!tpu.dma_semaphore, #tpu.memory_space<semaphore_mem>>)
        %dma_wait3A = arith.constant 0 : i32
        %dma_wait3A_30 = tpu.memref_slice %arg7[%mul3A_26, %dma_wait3A] : memref<10240x128xf32, #tpu.memory_space<hbm>> -> memref<640x128xf32, #tpu.memory_space<hbm>>
        %dma_wait3A_31 = arith.constant 0 : i32
        %dma_wait3A_32 = tpu.memref_slice %arg24[%mul3A_24, %dma_wait3A_31] : memref<10240x128xf32, #tpu.memory_space<vmem_shared>> -> memref<640x128xf32, #tpu.memory_space<vmem_shared>>
        tpu.wait_dma2 semaphore(%run_scoped3A : memref<!tpu.dma_semaphore, #tpu.memory_space<semaphore_mem>>) src(%dma_wait3A_32 : memref<640x128xf32, #tpu.memory_space<vmem_shared>>) dst(%dma_wait3A_30 : memref<640x128xf32, #tpu.memory_space<hbm>>)
        tpu.yield
      }) : () -> ()
    } else {
    }
    return
  }
}

#map = affine_map<(d0, d1) -> (0, 0)>
#map1 = affine_map<(d0, d1) -> (0)>
module attributes {stable_mosaic.version = 14 : i64} {
  func.func @_sc_agg_split(%arg0: i32, %arg1: i32, %arg2: memref<10240x128xf32, #tpu.memory_space<hbm>>, %arg3: memref<10240x128xf32, #tpu.memory_space<hbm>>, %arg4: memref<320000xi32, #tpu.memory_space<hbm>>, %arg5: memref<10240x128xf32, #tpu.memory_space<hbm>>, %arg6: memref<10240x128xf32, #tpu.memory_space<hbm>>, %arg7: memref<10240x128xf32, #tpu.memory_space<hbm>>, %arg8: memref<10000xi32, #tpu.memory_space<vmem>>, %arg9: memref<80xi32, #tpu.memory_space<vmem>>, %arg10: memref<80xi32, #tpu.memory_space<vmem>>, %arg11: memref<80xi32, #tpu.memory_space<vmem>>, %arg12: memref<80x128xf32, #tpu.memory_space<vmem>>, %arg13: memref<80x128xf32, #tpu.memory_space<vmem>>, %arg14: memref<80x128xf32, #tpu.memory_space<vmem>>, %arg15: memref<!tpu.dma_semaphore, #tpu.memory_space<semaphore_mem>>, %arg16: memref<!tpu.dma_semaphore, #tpu.memory_space<semaphore_mem>>, %arg17: memref<!tpu.dma_semaphore, #tpu.memory_space<semaphore_mem>>, %arg18: memref<!tpu.dma_semaphore, #tpu.memory_space<semaphore_mem>>, %arg19: memref<!tpu.dma_semaphore, #tpu.memory_space<semaphore_mem>>, %arg20: memref<!tpu.dma_semaphore, #tpu.memory_space<semaphore_mem>>, %arg21: memref<!tpu.dma_semaphore, #tpu.memory_space<semaphore_mem>>, %arg22: memref<!tpu.dma_semaphore, #tpu.memory_space<semaphore_mem>>, %arg23: memref<!tpu.dma_semaphore, #tpu.memory_space<semaphore_mem>>, %arg24: memref<10240x128xf32, #tpu.memory_space<vmem_shared>>) attributes {dimension_semantics = [#tpu.dimension_semantics<core_parallel>, #tpu.dimension_semantics<subcore_parallel>], iteration_bounds = array<i64: 2, 16>, scalar_prefetch = 0 : i64, scratch_operands = 17 : i64, tpu.core_type = #tpu.core_type<sc_vector_subcore>, window_params = [{transform_indices = #map}, {transform_indices = #map}, {transform_indices = #map1}, {transform_indices = #map}, {transform_indices = #map}, {transform_indices = #map}]} {
    %mul3A = arith.constant 640 : i32
    %mul3A_0 = arith.muli %arg1, %mul3A : i32
    %mul3A_1 = arith.constant 640 : i32
    %mul3A_2 = arith.muli %arg1, %mul3A_1 : i32
    "tpu.region"() ({
      %run_scoped3A = tpu.sem_alloc : memref<!tpu.dma_semaphore, #tpu.memory_space<semaphore_mem>>
      %dma_start3A = arith.constant 0 : i32
      %dma_start3A_23 = tpu.memref_slice %arg24[%mul3A_2, %dma_start3A] : memref<10240x128xf32, #tpu.memory_space<vmem_shared>> -> memref<640x128xf32, #tpu.memory_space<vmem_shared>>
      %dma_start3A_24 = arith.constant 0 : i32
      %dma_start3A_25 = tpu.memref_slice %arg5[%mul3A_0, %dma_start3A_24] : memref<10240x128xf32, #tpu.memory_space<hbm>> -> memref<640x128xf32, #tpu.memory_space<hbm>>
      tpu.enqueue_dma source(%dma_start3A_25 : memref<640x128xf32, #tpu.memory_space<hbm>>) target(%dma_start3A_23 : memref<640x128xf32, #tpu.memory_space<vmem_shared>>) target_semaphore(%run_scoped3A : memref<!tpu.dma_semaphore, #tpu.memory_space<semaphore_mem>>)
      %dma_wait3A = arith.constant 0 : i32
      %dma_wait3A_26 = tpu.memref_slice %arg24[%mul3A_2, %dma_wait3A] : memref<10240x128xf32, #tpu.memory_space<vmem_shared>> -> memref<640x128xf32, #tpu.memory_space<vmem_shared>>
      %dma_wait3A_27 = arith.constant 0 : i32
      %dma_wait3A_28 = tpu.memref_slice %arg5[%mul3A_0, %dma_wait3A_27] : memref<10240x128xf32, #tpu.memory_space<hbm>> -> memref<640x128xf32, #tpu.memory_space<hbm>>
      tpu.wait_dma2 semaphore(%run_scoped3A : memref<!tpu.dma_semaphore, #tpu.memory_space<semaphore_mem>>) src(%dma_wait3A_28 : memref<640x128xf32, #tpu.memory_space<hbm>>) dst(%dma_wait3A_26 : memref<640x128xf32, #tpu.memory_space<vmem_shared>>)
      tpu.yield
    }) : () -> ()
    %mul3A_3 = arith.constant 10000 : i32
    %mul3A_4 = arith.muli %arg1, %mul3A_3 : i32
    "tpu.region"() ({
      %run_scoped3A = tpu.sem_alloc : memref<!tpu.dma_semaphore, #tpu.memory_space<semaphore_mem>>
      %dma_start3A = tpu.memref_slice %arg4[%mul3A_4] : memref<320000xi32, #tpu.memory_space<hbm>> -> memref<10000xi32, #tpu.memory_space<hbm>>
      %dma_start3A_23 = tpu.memref_slice %arg4[%mul3A_4] : memref<320000xi32, #tpu.memory_space<hbm>> -> memref<10000xi32, #tpu.memory_space<hbm>>
      tpu.enqueue_dma source(%dma_start3A_23 : memref<10000xi32, #tpu.memory_space<hbm>>) target(%arg8 : memref<10000xi32, #tpu.memory_space<vmem>>) target_semaphore(%run_scoped3A : memref<!tpu.dma_semaphore, #tpu.memory_space<semaphore_mem>>)
      %dma_wait3A = tpu.memref_slice %arg4[%mul3A_4] : memref<320000xi32, #tpu.memory_space<hbm>> -> memref<10000xi32, #tpu.memory_space<hbm>>
      %dma_wait3A_24 = tpu.memref_slice %arg4[%mul3A_4] : memref<320000xi32, #tpu.memory_space<hbm>> -> memref<10000xi32, #tpu.memory_space<hbm>>
      tpu.wait_dma2 semaphore(%run_scoped3A : memref<!tpu.dma_semaphore, #tpu.memory_space<semaphore_mem>>) src(%dma_wait3A_24 : memref<10000xi32, #tpu.memory_space<hbm>>) dst(%arg8 : memref<10000xi32, #tpu.memory_space<vmem>>)
      tpu.yield
    }) : () -> ()
    %barrier3A = arith.constant 0 : index
    tpu.barrier barrier_id(%barrier3A)
    %eq3A = arith.constant 0 : i32
    %eq3A_5 = arith.cmpi eq, %arg0, %eq3A : i32
    %convert_element_type3A = arith.extui %eq3A_5 : i1 to i32
    %cond3A = arith.constant 0 : i32
    %cond3A_6 = arith.cmpi ne, %convert_element_type3A, %cond3A : i32
    scf.if %cond3A_6 {
      %mul3A_23 = arith.constant 10000 : i32
      %mul3A_24 = arith.muli %arg1, %mul3A_23 : i32
      %add3A = arith.constant 160000 : i32
      %add3A_25 = arith.addi %add3A, %mul3A_24 : i32
      %scan3A = arith.constant 0 : i32
      %scan3A_26 = arith.constant 0 : i32
      %scan3A_27 = arith.constant 41 : i32
      %scan3A_28 = arith.addi %scan3A_26, %scan3A_27 : i32
      %scan3A_29 = arith.constant 1 : i32
      scf.for %scan3A_43 = %scan3A_26 to %scan3A_28 step %scan3A_29  : i32 {
        %mul3A_44 = arith.constant 3 : i32
        %mul3A_45 = arith.muli %scan3A_43, %mul3A_44 : i32
        %add3A_46 = arith.constant 0 : i32
        %add3A_47 = arith.addi %mul3A_45, %add3A_46 : i32
        %mul3A_48 = arith.constant 80 : i32
        %mul3A_49 = arith.muli %add3A_47, %mul3A_48 : i32
        %gt3A = arith.constant 0 : i32
        %gt3A_50 = arith.cmpi sgt, %scan3A_43, %gt3A : i32
        %convert_element_type3A_51 = arith.extui %gt3A_50 : i1 to i32
        %cond3A_52 = arith.constant 0 : i32
        %cond3A_53 = arith.cmpi ne, %convert_element_type3A_51, %cond3A_52 : i32
        scf.if %cond3A_53 {
          %dma_wait3A_123 = arith.constant 0 : i32
          %dma_wait3A_124 = arith.constant 0 : i32
          %dma_wait3A_125 = tpu.memref_slice %arg24[%dma_wait3A_123, %dma_wait3A_124] : memref<10240x128xf32, #tpu.memory_space<vmem_shared>> -> memref<10240x128xf32, #tpu.memory_space<vmem_shared>>
          tpu.wait_indirect_dma semaphore(%arg21 : memref<!tpu.dma_semaphore, #tpu.memory_space<semaphore_mem>>) src(%arg12 : memref<80x128xf32, #tpu.memory_space<vmem>>) dst(%dma_wait3A_125 : memref<10240x128xf32, #tpu.memory_space<vmem_shared>>)
        } else {
        }
        %add3A_54 = arith.addi %add3A_25, %mul3A_49 : i32
        %dma_start3A = tpu.memref_slice %arg4[%add3A_54] : memref<320000xi32, #tpu.memory_space<hbm>> -> memref<80xi32, #tpu.memory_space<hbm>>
        %dma_start3A_55 = tpu.memref_slice %arg4[%add3A_54] : memref<320000xi32, #tpu.memory_space<hbm>> -> memref<80xi32, #tpu.memory_space<hbm>>
        tpu.enqueue_dma source(%dma_start3A_55 : memref<80xi32, #tpu.memory_space<hbm>>) target(%arg9 : memref<80xi32, #tpu.memory_space<vmem>>) target_semaphore(%arg15 : memref<!tpu.dma_semaphore, #tpu.memory_space<semaphore_mem>>)
        %dma_start3A_56 = tpu.memref_slice %arg8[%mul3A_49] : memref<10000xi32, #tpu.memory_space<vmem>> -> memref<80xi32, #tpu.memory_space<vmem>>
        %dma_start3A_57 = arith.constant 0 : i32
        %dma_start3A_58 = arith.constant 0 : i32
        %dma_start3A_59 = tpu.memref_slice %arg2[%dma_start3A_57, %dma_start3A_58] : memref<10240x128xf32, #tpu.memory_space<hbm>> -> memref<10240x128xf32, #tpu.memory_space<hbm>>
        tpu.enqueue_indirect_dma source(%dma_start3A_59 : memref<10240x128xf32, #tpu.memory_space<hbm>>) target(%arg12 : memref<80x128xf32, #tpu.memory_space<vmem>>) offsets(%dma_start3A_56 : memref<80xi32, #tpu.memory_space<vmem>>) semaphore(%arg18 : memref<!tpu.dma_semaphore, #tpu.memory_space<semaphore_mem>>)
        %mul3A_60 = arith.constant 3 : i32
        %mul3A_61 = arith.muli %scan3A_43, %mul3A_60 : i32
        %add3A_62 = arith.constant 1 : i32
        %add3A_63 = arith.addi %mul3A_61, %add3A_62 : i32
        %mul3A_64 = arith.constant 80 : i32
        %mul3A_65 = arith.muli %add3A_63, %mul3A_64 : i32
        %gt3A_66 = arith.constant 0 : i32
        %gt3A_67 = arith.cmpi sgt, %scan3A_43, %gt3A_66 : i32
        %convert_element_type3A_68 = arith.extui %gt3A_67 : i1 to i32
        %cond3A_69 = arith.constant 0 : i32
        %cond3A_70 = arith.cmpi ne, %convert_element_type3A_68, %cond3A_69 : i32
        scf.if %cond3A_70 {
          %dma_wait3A_123 = arith.constant 0 : i32
          %dma_wait3A_124 = arith.constant 0 : i32
          %dma_wait3A_125 = tpu.memref_slice %arg24[%dma_wait3A_123, %dma_wait3A_124] : memref<10240x128xf32, #tpu.memory_space<vmem_shared>> -> memref<10240x128xf32, #tpu.memory_space<vmem_shared>>
          tpu.wait_indirect_dma semaphore(%arg22 : memref<!tpu.dma_semaphore, #tpu.memory_space<semaphore_mem>>) src(%arg13 : memref<80x128xf32, #tpu.memory_space<vmem>>) dst(%dma_wait3A_125 : memref<10240x128xf32, #tpu.memory_space<vmem_shared>>)
        } else {
        }
        %add3A_71 = arith.addi %add3A_25, %mul3A_65 : i32
        %dma_start3A_72 = tpu.memref_slice %arg4[%add3A_71] : memref<320000xi32, #tpu.memory_space<hbm>> -> memref<80xi32, #tpu.memory_space<hbm>>
        %dma_start3A_73 = tpu.memref_slice %arg4[%add3A_71] : memref<320000xi32, #tpu.memory_space<hbm>> -> memref<80xi32, #tpu.memory_space<hbm>>
        tpu.enqueue_dma source(%dma_start3A_73 : memref<80xi32, #tpu.memory_space<hbm>>) target(%arg10 : memref<80xi32, #tpu.memory_space<vmem>>) target_semaphore(%arg16 : memref<!tpu.dma_semaphore, #tpu.memory_space<semaphore_mem>>)
        %dma_start3A_74 = tpu.memref_slice %arg8[%mul3A_65] : memref<10000xi32, #tpu.memory_space<vmem>> -> memref<80xi32, #tpu.memory_space<vmem>>
        %dma_start3A_75 = arith.constant 0 : i32
        %dma_start3A_76 = arith.constant 0 : i32
        %dma_start3A_77 = tpu.memref_slice %arg2[%dma_start3A_75, %dma_start3A_76] : memref<10240x128xf32, #tpu.memory_space<hbm>> -> memref<10240x128xf32, #tpu.memory_space<hbm>>
        tpu.enqueue_indirect_dma source(%dma_start3A_77 : memref<10240x128xf32, #tpu.memory_space<hbm>>) target(%arg13 : memref<80x128xf32, #tpu.memory_space<vmem>>) offsets(%dma_start3A_74 : memref<80xi32, #tpu.memory_space<vmem>>) semaphore(%arg19 : memref<!tpu.dma_semaphore, #tpu.memory_space<semaphore_mem>>)
        %mul3A_78 = arith.constant 3 : i32
        %mul3A_79 = arith.muli %scan3A_43, %mul3A_78 : i32
        %add3A_80 = arith.constant 2 : i32
        %add3A_81 = arith.addi %mul3A_79, %add3A_80 : i32
        %mul3A_82 = arith.constant 80 : i32
        %mul3A_83 = arith.muli %add3A_81, %mul3A_82 : i32
        %gt3A_84 = arith.constant 0 : i32
        %gt3A_85 = arith.cmpi sgt, %scan3A_43, %gt3A_84 : i32
        %convert_element_type3A_86 = arith.extui %gt3A_85 : i1 to i32
        %cond3A_87 = arith.constant 0 : i32
        %cond3A_88 = arith.cmpi ne, %convert_element_type3A_86, %cond3A_87 : i32
        scf.if %cond3A_88 {
          %dma_wait3A_123 = arith.constant 0 : i32
          %dma_wait3A_124 = arith.constant 0 : i32
          %dma_wait3A_125 = tpu.memref_slice %arg24[%dma_wait3A_123, %dma_wait3A_124] : memref<10240x128xf32, #tpu.memory_space<vmem_shared>> -> memref<10240x128xf32, #tpu.memory_space<vmem_shared>>
          tpu.wait_indirect_dma semaphore(%arg23 : memref<!tpu.dma_semaphore, #tpu.memory_space<semaphore_mem>>) src(%arg14 : memref<80x128xf32, #tpu.memory_space<vmem>>) dst(%dma_wait3A_125 : memref<10240x128xf32, #tpu.memory_space<vmem_shared>>)
        } else {
        }
        %add3A_89 = arith.addi %add3A_25, %mul3A_83 : i32
        %dma_start3A_90 = tpu.memref_slice %arg4[%add3A_89] : memref<320000xi32, #tpu.memory_space<hbm>> -> memref<80xi32, #tpu.memory_space<hbm>>
        %dma_start3A_91 = tpu.memref_slice %arg4[%add3A_89] : memref<320000xi32, #tpu.memory_space<hbm>> -> memref<80xi32, #tpu.memory_space<hbm>>
        tpu.enqueue_dma source(%dma_start3A_91 : memref<80xi32, #tpu.memory_space<hbm>>) target(%arg11 : memref<80xi32, #tpu.memory_space<vmem>>) target_semaphore(%arg17 : memref<!tpu.dma_semaphore, #tpu.memory_space<semaphore_mem>>)
        %dma_start3A_92 = tpu.memref_slice %arg8[%mul3A_83] : memref<10000xi32, #tpu.memory_space<vmem>> -> memref<80xi32, #tpu.memory_space<vmem>>
        %dma_start3A_93 = arith.constant 0 : i32
        %dma_start3A_94 = arith.constant 0 : i32
        %dma_start3A_95 = tpu.memref_slice %arg2[%dma_start3A_93, %dma_start3A_94] : memref<10240x128xf32, #tpu.memory_space<hbm>> -> memref<10240x128xf32, #tpu.memory_space<hbm>>
        tpu.enqueue_indirect_dma source(%dma_start3A_95 : memref<10240x128xf32, #tpu.memory_space<hbm>>) target(%arg14 : memref<80x128xf32, #tpu.memory_space<vmem>>) offsets(%dma_start3A_92 : memref<80xi32, #tpu.memory_space<vmem>>) semaphore(%arg20 : memref<!tpu.dma_semaphore, #tpu.memory_space<semaphore_mem>>)
        %dma_wait3A_96 = tpu.memref_slice %arg4[%add3A_54] : memref<320000xi32, #tpu.memory_space<hbm>> -> memref<80xi32, #tpu.memory_space<hbm>>
        %dma_wait3A_97 = tpu.memref_slice %arg4[%add3A_54] : memref<320000xi32, #tpu.memory_space<hbm>> -> memref<80xi32, #tpu.memory_space<hbm>>
        tpu.wait_dma2 semaphore(%arg15 : memref<!tpu.dma_semaphore, #tpu.memory_space<semaphore_mem>>) src(%dma_wait3A_97 : memref<80xi32, #tpu.memory_space<hbm>>) dst(%arg9 : memref<80xi32, #tpu.memory_space<vmem>>)
        %dma_wait3A_98 = tpu.memref_slice %arg8[%mul3A_49] : memref<10000xi32, #tpu.memory_space<vmem>> -> memref<80xi32, #tpu.memory_space<vmem>>
        %dma_wait3A_99 = arith.constant 0 : i32
        %dma_wait3A_100 = arith.constant 0 : i32
        %dma_wait3A_101 = tpu.memref_slice %arg2[%dma_wait3A_99, %dma_wait3A_100] : memref<10240x128xf32, #tpu.memory_space<hbm>> -> memref<10240x128xf32, #tpu.memory_space<hbm>>
        tpu.wait_indirect_dma semaphore(%arg18 : memref<!tpu.dma_semaphore, #tpu.memory_space<semaphore_mem>>) src(%dma_wait3A_101 : memref<10240x128xf32, #tpu.memory_space<hbm>>) dst(%arg12 : memref<80x128xf32, #tpu.memory_space<vmem>>)
        %dma_start3A_102 = arith.constant 0 : i32
        %dma_start3A_103 = arith.constant 0 : i32
        %dma_start3A_104 = tpu.memref_slice %arg24[%dma_start3A_102, %dma_start3A_103] : memref<10240x128xf32, #tpu.memory_space<vmem_shared>> -> memref<10240x128xf32, #tpu.memory_space<vmem_shared>>
        tpu.enqueue_indirect_dma source(%arg12 : memref<80x128xf32, #tpu.memory_space<vmem>>) target(%dma_start3A_104 : memref<10240x128xf32, #tpu.memory_space<vmem_shared>>) offsets(%arg9 : memref<80xi32, #tpu.memory_space<vmem>>) semaphore(%arg21 : memref<!tpu.dma_semaphore, #tpu.memory_space<semaphore_mem>>) {add = true}
        %dma_wait3A_105 = tpu.memref_slice %arg4[%add3A_71] : memref<320000xi32, #tpu.memory_space<hbm>> -> memref<80xi32, #tpu.memory_space<hbm>>
        %dma_wait3A_106 = tpu.memref_slice %arg4[%add3A_71] : memref<320000xi32, #tpu.memory_space<hbm>> -> memref<80xi32, #tpu.memory_space<hbm>>
        tpu.wait_dma2 semaphore(%arg16 : memref<!tpu.dma_semaphore, #tpu.memory_space<semaphore_mem>>) src(%dma_wait3A_106 : memref<80xi32, #tpu.memory_space<hbm>>) dst(%arg10 : memref<80xi32, #tpu.memory_space<vmem>>)
        %dma_wait3A_107 = tpu.memref_slice %arg8[%mul3A_65] : memref<10000xi32, #tpu.memory_space<vmem>> -> memref<80xi32, #tpu.memory_space<vmem>>
        %dma_wait3A_108 = arith.constant 0 : i32
        %dma_wait3A_109 = arith.constant 0 : i32
        %dma_wait3A_110 = tpu.memref_slice %arg2[%dma_wait3A_108, %dma_wait3A_109] : memref<10240x128xf32, #tpu.memory_space<hbm>> -> memref<10240x128xf32, #tpu.memory_space<hbm>>
        tpu.wait_indirect_dma semaphore(%arg19 : memref<!tpu.dma_semaphore, #tpu.memory_space<semaphore_mem>>) src(%dma_wait3A_110 : memref<10240x128xf32, #tpu.memory_space<hbm>>) dst(%arg13 : memref<80x128xf32, #tpu.memory_space<vmem>>)
        %dma_start3A_111 = arith.constant 0 : i32
        %dma_start3A_112 = arith.constant 0 : i32
        %dma_start3A_113 = tpu.memref_slice %arg24[%dma_start3A_111, %dma_start3A_112] : memref<10240x128xf32, #tpu.memory_space<vmem_shared>> -> memref<10240x128xf32, #tpu.memory_space<vmem_shared>>
        tpu.enqueue_indirect_dma source(%arg13 : memref<80x128xf32, #tpu.memory_space<vmem>>) target(%dma_start3A_113 : memref<10240x128xf32, #tpu.memory_space<vmem_shared>>) offsets(%arg10 : memref<80xi32, #tpu.memory_space<vmem>>) semaphore(%arg22 : memref<!tpu.dma_semaphore, #tpu.memory_space<semaphore_mem>>) {add = true}
        %dma_wait3A_114 = tpu.memref_slice %arg4[%add3A_89] : memref<320000xi32, #tpu.memory_space<hbm>> -> memref<80xi32, #tpu.memory_space<hbm>>
        %dma_wait3A_115 = tpu.memref_slice %arg4[%add3A_89] : memref<320000xi32, #tpu.memory_space<hbm>> -> memref<80xi32, #tpu.memory_space<hbm>>
        tpu.wait_dma2 semaphore(%arg17 : memref<!tpu.dma_semaphore, #tpu.memory_space<semaphore_mem>>) src(%dma_wait3A_115 : memref<80xi32, #tpu.memory_space<hbm>>) dst(%arg11 : memref<80xi32, #tpu.memory_space<vmem>>)
        %dma_wait3A_116 = tpu.memref_slice %arg8[%mul3A_83] : memref<10000xi32, #tpu.memory_space<vmem>> -> memref<80xi32, #tpu.memory_space<vmem>>
        %dma_wait3A_117 = arith.constant 0 : i32
        %dma_wait3A_118 = arith.constant 0 : i32
        %dma_wait3A_119 = tpu.memref_slice %arg2[%dma_wait3A_117, %dma_wait3A_118] : memref<10240x128xf32, #tpu.memory_space<hbm>> -> memref<10240x128xf32, #tpu.memory_space<hbm>>
        tpu.wait_indirect_dma semaphore(%arg20 : memref<!tpu.dma_semaphore, #tpu.memory_space<semaphore_mem>>) src(%dma_wait3A_119 : memref<10240x128xf32, #tpu.memory_space<hbm>>) dst(%arg14 : memref<80x128xf32, #tpu.memory_space<vmem>>)
        %dma_start3A_120 = arith.constant 0 : i32
        %dma_start3A_121 = arith.constant 0 : i32
        %dma_start3A_122 = tpu.memref_slice %arg24[%dma_start3A_120, %dma_start3A_121] : memref<10240x128xf32, #tpu.memory_space<vmem_shared>> -> memref<10240x128xf32, #tpu.memory_space<vmem_shared>>
        tpu.enqueue_indirect_dma source(%arg14 : memref<80x128xf32, #tpu.memory_space<vmem>>) target(%dma_start3A_122 : memref<10240x128xf32, #tpu.memory_space<vmem_shared>>) offsets(%arg11 : memref<80xi32, #tpu.memory_space<vmem>>) semaphore(%arg23 : memref<!tpu.dma_semaphore, #tpu.memory_space<semaphore_mem>>) {add = true}
      }
      %scan3A_30 = arith.constant 41 : i32
      %dma_wait3A = arith.constant 0 : i32
      %dma_wait3A_31 = arith.constant 0 : i32
      %dma_wait3A_32 = tpu.memref_slice %arg24[%dma_wait3A, %dma_wait3A_31] : memref<10240x128xf32, #tpu.memory_space<vmem_shared>> -> memref<10240x128xf32, #tpu.memory_space<vmem_shared>>
      tpu.wait_indirect_dma semaphore(%arg21 : memref<!tpu.dma_semaphore, #tpu.memory_space<semaphore_mem>>) src(%arg12 : memref<80x128xf32, #tpu.memory_space<vmem>>) dst(%dma_wait3A_32 : memref<10240x128xf32, #tpu.memory_space<vmem_shared>>)
      %dma_wait3A_33 = arith.constant 0 : i32
      %dma_wait3A_34 = arith.constant 0 : i32
      %dma_wait3A_35 = tpu.memref_slice %arg24[%dma_wait3A_33, %dma_wait3A_34] : memref<10240x128xf32, #tpu.memory_space<vmem_shared>> -> memref<10240x128xf32, #tpu.memory_space<vmem_shared>>
      tpu.wait_indirect_dma semaphore(%arg22 : memref<!tpu.dma_semaphore, #tpu.memory_space<semaphore_mem>>) src(%arg13 : memref<80x128xf32, #tpu.memory_space<vmem>>) dst(%dma_wait3A_35 : memref<10240x128xf32, #tpu.memory_space<vmem_shared>>)
      %dma_wait3A_36 = arith.constant 0 : i32
      %dma_wait3A_37 = arith.constant 0 : i32
      %dma_wait3A_38 = tpu.memref_slice %arg24[%dma_wait3A_36, %dma_wait3A_37] : memref<10240x128xf32, #tpu.memory_space<vmem_shared>> -> memref<10240x128xf32, #tpu.memory_space<vmem_shared>>
      tpu.wait_indirect_dma semaphore(%arg23 : memref<!tpu.dma_semaphore, #tpu.memory_space<semaphore_mem>>) src(%arg14 : memref<80x128xf32, #tpu.memory_space<vmem>>) dst(%dma_wait3A_38 : memref<10240x128xf32, #tpu.memory_space<vmem_shared>>)
      %add3A_39 = arith.constant 9840 : i32
      %add3A_40 = arith.addi %add3A_25, %add3A_39 : i32
      "tpu.region"() ({
        %run_scoped3A = tpu.sem_alloc : memref<!tpu.dma_semaphore, #tpu.memory_space<semaphore_mem>>
        %dma_start3A = tpu.memref_slice %arg4[%add3A_40] : memref<320000xi32, #tpu.memory_space<hbm>> -> memref<80xi32, #tpu.memory_space<hbm>>
        %dma_start3A_43 = tpu.memref_slice %arg4[%add3A_40] : memref<320000xi32, #tpu.memory_space<hbm>> -> memref<80xi32, #tpu.memory_space<hbm>>
        tpu.enqueue_dma source(%dma_start3A_43 : memref<80xi32, #tpu.memory_space<hbm>>) target(%arg9 : memref<80xi32, #tpu.memory_space<vmem>>) target_semaphore(%run_scoped3A : memref<!tpu.dma_semaphore, #tpu.memory_space<semaphore_mem>>)
        %dma_wait3A_44 = tpu.memref_slice %arg4[%add3A_40] : memref<320000xi32, #tpu.memory_space<hbm>> -> memref<80xi32, #tpu.memory_space<hbm>>
        %dma_wait3A_45 = tpu.memref_slice %arg4[%add3A_40] : memref<320000xi32, #tpu.memory_space<hbm>> -> memref<80xi32, #tpu.memory_space<hbm>>
        tpu.wait_dma2 semaphore(%run_scoped3A : memref<!tpu.dma_semaphore, #tpu.memory_space<semaphore_mem>>) src(%dma_wait3A_45 : memref<80xi32, #tpu.memory_space<hbm>>) dst(%arg9 : memref<80xi32, #tpu.memory_space<vmem>>)
        tpu.yield
      }) : () -> ()
      "tpu.region"() ({
        %run_scoped3A = tpu.sem_alloc : memref<!tpu.dma_semaphore, #tpu.memory_space<semaphore_mem>>
        %dma_start3A = arith.constant 9840 : i32
        %dma_start3A_43 = tpu.memref_slice %arg8[%dma_start3A] : memref<10000xi32, #tpu.memory_space<vmem>> -> memref<80xi32, #tpu.memory_space<vmem>>
        %dma_start3A_44 = arith.constant 0 : i32
        %dma_start3A_45 = arith.constant 0 : i32
        %dma_start3A_46 = tpu.memref_slice %arg2[%dma_start3A_44, %dma_start3A_45] : memref<10240x128xf32, #tpu.memory_space<hbm>> -> memref<10240x128xf32, #tpu.memory_space<hbm>>
        tpu.enqueue_indirect_dma source(%dma_start3A_46 : memref<10240x128xf32, #tpu.memory_space<hbm>>) target(%arg12 : memref<80x128xf32, #tpu.memory_space<vmem>>) offsets(%dma_start3A_43 : memref<80xi32, #tpu.memory_space<vmem>>) semaphore(%run_scoped3A : memref<!tpu.dma_semaphore, #tpu.memory_space<semaphore_mem>>)
        %dma_wait3A_47 = arith.constant 9840 : i32
        %dma_wait3A_48 = tpu.memref_slice %arg8[%dma_wait3A_47] : memref<10000xi32, #tpu.memory_space<vmem>> -> memref<80xi32, #tpu.memory_space<vmem>>
        %dma_wait3A_49 = arith.constant 0 : i32
        %dma_wait3A_50 = arith.constant 0 : i32
        %dma_wait3A_51 = tpu.memref_slice %arg2[%dma_wait3A_49, %dma_wait3A_50] : memref<10240x128xf32, #tpu.memory_space<hbm>> -> memref<10240x128xf32, #tpu.memory_space<hbm>>
        tpu.wait_indirect_dma semaphore(%run_scoped3A : memref<!tpu.dma_semaphore, #tpu.memory_space<semaphore_mem>>) src(%dma_wait3A_51 : memref<10240x128xf32, #tpu.memory_space<hbm>>) dst(%arg12 : memref<80x128xf32, #tpu.memory_space<vmem>>)
        tpu.yield
      }) : () -> ()
      "tpu.region"() ({
        %run_scoped3A = tpu.sem_alloc : memref<!tpu.dma_semaphore, #tpu.memory_space<semaphore_mem>>
        %dma_start3A = arith.constant 0 : i32
        %dma_start3A_43 = arith.constant 0 : i32
        %dma_start3A_44 = tpu.memref_slice %arg24[%dma_start3A, %dma_start3A_43] : memref<10240x128xf32, #tpu.memory_space<vmem_shared>> -> memref<10240x128xf32, #tpu.memory_space<vmem_shared>>
        tpu.enqueue_indirect_dma source(%arg12 : memref<80x128xf32, #tpu.memory_space<vmem>>) target(%dma_start3A_44 : memref<10240x128xf32, #tpu.memory_space<vmem_shared>>) offsets(%arg9 : memref<80xi32, #tpu.memory_space<vmem>>) semaphore(%run_scoped3A : memref<!tpu.dma_semaphore, #tpu.memory_space<semaphore_mem>>) {add = true}
        %dma_wait3A_45 = arith.constant 0 : i32
        %dma_wait3A_46 = arith.constant 0 : i32
        %dma_wait3A_47 = tpu.memref_slice %arg24[%dma_wait3A_45, %dma_wait3A_46] : memref<10240x128xf32, #tpu.memory_space<vmem_shared>> -> memref<10240x128xf32, #tpu.memory_space<vmem_shared>>
        tpu.wait_indirect_dma semaphore(%run_scoped3A : memref<!tpu.dma_semaphore, #tpu.memory_space<semaphore_mem>>) src(%arg12 : memref<80x128xf32, #tpu.memory_space<vmem>>) dst(%dma_wait3A_47 : memref<10240x128xf32, #tpu.memory_space<vmem_shared>>)
        tpu.yield
      }) : () -> ()
      %add3A_41 = arith.constant 9920 : i32
      %add3A_42 = arith.addi %add3A_25, %add3A_41 : i32
      "tpu.region"() ({
        %run_scoped3A = tpu.sem_alloc : memref<!tpu.dma_semaphore, #tpu.memory_space<semaphore_mem>>
        %dma_start3A = tpu.memref_slice %arg4[%add3A_42] : memref<320000xi32, #tpu.memory_space<hbm>> -> memref<80xi32, #tpu.memory_space<hbm>>
        %dma_start3A_43 = tpu.memref_slice %arg4[%add3A_42] : memref<320000xi32, #tpu.memory_space<hbm>> -> memref<80xi32, #tpu.memory_space<hbm>>
        tpu.enqueue_dma source(%dma_start3A_43 : memref<80xi32, #tpu.memory_space<hbm>>) target(%arg10 : memref<80xi32, #tpu.memory_space<vmem>>) target_semaphore(%run_scoped3A : memref<!tpu.dma_semaphore, #tpu.memory_space<semaphore_mem>>)
        %dma_wait3A_44 = tpu.memref_slice %arg4[%add3A_42] : memref<320000xi32, #tpu.memory_space<hbm>> -> memref<80xi32, #tpu.memory_space<hbm>>
        %dma_wait3A_45 = tpu.memref_slice %arg4[%add3A_42] : memref<320000xi32, #tpu.memory_space<hbm>> -> memref<80xi32, #tpu.memory_space<hbm>>
        tpu.wait_dma2 semaphore(%run_scoped3A : memref<!tpu.dma_semaphore, #tpu.memory_space<semaphore_mem>>) src(%dma_wait3A_45 : memref<80xi32, #tpu.memory_space<hbm>>) dst(%arg10 : memref<80xi32, #tpu.memory_space<vmem>>)
        tpu.yield
      }) : () -> ()
      "tpu.region"() ({
        %run_scoped3A = tpu.sem_alloc : memref<!tpu.dma_semaphore, #tpu.memory_space<semaphore_mem>>
        %dma_start3A = arith.constant 9920 : i32
        %dma_start3A_43 = tpu.memref_slice %arg8[%dma_start3A] : memref<10000xi32, #tpu.memory_space<vmem>> -> memref<80xi32, #tpu.memory_space<vmem>>
        %dma_start3A_44 = arith.constant 0 : i32
        %dma_start3A_45 = arith.constant 0 : i32
        %dma_start3A_46 = tpu.memref_slice %arg2[%dma_start3A_44, %dma_start3A_45] : memref<10240x128xf32, #tpu.memory_space<hbm>> -> memref<10240x128xf32, #tpu.memory_space<hbm>>
        tpu.enqueue_indirect_dma source(%dma_start3A_46 : memref<10240x128xf32, #tpu.memory_space<hbm>>) target(%arg13 : memref<80x128xf32, #tpu.memory_space<vmem>>) offsets(%dma_start3A_43 : memref<80xi32, #tpu.memory_space<vmem>>) semaphore(%run_scoped3A : memref<!tpu.dma_semaphore, #tpu.memory_space<semaphore_mem>>)
        %dma_wait3A_47 = arith.constant 9920 : i32
        %dma_wait3A_48 = tpu.memref_slice %arg8[%dma_wait3A_47] : memref<10000xi32, #tpu.memory_space<vmem>> -> memref<80xi32, #tpu.memory_space<vmem>>
        %dma_wait3A_49 = arith.constant 0 : i32
        %dma_wait3A_50 = arith.constant 0 : i32
        %dma_wait3A_51 = tpu.memref_slice %arg2[%dma_wait3A_49, %dma_wait3A_50] : memref<10240x128xf32, #tpu.memory_space<hbm>> -> memref<10240x128xf32, #tpu.memory_space<hbm>>
        tpu.wait_indirect_dma semaphore(%run_scoped3A : memref<!tpu.dma_semaphore, #tpu.memory_space<semaphore_mem>>) src(%dma_wait3A_51 : memref<10240x128xf32, #tpu.memory_space<hbm>>) dst(%arg13 : memref<80x128xf32, #tpu.memory_space<vmem>>)
        tpu.yield
      }) : () -> ()
      "tpu.region"() ({
        %run_scoped3A = tpu.sem_alloc : memref<!tpu.dma_semaphore, #tpu.memory_space<semaphore_mem>>
        %dma_start3A = arith.constant 0 : i32
        %dma_start3A_43 = arith.constant 0 : i32
        %dma_start3A_44 = tpu.memref_slice %arg24[%dma_start3A, %dma_start3A_43] : memref<10240x128xf32, #tpu.memory_space<vmem_shared>> -> memref<10240x128xf32, #tpu.memory_space<vmem_shared>>
        tpu.enqueue_indirect_dma source(%arg13 : memref<80x128xf32, #tpu.memory_space<vmem>>) target(%dma_start3A_44 : memref<10240x128xf32, #tpu.memory_space<vmem_shared>>) offsets(%arg10 : memref<80xi32, #tpu.memory_space<vmem>>) semaphore(%run_scoped3A : memref<!tpu.dma_semaphore, #tpu.memory_space<semaphore_mem>>) {add = true}
        %dma_wait3A_45 = arith.constant 0 : i32
        %dma_wait3A_46 = arith.constant 0 : i32
        %dma_wait3A_47 = tpu.memref_slice %arg24[%dma_wait3A_45, %dma_wait3A_46] : memref<10240x128xf32, #tpu.memory_space<vmem_shared>> -> memref<10240x128xf32, #tpu.memory_space<vmem_shared>>
        tpu.wait_indirect_dma semaphore(%run_scoped3A : memref<!tpu.dma_semaphore, #tpu.memory_space<semaphore_mem>>) src(%arg13 : memref<80x128xf32, #tpu.memory_space<vmem>>) dst(%dma_wait3A_47 : memref<10240x128xf32, #tpu.memory_space<vmem_shared>>)
        tpu.yield
      }) : () -> ()
    } else {
    }
    %eq3A_7 = arith.constant 1 : i32
    %eq3A_8 = arith.cmpi eq, %arg0, %eq3A_7 : i32
    %convert_element_type3A_9 = arith.extui %eq3A_8 : i1 to i32
    %cond3A_10 = arith.constant 0 : i32
    %cond3A_11 = arith.cmpi ne, %convert_element_type3A_9, %cond3A_10 : i32
    scf.if %cond3A_11 {
      %mul3A_23 = arith.constant 10000 : i32
      %mul3A_24 = arith.muli %arg1, %mul3A_23 : i32
      %add3A = arith.constant 160000 : i32
      %add3A_25 = arith.addi %add3A, %mul3A_24 : i32
      %scan3A = arith.constant 0 : i32
      %scan3A_26 = arith.constant 0 : i32
      %scan3A_27 = arith.constant 41 : i32
      %scan3A_28 = arith.addi %scan3A_26, %scan3A_27 : i32
      %scan3A_29 = arith.constant 1 : i32
      scf.for %scan3A_43 = %scan3A_26 to %scan3A_28 step %scan3A_29  : i32 {
        %mul3A_44 = arith.constant 3 : i32
        %mul3A_45 = arith.muli %scan3A_43, %mul3A_44 : i32
        %add3A_46 = arith.constant 0 : i32
        %add3A_47 = arith.addi %mul3A_45, %add3A_46 : i32
        %mul3A_48 = arith.constant 80 : i32
        %mul3A_49 = arith.muli %add3A_47, %mul3A_48 : i32
        %gt3A = arith.constant 0 : i32
        %gt3A_50 = arith.cmpi sgt, %scan3A_43, %gt3A : i32
        %convert_element_type3A_51 = arith.extui %gt3A_50 : i1 to i32
        %cond3A_52 = arith.constant 0 : i32
        %cond3A_53 = arith.cmpi ne, %convert_element_type3A_51, %cond3A_52 : i32
        scf.if %cond3A_53 {
          %dma_wait3A_123 = arith.constant 0 : i32
          %dma_wait3A_124 = arith.constant 0 : i32
          %dma_wait3A_125 = tpu.memref_slice %arg24[%dma_wait3A_123, %dma_wait3A_124] : memref<10240x128xf32, #tpu.memory_space<vmem_shared>> -> memref<10240x128xf32, #tpu.memory_space<vmem_shared>>
          tpu.wait_indirect_dma semaphore(%arg21 : memref<!tpu.dma_semaphore, #tpu.memory_space<semaphore_mem>>) src(%arg12 : memref<80x128xf32, #tpu.memory_space<vmem>>) dst(%dma_wait3A_125 : memref<10240x128xf32, #tpu.memory_space<vmem_shared>>)
        } else {
        }
        %add3A_54 = arith.addi %add3A_25, %mul3A_49 : i32
        %dma_start3A = tpu.memref_slice %arg4[%add3A_54] : memref<320000xi32, #tpu.memory_space<hbm>> -> memref<80xi32, #tpu.memory_space<hbm>>
        %dma_start3A_55 = tpu.memref_slice %arg4[%add3A_54] : memref<320000xi32, #tpu.memory_space<hbm>> -> memref<80xi32, #tpu.memory_space<hbm>>
        tpu.enqueue_dma source(%dma_start3A_55 : memref<80xi32, #tpu.memory_space<hbm>>) target(%arg9 : memref<80xi32, #tpu.memory_space<vmem>>) target_semaphore(%arg15 : memref<!tpu.dma_semaphore, #tpu.memory_space<semaphore_mem>>)
        %dma_start3A_56 = tpu.memref_slice %arg8[%mul3A_49] : memref<10000xi32, #tpu.memory_space<vmem>> -> memref<80xi32, #tpu.memory_space<vmem>>
        %dma_start3A_57 = arith.constant 0 : i32
        %dma_start3A_58 = arith.constant 0 : i32
        %dma_start3A_59 = tpu.memref_slice %arg3[%dma_start3A_57, %dma_start3A_58] : memref<10240x128xf32, #tpu.memory_space<hbm>> -> memref<10240x128xf32, #tpu.memory_space<hbm>>
        tpu.enqueue_indirect_dma source(%dma_start3A_59 : memref<10240x128xf32, #tpu.memory_space<hbm>>) target(%arg12 : memref<80x128xf32, #tpu.memory_space<vmem>>) offsets(%dma_start3A_56 : memref<80xi32, #tpu.memory_space<vmem>>) semaphore(%arg18 : memref<!tpu.dma_semaphore, #tpu.memory_space<semaphore_mem>>)
        %mul3A_60 = arith.constant 3 : i32
        %mul3A_61 = arith.muli %scan3A_43, %mul3A_60 : i32
        %add3A_62 = arith.constant 1 : i32
        %add3A_63 = arith.addi %mul3A_61, %add3A_62 : i32
        %mul3A_64 = arith.constant 80 : i32
        %mul3A_65 = arith.muli %add3A_63, %mul3A_64 : i32
        %gt3A_66 = arith.constant 0 : i32
        %gt3A_67 = arith.cmpi sgt, %scan3A_43, %gt3A_66 : i32
        %convert_element_type3A_68 = arith.extui %gt3A_67 : i1 to i32
        %cond3A_69 = arith.constant 0 : i32
        %cond3A_70 = arith.cmpi ne, %convert_element_type3A_68, %cond3A_69 : i32
        scf.if %cond3A_70 {
          %dma_wait3A_123 = arith.constant 0 : i32
          %dma_wait3A_124 = arith.constant 0 : i32
          %dma_wait3A_125 = tpu.memref_slice %arg24[%dma_wait3A_123, %dma_wait3A_124] : memref<10240x128xf32, #tpu.memory_space<vmem_shared>> -> memref<10240x128xf32, #tpu.memory_space<vmem_shared>>
          tpu.wait_indirect_dma semaphore(%arg22 : memref<!tpu.dma_semaphore, #tpu.memory_space<semaphore_mem>>) src(%arg13 : memref<80x128xf32, #tpu.memory_space<vmem>>) dst(%dma_wait3A_125 : memref<10240x128xf32, #tpu.memory_space<vmem_shared>>)
        } else {
        }
        %add3A_71 = arith.addi %add3A_25, %mul3A_65 : i32
        %dma_start3A_72 = tpu.memref_slice %arg4[%add3A_71] : memref<320000xi32, #tpu.memory_space<hbm>> -> memref<80xi32, #tpu.memory_space<hbm>>
        %dma_start3A_73 = tpu.memref_slice %arg4[%add3A_71] : memref<320000xi32, #tpu.memory_space<hbm>> -> memref<80xi32, #tpu.memory_space<hbm>>
        tpu.enqueue_dma source(%dma_start3A_73 : memref<80xi32, #tpu.memory_space<hbm>>) target(%arg10 : memref<80xi32, #tpu.memory_space<vmem>>) target_semaphore(%arg16 : memref<!tpu.dma_semaphore, #tpu.memory_space<semaphore_mem>>)
        %dma_start3A_74 = tpu.memref_slice %arg8[%mul3A_65] : memref<10000xi32, #tpu.memory_space<vmem>> -> memref<80xi32, #tpu.memory_space<vmem>>
        %dma_start3A_75 = arith.constant 0 : i32
        %dma_start3A_76 = arith.constant 0 : i32
        %dma_start3A_77 = tpu.memref_slice %arg3[%dma_start3A_75, %dma_start3A_76] : memref<10240x128xf32, #tpu.memory_space<hbm>> -> memref<10240x128xf32, #tpu.memory_space<hbm>>
        tpu.enqueue_indirect_dma source(%dma_start3A_77 : memref<10240x128xf32, #tpu.memory_space<hbm>>) target(%arg13 : memref<80x128xf32, #tpu.memory_space<vmem>>) offsets(%dma_start3A_74 : memref<80xi32, #tpu.memory_space<vmem>>) semaphore(%arg19 : memref<!tpu.dma_semaphore, #tpu.memory_space<semaphore_mem>>)
        %mul3A_78 = arith.constant 3 : i32
        %mul3A_79 = arith.muli %scan3A_43, %mul3A_78 : i32
        %add3A_80 = arith.constant 2 : i32
        %add3A_81 = arith.addi %mul3A_79, %add3A_80 : i32
        %mul3A_82 = arith.constant 80 : i32
        %mul3A_83 = arith.muli %add3A_81, %mul3A_82 : i32
        %gt3A_84 = arith.constant 0 : i32
        %gt3A_85 = arith.cmpi sgt, %scan3A_43, %gt3A_84 : i32
        %convert_element_type3A_86 = arith.extui %gt3A_85 : i1 to i32
        %cond3A_87 = arith.constant 0 : i32
        %cond3A_88 = arith.cmpi ne, %convert_element_type3A_86, %cond3A_87 : i32
        scf.if %cond3A_88 {
          %dma_wait3A_123 = arith.constant 0 : i32
          %dma_wait3A_124 = arith.constant 0 : i32
          %dma_wait3A_125 = tpu.memref_slice %arg24[%dma_wait3A_123, %dma_wait3A_124] : memref<10240x128xf32, #tpu.memory_space<vmem_shared>> -> memref<10240x128xf32, #tpu.memory_space<vmem_shared>>
          tpu.wait_indirect_dma semaphore(%arg23 : memref<!tpu.dma_semaphore, #tpu.memory_space<semaphore_mem>>) src(%arg14 : memref<80x128xf32, #tpu.memory_space<vmem>>) dst(%dma_wait3A_125 : memref<10240x128xf32, #tpu.memory_space<vmem_shared>>)
        } else {
        }
        %add3A_89 = arith.addi %add3A_25, %mul3A_83 : i32
        %dma_start3A_90 = tpu.memref_slice %arg4[%add3A_89] : memref<320000xi32, #tpu.memory_space<hbm>> -> memref<80xi32, #tpu.memory_space<hbm>>
        %dma_start3A_91 = tpu.memref_slice %arg4[%add3A_89] : memref<320000xi32, #tpu.memory_space<hbm>> -> memref<80xi32, #tpu.memory_space<hbm>>
        tpu.enqueue_dma source(%dma_start3A_91 : memref<80xi32, #tpu.memory_space<hbm>>) target(%arg11 : memref<80xi32, #tpu.memory_space<vmem>>) target_semaphore(%arg17 : memref<!tpu.dma_semaphore, #tpu.memory_space<semaphore_mem>>)
        %dma_start3A_92 = tpu.memref_slice %arg8[%mul3A_83] : memref<10000xi32, #tpu.memory_space<vmem>> -> memref<80xi32, #tpu.memory_space<vmem>>
        %dma_start3A_93 = arith.constant 0 : i32
        %dma_start3A_94 = arith.constant 0 : i32
        %dma_start3A_95 = tpu.memref_slice %arg3[%dma_start3A_93, %dma_start3A_94] : memref<10240x128xf32, #tpu.memory_space<hbm>> -> memref<10240x128xf32, #tpu.memory_space<hbm>>
        tpu.enqueue_indirect_dma source(%dma_start3A_95 : memref<10240x128xf32, #tpu.memory_space<hbm>>) target(%arg14 : memref<80x128xf32, #tpu.memory_space<vmem>>) offsets(%dma_start3A_92 : memref<80xi32, #tpu.memory_space<vmem>>) semaphore(%arg20 : memref<!tpu.dma_semaphore, #tpu.memory_space<semaphore_mem>>)
        %dma_wait3A_96 = tpu.memref_slice %arg4[%add3A_54] : memref<320000xi32, #tpu.memory_space<hbm>> -> memref<80xi32, #tpu.memory_space<hbm>>
        %dma_wait3A_97 = tpu.memref_slice %arg4[%add3A_54] : memref<320000xi32, #tpu.memory_space<hbm>> -> memref<80xi32, #tpu.memory_space<hbm>>
        tpu.wait_dma2 semaphore(%arg15 : memref<!tpu.dma_semaphore, #tpu.memory_space<semaphore_mem>>) src(%dma_wait3A_97 : memref<80xi32, #tpu.memory_space<hbm>>) dst(%arg9 : memref<80xi32, #tpu.memory_space<vmem>>)
        %dma_wait3A_98 = tpu.memref_slice %arg8[%mul3A_49] : memref<10000xi32, #tpu.memory_space<vmem>> -> memref<80xi32, #tpu.memory_space<vmem>>
        %dma_wait3A_99 = arith.constant 0 : i32
        %dma_wait3A_100 = arith.constant 0 : i32
        %dma_wait3A_101 = tpu.memref_slice %arg3[%dma_wait3A_99, %dma_wait3A_100] : memref<10240x128xf32, #tpu.memory_space<hbm>> -> memref<10240x128xf32, #tpu.memory_space<hbm>>
        tpu.wait_indirect_dma semaphore(%arg18 : memref<!tpu.dma_semaphore, #tpu.memory_space<semaphore_mem>>) src(%dma_wait3A_101 : memref<10240x128xf32, #tpu.memory_space<hbm>>) dst(%arg12 : memref<80x128xf32, #tpu.memory_space<vmem>>)
        %dma_start3A_102 = arith.constant 0 : i32
        %dma_start3A_103 = arith.constant 0 : i32
        %dma_start3A_104 = tpu.memref_slice %arg24[%dma_start3A_102, %dma_start3A_103] : memref<10240x128xf32, #tpu.memory_space<vmem_shared>> -> memref<10240x128xf32, #tpu.memory_space<vmem_shared>>
        tpu.enqueue_indirect_dma source(%arg12 : memref<80x128xf32, #tpu.memory_space<vmem>>) target(%dma_start3A_104 : memref<10240x128xf32, #tpu.memory_space<vmem_shared>>) offsets(%arg9 : memref<80xi32, #tpu.memory_space<vmem>>) semaphore(%arg21 : memref<!tpu.dma_semaphore, #tpu.memory_space<semaphore_mem>>) {add = true}
        %dma_wait3A_105 = tpu.memref_slice %arg4[%add3A_71] : memref<320000xi32, #tpu.memory_space<hbm>> -> memref<80xi32, #tpu.memory_space<hbm>>
        %dma_wait3A_106 = tpu.memref_slice %arg4[%add3A_71] : memref<320000xi32, #tpu.memory_space<hbm>> -> memref<80xi32, #tpu.memory_space<hbm>>
        tpu.wait_dma2 semaphore(%arg16 : memref<!tpu.dma_semaphore, #tpu.memory_space<semaphore_mem>>) src(%dma_wait3A_106 : memref<80xi32, #tpu.memory_space<hbm>>) dst(%arg10 : memref<80xi32, #tpu.memory_space<vmem>>)
        %dma_wait3A_107 = tpu.memref_slice %arg8[%mul3A_65] : memref<10000xi32, #tpu.memory_space<vmem>> -> memref<80xi32, #tpu.memory_space<vmem>>
        %dma_wait3A_108 = arith.constant 0 : i32
        %dma_wait3A_109 = arith.constant 0 : i32
        %dma_wait3A_110 = tpu.memref_slice %arg3[%dma_wait3A_108, %dma_wait3A_109] : memref<10240x128xf32, #tpu.memory_space<hbm>> -> memref<10240x128xf32, #tpu.memory_space<hbm>>
        tpu.wait_indirect_dma semaphore(%arg19 : memref<!tpu.dma_semaphore, #tpu.memory_space<semaphore_mem>>) src(%dma_wait3A_110 : memref<10240x128xf32, #tpu.memory_space<hbm>>) dst(%arg13 : memref<80x128xf32, #tpu.memory_space<vmem>>)
        %dma_start3A_111 = arith.constant 0 : i32
        %dma_start3A_112 = arith.constant 0 : i32
        %dma_start3A_113 = tpu.memref_slice %arg24[%dma_start3A_111, %dma_start3A_112] : memref<10240x128xf32, #tpu.memory_space<vmem_shared>> -> memref<10240x128xf32, #tpu.memory_space<vmem_shared>>
        tpu.enqueue_indirect_dma source(%arg13 : memref<80x128xf32, #tpu.memory_space<vmem>>) target(%dma_start3A_113 : memref<10240x128xf32, #tpu.memory_space<vmem_shared>>) offsets(%arg10 : memref<80xi32, #tpu.memory_space<vmem>>) semaphore(%arg22 : memref<!tpu.dma_semaphore, #tpu.memory_space<semaphore_mem>>) {add = true}
        %dma_wait3A_114 = tpu.memref_slice %arg4[%add3A_89] : memref<320000xi32, #tpu.memory_space<hbm>> -> memref<80xi32, #tpu.memory_space<hbm>>
        %dma_wait3A_115 = tpu.memref_slice %arg4[%add3A_89] : memref<320000xi32, #tpu.memory_space<hbm>> -> memref<80xi32, #tpu.memory_space<hbm>>
        tpu.wait_dma2 semaphore(%arg17 : memref<!tpu.dma_semaphore, #tpu.memory_space<semaphore_mem>>) src(%dma_wait3A_115 : memref<80xi32, #tpu.memory_space<hbm>>) dst(%arg11 : memref<80xi32, #tpu.memory_space<vmem>>)
        %dma_wait3A_116 = tpu.memref_slice %arg8[%mul3A_83] : memref<10000xi32, #tpu.memory_space<vmem>> -> memref<80xi32, #tpu.memory_space<vmem>>
        %dma_wait3A_117 = arith.constant 0 : i32
        %dma_wait3A_118 = arith.constant 0 : i32
        %dma_wait3A_119 = tpu.memref_slice %arg3[%dma_wait3A_117, %dma_wait3A_118] : memref<10240x128xf32, #tpu.memory_space<hbm>> -> memref<10240x128xf32, #tpu.memory_space<hbm>>
        tpu.wait_indirect_dma semaphore(%arg20 : memref<!tpu.dma_semaphore, #tpu.memory_space<semaphore_mem>>) src(%dma_wait3A_119 : memref<10240x128xf32, #tpu.memory_space<hbm>>) dst(%arg14 : memref<80x128xf32, #tpu.memory_space<vmem>>)
        %dma_start3A_120 = arith.constant 0 : i32
        %dma_start3A_121 = arith.constant 0 : i32
        %dma_start3A_122 = tpu.memref_slice %arg24[%dma_start3A_120, %dma_start3A_121] : memref<10240x128xf32, #tpu.memory_space<vmem_shared>> -> memref<10240x128xf32, #tpu.memory_space<vmem_shared>>
        tpu.enqueue_indirect_dma source(%arg14 : memref<80x128xf32, #tpu.memory_space<vmem>>) target(%dma_start3A_122 : memref<10240x128xf32, #tpu.memory_space<vmem_shared>>) offsets(%arg11 : memref<80xi32, #tpu.memory_space<vmem>>) semaphore(%arg23 : memref<!tpu.dma_semaphore, #tpu.memory_space<semaphore_mem>>) {add = true}
      }
      %scan3A_30 = arith.constant 41 : i32
      %dma_wait3A = arith.constant 0 : i32
      %dma_wait3A_31 = arith.constant 0 : i32
      %dma_wait3A_32 = tpu.memref_slice %arg24[%dma_wait3A, %dma_wait3A_31] : memref<10240x128xf32, #tpu.memory_space<vmem_shared>> -> memref<10240x128xf32, #tpu.memory_space<vmem_shared>>
      tpu.wait_indirect_dma semaphore(%arg21 : memref<!tpu.dma_semaphore, #tpu.memory_space<semaphore_mem>>) src(%arg12 : memref<80x128xf32, #tpu.memory_space<vmem>>) dst(%dma_wait3A_32 : memref<10240x128xf32, #tpu.memory_space<vmem_shared>>)
      %dma_wait3A_33 = arith.constant 0 : i32
      %dma_wait3A_34 = arith.constant 0 : i32
      %dma_wait3A_35 = tpu.memref_slice %arg24[%dma_wait3A_33, %dma_wait3A_34] : memref<10240x128xf32, #tpu.memory_space<vmem_shared>> -> memref<10240x128xf32, #tpu.memory_space<vmem_shared>>
      tpu.wait_indirect_dma semaphore(%arg22 : memref<!tpu.dma_semaphore, #tpu.memory_space<semaphore_mem>>) src(%arg13 : memref<80x128xf32, #tpu.memory_space<vmem>>) dst(%dma_wait3A_35 : memref<10240x128xf32, #tpu.memory_space<vmem_shared>>)
      %dma_wait3A_36 = arith.constant 0 : i32
      %dma_wait3A_37 = arith.constant 0 : i32
      %dma_wait3A_38 = tpu.memref_slice %arg24[%dma_wait3A_36, %dma_wait3A_37] : memref<10240x128xf32, #tpu.memory_space<vmem_shared>> -> memref<10240x128xf32, #tpu.memory_space<vmem_shared>>
      tpu.wait_indirect_dma semaphore(%arg23 : memref<!tpu.dma_semaphore, #tpu.memory_space<semaphore_mem>>) src(%arg14 : memref<80x128xf32, #tpu.memory_space<vmem>>) dst(%dma_wait3A_38 : memref<10240x128xf32, #tpu.memory_space<vmem_shared>>)
      %add3A_39 = arith.constant 9840 : i32
      %add3A_40 = arith.addi %add3A_25, %add3A_39 : i32
      "tpu.region"() ({
        %run_scoped3A = tpu.sem_alloc : memref<!tpu.dma_semaphore, #tpu.memory_space<semaphore_mem>>
        %dma_start3A = tpu.memref_slice %arg4[%add3A_40] : memref<320000xi32, #tpu.memory_space<hbm>> -> memref<80xi32, #tpu.memory_space<hbm>>
        %dma_start3A_43 = tpu.memref_slice %arg4[%add3A_40] : memref<320000xi32, #tpu.memory_space<hbm>> -> memref<80xi32, #tpu.memory_space<hbm>>
        tpu.enqueue_dma source(%dma_start3A_43 : memref<80xi32, #tpu.memory_space<hbm>>) target(%arg9 : memref<80xi32, #tpu.memory_space<vmem>>) target_semaphore(%run_scoped3A : memref<!tpu.dma_semaphore, #tpu.memory_space<semaphore_mem>>)
        %dma_wait3A_44 = tpu.memref_slice %arg4[%add3A_40] : memref<320000xi32, #tpu.memory_space<hbm>> -> memref<80xi32, #tpu.memory_space<hbm>>
        %dma_wait3A_45 = tpu.memref_slice %arg4[%add3A_40] : memref<320000xi32, #tpu.memory_space<hbm>> -> memref<80xi32, #tpu.memory_space<hbm>>
        tpu.wait_dma2 semaphore(%run_scoped3A : memref<!tpu.dma_semaphore, #tpu.memory_space<semaphore_mem>>) src(%dma_wait3A_45 : memref<80xi32, #tpu.memory_space<hbm>>) dst(%arg9 : memref<80xi32, #tpu.memory_space<vmem>>)
        tpu.yield
      }) : () -> ()
      "tpu.region"() ({
        %run_scoped3A = tpu.sem_alloc : memref<!tpu.dma_semaphore, #tpu.memory_space<semaphore_mem>>
        %dma_start3A = arith.constant 9840 : i32
        %dma_start3A_43 = tpu.memref_slice %arg8[%dma_start3A] : memref<10000xi32, #tpu.memory_space<vmem>> -> memref<80xi32, #tpu.memory_space<vmem>>
        %dma_start3A_44 = arith.constant 0 : i32
        %dma_start3A_45 = arith.constant 0 : i32
        %dma_start3A_46 = tpu.memref_slice %arg3[%dma_start3A_44, %dma_start3A_45] : memref<10240x128xf32, #tpu.memory_space<hbm>> -> memref<10240x128xf32, #tpu.memory_space<hbm>>
        tpu.enqueue_indirect_dma source(%dma_start3A_46 : memref<10240x128xf32, #tpu.memory_space<hbm>>) target(%arg12 : memref<80x128xf32, #tpu.memory_space<vmem>>) offsets(%dma_start3A_43 : memref<80xi32, #tpu.memory_space<vmem>>) semaphore(%run_scoped3A : memref<!tpu.dma_semaphore, #tpu.memory_space<semaphore_mem>>)
        %dma_wait3A_47 = arith.constant 9840 : i32
        %dma_wait3A_48 = tpu.memref_slice %arg8[%dma_wait3A_47] : memref<10000xi32, #tpu.memory_space<vmem>> -> memref<80xi32, #tpu.memory_space<vmem>>
        %dma_wait3A_49 = arith.constant 0 : i32
        %dma_wait3A_50 = arith.constant 0 : i32
        %dma_wait3A_51 = tpu.memref_slice %arg3[%dma_wait3A_49, %dma_wait3A_50] : memref<10240x128xf32, #tpu.memory_space<hbm>> -> memref<10240x128xf32, #tpu.memory_space<hbm>>
        tpu.wait_indirect_dma semaphore(%run_scoped3A : memref<!tpu.dma_semaphore, #tpu.memory_space<semaphore_mem>>) src(%dma_wait3A_51 : memref<10240x128xf32, #tpu.memory_space<hbm>>) dst(%arg12 : memref<80x128xf32, #tpu.memory_space<vmem>>)
        tpu.yield
      }) : () -> ()
      "tpu.region"() ({
        %run_scoped3A = tpu.sem_alloc : memref<!tpu.dma_semaphore, #tpu.memory_space<semaphore_mem>>
        %dma_start3A = arith.constant 0 : i32
        %dma_start3A_43 = arith.constant 0 : i32
        %dma_start3A_44 = tpu.memref_slice %arg24[%dma_start3A, %dma_start3A_43] : memref<10240x128xf32, #tpu.memory_space<vmem_shared>> -> memref<10240x128xf32, #tpu.memory_space<vmem_shared>>
        tpu.enqueue_indirect_dma source(%arg12 : memref<80x128xf32, #tpu.memory_space<vmem>>) target(%dma_start3A_44 : memref<10240x128xf32, #tpu.memory_space<vmem_shared>>) offsets(%arg9 : memref<80xi32, #tpu.memory_space<vmem>>) semaphore(%run_scoped3A : memref<!tpu.dma_semaphore, #tpu.memory_space<semaphore_mem>>) {add = true}
        %dma_wait3A_45 = arith.constant 0 : i32
        %dma_wait3A_46 = arith.constant 0 : i32
        %dma_wait3A_47 = tpu.memref_slice %arg24[%dma_wait3A_45, %dma_wait3A_46] : memref<10240x128xf32, #tpu.memory_space<vmem_shared>> -> memref<10240x128xf32, #tpu.memory_space<vmem_shared>>
        tpu.wait_indirect_dma semaphore(%run_scoped3A : memref<!tpu.dma_semaphore, #tpu.memory_space<semaphore_mem>>) src(%arg12 : memref<80x128xf32, #tpu.memory_space<vmem>>) dst(%dma_wait3A_47 : memref<10240x128xf32, #tpu.memory_space<vmem_shared>>)
        tpu.yield
      }) : () -> ()
      %add3A_41 = arith.constant 9920 : i32
      %add3A_42 = arith.addi %add3A_25, %add3A_41 : i32
      "tpu.region"() ({
        %run_scoped3A = tpu.sem_alloc : memref<!tpu.dma_semaphore, #tpu.memory_space<semaphore_mem>>
        %dma_start3A = tpu.memref_slice %arg4[%add3A_42] : memref<320000xi32, #tpu.memory_space<hbm>> -> memref<80xi32, #tpu.memory_space<hbm>>
        %dma_start3A_43 = tpu.memref_slice %arg4[%add3A_42] : memref<320000xi32, #tpu.memory_space<hbm>> -> memref<80xi32, #tpu.memory_space<hbm>>
        tpu.enqueue_dma source(%dma_start3A_43 : memref<80xi32, #tpu.memory_space<hbm>>) target(%arg10 : memref<80xi32, #tpu.memory_space<vmem>>) target_semaphore(%run_scoped3A : memref<!tpu.dma_semaphore, #tpu.memory_space<semaphore_mem>>)
        %dma_wait3A_44 = tpu.memref_slice %arg4[%add3A_42] : memref<320000xi32, #tpu.memory_space<hbm>> -> memref<80xi32, #tpu.memory_space<hbm>>
        %dma_wait3A_45 = tpu.memref_slice %arg4[%add3A_42] : memref<320000xi32, #tpu.memory_space<hbm>> -> memref<80xi32, #tpu.memory_space<hbm>>
        tpu.wait_dma2 semaphore(%run_scoped3A : memref<!tpu.dma_semaphore, #tpu.memory_space<semaphore_mem>>) src(%dma_wait3A_45 : memref<80xi32, #tpu.memory_space<hbm>>) dst(%arg10 : memref<80xi32, #tpu.memory_space<vmem>>)
        tpu.yield
      }) : () -> ()
      "tpu.region"() ({
        %run_scoped3A = tpu.sem_alloc : memref<!tpu.dma_semaphore, #tpu.memory_space<semaphore_mem>>
        %dma_start3A = arith.constant 9920 : i32
        %dma_start3A_43 = tpu.memref_slice %arg8[%dma_start3A] : memref<10000xi32, #tpu.memory_space<vmem>> -> memref<80xi32, #tpu.memory_space<vmem>>
        %dma_start3A_44 = arith.constant 0 : i32
        %dma_start3A_45 = arith.constant 0 : i32
        %dma_start3A_46 = tpu.memref_slice %arg3[%dma_start3A_44, %dma_start3A_45] : memref<10240x128xf32, #tpu.memory_space<hbm>> -> memref<10240x128xf32, #tpu.memory_space<hbm>>
        tpu.enqueue_indirect_dma source(%dma_start3A_46 : memref<10240x128xf32, #tpu.memory_space<hbm>>) target(%arg13 : memref<80x128xf32, #tpu.memory_space<vmem>>) offsets(%dma_start3A_43 : memref<80xi32, #tpu.memory_space<vmem>>) semaphore(%run_scoped3A : memref<!tpu.dma_semaphore, #tpu.memory_space<semaphore_mem>>)
        %dma_wait3A_47 = arith.constant 9920 : i32
        %dma_wait3A_48 = tpu.memref_slice %arg8[%dma_wait3A_47] : memref<10000xi32, #tpu.memory_space<vmem>> -> memref<80xi32, #tpu.memory_space<vmem>>
        %dma_wait3A_49 = arith.constant 0 : i32
        %dma_wait3A_50 = arith.constant 0 : i32
        %dma_wait3A_51 = tpu.memref_slice %arg3[%dma_wait3A_49, %dma_wait3A_50] : memref<10240x128xf32, #tpu.memory_space<hbm>> -> memref<10240x128xf32, #tpu.memory_space<hbm>>
        tpu.wait_indirect_dma semaphore(%run_scoped3A : memref<!tpu.dma_semaphore, #tpu.memory_space<semaphore_mem>>) src(%dma_wait3A_51 : memref<10240x128xf32, #tpu.memory_space<hbm>>) dst(%arg13 : memref<80x128xf32, #tpu.memory_space<vmem>>)
        tpu.yield
      }) : () -> ()
      "tpu.region"() ({
        %run_scoped3A = tpu.sem_alloc : memref<!tpu.dma_semaphore, #tpu.memory_space<semaphore_mem>>
        %dma_start3A = arith.constant 0 : i32
        %dma_start3A_43 = arith.constant 0 : i32
        %dma_start3A_44 = tpu.memref_slice %arg24[%dma_start3A, %dma_start3A_43] : memref<10240x128xf32, #tpu.memory_space<vmem_shared>> -> memref<10240x128xf32, #tpu.memory_space<vmem_shared>>
        tpu.enqueue_indirect_dma source(%arg13 : memref<80x128xf32, #tpu.memory_space<vmem>>) target(%dma_start3A_44 : memref<10240x128xf32, #tpu.memory_space<vmem_shared>>) offsets(%arg10 : memref<80xi32, #tpu.memory_space<vmem>>) semaphore(%run_scoped3A : memref<!tpu.dma_semaphore, #tpu.memory_space<semaphore_mem>>) {add = true}
        %dma_wait3A_45 = arith.constant 0 : i32
        %dma_wait3A_46 = arith.constant 0 : i32
        %dma_wait3A_47 = tpu.memref_slice %arg24[%dma_wait3A_45, %dma_wait3A_46] : memref<10240x128xf32, #tpu.memory_space<vmem_shared>> -> memref<10240x128xf32, #tpu.memory_space<vmem_shared>>
        tpu.wait_indirect_dma semaphore(%run_scoped3A : memref<!tpu.dma_semaphore, #tpu.memory_space<semaphore_mem>>) src(%arg13 : memref<80x128xf32, #tpu.memory_space<vmem>>) dst(%dma_wait3A_47 : memref<10240x128xf32, #tpu.memory_space<vmem_shared>>)
        tpu.yield
      }) : () -> ()
    } else {
    }
    %barrier3A_12 = arith.constant 0 : index
    tpu.barrier barrier_id(%barrier3A_12)
    %eq3A_13 = arith.constant 0 : i32
    %eq3A_14 = arith.cmpi eq, %arg0, %eq3A_13 : i32
    %convert_element_type3A_15 = arith.extui %eq3A_14 : i1 to i32
    %cond3A_16 = arith.constant 0 : i32
    %cond3A_17 = arith.cmpi ne, %convert_element_type3A_15, %cond3A_16 : i32
    scf.if %cond3A_17 {
      %mul3A_23 = arith.constant 640 : i32
      %mul3A_24 = arith.muli %arg1, %mul3A_23 : i32
      %mul3A_25 = arith.constant 640 : i32
      %mul3A_26 = arith.muli %arg1, %mul3A_25 : i32
      "tpu.region"() ({
        %run_scoped3A = tpu.sem_alloc : memref<!tpu.dma_semaphore, #tpu.memory_space<semaphore_mem>>
        %dma_start3A = arith.constant 0 : i32
        %dma_start3A_27 = tpu.memref_slice %arg6[%mul3A_26, %dma_start3A] : memref<10240x128xf32, #tpu.memory_space<hbm>> -> memref<640x128xf32, #tpu.memory_space<hbm>>
        %dma_start3A_28 = arith.constant 0 : i32
        %dma_start3A_29 = tpu.memref_slice %arg24[%mul3A_24, %dma_start3A_28] : memref<10240x128xf32, #tpu.memory_space<vmem_shared>> -> memref<640x128xf32, #tpu.memory_space<vmem_shared>>
        tpu.enqueue_dma source(%dma_start3A_29 : memref<640x128xf32, #tpu.memory_space<vmem_shared>>) target(%dma_start3A_27 : memref<640x128xf32, #tpu.memory_space<hbm>>) target_semaphore(%run_scoped3A : memref<!tpu.dma_semaphore, #tpu.memory_space<semaphore_mem>>)
        %dma_wait3A = arith.constant 0 : i32
        %dma_wait3A_30 = tpu.memref_slice %arg6[%mul3A_26, %dma_wait3A] : memref<10240x128xf32, #tpu.memory_space<hbm>> -> memref<640x128xf32, #tpu.memory_space<hbm>>
        %dma_wait3A_31 = arith.constant 0 : i32
        %dma_wait3A_32 = tpu.memref_slice %arg24[%mul3A_24, %dma_wait3A_31] : memref<10240x128xf32, #tpu.memory_space<vmem_shared>> -> memref<640x128xf32, #tpu.memory_space<vmem_shared>>
        tpu.wait_dma2 semaphore(%run_scoped3A : memref<!tpu.dma_semaphore, #tpu.memory_space<semaphore_mem>>) src(%dma_wait3A_32 : memref<640x128xf32, #tpu.memory_space<vmem_shared>>) dst(%dma_wait3A_30 : memref<640x128xf32, #tpu.memory_space<hbm>>)
        tpu.yield
      }) : () -> ()
    } else {
    }
    %eq3A_18 = arith.constant 1 : i32
    %eq3A_19 = arith.cmpi eq, %arg0, %eq3A_18 : i32
    %convert_element_type3A_20 = arith.extui %eq3A_19 : i1 to i32
    %cond3A_21 = arith.constant 0 : i32
    %cond3A_22 = arith.cmpi ne, %convert_element_type3A_20, %cond3A_21 : i32
    scf.if %cond3A_22 {
      %mul3A_23 = arith.constant 640 : i32
      %mul3A_24 = arith.muli %arg1, %mul3A_23 : i32
      %mul3A_25 = arith.constant 640 : i32
      %mul3A_26 = arith.muli %arg1, %mul3A_25 : i32
      "tpu.region"() ({
        %run_scoped3A = tpu.sem_alloc : memref<!tpu.dma_semaphore, #tpu.memory_space<semaphore_mem>>
        %dma_start3A = arith.constant 0 : i32
        %dma_start3A_27 = tpu.memref_slice %arg7[%mul3A_26, %dma_start3A] : memref<10240x128xf32, #tpu.memory_space<hbm>> -> memref<640x128xf32, #tpu.memory_space<hbm>>
        %dma_start3A_28 = arith.constant 0 : i32
        %dma_start3A_29 = tpu.memref_slice %arg24[%mul3A_24, %dma_start3A_28] : memref<10240x128xf32, #tpu.memory_space<vmem_shared>> -> memref<640x128xf32, #tpu.memory_space<vmem_shared>>
        tpu.enqueue_dma source(%dma_start3A_29 : memref<640x128xf32, #tpu.memory_space<vmem_shared>>) target(%dma_start3A_27 : memref<640x128xf32, #tpu.memory_space<hbm>>) target_semaphore(%run_scoped3A : memref<!tpu.dma_semaphore, #tpu.memory_space<semaphore_mem>>)
        %dma_wait3A = arith.constant 0 : i32
        %dma_wait3A_30 = tpu.memref_slice %arg7[%mul3A_26, %dma_wait3A] : memref<10240x128xf32, #tpu.memory_space<hbm>> -> memref<640x128xf32, #tpu.memory_space<hbm>>
        %dma_wait3A_31 = arith.constant 0 : i32
        %dma_wait3A_32 = tpu.memref_slice %arg24[%mul3A_24, %dma_wait3A_31] : memref<10240x128xf32, #tpu.memory_space<vmem_shared>> -> memref<640x128xf32, #tpu.memory_space<vmem_shared>>
        tpu.wait_dma2 semaphore(%run_scoped3A : memref<!tpu.dma_semaphore, #tpu.memory_space<semaphore_mem>>) src(%dma_wait3A_32 : memref<640x128xf32, #tpu.memory_space<vmem_shared>>) dst(%dma_wait3A_30 : memref<640x128xf32, #tpu.memory_space<hbm>>)
        tpu.yield
      }) : () -> ()
    } else {
    }
    return
  }
}

#map = affine_map<(d0, d1) -> (0, 0)>
#map1 = affine_map<(d0, d1) -> (0)>
module attributes {stable_mosaic.version = 14 : i64} {
  func.func @_sc_agg_split(%arg0: i32, %arg1: i32, %arg2: memref<10240x128xf32, #tpu.memory_space<hbm>>, %arg3: memref<10240x128xf32, #tpu.memory_space<hbm>>, %arg4: memref<320000xi32, #tpu.memory_space<hbm>>, %arg5: memref<10240x128xf32, #tpu.memory_space<hbm>>, %arg6: memref<10240x128xf32, #tpu.memory_space<hbm>>, %arg7: memref<10240x128xf32, #tpu.memory_space<hbm>>, %arg8: memref<10000xi32, #tpu.memory_space<vmem>>, %arg9: memref<80xi32, #tpu.memory_space<vmem>>, %arg10: memref<80xi32, #tpu.memory_space<vmem>>, %arg11: memref<80xi32, #tpu.memory_space<vmem>>, %arg12: memref<80x128xf32, #tpu.memory_space<vmem>>, %arg13: memref<80x128xf32, #tpu.memory_space<vmem>>, %arg14: memref<80x128xf32, #tpu.memory_space<vmem>>, %arg15: memref<!tpu.dma_semaphore, #tpu.memory_space<semaphore_mem>>, %arg16: memref<!tpu.dma_semaphore, #tpu.memory_space<semaphore_mem>>, %arg17: memref<!tpu.dma_semaphore, #tpu.memory_space<semaphore_mem>>, %arg18: memref<!tpu.dma_semaphore, #tpu.memory_space<semaphore_mem>>, %arg19: memref<!tpu.dma_semaphore, #tpu.memory_space<semaphore_mem>>, %arg20: memref<!tpu.dma_semaphore, #tpu.memory_space<semaphore_mem>>, %arg21: memref<!tpu.dma_semaphore, #tpu.memory_space<semaphore_mem>>, %arg22: memref<!tpu.dma_semaphore, #tpu.memory_space<semaphore_mem>>, %arg23: memref<!tpu.dma_semaphore, #tpu.memory_space<semaphore_mem>>, %arg24: memref<10240x128xf32, #tpu.memory_space<vmem_shared>>) attributes {dimension_semantics = [#tpu.dimension_semantics<core_parallel>, #tpu.dimension_semantics<subcore_parallel>], iteration_bounds = array<i64: 2, 16>, scalar_prefetch = 0 : i64, scratch_operands = 17 : i64, tpu.core_type = #tpu.core_type<sc_vector_subcore>, window_params = [{transform_indices = #map}, {transform_indices = #map}, {transform_indices = #map1}, {transform_indices = #map}, {transform_indices = #map}, {transform_indices = #map}]} {
    %mul3A = arith.constant 640 : i32
    %mul3A_0 = arith.muli %arg1, %mul3A : i32
    %mul3A_1 = arith.constant 640 : i32
    %mul3A_2 = arith.muli %arg1, %mul3A_1 : i32
    "tpu.region"() ({
      %run_scoped3A = tpu.sem_alloc : memref<!tpu.dma_semaphore, #tpu.memory_space<semaphore_mem>>
      %dma_start3A = arith.constant 0 : i32
      %dma_start3A_23 = tpu.memref_slice %arg24[%mul3A_2, %dma_start3A] : memref<10240x128xf32, #tpu.memory_space<vmem_shared>> -> memref<640x128xf32, #tpu.memory_space<vmem_shared>>
      %dma_start3A_24 = arith.constant 0 : i32
      %dma_start3A_25 = tpu.memref_slice %arg5[%mul3A_0, %dma_start3A_24] : memref<10240x128xf32, #tpu.memory_space<hbm>> -> memref<640x128xf32, #tpu.memory_space<hbm>>
      tpu.enqueue_dma source(%dma_start3A_25 : memref<640x128xf32, #tpu.memory_space<hbm>>) target(%dma_start3A_23 : memref<640x128xf32, #tpu.memory_space<vmem_shared>>) target_semaphore(%run_scoped3A : memref<!tpu.dma_semaphore, #tpu.memory_space<semaphore_mem>>)
      %dma_wait3A = arith.constant 0 : i32
      %dma_wait3A_26 = tpu.memref_slice %arg24[%mul3A_2, %dma_wait3A] : memref<10240x128xf32, #tpu.memory_space<vmem_shared>> -> memref<640x128xf32, #tpu.memory_space<vmem_shared>>
      %dma_wait3A_27 = arith.constant 0 : i32
      %dma_wait3A_28 = tpu.memref_slice %arg5[%mul3A_0, %dma_wait3A_27] : memref<10240x128xf32, #tpu.memory_space<hbm>> -> memref<640x128xf32, #tpu.memory_space<hbm>>
      tpu.wait_dma2 semaphore(%run_scoped3A : memref<!tpu.dma_semaphore, #tpu.memory_space<semaphore_mem>>) src(%dma_wait3A_28 : memref<640x128xf32, #tpu.memory_space<hbm>>) dst(%dma_wait3A_26 : memref<640x128xf32, #tpu.memory_space<vmem_shared>>)
      tpu.yield
    }) : () -> ()
    %mul3A_3 = arith.constant 10000 : i32
    %mul3A_4 = arith.muli %arg1, %mul3A_3 : i32
    "tpu.region"() ({
      %run_scoped3A = tpu.sem_alloc : memref<!tpu.dma_semaphore, #tpu.memory_space<semaphore_mem>>
      %dma_start3A = tpu.memref_slice %arg4[%mul3A_4] : memref<320000xi32, #tpu.memory_space<hbm>> -> memref<10000xi32, #tpu.memory_space<hbm>>
      %dma_start3A_23 = tpu.memref_slice %arg4[%mul3A_4] : memref<320000xi32, #tpu.memory_space<hbm>> -> memref<10000xi32, #tpu.memory_space<hbm>>
      tpu.enqueue_dma source(%dma_start3A_23 : memref<10000xi32, #tpu.memory_space<hbm>>) target(%arg8 : memref<10000xi32, #tpu.memory_space<vmem>>) target_semaphore(%run_scoped3A : memref<!tpu.dma_semaphore, #tpu.memory_space<semaphore_mem>>)
      %dma_wait3A = tpu.memref_slice %arg4[%mul3A_4] : memref<320000xi32, #tpu.memory_space<hbm>> -> memref<10000xi32, #tpu.memory_space<hbm>>
      %dma_wait3A_24 = tpu.memref_slice %arg4[%mul3A_4] : memref<320000xi32, #tpu.memory_space<hbm>> -> memref<10000xi32, #tpu.memory_space<hbm>>
      tpu.wait_dma2 semaphore(%run_scoped3A : memref<!tpu.dma_semaphore, #tpu.memory_space<semaphore_mem>>) src(%dma_wait3A_24 : memref<10000xi32, #tpu.memory_space<hbm>>) dst(%arg8 : memref<10000xi32, #tpu.memory_space<vmem>>)
      tpu.yield
    }) : () -> ()
    %barrier3A = arith.constant 0 : index
    tpu.barrier barrier_id(%barrier3A)
    %eq3A = arith.constant 0 : i32
    %eq3A_5 = arith.cmpi eq, %arg0, %eq3A : i32
    %convert_element_type3A = arith.extui %eq3A_5 : i1 to i32
    %cond3A = arith.constant 0 : i32
    %cond3A_6 = arith.cmpi ne, %convert_element_type3A, %cond3A : i32
    scf.if %cond3A_6 {
      %mul3A_23 = arith.constant 10000 : i32
      %mul3A_24 = arith.muli %arg1, %mul3A_23 : i32
      %add3A = arith.constant 160000 : i32
      %add3A_25 = arith.addi %add3A, %mul3A_24 : i32
      %scan3A = arith.constant 0 : i32
      %scan3A_26 = arith.constant 0 : i32
      %scan3A_27 = arith.constant 41 : i32
      %scan3A_28 = arith.addi %scan3A_26, %scan3A_27 : i32
      %scan3A_29 = arith.constant 1 : i32
      scf.for %scan3A_43 = %scan3A_26 to %scan3A_28 step %scan3A_29  : i32 {
        %mul3A_44 = arith.constant 3 : i32
        %mul3A_45 = arith.muli %scan3A_43, %mul3A_44 : i32
        %add3A_46 = arith.constant 0 : i32
        %add3A_47 = arith.addi %mul3A_45, %add3A_46 : i32
        %mul3A_48 = arith.constant 80 : i32
        %mul3A_49 = arith.muli %add3A_47, %mul3A_48 : i32
        %gt3A = arith.constant 0 : i32
        %gt3A_50 = arith.cmpi sgt, %scan3A_43, %gt3A : i32
        %convert_element_type3A_51 = arith.extui %gt3A_50 : i1 to i32
        %cond3A_52 = arith.constant 0 : i32
        %cond3A_53 = arith.cmpi ne, %convert_element_type3A_51, %cond3A_52 : i32
        scf.if %cond3A_53 {
          %dma_wait3A_123 = arith.constant 0 : i32
          %dma_wait3A_124 = arith.constant 0 : i32
          %dma_wait3A_125 = tpu.memref_slice %arg24[%dma_wait3A_123, %dma_wait3A_124] : memref<10240x128xf32, #tpu.memory_space<vmem_shared>> -> memref<10240x128xf32, #tpu.memory_space<vmem_shared>>
          tpu.wait_indirect_dma semaphore(%arg21 : memref<!tpu.dma_semaphore, #tpu.memory_space<semaphore_mem>>) src(%arg12 : memref<80x128xf32, #tpu.memory_space<vmem>>) dst(%dma_wait3A_125 : memref<10240x128xf32, #tpu.memory_space<vmem_shared>>)
        } else {
        }
        %add3A_54 = arith.addi %add3A_25, %mul3A_49 : i32
        %dma_start3A = tpu.memref_slice %arg4[%add3A_54] : memref<320000xi32, #tpu.memory_space<hbm>> -> memref<80xi32, #tpu.memory_space<hbm>>
        %dma_start3A_55 = tpu.memref_slice %arg4[%add3A_54] : memref<320000xi32, #tpu.memory_space<hbm>> -> memref<80xi32, #tpu.memory_space<hbm>>
        tpu.enqueue_dma source(%dma_start3A_55 : memref<80xi32, #tpu.memory_space<hbm>>) target(%arg9 : memref<80xi32, #tpu.memory_space<vmem>>) target_semaphore(%arg15 : memref<!tpu.dma_semaphore, #tpu.memory_space<semaphore_mem>>)
        %dma_start3A_56 = tpu.memref_slice %arg8[%mul3A_49] : memref<10000xi32, #tpu.memory_space<vmem>> -> memref<80xi32, #tpu.memory_space<vmem>>
        %dma_start3A_57 = arith.constant 0 : i32
        %dma_start3A_58 = arith.constant 0 : i32
        %dma_start3A_59 = tpu.memref_slice %arg2[%dma_start3A_57, %dma_start3A_58] : memref<10240x128xf32, #tpu.memory_space<hbm>> -> memref<10240x128xf32, #tpu.memory_space<hbm>>
        tpu.enqueue_indirect_dma source(%dma_start3A_59 : memref<10240x128xf32, #tpu.memory_space<hbm>>) target(%arg12 : memref<80x128xf32, #tpu.memory_space<vmem>>) offsets(%dma_start3A_56 : memref<80xi32, #tpu.memory_space<vmem>>) semaphore(%arg18 : memref<!tpu.dma_semaphore, #tpu.memory_space<semaphore_mem>>)
        %mul3A_60 = arith.constant 3 : i32
        %mul3A_61 = arith.muli %scan3A_43, %mul3A_60 : i32
        %add3A_62 = arith.constant 1 : i32
        %add3A_63 = arith.addi %mul3A_61, %add3A_62 : i32
        %mul3A_64 = arith.constant 80 : i32
        %mul3A_65 = arith.muli %add3A_63, %mul3A_64 : i32
        %gt3A_66 = arith.constant 0 : i32
        %gt3A_67 = arith.cmpi sgt, %scan3A_43, %gt3A_66 : i32
        %convert_element_type3A_68 = arith.extui %gt3A_67 : i1 to i32
        %cond3A_69 = arith.constant 0 : i32
        %cond3A_70 = arith.cmpi ne, %convert_element_type3A_68, %cond3A_69 : i32
        scf.if %cond3A_70 {
          %dma_wait3A_123 = arith.constant 0 : i32
          %dma_wait3A_124 = arith.constant 0 : i32
          %dma_wait3A_125 = tpu.memref_slice %arg24[%dma_wait3A_123, %dma_wait3A_124] : memref<10240x128xf32, #tpu.memory_space<vmem_shared>> -> memref<10240x128xf32, #tpu.memory_space<vmem_shared>>
          tpu.wait_indirect_dma semaphore(%arg22 : memref<!tpu.dma_semaphore, #tpu.memory_space<semaphore_mem>>) src(%arg13 : memref<80x128xf32, #tpu.memory_space<vmem>>) dst(%dma_wait3A_125 : memref<10240x128xf32, #tpu.memory_space<vmem_shared>>)
        } else {
        }
        %add3A_71 = arith.addi %add3A_25, %mul3A_65 : i32
        %dma_start3A_72 = tpu.memref_slice %arg4[%add3A_71] : memref<320000xi32, #tpu.memory_space<hbm>> -> memref<80xi32, #tpu.memory_space<hbm>>
        %dma_start3A_73 = tpu.memref_slice %arg4[%add3A_71] : memref<320000xi32, #tpu.memory_space<hbm>> -> memref<80xi32, #tpu.memory_space<hbm>>
        tpu.enqueue_dma source(%dma_start3A_73 : memref<80xi32, #tpu.memory_space<hbm>>) target(%arg10 : memref<80xi32, #tpu.memory_space<vmem>>) target_semaphore(%arg16 : memref<!tpu.dma_semaphore, #tpu.memory_space<semaphore_mem>>)
        %dma_start3A_74 = tpu.memref_slice %arg8[%mul3A_65] : memref<10000xi32, #tpu.memory_space<vmem>> -> memref<80xi32, #tpu.memory_space<vmem>>
        %dma_start3A_75 = arith.constant 0 : i32
        %dma_start3A_76 = arith.constant 0 : i32
        %dma_start3A_77 = tpu.memref_slice %arg2[%dma_start3A_75, %dma_start3A_76] : memref<10240x128xf32, #tpu.memory_space<hbm>> -> memref<10240x128xf32, #tpu.memory_space<hbm>>
        tpu.enqueue_indirect_dma source(%dma_start3A_77 : memref<10240x128xf32, #tpu.memory_space<hbm>>) target(%arg13 : memref<80x128xf32, #tpu.memory_space<vmem>>) offsets(%dma_start3A_74 : memref<80xi32, #tpu.memory_space<vmem>>) semaphore(%arg19 : memref<!tpu.dma_semaphore, #tpu.memory_space<semaphore_mem>>)
        %mul3A_78 = arith.constant 3 : i32
        %mul3A_79 = arith.muli %scan3A_43, %mul3A_78 : i32
        %add3A_80 = arith.constant 2 : i32
        %add3A_81 = arith.addi %mul3A_79, %add3A_80 : i32
        %mul3A_82 = arith.constant 80 : i32
        %mul3A_83 = arith.muli %add3A_81, %mul3A_82 : i32
        %gt3A_84 = arith.constant 0 : i32
        %gt3A_85 = arith.cmpi sgt, %scan3A_43, %gt3A_84 : i32
        %convert_element_type3A_86 = arith.extui %gt3A_85 : i1 to i32
        %cond3A_87 = arith.constant 0 : i32
        %cond3A_88 = arith.cmpi ne, %convert_element_type3A_86, %cond3A_87 : i32
        scf.if %cond3A_88 {
          %dma_wait3A_123 = arith.constant 0 : i32
          %dma_wait3A_124 = arith.constant 0 : i32
          %dma_wait3A_125 = tpu.memref_slice %arg24[%dma_wait3A_123, %dma_wait3A_124] : memref<10240x128xf32, #tpu.memory_space<vmem_shared>> -> memref<10240x128xf32, #tpu.memory_space<vmem_shared>>
          tpu.wait_indirect_dma semaphore(%arg23 : memref<!tpu.dma_semaphore, #tpu.memory_space<semaphore_mem>>) src(%arg14 : memref<80x128xf32, #tpu.memory_space<vmem>>) dst(%dma_wait3A_125 : memref<10240x128xf32, #tpu.memory_space<vmem_shared>>)
        } else {
        }
        %add3A_89 = arith.addi %add3A_25, %mul3A_83 : i32
        %dma_start3A_90 = tpu.memref_slice %arg4[%add3A_89] : memref<320000xi32, #tpu.memory_space<hbm>> -> memref<80xi32, #tpu.memory_space<hbm>>
        %dma_start3A_91 = tpu.memref_slice %arg4[%add3A_89] : memref<320000xi32, #tpu.memory_space<hbm>> -> memref<80xi32, #tpu.memory_space<hbm>>
        tpu.enqueue_dma source(%dma_start3A_91 : memref<80xi32, #tpu.memory_space<hbm>>) target(%arg11 : memref<80xi32, #tpu.memory_space<vmem>>) target_semaphore(%arg17 : memref<!tpu.dma_semaphore, #tpu.memory_space<semaphore_mem>>)
        %dma_start3A_92 = tpu.memref_slice %arg8[%mul3A_83] : memref<10000xi32, #tpu.memory_space<vmem>> -> memref<80xi32, #tpu.memory_space<vmem>>
        %dma_start3A_93 = arith.constant 0 : i32
        %dma_start3A_94 = arith.constant 0 : i32
        %dma_start3A_95 = tpu.memref_slice %arg2[%dma_start3A_93, %dma_start3A_94] : memref<10240x128xf32, #tpu.memory_space<hbm>> -> memref<10240x128xf32, #tpu.memory_space<hbm>>
        tpu.enqueue_indirect_dma source(%dma_start3A_95 : memref<10240x128xf32, #tpu.memory_space<hbm>>) target(%arg14 : memref<80x128xf32, #tpu.memory_space<vmem>>) offsets(%dma_start3A_92 : memref<80xi32, #tpu.memory_space<vmem>>) semaphore(%arg20 : memref<!tpu.dma_semaphore, #tpu.memory_space<semaphore_mem>>)
        %dma_wait3A_96 = tpu.memref_slice %arg4[%add3A_54] : memref<320000xi32, #tpu.memory_space<hbm>> -> memref<80xi32, #tpu.memory_space<hbm>>
        %dma_wait3A_97 = tpu.memref_slice %arg4[%add3A_54] : memref<320000xi32, #tpu.memory_space<hbm>> -> memref<80xi32, #tpu.memory_space<hbm>>
        tpu.wait_dma2 semaphore(%arg15 : memref<!tpu.dma_semaphore, #tpu.memory_space<semaphore_mem>>) src(%dma_wait3A_97 : memref<80xi32, #tpu.memory_space<hbm>>) dst(%arg9 : memref<80xi32, #tpu.memory_space<vmem>>)
        %dma_wait3A_98 = tpu.memref_slice %arg8[%mul3A_49] : memref<10000xi32, #tpu.memory_space<vmem>> -> memref<80xi32, #tpu.memory_space<vmem>>
        %dma_wait3A_99 = arith.constant 0 : i32
        %dma_wait3A_100 = arith.constant 0 : i32
        %dma_wait3A_101 = tpu.memref_slice %arg2[%dma_wait3A_99, %dma_wait3A_100] : memref<10240x128xf32, #tpu.memory_space<hbm>> -> memref<10240x128xf32, #tpu.memory_space<hbm>>
        tpu.wait_indirect_dma semaphore(%arg18 : memref<!tpu.dma_semaphore, #tpu.memory_space<semaphore_mem>>) src(%dma_wait3A_101 : memref<10240x128xf32, #tpu.memory_space<hbm>>) dst(%arg12 : memref<80x128xf32, #tpu.memory_space<vmem>>)
        %dma_start3A_102 = arith.constant 0 : i32
        %dma_start3A_103 = arith.constant 0 : i32
        %dma_start3A_104 = tpu.memref_slice %arg24[%dma_start3A_102, %dma_start3A_103] : memref<10240x128xf32, #tpu.memory_space<vmem_shared>> -> memref<10240x128xf32, #tpu.memory_space<vmem_shared>>
        tpu.enqueue_indirect_dma source(%arg12 : memref<80x128xf32, #tpu.memory_space<vmem>>) target(%dma_start3A_104 : memref<10240x128xf32, #tpu.memory_space<vmem_shared>>) offsets(%arg9 : memref<80xi32, #tpu.memory_space<vmem>>) semaphore(%arg21 : memref<!tpu.dma_semaphore, #tpu.memory_space<semaphore_mem>>) {add = true}
        %dma_wait3A_105 = tpu.memref_slice %arg4[%add3A_71] : memref<320000xi32, #tpu.memory_space<hbm>> -> memref<80xi32, #tpu.memory_space<hbm>>
        %dma_wait3A_106 = tpu.memref_slice %arg4[%add3A_71] : memref<320000xi32, #tpu.memory_space<hbm>> -> memref<80xi32, #tpu.memory_space<hbm>>
        tpu.wait_dma2 semaphore(%arg16 : memref<!tpu.dma_semaphore, #tpu.memory_space<semaphore_mem>>) src(%dma_wait3A_106 : memref<80xi32, #tpu.memory_space<hbm>>) dst(%arg10 : memref<80xi32, #tpu.memory_space<vmem>>)
        %dma_wait3A_107 = tpu.memref_slice %arg8[%mul3A_65] : memref<10000xi32, #tpu.memory_space<vmem>> -> memref<80xi32, #tpu.memory_space<vmem>>
        %dma_wait3A_108 = arith.constant 0 : i32
        %dma_wait3A_109 = arith.constant 0 : i32
        %dma_wait3A_110 = tpu.memref_slice %arg2[%dma_wait3A_108, %dma_wait3A_109] : memref<10240x128xf32, #tpu.memory_space<hbm>> -> memref<10240x128xf32, #tpu.memory_space<hbm>>
        tpu.wait_indirect_dma semaphore(%arg19 : memref<!tpu.dma_semaphore, #tpu.memory_space<semaphore_mem>>) src(%dma_wait3A_110 : memref<10240x128xf32, #tpu.memory_space<hbm>>) dst(%arg13 : memref<80x128xf32, #tpu.memory_space<vmem>>)
        %dma_start3A_111 = arith.constant 0 : i32
        %dma_start3A_112 = arith.constant 0 : i32
        %dma_start3A_113 = tpu.memref_slice %arg24[%dma_start3A_111, %dma_start3A_112] : memref<10240x128xf32, #tpu.memory_space<vmem_shared>> -> memref<10240x128xf32, #tpu.memory_space<vmem_shared>>
        tpu.enqueue_indirect_dma source(%arg13 : memref<80x128xf32, #tpu.memory_space<vmem>>) target(%dma_start3A_113 : memref<10240x128xf32, #tpu.memory_space<vmem_shared>>) offsets(%arg10 : memref<80xi32, #tpu.memory_space<vmem>>) semaphore(%arg22 : memref<!tpu.dma_semaphore, #tpu.memory_space<semaphore_mem>>) {add = true}
        %dma_wait3A_114 = tpu.memref_slice %arg4[%add3A_89] : memref<320000xi32, #tpu.memory_space<hbm>> -> memref<80xi32, #tpu.memory_space<hbm>>
        %dma_wait3A_115 = tpu.memref_slice %arg4[%add3A_89] : memref<320000xi32, #tpu.memory_space<hbm>> -> memref<80xi32, #tpu.memory_space<hbm>>
        tpu.wait_dma2 semaphore(%arg17 : memref<!tpu.dma_semaphore, #tpu.memory_space<semaphore_mem>>) src(%dma_wait3A_115 : memref<80xi32, #tpu.memory_space<hbm>>) dst(%arg11 : memref<80xi32, #tpu.memory_space<vmem>>)
        %dma_wait3A_116 = tpu.memref_slice %arg8[%mul3A_83] : memref<10000xi32, #tpu.memory_space<vmem>> -> memref<80xi32, #tpu.memory_space<vmem>>
        %dma_wait3A_117 = arith.constant 0 : i32
        %dma_wait3A_118 = arith.constant 0 : i32
        %dma_wait3A_119 = tpu.memref_slice %arg2[%dma_wait3A_117, %dma_wait3A_118] : memref<10240x128xf32, #tpu.memory_space<hbm>> -> memref<10240x128xf32, #tpu.memory_space<hbm>>
        tpu.wait_indirect_dma semaphore(%arg20 : memref<!tpu.dma_semaphore, #tpu.memory_space<semaphore_mem>>) src(%dma_wait3A_119 : memref<10240x128xf32, #tpu.memory_space<hbm>>) dst(%arg14 : memref<80x128xf32, #tpu.memory_space<vmem>>)
        %dma_start3A_120 = arith.constant 0 : i32
        %dma_start3A_121 = arith.constant 0 : i32
        %dma_start3A_122 = tpu.memref_slice %arg24[%dma_start3A_120, %dma_start3A_121] : memref<10240x128xf32, #tpu.memory_space<vmem_shared>> -> memref<10240x128xf32, #tpu.memory_space<vmem_shared>>
        tpu.enqueue_indirect_dma source(%arg14 : memref<80x128xf32, #tpu.memory_space<vmem>>) target(%dma_start3A_122 : memref<10240x128xf32, #tpu.memory_space<vmem_shared>>) offsets(%arg11 : memref<80xi32, #tpu.memory_space<vmem>>) semaphore(%arg23 : memref<!tpu.dma_semaphore, #tpu.memory_space<semaphore_mem>>) {add = true}
      }
      %scan3A_30 = arith.constant 41 : i32
      %dma_wait3A = arith.constant 0 : i32
      %dma_wait3A_31 = arith.constant 0 : i32
      %dma_wait3A_32 = tpu.memref_slice %arg24[%dma_wait3A, %dma_wait3A_31] : memref<10240x128xf32, #tpu.memory_space<vmem_shared>> -> memref<10240x128xf32, #tpu.memory_space<vmem_shared>>
      tpu.wait_indirect_dma semaphore(%arg21 : memref<!tpu.dma_semaphore, #tpu.memory_space<semaphore_mem>>) src(%arg12 : memref<80x128xf32, #tpu.memory_space<vmem>>) dst(%dma_wait3A_32 : memref<10240x128xf32, #tpu.memory_space<vmem_shared>>)
      %dma_wait3A_33 = arith.constant 0 : i32
      %dma_wait3A_34 = arith.constant 0 : i32
      %dma_wait3A_35 = tpu.memref_slice %arg24[%dma_wait3A_33, %dma_wait3A_34] : memref<10240x128xf32, #tpu.memory_space<vmem_shared>> -> memref<10240x128xf32, #tpu.memory_space<vmem_shared>>
      tpu.wait_indirect_dma semaphore(%arg22 : memref<!tpu.dma_semaphore, #tpu.memory_space<semaphore_mem>>) src(%arg13 : memref<80x128xf32, #tpu.memory_space<vmem>>) dst(%dma_wait3A_35 : memref<10240x128xf32, #tpu.memory_space<vmem_shared>>)
      %dma_wait3A_36 = arith.constant 0 : i32
      %dma_wait3A_37 = arith.constant 0 : i32
      %dma_wait3A_38 = tpu.memref_slice %arg24[%dma_wait3A_36, %dma_wait3A_37] : memref<10240x128xf32, #tpu.memory_space<vmem_shared>> -> memref<10240x128xf32, #tpu.memory_space<vmem_shared>>
      tpu.wait_indirect_dma semaphore(%arg23 : memref<!tpu.dma_semaphore, #tpu.memory_space<semaphore_mem>>) src(%arg14 : memref<80x128xf32, #tpu.memory_space<vmem>>) dst(%dma_wait3A_38 : memref<10240x128xf32, #tpu.memory_space<vmem_shared>>)
      %add3A_39 = arith.constant 9840 : i32
      %add3A_40 = arith.addi %add3A_25, %add3A_39 : i32
      "tpu.region"() ({
        %run_scoped3A = tpu.sem_alloc : memref<!tpu.dma_semaphore, #tpu.memory_space<semaphore_mem>>
        %dma_start3A = tpu.memref_slice %arg4[%add3A_40] : memref<320000xi32, #tpu.memory_space<hbm>> -> memref<80xi32, #tpu.memory_space<hbm>>
        %dma_start3A_43 = tpu.memref_slice %arg4[%add3A_40] : memref<320000xi32, #tpu.memory_space<hbm>> -> memref<80xi32, #tpu.memory_space<hbm>>
        tpu.enqueue_dma source(%dma_start3A_43 : memref<80xi32, #tpu.memory_space<hbm>>) target(%arg9 : memref<80xi32, #tpu.memory_space<vmem>>) target_semaphore(%run_scoped3A : memref<!tpu.dma_semaphore, #tpu.memory_space<semaphore_mem>>)
        %dma_wait3A_44 = tpu.memref_slice %arg4[%add3A_40] : memref<320000xi32, #tpu.memory_space<hbm>> -> memref<80xi32, #tpu.memory_space<hbm>>
        %dma_wait3A_45 = tpu.memref_slice %arg4[%add3A_40] : memref<320000xi32, #tpu.memory_space<hbm>> -> memref<80xi32, #tpu.memory_space<hbm>>
        tpu.wait_dma2 semaphore(%run_scoped3A : memref<!tpu.dma_semaphore, #tpu.memory_space<semaphore_mem>>) src(%dma_wait3A_45 : memref<80xi32, #tpu.memory_space<hbm>>) dst(%arg9 : memref<80xi32, #tpu.memory_space<vmem>>)
        tpu.yield
      }) : () -> ()
      "tpu.region"() ({
        %run_scoped3A = tpu.sem_alloc : memref<!tpu.dma_semaphore, #tpu.memory_space<semaphore_mem>>
        %dma_start3A = arith.constant 9840 : i32
        %dma_start3A_43 = tpu.memref_slice %arg8[%dma_start3A] : memref<10000xi32, #tpu.memory_space<vmem>> -> memref<80xi32, #tpu.memory_space<vmem>>
        %dma_start3A_44 = arith.constant 0 : i32
        %dma_start3A_45 = arith.constant 0 : i32
        %dma_start3A_46 = tpu.memref_slice %arg2[%dma_start3A_44, %dma_start3A_45] : memref<10240x128xf32, #tpu.memory_space<hbm>> -> memref<10240x128xf32, #tpu.memory_space<hbm>>
        tpu.enqueue_indirect_dma source(%dma_start3A_46 : memref<10240x128xf32, #tpu.memory_space<hbm>>) target(%arg12 : memref<80x128xf32, #tpu.memory_space<vmem>>) offsets(%dma_start3A_43 : memref<80xi32, #tpu.memory_space<vmem>>) semaphore(%run_scoped3A : memref<!tpu.dma_semaphore, #tpu.memory_space<semaphore_mem>>)
        %dma_wait3A_47 = arith.constant 9840 : i32
        %dma_wait3A_48 = tpu.memref_slice %arg8[%dma_wait3A_47] : memref<10000xi32, #tpu.memory_space<vmem>> -> memref<80xi32, #tpu.memory_space<vmem>>
        %dma_wait3A_49 = arith.constant 0 : i32
        %dma_wait3A_50 = arith.constant 0 : i32
        %dma_wait3A_51 = tpu.memref_slice %arg2[%dma_wait3A_49, %dma_wait3A_50] : memref<10240x128xf32, #tpu.memory_space<hbm>> -> memref<10240x128xf32, #tpu.memory_space<hbm>>
        tpu.wait_indirect_dma semaphore(%run_scoped3A : memref<!tpu.dma_semaphore, #tpu.memory_space<semaphore_mem>>) src(%dma_wait3A_51 : memref<10240x128xf32, #tpu.memory_space<hbm>>) dst(%arg12 : memref<80x128xf32, #tpu.memory_space<vmem>>)
        tpu.yield
      }) : () -> ()
      "tpu.region"() ({
        %run_scoped3A = tpu.sem_alloc : memref<!tpu.dma_semaphore, #tpu.memory_space<semaphore_mem>>
        %dma_start3A = arith.constant 0 : i32
        %dma_start3A_43 = arith.constant 0 : i32
        %dma_start3A_44 = tpu.memref_slice %arg24[%dma_start3A, %dma_start3A_43] : memref<10240x128xf32, #tpu.memory_space<vmem_shared>> -> memref<10240x128xf32, #tpu.memory_space<vmem_shared>>
        tpu.enqueue_indirect_dma source(%arg12 : memref<80x128xf32, #tpu.memory_space<vmem>>) target(%dma_start3A_44 : memref<10240x128xf32, #tpu.memory_space<vmem_shared>>) offsets(%arg9 : memref<80xi32, #tpu.memory_space<vmem>>) semaphore(%run_scoped3A : memref<!tpu.dma_semaphore, #tpu.memory_space<semaphore_mem>>) {add = true}
        %dma_wait3A_45 = arith.constant 0 : i32
        %dma_wait3A_46 = arith.constant 0 : i32
        %dma_wait3A_47 = tpu.memref_slice %arg24[%dma_wait3A_45, %dma_wait3A_46] : memref<10240x128xf32, #tpu.memory_space<vmem_shared>> -> memref<10240x128xf32, #tpu.memory_space<vmem_shared>>
        tpu.wait_indirect_dma semaphore(%run_scoped3A : memref<!tpu.dma_semaphore, #tpu.memory_space<semaphore_mem>>) src(%arg12 : memref<80x128xf32, #tpu.memory_space<vmem>>) dst(%dma_wait3A_47 : memref<10240x128xf32, #tpu.memory_space<vmem_shared>>)
        tpu.yield
      }) : () -> ()
      %add3A_41 = arith.constant 9920 : i32
      %add3A_42 = arith.addi %add3A_25, %add3A_41 : i32
      "tpu.region"() ({
        %run_scoped3A = tpu.sem_alloc : memref<!tpu.dma_semaphore, #tpu.memory_space<semaphore_mem>>
        %dma_start3A = tpu.memref_slice %arg4[%add3A_42] : memref<320000xi32, #tpu.memory_space<hbm>> -> memref<80xi32, #tpu.memory_space<hbm>>
        %dma_start3A_43 = tpu.memref_slice %arg4[%add3A_42] : memref<320000xi32, #tpu.memory_space<hbm>> -> memref<80xi32, #tpu.memory_space<hbm>>
        tpu.enqueue_dma source(%dma_start3A_43 : memref<80xi32, #tpu.memory_space<hbm>>) target(%arg10 : memref<80xi32, #tpu.memory_space<vmem>>) target_semaphore(%run_scoped3A : memref<!tpu.dma_semaphore, #tpu.memory_space<semaphore_mem>>)
        %dma_wait3A_44 = tpu.memref_slice %arg4[%add3A_42] : memref<320000xi32, #tpu.memory_space<hbm>> -> memref<80xi32, #tpu.memory_space<hbm>>
        %dma_wait3A_45 = tpu.memref_slice %arg4[%add3A_42] : memref<320000xi32, #tpu.memory_space<hbm>> -> memref<80xi32, #tpu.memory_space<hbm>>
        tpu.wait_dma2 semaphore(%run_scoped3A : memref<!tpu.dma_semaphore, #tpu.memory_space<semaphore_mem>>) src(%dma_wait3A_45 : memref<80xi32, #tpu.memory_space<hbm>>) dst(%arg10 : memref<80xi32, #tpu.memory_space<vmem>>)
        tpu.yield
      }) : () -> ()
      "tpu.region"() ({
        %run_scoped3A = tpu.sem_alloc : memref<!tpu.dma_semaphore, #tpu.memory_space<semaphore_mem>>
        %dma_start3A = arith.constant 9920 : i32
        %dma_start3A_43 = tpu.memref_slice %arg8[%dma_start3A] : memref<10000xi32, #tpu.memory_space<vmem>> -> memref<80xi32, #tpu.memory_space<vmem>>
        %dma_start3A_44 = arith.constant 0 : i32
        %dma_start3A_45 = arith.constant 0 : i32
        %dma_start3A_46 = tpu.memref_slice %arg2[%dma_start3A_44, %dma_start3A_45] : memref<10240x128xf32, #tpu.memory_space<hbm>> -> memref<10240x128xf32, #tpu.memory_space<hbm>>
        tpu.enqueue_indirect_dma source(%dma_start3A_46 : memref<10240x128xf32, #tpu.memory_space<hbm>>) target(%arg13 : memref<80x128xf32, #tpu.memory_space<vmem>>) offsets(%dma_start3A_43 : memref<80xi32, #tpu.memory_space<vmem>>) semaphore(%run_scoped3A : memref<!tpu.dma_semaphore, #tpu.memory_space<semaphore_mem>>)
        %dma_wait3A_47 = arith.constant 9920 : i32
        %dma_wait3A_48 = tpu.memref_slice %arg8[%dma_wait3A_47] : memref<10000xi32, #tpu.memory_space<vmem>> -> memref<80xi32, #tpu.memory_space<vmem>>
        %dma_wait3A_49 = arith.constant 0 : i32
        %dma_wait3A_50 = arith.constant 0 : i32
        %dma_wait3A_51 = tpu.memref_slice %arg2[%dma_wait3A_49, %dma_wait3A_50] : memref<10240x128xf32, #tpu.memory_space<hbm>> -> memref<10240x128xf32, #tpu.memory_space<hbm>>
        tpu.wait_indirect_dma semaphore(%run_scoped3A : memref<!tpu.dma_semaphore, #tpu.memory_space<semaphore_mem>>) src(%dma_wait3A_51 : memref<10240x128xf32, #tpu.memory_space<hbm>>) dst(%arg13 : memref<80x128xf32, #tpu.memory_space<vmem>>)
        tpu.yield
      }) : () -> ()
      "tpu.region"() ({
        %run_scoped3A = tpu.sem_alloc : memref<!tpu.dma_semaphore, #tpu.memory_space<semaphore_mem>>
        %dma_start3A = arith.constant 0 : i32
        %dma_start3A_43 = arith.constant 0 : i32
        %dma_start3A_44 = tpu.memref_slice %arg24[%dma_start3A, %dma_start3A_43] : memref<10240x128xf32, #tpu.memory_space<vmem_shared>> -> memref<10240x128xf32, #tpu.memory_space<vmem_shared>>
        tpu.enqueue_indirect_dma source(%arg13 : memref<80x128xf32, #tpu.memory_space<vmem>>) target(%dma_start3A_44 : memref<10240x128xf32, #tpu.memory_space<vmem_shared>>) offsets(%arg10 : memref<80xi32, #tpu.memory_space<vmem>>) semaphore(%run_scoped3A : memref<!tpu.dma_semaphore, #tpu.memory_space<semaphore_mem>>) {add = true}
        %dma_wait3A_45 = arith.constant 0 : i32
        %dma_wait3A_46 = arith.constant 0 : i32
        %dma_wait3A_47 = tpu.memref_slice %arg24[%dma_wait3A_45, %dma_wait3A_46] : memref<10240x128xf32, #tpu.memory_space<vmem_shared>> -> memref<10240x128xf32, #tpu.memory_space<vmem_shared>>
        tpu.wait_indirect_dma semaphore(%run_scoped3A : memref<!tpu.dma_semaphore, #tpu.memory_space<semaphore_mem>>) src(%arg13 : memref<80x128xf32, #tpu.memory_space<vmem>>) dst(%dma_wait3A_47 : memref<10240x128xf32, #tpu.memory_space<vmem_shared>>)
        tpu.yield
      }) : () -> ()
    } else {
    }
    %eq3A_7 = arith.constant 1 : i32
    %eq3A_8 = arith.cmpi eq, %arg0, %eq3A_7 : i32
    %convert_element_type3A_9 = arith.extui %eq3A_8 : i1 to i32
    %cond3A_10 = arith.constant 0 : i32
    %cond3A_11 = arith.cmpi ne, %convert_element_type3A_9, %cond3A_10 : i32
    scf.if %cond3A_11 {
      %mul3A_23 = arith.constant 10000 : i32
      %mul3A_24 = arith.muli %arg1, %mul3A_23 : i32
      %add3A = arith.constant 160000 : i32
      %add3A_25 = arith.addi %add3A, %mul3A_24 : i32
      %scan3A = arith.constant 0 : i32
      %scan3A_26 = arith.constant 0 : i32
      %scan3A_27 = arith.constant 41 : i32
      %scan3A_28 = arith.addi %scan3A_26, %scan3A_27 : i32
      %scan3A_29 = arith.constant 1 : i32
      scf.for %scan3A_43 = %scan3A_26 to %scan3A_28 step %scan3A_29  : i32 {
        %mul3A_44 = arith.constant 3 : i32
        %mul3A_45 = arith.muli %scan3A_43, %mul3A_44 : i32
        %add3A_46 = arith.constant 0 : i32
        %add3A_47 = arith.addi %mul3A_45, %add3A_46 : i32
        %mul3A_48 = arith.constant 80 : i32
        %mul3A_49 = arith.muli %add3A_47, %mul3A_48 : i32
        %gt3A = arith.constant 0 : i32
        %gt3A_50 = arith.cmpi sgt, %scan3A_43, %gt3A : i32
        %convert_element_type3A_51 = arith.extui %gt3A_50 : i1 to i32
        %cond3A_52 = arith.constant 0 : i32
        %cond3A_53 = arith.cmpi ne, %convert_element_type3A_51, %cond3A_52 : i32
        scf.if %cond3A_53 {
          %dma_wait3A_123 = arith.constant 0 : i32
          %dma_wait3A_124 = arith.constant 0 : i32
          %dma_wait3A_125 = tpu.memref_slice %arg24[%dma_wait3A_123, %dma_wait3A_124] : memref<10240x128xf32, #tpu.memory_space<vmem_shared>> -> memref<10240x128xf32, #tpu.memory_space<vmem_shared>>
          tpu.wait_indirect_dma semaphore(%arg21 : memref<!tpu.dma_semaphore, #tpu.memory_space<semaphore_mem>>) src(%arg12 : memref<80x128xf32, #tpu.memory_space<vmem>>) dst(%dma_wait3A_125 : memref<10240x128xf32, #tpu.memory_space<vmem_shared>>)
        } else {
        }
        %add3A_54 = arith.addi %add3A_25, %mul3A_49 : i32
        %dma_start3A = tpu.memref_slice %arg4[%add3A_54] : memref<320000xi32, #tpu.memory_space<hbm>> -> memref<80xi32, #tpu.memory_space<hbm>>
        %dma_start3A_55 = tpu.memref_slice %arg4[%add3A_54] : memref<320000xi32, #tpu.memory_space<hbm>> -> memref<80xi32, #tpu.memory_space<hbm>>
        tpu.enqueue_dma source(%dma_start3A_55 : memref<80xi32, #tpu.memory_space<hbm>>) target(%arg9 : memref<80xi32, #tpu.memory_space<vmem>>) target_semaphore(%arg15 : memref<!tpu.dma_semaphore, #tpu.memory_space<semaphore_mem>>)
        %dma_start3A_56 = tpu.memref_slice %arg8[%mul3A_49] : memref<10000xi32, #tpu.memory_space<vmem>> -> memref<80xi32, #tpu.memory_space<vmem>>
        %dma_start3A_57 = arith.constant 0 : i32
        %dma_start3A_58 = arith.constant 0 : i32
        %dma_start3A_59 = tpu.memref_slice %arg3[%dma_start3A_57, %dma_start3A_58] : memref<10240x128xf32, #tpu.memory_space<hbm>> -> memref<10240x128xf32, #tpu.memory_space<hbm>>
        tpu.enqueue_indirect_dma source(%dma_start3A_59 : memref<10240x128xf32, #tpu.memory_space<hbm>>) target(%arg12 : memref<80x128xf32, #tpu.memory_space<vmem>>) offsets(%dma_start3A_56 : memref<80xi32, #tpu.memory_space<vmem>>) semaphore(%arg18 : memref<!tpu.dma_semaphore, #tpu.memory_space<semaphore_mem>>)
        %mul3A_60 = arith.constant 3 : i32
        %mul3A_61 = arith.muli %scan3A_43, %mul3A_60 : i32
        %add3A_62 = arith.constant 1 : i32
        %add3A_63 = arith.addi %mul3A_61, %add3A_62 : i32
        %mul3A_64 = arith.constant 80 : i32
        %mul3A_65 = arith.muli %add3A_63, %mul3A_64 : i32
        %gt3A_66 = arith.constant 0 : i32
        %gt3A_67 = arith.cmpi sgt, %scan3A_43, %gt3A_66 : i32
        %convert_element_type3A_68 = arith.extui %gt3A_67 : i1 to i32
        %cond3A_69 = arith.constant 0 : i32
        %cond3A_70 = arith.cmpi ne, %convert_element_type3A_68, %cond3A_69 : i32
        scf.if %cond3A_70 {
          %dma_wait3A_123 = arith.constant 0 : i32
          %dma_wait3A_124 = arith.constant 0 : i32
          %dma_wait3A_125 = tpu.memref_slice %arg24[%dma_wait3A_123, %dma_wait3A_124] : memref<10240x128xf32, #tpu.memory_space<vmem_shared>> -> memref<10240x128xf32, #tpu.memory_space<vmem_shared>>
          tpu.wait_indirect_dma semaphore(%arg22 : memref<!tpu.dma_semaphore, #tpu.memory_space<semaphore_mem>>) src(%arg13 : memref<80x128xf32, #tpu.memory_space<vmem>>) dst(%dma_wait3A_125 : memref<10240x128xf32, #tpu.memory_space<vmem_shared>>)
        } else {
        }
        %add3A_71 = arith.addi %add3A_25, %mul3A_65 : i32
        %dma_start3A_72 = tpu.memref_slice %arg4[%add3A_71] : memref<320000xi32, #tpu.memory_space<hbm>> -> memref<80xi32, #tpu.memory_space<hbm>>
        %dma_start3A_73 = tpu.memref_slice %arg4[%add3A_71] : memref<320000xi32, #tpu.memory_space<hbm>> -> memref<80xi32, #tpu.memory_space<hbm>>
        tpu.enqueue_dma source(%dma_start3A_73 : memref<80xi32, #tpu.memory_space<hbm>>) target(%arg10 : memref<80xi32, #tpu.memory_space<vmem>>) target_semaphore(%arg16 : memref<!tpu.dma_semaphore, #tpu.memory_space<semaphore_mem>>)
        %dma_start3A_74 = tpu.memref_slice %arg8[%mul3A_65] : memref<10000xi32, #tpu.memory_space<vmem>> -> memref<80xi32, #tpu.memory_space<vmem>>
        %dma_start3A_75 = arith.constant 0 : i32
        %dma_start3A_76 = arith.constant 0 : i32
        %dma_start3A_77 = tpu.memref_slice %arg3[%dma_start3A_75, %dma_start3A_76] : memref<10240x128xf32, #tpu.memory_space<hbm>> -> memref<10240x128xf32, #tpu.memory_space<hbm>>
        tpu.enqueue_indirect_dma source(%dma_start3A_77 : memref<10240x128xf32, #tpu.memory_space<hbm>>) target(%arg13 : memref<80x128xf32, #tpu.memory_space<vmem>>) offsets(%dma_start3A_74 : memref<80xi32, #tpu.memory_space<vmem>>) semaphore(%arg19 : memref<!tpu.dma_semaphore, #tpu.memory_space<semaphore_mem>>)
        %mul3A_78 = arith.constant 3 : i32
        %mul3A_79 = arith.muli %scan3A_43, %mul3A_78 : i32
        %add3A_80 = arith.constant 2 : i32
        %add3A_81 = arith.addi %mul3A_79, %add3A_80 : i32
        %mul3A_82 = arith.constant 80 : i32
        %mul3A_83 = arith.muli %add3A_81, %mul3A_82 : i32
        %gt3A_84 = arith.constant 0 : i32
        %gt3A_85 = arith.cmpi sgt, %scan3A_43, %gt3A_84 : i32
        %convert_element_type3A_86 = arith.extui %gt3A_85 : i1 to i32
        %cond3A_87 = arith.constant 0 : i32
        %cond3A_88 = arith.cmpi ne, %convert_element_type3A_86, %cond3A_87 : i32
        scf.if %cond3A_88 {
          %dma_wait3A_123 = arith.constant 0 : i32
          %dma_wait3A_124 = arith.constant 0 : i32
          %dma_wait3A_125 = tpu.memref_slice %arg24[%dma_wait3A_123, %dma_wait3A_124] : memref<10240x128xf32, #tpu.memory_space<vmem_shared>> -> memref<10240x128xf32, #tpu.memory_space<vmem_shared>>
          tpu.wait_indirect_dma semaphore(%arg23 : memref<!tpu.dma_semaphore, #tpu.memory_space<semaphore_mem>>) src(%arg14 : memref<80x128xf32, #tpu.memory_space<vmem>>) dst(%dma_wait3A_125 : memref<10240x128xf32, #tpu.memory_space<vmem_shared>>)
        } else {
        }
        %add3A_89 = arith.addi %add3A_25, %mul3A_83 : i32
        %dma_start3A_90 = tpu.memref_slice %arg4[%add3A_89] : memref<320000xi32, #tpu.memory_space<hbm>> -> memref<80xi32, #tpu.memory_space<hbm>>
        %dma_start3A_91 = tpu.memref_slice %arg4[%add3A_89] : memref<320000xi32, #tpu.memory_space<hbm>> -> memref<80xi32, #tpu.memory_space<hbm>>
        tpu.enqueue_dma source(%dma_start3A_91 : memref<80xi32, #tpu.memory_space<hbm>>) target(%arg11 : memref<80xi32, #tpu.memory_space<vmem>>) target_semaphore(%arg17 : memref<!tpu.dma_semaphore, #tpu.memory_space<semaphore_mem>>)
        %dma_start3A_92 = tpu.memref_slice %arg8[%mul3A_83] : memref<10000xi32, #tpu.memory_space<vmem>> -> memref<80xi32, #tpu.memory_space<vmem>>
        %dma_start3A_93 = arith.constant 0 : i32
        %dma_start3A_94 = arith.constant 0 : i32
        %dma_start3A_95 = tpu.memref_slice %arg3[%dma_start3A_93, %dma_start3A_94] : memref<10240x128xf32, #tpu.memory_space<hbm>> -> memref<10240x128xf32, #tpu.memory_space<hbm>>
        tpu.enqueue_indirect_dma source(%dma_start3A_95 : memref<10240x128xf32, #tpu.memory_space<hbm>>) target(%arg14 : memref<80x128xf32, #tpu.memory_space<vmem>>) offsets(%dma_start3A_92 : memref<80xi32, #tpu.memory_space<vmem>>) semaphore(%arg20 : memref<!tpu.dma_semaphore, #tpu.memory_space<semaphore_mem>>)
        %dma_wait3A_96 = tpu.memref_slice %arg4[%add3A_54] : memref<320000xi32, #tpu.memory_space<hbm>> -> memref<80xi32, #tpu.memory_space<hbm>>
        %dma_wait3A_97 = tpu.memref_slice %arg4[%add3A_54] : memref<320000xi32, #tpu.memory_space<hbm>> -> memref<80xi32, #tpu.memory_space<hbm>>
        tpu.wait_dma2 semaphore(%arg15 : memref<!tpu.dma_semaphore, #tpu.memory_space<semaphore_mem>>) src(%dma_wait3A_97 : memref<80xi32, #tpu.memory_space<hbm>>) dst(%arg9 : memref<80xi32, #tpu.memory_space<vmem>>)
        %dma_wait3A_98 = tpu.memref_slice %arg8[%mul3A_49] : memref<10000xi32, #tpu.memory_space<vmem>> -> memref<80xi32, #tpu.memory_space<vmem>>
        %dma_wait3A_99 = arith.constant 0 : i32
        %dma_wait3A_100 = arith.constant 0 : i32
        %dma_wait3A_101 = tpu.memref_slice %arg3[%dma_wait3A_99, %dma_wait3A_100] : memref<10240x128xf32, #tpu.memory_space<hbm>> -> memref<10240x128xf32, #tpu.memory_space<hbm>>
        tpu.wait_indirect_dma semaphore(%arg18 : memref<!tpu.dma_semaphore, #tpu.memory_space<semaphore_mem>>) src(%dma_wait3A_101 : memref<10240x128xf32, #tpu.memory_space<hbm>>) dst(%arg12 : memref<80x128xf32, #tpu.memory_space<vmem>>)
        %dma_start3A_102 = arith.constant 0 : i32
        %dma_start3A_103 = arith.constant 0 : i32
        %dma_start3A_104 = tpu.memref_slice %arg24[%dma_start3A_102, %dma_start3A_103] : memref<10240x128xf32, #tpu.memory_space<vmem_shared>> -> memref<10240x128xf32, #tpu.memory_space<vmem_shared>>
        tpu.enqueue_indirect_dma source(%arg12 : memref<80x128xf32, #tpu.memory_space<vmem>>) target(%dma_start3A_104 : memref<10240x128xf32, #tpu.memory_space<vmem_shared>>) offsets(%arg9 : memref<80xi32, #tpu.memory_space<vmem>>) semaphore(%arg21 : memref<!tpu.dma_semaphore, #tpu.memory_space<semaphore_mem>>) {add = true}
        %dma_wait3A_105 = tpu.memref_slice %arg4[%add3A_71] : memref<320000xi32, #tpu.memory_space<hbm>> -> memref<80xi32, #tpu.memory_space<hbm>>
        %dma_wait3A_106 = tpu.memref_slice %arg4[%add3A_71] : memref<320000xi32, #tpu.memory_space<hbm>> -> memref<80xi32, #tpu.memory_space<hbm>>
        tpu.wait_dma2 semaphore(%arg16 : memref<!tpu.dma_semaphore, #tpu.memory_space<semaphore_mem>>) src(%dma_wait3A_106 : memref<80xi32, #tpu.memory_space<hbm>>) dst(%arg10 : memref<80xi32, #tpu.memory_space<vmem>>)
        %dma_wait3A_107 = tpu.memref_slice %arg8[%mul3A_65] : memref<10000xi32, #tpu.memory_space<vmem>> -> memref<80xi32, #tpu.memory_space<vmem>>
        %dma_wait3A_108 = arith.constant 0 : i32
        %dma_wait3A_109 = arith.constant 0 : i32
        %dma_wait3A_110 = tpu.memref_slice %arg3[%dma_wait3A_108, %dma_wait3A_109] : memref<10240x128xf32, #tpu.memory_space<hbm>> -> memref<10240x128xf32, #tpu.memory_space<hbm>>
        tpu.wait_indirect_dma semaphore(%arg19 : memref<!tpu.dma_semaphore, #tpu.memory_space<semaphore_mem>>) src(%dma_wait3A_110 : memref<10240x128xf32, #tpu.memory_space<hbm>>) dst(%arg13 : memref<80x128xf32, #tpu.memory_space<vmem>>)
        %dma_start3A_111 = arith.constant 0 : i32
        %dma_start3A_112 = arith.constant 0 : i32
        %dma_start3A_113 = tpu.memref_slice %arg24[%dma_start3A_111, %dma_start3A_112] : memref<10240x128xf32, #tpu.memory_space<vmem_shared>> -> memref<10240x128xf32, #tpu.memory_space<vmem_shared>>
        tpu.enqueue_indirect_dma source(%arg13 : memref<80x128xf32, #tpu.memory_space<vmem>>) target(%dma_start3A_113 : memref<10240x128xf32, #tpu.memory_space<vmem_shared>>) offsets(%arg10 : memref<80xi32, #tpu.memory_space<vmem>>) semaphore(%arg22 : memref<!tpu.dma_semaphore, #tpu.memory_space<semaphore_mem>>) {add = true}
        %dma_wait3A_114 = tpu.memref_slice %arg4[%add3A_89] : memref<320000xi32, #tpu.memory_space<hbm>> -> memref<80xi32, #tpu.memory_space<hbm>>
        %dma_wait3A_115 = tpu.memref_slice %arg4[%add3A_89] : memref<320000xi32, #tpu.memory_space<hbm>> -> memref<80xi32, #tpu.memory_space<hbm>>
        tpu.wait_dma2 semaphore(%arg17 : memref<!tpu.dma_semaphore, #tpu.memory_space<semaphore_mem>>) src(%dma_wait3A_115 : memref<80xi32, #tpu.memory_space<hbm>>) dst(%arg11 : memref<80xi32, #tpu.memory_space<vmem>>)
        %dma_wait3A_116 = tpu.memref_slice %arg8[%mul3A_83] : memref<10000xi32, #tpu.memory_space<vmem>> -> memref<80xi32, #tpu.memory_space<vmem>>
        %dma_wait3A_117 = arith.constant 0 : i32
        %dma_wait3A_118 = arith.constant 0 : i32
        %dma_wait3A_119 = tpu.memref_slice %arg3[%dma_wait3A_117, %dma_wait3A_118] : memref<10240x128xf32, #tpu.memory_space<hbm>> -> memref<10240x128xf32, #tpu.memory_space<hbm>>
        tpu.wait_indirect_dma semaphore(%arg20 : memref<!tpu.dma_semaphore, #tpu.memory_space<semaphore_mem>>) src(%dma_wait3A_119 : memref<10240x128xf32, #tpu.memory_space<hbm>>) dst(%arg14 : memref<80x128xf32, #tpu.memory_space<vmem>>)
        %dma_start3A_120 = arith.constant 0 : i32
        %dma_start3A_121 = arith.constant 0 : i32
        %dma_start3A_122 = tpu.memref_slice %arg24[%dma_start3A_120, %dma_start3A_121] : memref<10240x128xf32, #tpu.memory_space<vmem_shared>> -> memref<10240x128xf32, #tpu.memory_space<vmem_shared>>
        tpu.enqueue_indirect_dma source(%arg14 : memref<80x128xf32, #tpu.memory_space<vmem>>) target(%dma_start3A_122 : memref<10240x128xf32, #tpu.memory_space<vmem_shared>>) offsets(%arg11 : memref<80xi32, #tpu.memory_space<vmem>>) semaphore(%arg23 : memref<!tpu.dma_semaphore, #tpu.memory_space<semaphore_mem>>) {add = true}
      }
      %scan3A_30 = arith.constant 41 : i32
      %dma_wait3A = arith.constant 0 : i32
      %dma_wait3A_31 = arith.constant 0 : i32
      %dma_wait3A_32 = tpu.memref_slice %arg24[%dma_wait3A, %dma_wait3A_31] : memref<10240x128xf32, #tpu.memory_space<vmem_shared>> -> memref<10240x128xf32, #tpu.memory_space<vmem_shared>>
      tpu.wait_indirect_dma semaphore(%arg21 : memref<!tpu.dma_semaphore, #tpu.memory_space<semaphore_mem>>) src(%arg12 : memref<80x128xf32, #tpu.memory_space<vmem>>) dst(%dma_wait3A_32 : memref<10240x128xf32, #tpu.memory_space<vmem_shared>>)
      %dma_wait3A_33 = arith.constant 0 : i32
      %dma_wait3A_34 = arith.constant 0 : i32
      %dma_wait3A_35 = tpu.memref_slice %arg24[%dma_wait3A_33, %dma_wait3A_34] : memref<10240x128xf32, #tpu.memory_space<vmem_shared>> -> memref<10240x128xf32, #tpu.memory_space<vmem_shared>>
      tpu.wait_indirect_dma semaphore(%arg22 : memref<!tpu.dma_semaphore, #tpu.memory_space<semaphore_mem>>) src(%arg13 : memref<80x128xf32, #tpu.memory_space<vmem>>) dst(%dma_wait3A_35 : memref<10240x128xf32, #tpu.memory_space<vmem_shared>>)
      %dma_wait3A_36 = arith.constant 0 : i32
      %dma_wait3A_37 = arith.constant 0 : i32
      %dma_wait3A_38 = tpu.memref_slice %arg24[%dma_wait3A_36, %dma_wait3A_37] : memref<10240x128xf32, #tpu.memory_space<vmem_shared>> -> memref<10240x128xf32, #tpu.memory_space<vmem_shared>>
      tpu.wait_indirect_dma semaphore(%arg23 : memref<!tpu.dma_semaphore, #tpu.memory_space<semaphore_mem>>) src(%arg14 : memref<80x128xf32, #tpu.memory_space<vmem>>) dst(%dma_wait3A_38 : memref<10240x128xf32, #tpu.memory_space<vmem_shared>>)
      %add3A_39 = arith.constant 9840 : i32
      %add3A_40 = arith.addi %add3A_25, %add3A_39 : i32
      "tpu.region"() ({
        %run_scoped3A = tpu.sem_alloc : memref<!tpu.dma_semaphore, #tpu.memory_space<semaphore_mem>>
        %dma_start3A = tpu.memref_slice %arg4[%add3A_40] : memref<320000xi32, #tpu.memory_space<hbm>> -> memref<80xi32, #tpu.memory_space<hbm>>
        %dma_start3A_43 = tpu.memref_slice %arg4[%add3A_40] : memref<320000xi32, #tpu.memory_space<hbm>> -> memref<80xi32, #tpu.memory_space<hbm>>
        tpu.enqueue_dma source(%dma_start3A_43 : memref<80xi32, #tpu.memory_space<hbm>>) target(%arg9 : memref<80xi32, #tpu.memory_space<vmem>>) target_semaphore(%run_scoped3A : memref<!tpu.dma_semaphore, #tpu.memory_space<semaphore_mem>>)
        %dma_wait3A_44 = tpu.memref_slice %arg4[%add3A_40] : memref<320000xi32, #tpu.memory_space<hbm>> -> memref<80xi32, #tpu.memory_space<hbm>>
        %dma_wait3A_45 = tpu.memref_slice %arg4[%add3A_40] : memref<320000xi32, #tpu.memory_space<hbm>> -> memref<80xi32, #tpu.memory_space<hbm>>
        tpu.wait_dma2 semaphore(%run_scoped3A : memref<!tpu.dma_semaphore, #tpu.memory_space<semaphore_mem>>) src(%dma_wait3A_45 : memref<80xi32, #tpu.memory_space<hbm>>) dst(%arg9 : memref<80xi32, #tpu.memory_space<vmem>>)
        tpu.yield
      }) : () -> ()
      "tpu.region"() ({
        %run_scoped3A = tpu.sem_alloc : memref<!tpu.dma_semaphore, #tpu.memory_space<semaphore_mem>>
        %dma_start3A = arith.constant 9840 : i32
        %dma_start3A_43 = tpu.memref_slice %arg8[%dma_start3A] : memref<10000xi32, #tpu.memory_space<vmem>> -> memref<80xi32, #tpu.memory_space<vmem>>
        %dma_start3A_44 = arith.constant 0 : i32
        %dma_start3A_45 = arith.constant 0 : i32
        %dma_start3A_46 = tpu.memref_slice %arg3[%dma_start3A_44, %dma_start3A_45] : memref<10240x128xf32, #tpu.memory_space<hbm>> -> memref<10240x128xf32, #tpu.memory_space<hbm>>
        tpu.enqueue_indirect_dma source(%dma_start3A_46 : memref<10240x128xf32, #tpu.memory_space<hbm>>) target(%arg12 : memref<80x128xf32, #tpu.memory_space<vmem>>) offsets(%dma_start3A_43 : memref<80xi32, #tpu.memory_space<vmem>>) semaphore(%run_scoped3A : memref<!tpu.dma_semaphore, #tpu.memory_space<semaphore_mem>>)
        %dma_wait3A_47 = arith.constant 9840 : i32
        %dma_wait3A_48 = tpu.memref_slice %arg8[%dma_wait3A_47] : memref<10000xi32, #tpu.memory_space<vmem>> -> memref<80xi32, #tpu.memory_space<vmem>>
        %dma_wait3A_49 = arith.constant 0 : i32
        %dma_wait3A_50 = arith.constant 0 : i32
        %dma_wait3A_51 = tpu.memref_slice %arg3[%dma_wait3A_49, %dma_wait3A_50] : memref<10240x128xf32, #tpu.memory_space<hbm>> -> memref<10240x128xf32, #tpu.memory_space<hbm>>
        tpu.wait_indirect_dma semaphore(%run_scoped3A : memref<!tpu.dma_semaphore, #tpu.memory_space<semaphore_mem>>) src(%dma_wait3A_51 : memref<10240x128xf32, #tpu.memory_space<hbm>>) dst(%arg12 : memref<80x128xf32, #tpu.memory_space<vmem>>)
        tpu.yield
      }) : () -> ()
      "tpu.region"() ({
        %run_scoped3A = tpu.sem_alloc : memref<!tpu.dma_semaphore, #tpu.memory_space<semaphore_mem>>
        %dma_start3A = arith.constant 0 : i32
        %dma_start3A_43 = arith.constant 0 : i32
        %dma_start3A_44 = tpu.memref_slice %arg24[%dma_start3A, %dma_start3A_43] : memref<10240x128xf32, #tpu.memory_space<vmem_shared>> -> memref<10240x128xf32, #tpu.memory_space<vmem_shared>>
        tpu.enqueue_indirect_dma source(%arg12 : memref<80x128xf32, #tpu.memory_space<vmem>>) target(%dma_start3A_44 : memref<10240x128xf32, #tpu.memory_space<vmem_shared>>) offsets(%arg9 : memref<80xi32, #tpu.memory_space<vmem>>) semaphore(%run_scoped3A : memref<!tpu.dma_semaphore, #tpu.memory_space<semaphore_mem>>) {add = true}
        %dma_wait3A_45 = arith.constant 0 : i32
        %dma_wait3A_46 = arith.constant 0 : i32
        %dma_wait3A_47 = tpu.memref_slice %arg24[%dma_wait3A_45, %dma_wait3A_46] : memref<10240x128xf32, #tpu.memory_space<vmem_shared>> -> memref<10240x128xf32, #tpu.memory_space<vmem_shared>>
        tpu.wait_indirect_dma semaphore(%run_scoped3A : memref<!tpu.dma_semaphore, #tpu.memory_space<semaphore_mem>>) src(%arg12 : memref<80x128xf32, #tpu.memory_space<vmem>>) dst(%dma_wait3A_47 : memref<10240x128xf32, #tpu.memory_space<vmem_shared>>)
        tpu.yield
      }) : () -> ()
      %add3A_41 = arith.constant 9920 : i32
      %add3A_42 = arith.addi %add3A_25, %add3A_41 : i32
      "tpu.region"() ({
        %run_scoped3A = tpu.sem_alloc : memref<!tpu.dma_semaphore, #tpu.memory_space<semaphore_mem>>
        %dma_start3A = tpu.memref_slice %arg4[%add3A_42] : memref<320000xi32, #tpu.memory_space<hbm>> -> memref<80xi32, #tpu.memory_space<hbm>>
        %dma_start3A_43 = tpu.memref_slice %arg4[%add3A_42] : memref<320000xi32, #tpu.memory_space<hbm>> -> memref<80xi32, #tpu.memory_space<hbm>>
        tpu.enqueue_dma source(%dma_start3A_43 : memref<80xi32, #tpu.memory_space<hbm>>) target(%arg10 : memref<80xi32, #tpu.memory_space<vmem>>) target_semaphore(%run_scoped3A : memref<!tpu.dma_semaphore, #tpu.memory_space<semaphore_mem>>)
        %dma_wait3A_44 = tpu.memref_slice %arg4[%add3A_42] : memref<320000xi32, #tpu.memory_space<hbm>> -> memref<80xi32, #tpu.memory_space<hbm>>
        %dma_wait3A_45 = tpu.memref_slice %arg4[%add3A_42] : memref<320000xi32, #tpu.memory_space<hbm>> -> memref<80xi32, #tpu.memory_space<hbm>>
        tpu.wait_dma2 semaphore(%run_scoped3A : memref<!tpu.dma_semaphore, #tpu.memory_space<semaphore_mem>>) src(%dma_wait3A_45 : memref<80xi32, #tpu.memory_space<hbm>>) dst(%arg10 : memref<80xi32, #tpu.memory_space<vmem>>)
        tpu.yield
      }) : () -> ()
      "tpu.region"() ({
        %run_scoped3A = tpu.sem_alloc : memref<!tpu.dma_semaphore, #tpu.memory_space<semaphore_mem>>
        %dma_start3A = arith.constant 9920 : i32
        %dma_start3A_43 = tpu.memref_slice %arg8[%dma_start3A] : memref<10000xi32, #tpu.memory_space<vmem>> -> memref<80xi32, #tpu.memory_space<vmem>>
        %dma_start3A_44 = arith.constant 0 : i32
        %dma_start3A_45 = arith.constant 0 : i32
        %dma_start3A_46 = tpu.memref_slice %arg3[%dma_start3A_44, %dma_start3A_45] : memref<10240x128xf32, #tpu.memory_space<hbm>> -> memref<10240x128xf32, #tpu.memory_space<hbm>>
        tpu.enqueue_indirect_dma source(%dma_start3A_46 : memref<10240x128xf32, #tpu.memory_space<hbm>>) target(%arg13 : memref<80x128xf32, #tpu.memory_space<vmem>>) offsets(%dma_start3A_43 : memref<80xi32, #tpu.memory_space<vmem>>) semaphore(%run_scoped3A : memref<!tpu.dma_semaphore, #tpu.memory_space<semaphore_mem>>)
        %dma_wait3A_47 = arith.constant 9920 : i32
        %dma_wait3A_48 = tpu.memref_slice %arg8[%dma_wait3A_47] : memref<10000xi32, #tpu.memory_space<vmem>> -> memref<80xi32, #tpu.memory_space<vmem>>
        %dma_wait3A_49 = arith.constant 0 : i32
        %dma_wait3A_50 = arith.constant 0 : i32
        %dma_wait3A_51 = tpu.memref_slice %arg3[%dma_wait3A_49, %dma_wait3A_50] : memref<10240x128xf32, #tpu.memory_space<hbm>> -> memref<10240x128xf32, #tpu.memory_space<hbm>>
        tpu.wait_indirect_dma semaphore(%run_scoped3A : memref<!tpu.dma_semaphore, #tpu.memory_space<semaphore_mem>>) src(%dma_wait3A_51 : memref<10240x128xf32, #tpu.memory_space<hbm>>) dst(%arg13 : memref<80x128xf32, #tpu.memory_space<vmem>>)
        tpu.yield
      }) : () -> ()
      "tpu.region"() ({
        %run_scoped3A = tpu.sem_alloc : memref<!tpu.dma_semaphore, #tpu.memory_space<semaphore_mem>>
        %dma_start3A = arith.constant 0 : i32
        %dma_start3A_43 = arith.constant 0 : i32
        %dma_start3A_44 = tpu.memref_slice %arg24[%dma_start3A, %dma_start3A_43] : memref<10240x128xf32, #tpu.memory_space<vmem_shared>> -> memref<10240x128xf32, #tpu.memory_space<vmem_shared>>
        tpu.enqueue_indirect_dma source(%arg13 : memref<80x128xf32, #tpu.memory_space<vmem>>) target(%dma_start3A_44 : memref<10240x128xf32, #tpu.memory_space<vmem_shared>>) offsets(%arg10 : memref<80xi32, #tpu.memory_space<vmem>>) semaphore(%run_scoped3A : memref<!tpu.dma_semaphore, #tpu.memory_space<semaphore_mem>>) {add = true}
        %dma_wait3A_45 = arith.constant 0 : i32
        %dma_wait3A_46 = arith.constant 0 : i32
        %dma_wait3A_47 = tpu.memref_slice %arg24[%dma_wait3A_45, %dma_wait3A_46] : memref<10240x128xf32, #tpu.memory_space<vmem_shared>> -> memref<10240x128xf32, #tpu.memory_space<vmem_shared>>
        tpu.wait_indirect_dma semaphore(%run_scoped3A : memref<!tpu.dma_semaphore, #tpu.memory_space<semaphore_mem>>) src(%arg13 : memref<80x128xf32, #tpu.memory_space<vmem>>) dst(%dma_wait3A_47 : memref<10240x128xf32, #tpu.memory_space<vmem_shared>>)
        tpu.yield
      }) : () -> ()
    } else {
    }
    %barrier3A_12 = arith.constant 0 : index
    tpu.barrier barrier_id(%barrier3A_12)
    %eq3A_13 = arith.constant 0 : i32
    %eq3A_14 = arith.cmpi eq, %arg0, %eq3A_13 : i32
    %convert_element_type3A_15 = arith.extui %eq3A_14 : i1 to i32
    %cond3A_16 = arith.constant 0 : i32
    %cond3A_17 = arith.cmpi ne, %convert_element_type3A_15, %cond3A_16 : i32
    scf.if %cond3A_17 {
      %mul3A_23 = arith.constant 640 : i32
      %mul3A_24 = arith.muli %arg1, %mul3A_23 : i32
      %mul3A_25 = arith.constant 640 : i32
      %mul3A_26 = arith.muli %arg1, %mul3A_25 : i32
      "tpu.region"() ({
        %run_scoped3A = tpu.sem_alloc : memref<!tpu.dma_semaphore, #tpu.memory_space<semaphore_mem>>
        %dma_start3A = arith.constant 0 : i32
        %dma_start3A_27 = tpu.memref_slice %arg6[%mul3A_26, %dma_start3A] : memref<10240x128xf32, #tpu.memory_space<hbm>> -> memref<640x128xf32, #tpu.memory_space<hbm>>
        %dma_start3A_28 = arith.constant 0 : i32
        %dma_start3A_29 = tpu.memref_slice %arg24[%mul3A_24, %dma_start3A_28] : memref<10240x128xf32, #tpu.memory_space<vmem_shared>> -> memref<640x128xf32, #tpu.memory_space<vmem_shared>>
        tpu.enqueue_dma source(%dma_start3A_29 : memref<640x128xf32, #tpu.memory_space<vmem_shared>>) target(%dma_start3A_27 : memref<640x128xf32, #tpu.memory_space<hbm>>) target_semaphore(%run_scoped3A : memref<!tpu.dma_semaphore, #tpu.memory_space<semaphore_mem>>)
        %dma_wait3A = arith.constant 0 : i32
        %dma_wait3A_30 = tpu.memref_slice %arg6[%mul3A_26, %dma_wait3A] : memref<10240x128xf32, #tpu.memory_space<hbm>> -> memref<640x128xf32, #tpu.memory_space<hbm>>
        %dma_wait3A_31 = arith.constant 0 : i32
        %dma_wait3A_32 = tpu.memref_slice %arg24[%mul3A_24, %dma_wait3A_31] : memref<10240x128xf32, #tpu.memory_space<vmem_shared>> -> memref<640x128xf32, #tpu.memory_space<vmem_shared>>
        tpu.wait_dma2 semaphore(%run_scoped3A : memref<!tpu.dma_semaphore, #tpu.memory_space<semaphore_mem>>) src(%dma_wait3A_32 : memref<640x128xf32, #tpu.memory_space<vmem_shared>>) dst(%dma_wait3A_30 : memref<640x128xf32, #tpu.memory_space<hbm>>)
        tpu.yield
      }) : () -> ()
    } else {
    }
    %eq3A_18 = arith.constant 1 : i32
    %eq3A_19 = arith.cmpi eq, %arg0, %eq3A_18 : i32
    %convert_element_type3A_20 = arith.extui %eq3A_19 : i1 to i32
    %cond3A_21 = arith.constant 0 : i32
    %cond3A_22 = arith.cmpi ne, %convert_element_type3A_20, %cond3A_21 : i32
    scf.if %cond3A_22 {
      %mul3A_23 = arith.constant 640 : i32
      %mul3A_24 = arith.muli %arg1, %mul3A_23 : i32
      %mul3A_25 = arith.constant 640 : i32
      %mul3A_26 = arith.muli %arg1, %mul3A_25 : i32
      "tpu.region"() ({
        %run_scoped3A = tpu.sem_alloc : memref<!tpu.dma_semaphore, #tpu.memory_space<semaphore_mem>>
        %dma_start3A = arith.constant 0 : i32
        %dma_start3A_27 = tpu.memref_slice %arg7[%mul3A_26, %dma_start3A] : memref<10240x128xf32, #tpu.memory_space<hbm>> -> memref<640x128xf32, #tpu.memory_space<hbm>>
        %dma_start3A_28 = arith.constant 0 : i32
        %dma_start3A_29 = tpu.memref_slice %arg24[%mul3A_24, %dma_start3A_28] : memref<10240x128xf32, #tpu.memory_space<vmem_shared>> -> memref<640x128xf32, #tpu.memory_space<vmem_shared>>
        tpu.enqueue_dma source(%dma_start3A_29 : memref<640x128xf32, #tpu.memory_space<vmem_shared>>) target(%dma_start3A_27 : memref<640x128xf32, #tpu.memory_space<hbm>>) target_semaphore(%run_scoped3A : memref<!tpu.dma_semaphore, #tpu.memory_space<semaphore_mem>>)
        %dma_wait3A = arith.constant 0 : i32
        %dma_wait3A_30 = tpu.memref_slice %arg7[%mul3A_26, %dma_wait3A] : memref<10240x128xf32, #tpu.memory_space<hbm>> -> memref<640x128xf32, #tpu.memory_space<hbm>>
        %dma_wait3A_31 = arith.constant 0 : i32
        %dma_wait3A_32 = tpu.memref_slice %arg24[%mul3A_24, %dma_wait3A_31] : memref<10240x128xf32, #tpu.memory_space<vmem_shared>> -> memref<640x128xf32, #tpu.memory_space<vmem_shared>>
        tpu.wait_dma2 semaphore(%run_scoped3A : memref<!tpu.dma_semaphore, #tpu.memory_space<semaphore_mem>>) src(%dma_wait3A_32 : memref<640x128xf32, #tpu.memory_space<vmem_shared>>) dst(%dma_wait3A_30 : memref<640x128xf32, #tpu.memory_space<hbm>>)
        tpu.yield
      }) : () -> ()
    } else {
    }
    return
  }
}

module attributes {stable_mosaic.version = 14 : i64} {
  func.func @_first_body(%arg0: i32, %arg1: memref<1024x256xf32, #tpu.memory_space<vmem>>, %arg2: memref<256x256xf32, #tpu.memory_space<vmem>>, %arg3: memref<1024xf32, #tpu.memory_space<vmem>>, %arg4: memref<1024x128xf32, #tpu.memory_space<vmem>>, %arg5: memref<1024x128xf32, #tpu.memory_space<vmem>>) attributes {dimension_semantics = [#tpu.dimension_semantics<arbitrary>], iteration_bounds = array<i64: 10>, scalar_prefetch = 0 : i64, scratch_operands = 0 : i64, tpu.core_type = #tpu.core_type<tc>, window_params = [{transform_indices = @transform_0, window_bounds = array<i64: 1024, 256>}, {pipeline_mode = #tpu.pipeline_mode<synchronous>, transform_indices = @transform_1, window_bounds = array<i64: 256, 256>}, {transform_indices = @transform_2, window_bounds = array<i64: 1024>}, {transform_indices = @transform_3, window_bounds = array<i64: 1024, 128>}, {transform_indices = @transform_4, window_bounds = array<i64: 1024, 128>}]} {
    %get3A = arith.constant 0 : index
    %get3A_0 = vector.load %arg3[%get3A] : memref<1024xf32, #tpu.memory_space<vmem>>, vector<1024xf32>
    %max3A = arith.constant 1.000000e+00 : f32
    %max3A_1 = vector.broadcast %max3A : f32 to vector<1024xf32>
    %max3A_2 = arith.maximumf %get3A_0, %max3A_1 : vector<1024xf32>
    %rsqrt3A = math.rsqrt %max3A_2 : vector<1024xf32>
    %get3A_3 = arith.constant 0 : index
    %get3A_4 = arith.constant 0 : index
    %get3A_5 = vector.load %arg1[%get3A_3, %get3A_4] : memref<1024x256xf32, #tpu.memory_space<vmem>>, vector<1024x256xf32>
    %get3A_6 = arith.constant 0 : index
    %get3A_7 = arith.constant 0 : index
    %get3A_8 = vector.load %arg2[%get3A_6, %get3A_7] : memref<256x256xf32, #tpu.memory_space<vmem>>, vector<256x256xf32>
    %dot_general3A = arith.constant dense<0.000000e+00> : vector<1024x256xf32>
    %dot_general3A_9 = tpu.matmul %get3A_5, %get3A_8, %dot_general3A {dimension_numbers = #tpu.dot_dimension_numbers<[1], [0], [0], [1], [0, 0, 1, 1], [], []>, transpose_lhs_hint = false} : vector<1024x256xf32>, vector<256x256xf32>, vector<1024x256xf32> -> vector<1024x256xf32>
    %broadcast_in_dim3A = vector.shape_cast %rsqrt3A : vector<1024xf32> to vector<1024x1xf32>
    %mul3A = vector.broadcast %broadcast_in_dim3A : vector<1024x1xf32> to vector<1024x256xf32>
    %mul3A_10 = arith.mulf %dot_general3A_9, %mul3A : vector<1024x256xf32>
    %slice3A = vector.extract_strided_slice %mul3A_10 {offsets = [0, 0], sizes = [1024, 128], strides = [1, 1]} : vector<1024x256xf32> to vector<1024x128xf32>
    %swap3A = arith.constant 0 : index
    %swap3A_11 = arith.constant 0 : index
    %swap3A_12 = vector.load %arg4[%swap3A, %swap3A_11] : memref<1024x128xf32, #tpu.memory_space<vmem>>, vector<1024x128xf32>
    tpu.vector_store %arg4[%swap3A, %swap3A_11], %slice3A {strides = array<i32>} : memref<1024x128xf32, #tpu.memory_space<vmem>>, vector<1024x128xf32>,
    %slice3A_13 = vector.extract_strided_slice %mul3A_10 {offsets = [0, 128], sizes = [1024, 128], strides = [1, 1]} : vector<1024x256xf32> to vector<1024x128xf32>
    %swap3A_14 = arith.constant 0 : index
    %swap3A_15 = arith.constant 0 : index
    %swap3A_16 = vector.load %arg5[%swap3A_14, %swap3A_15] : memref<1024x128xf32, #tpu.memory_space<vmem>>, vector<1024x128xf32>
    tpu.vector_store %arg5[%swap3A_14, %swap3A_15], %slice3A_13 {strides = array<i32>} : memref<1024x128xf32, #tpu.memory_space<vmem>>, vector<1024x128xf32>,
    return
  }
  func.func @transform_0(%arg0: i32) -> (i32, i32) {
    %c0_i32 = arith.constant 0 : i32
    %c0_i32_0 = arith.constant 0 : i32
    return %arg0, %c0_i32 : i32, i32
  }
  func.func @transform_1(%arg0: i32) -> (i32, i32) {
    %c0_i32 = arith.constant 0 : i32
    %c0_i32_0 = arith.constant 0 : i32
    %c0_i32_1 = arith.constant 0 : i32
    return %c0_i32, %c0_i32_0 : i32, i32
  }
  func.func @transform_2(%arg0: i32) -> i32 {
    %c0_i32 = arith.constant 0 : i32
    return %arg0 : i32
  }
  func.func @transform_3(%arg0: i32) -> (i32, i32) {
    %c0_i32 = arith.constant 0 : i32
    %c0_i32_0 = arith.constant 0 : i32
    return %arg0, %c0_i32 : i32, i32
  }
  func.func @transform_4(%arg0: i32) -> (i32, i32) {
    %c0_i32 = arith.constant 0 : i32
    %c0_i32_0 = arith.constant 0 : i32
    return %arg0, %c0_i32 : i32, i32
  }
}

module attributes {stable_mosaic.version = 14 : i64} {
  func.func @_mid_body(%arg0: i32, %arg1: memref<1024x128xf32, #tpu.memory_space<vmem>>, %arg2: memref<1024x128xf32, #tpu.memory_space<vmem>>, %arg3: memref<256x256xf32, #tpu.memory_space<vmem>>, %arg4: memref<256xf32, #tpu.memory_space<vmem>>, %arg5: memref<1024xf32, #tpu.memory_space<vmem>>, %arg6: memref<1024xf32, #tpu.memory_space<vmem>>, %arg7: memref<1024x128xf32, #tpu.memory_space<vmem>>, %arg8: memref<1024x128xf32, #tpu.memory_space<vmem>>) attributes {dimension_semantics = [#tpu.dimension_semantics<arbitrary>], iteration_bounds = array<i64: 10>, scalar_prefetch = 0 : i64, scratch_operands = 0 : i64, tpu.core_type = #tpu.core_type<tc>, window_params = [{transform_indices = @transform_0, window_bounds = array<i64: 1024, 128>}, {transform_indices = @transform_1, window_bounds = array<i64: 1024, 128>}, {pipeline_mode = #tpu.pipeline_mode<synchronous>, transform_indices = @transform_2, window_bounds = array<i64: 256, 256>}, {pipeline_mode = #tpu.pipeline_mode<synchronous>, transform_indices = @transform_3, window_bounds = array<i64: 256>}, {transform_indices = @transform_4, window_bounds = array<i64: 1024>}, {transform_indices = @transform_5, window_bounds = array<i64: 1024>}, {transform_indices = @transform_6, window_bounds = array<i64: 1024, 128>}, {transform_indices = @transform_7, window_bounds = array<i64: 1024, 128>}]} {
    %get3A = arith.constant 0 : index
    %get3A_0 = vector.load %arg5[%get3A] : memref<1024xf32, #tpu.memory_space<vmem>>, vector<1024xf32>
    %max3A = arith.constant 1.000000e+00 : f32
    %max3A_1 = vector.broadcast %max3A : f32 to vector<1024xf32>
    %max3A_2 = arith.maximumf %get3A_0, %max3A_1 : vector<1024xf32>
    %rsqrt3A = math.rsqrt %max3A_2 : vector<1024xf32>
    %broadcast_in_dim3A = vector.shape_cast %rsqrt3A : vector<1024xf32> to vector<1024x1xf32>
    %get3A_3 = arith.constant 0 : index
    %get3A_4 = vector.load %arg6[%get3A_3] : memref<1024xf32, #tpu.memory_space<vmem>>, vector<1024xf32>
    %max3A_5 = arith.constant 1.000000e+00 : f32
    %max3A_6 = vector.broadcast %max3A_5 : f32 to vector<1024xf32>
    %max3A_7 = arith.maximumf %get3A_4, %max3A_6 : vector<1024xf32>
    %rsqrt3A_8 = math.rsqrt %max3A_7 : vector<1024xf32>
    %broadcast_in_dim3A_9 = vector.shape_cast %rsqrt3A_8 : vector<1024xf32> to vector<1024x1xf32>
    %get3A_10 = arith.constant 0 : index
    %get3A_11 = vector.load %arg4[%get3A_10] : memref<256xf32, #tpu.memory_space<vmem>>, vector<256xf32>
    %get3A_12 = arith.constant 0 : index
    %get3A_13 = arith.constant 0 : index
    %get3A_14 = vector.load %arg1[%get3A_12, %get3A_13] : memref<1024x128xf32, #tpu.memory_space<vmem>>, vector<1024x128xf32>
    %mul3A = vector.broadcast %broadcast_in_dim3A : vector<1024x1xf32> to vector<1024x128xf32>
    %mul3A_15 = arith.mulf %get3A_14, %mul3A : vector<1024x128xf32>
    %slice3A = vector.extract_strided_slice %get3A_11 {offsets = [0], sizes = [128], strides = [1]} : vector<256xf32> to vector<128xf32>
    %broadcast_in_dim3A_16 = vector.shape_cast %slice3A : vector<128xf32> to vector<1x128xf32>
    %add3A = vector.broadcast %broadcast_in_dim3A_16 : vector<1x128xf32> to vector<1024x128xf32>
    %add3A_17 = arith.addf %mul3A_15, %add3A : vector<1024x128xf32>
    %max3A_18 = arith.constant 0.000000e+00 : f32
    %max3A_19 = vector.broadcast %max3A_18 : f32 to vector<1024x128xf32>
    %max3A_20 = arith.maximumf %add3A_17, %max3A_19 : vector<1024x128xf32>
    %get3A_21 = arith.constant 0 : index
    %get3A_22 = arith.constant 0 : index
    %get3A_23 = vector.load %arg2[%get3A_21, %get3A_22] : memref<1024x128xf32, #tpu.memory_space<vmem>>, vector<1024x128xf32>
    %mul3A_24 = vector.broadcast %broadcast_in_dim3A : vector<1024x1xf32> to vector<1024x128xf32>
    %mul3A_25 = arith.mulf %get3A_23, %mul3A_24 : vector<1024x128xf32>
    %slice3A_26 = vector.extract_strided_slice %get3A_11 {offsets = [128], sizes = [128], strides = [1]} : vector<256xf32> to vector<128xf32>
    %broadcast_in_dim3A_27 = vector.shape_cast %slice3A_26 : vector<128xf32> to vector<1x128xf32>
    %add3A_28 = vector.broadcast %broadcast_in_dim3A_27 : vector<1x128xf32> to vector<1024x128xf32>
    %add3A_29 = arith.addf %mul3A_25, %add3A_28 : vector<1024x128xf32>
    %max3A_30 = arith.constant 0.000000e+00 : f32
    %max3A_31 = vector.broadcast %max3A_30 : f32 to vector<1024x128xf32>
    %max3A_32 = arith.maximumf %add3A_29, %max3A_31 : vector<1024x128xf32>
    %get3A_33 = arith.constant 0 : index
    %get3A_34 = arith.constant 0 : index
    %get3A_35 = vector.load %arg3[%get3A_33, %get3A_34] : memref<256x256xf32, #tpu.memory_space<vmem>>, vector<128x256xf32>
    %dot_general3A = arith.constant dense<0.000000e+00> : vector<1024x256xf32>
    %dot_general3A_36 = tpu.matmul %max3A_20, %get3A_35, %dot_general3A {dimension_numbers = #tpu.dot_dimension_numbers<[1], [0], [0], [1], [0, 0, 1, 1], [], []>, transpose_lhs_hint = false} : vector<1024x128xf32>, vector<128x256xf32>, vector<1024x256xf32> -> vector<1024x256xf32>
    %get3A_37 = arith.constant 128 : index
    %get3A_38 = arith.constant 0 : index
    %get3A_39 = vector.load %arg3[%get3A_37, %get3A_38] : memref<256x256xf32, #tpu.memory_space<vmem>>, vector<128x256xf32>
    %dot_general3A_40 = arith.constant dense<0.000000e+00> : vector<1024x256xf32>
    %dot_general3A_41 = tpu.matmul %max3A_32, %get3A_39, %dot_general3A_40 {dimension_numbers = #tpu.dot_dimension_numbers<[1], [0], [0], [1], [0, 0, 1, 1], [], []>, transpose_lhs_hint = false} : vector<1024x128xf32>, vector<128x256xf32>, vector<1024x256xf32> -> vector<1024x256xf32>
    %add3A_42 = arith.addf %dot_general3A_36, %dot_general3A_41 : vector<1024x256xf32>
    %mul3A_43 = vector.broadcast %broadcast_in_dim3A_9 : vector<1024x1xf32> to vector<1024x256xf32>
    %mul3A_44 = arith.mulf %add3A_42, %mul3A_43 : vector<1024x256xf32>
    %slice3A_45 = vector.extract_strided_slice %mul3A_44 {offsets = [0, 0], sizes = [1024, 128], strides = [1, 1]} : vector<1024x256xf32> to vector<1024x128xf32>
    %swap3A = arith.constant 0 : index
    %swap3A_46 = arith.constant 0 : index
    %swap3A_47 = vector.load %arg7[%swap3A, %swap3A_46] : memref<1024x128xf32, #tpu.memory_space<vmem>>, vector<1024x128xf32>
    tpu.vector_store %arg7[%swap3A, %swap3A_46], %slice3A_45 {strides = array<i32>} : memref<1024x128xf32, #tpu.memory_space<vmem>>, vector<1024x128xf32>,
    %slice3A_48 = vector.extract_strided_slice %mul3A_44 {offsets = [0, 128], sizes = [1024, 128], strides = [1, 1]} : vector<1024x256xf32> to vector<1024x128xf32>
    %swap3A_49 = arith.constant 0 : index
    %swap3A_50 = arith.constant 0 : index
    %swap3A_51 = vector.load %arg8[%swap3A_49, %swap3A_50] : memref<1024x128xf32, #tpu.memory_space<vmem>>, vector<1024x128xf32>
    tpu.vector_store %arg8[%swap3A_49, %swap3A_50], %slice3A_48 {strides = array<i32>} : memref<1024x128xf32, #tpu.memory_space<vmem>>, vector<1024x128xf32>,
    return
  }
  func.func @transform_0(%arg0: i32) -> (i32, i32) {
    %c0_i32 = arith.constant 0 : i32
    %c0_i32_0 = arith.constant 0 : i32
    return %arg0, %c0_i32 : i32, i32
  }
  func.func @transform_1(%arg0: i32) -> (i32, i32) {
    %c0_i32 = arith.constant 0 : i32
    %c0_i32_0 = arith.constant 0 : i32
    return %arg0, %c0_i32 : i32, i32
  }
  func.func @transform_2(%arg0: i32) -> (i32, i32) {
    %c0_i32 = arith.constant 0 : i32
    %c0_i32_0 = arith.constant 0 : i32
    %c0_i32_1 = arith.constant 0 : i32
    return %c0_i32, %c0_i32_0 : i32, i32
  }
  func.func @transform_3(%arg0: i32) -> i32 {
    %c0_i32 = arith.constant 0 : i32
    %c0_i32_0 = arith.constant 0 : i32
    return %c0_i32 : i32
  }
  func.func @transform_4(%arg0: i32) -> i32 {
    %c0_i32 = arith.constant 0 : i32
    return %arg0 : i32
  }
  func.func @transform_5(%arg0: i32) -> i32 {
    %c0_i32 = arith.constant 0 : i32
    return %arg0 : i32
  }
  func.func @transform_6(%arg0: i32) -> (i32, i32) {
    %c0_i32 = arith.constant 0 : i32
    %c0_i32_0 = arith.constant 0 : i32
    return %arg0, %c0_i32 : i32, i32
  }
  func.func @transform_7(%arg0: i32) -> (i32, i32) {
    %c0_i32 = arith.constant 0 : i32
    %c0_i32_0 = arith.constant 0 : i32
    return %arg0, %c0_i32 : i32, i32
  }
}

module attributes {stable_mosaic.version = 14 : i64} {
  func.func @_last_body(%arg0: i32, %arg1: memref<1024x128xf32, #tpu.memory_space<vmem>>, %arg2: memref<1024x128xf32, #tpu.memory_space<vmem>>, %arg3: memref<256x64xf32, #tpu.memory_space<vmem>>, %arg4: memref<256xf32, #tpu.memory_space<vmem>>, %arg5: memref<1024xf32, #tpu.memory_space<vmem>>, %arg6: memref<1024xf32, #tpu.memory_space<vmem>>, %arg7: memref<1024x128xf32, #tpu.memory_space<vmem>>) attributes {dimension_semantics = [#tpu.dimension_semantics<arbitrary>], iteration_bounds = array<i64: 10>, scalar_prefetch = 0 : i64, scratch_operands = 0 : i64, tpu.core_type = #tpu.core_type<tc>, window_params = [{transform_indices = @transform_0, window_bounds = array<i64: 1024, 128>}, {transform_indices = @transform_1, window_bounds = array<i64: 1024, 128>}, {pipeline_mode = #tpu.pipeline_mode<synchronous>, transform_indices = @transform_2, window_bounds = array<i64: 256, 64>}, {pipeline_mode = #tpu.pipeline_mode<synchronous>, transform_indices = @transform_3, window_bounds = array<i64: 256>}, {transform_indices = @transform_4, window_bounds = array<i64: 1024>}, {transform_indices = @transform_5, window_bounds = array<i64: 1024>}, {transform_indices = @transform_6, window_bounds = array<i64: 1024, 128>}]} {
    %get3A = arith.constant 0 : index
    %get3A_0 = vector.load %arg5[%get3A] : memref<1024xf32, #tpu.memory_space<vmem>>, vector<1024xf32>
    %max3A = arith.constant 1.000000e+00 : f32
    %max3A_1 = vector.broadcast %max3A : f32 to vector<1024xf32>
    %max3A_2 = arith.maximumf %get3A_0, %max3A_1 : vector<1024xf32>
    %rsqrt3A = math.rsqrt %max3A_2 : vector<1024xf32>
    %broadcast_in_dim3A = vector.shape_cast %rsqrt3A : vector<1024xf32> to vector<1024x1xf32>
    %get3A_3 = arith.constant 0 : index
    %get3A_4 = vector.load %arg6[%get3A_3] : memref<1024xf32, #tpu.memory_space<vmem>>, vector<1024xf32>
    %max3A_5 = arith.constant 1.000000e+00 : f32
    %max3A_6 = vector.broadcast %max3A_5 : f32 to vector<1024xf32>
    %max3A_7 = arith.maximumf %get3A_4, %max3A_6 : vector<1024xf32>
    %rsqrt3A_8 = math.rsqrt %max3A_7 : vector<1024xf32>
    %broadcast_in_dim3A_9 = vector.shape_cast %rsqrt3A_8 : vector<1024xf32> to vector<1024x1xf32>
    %get3A_10 = arith.constant 0 : index
    %get3A_11 = vector.load %arg4[%get3A_10] : memref<256xf32, #tpu.memory_space<vmem>>, vector<256xf32>
    %get3A_12 = arith.constant 0 : index
    %get3A_13 = arith.constant 0 : index
    %get3A_14 = vector.load %arg1[%get3A_12, %get3A_13] : memref<1024x128xf32, #tpu.memory_space<vmem>>, vector<1024x128xf32>
    %mul3A = vector.broadcast %broadcast_in_dim3A : vector<1024x1xf32> to vector<1024x128xf32>
    %mul3A_15 = arith.mulf %get3A_14, %mul3A : vector<1024x128xf32>
    %slice3A = vector.extract_strided_slice %get3A_11 {offsets = [0], sizes = [128], strides = [1]} : vector<256xf32> to vector<128xf32>
    %broadcast_in_dim3A_16 = vector.shape_cast %slice3A : vector<128xf32> to vector<1x128xf32>
    %add3A = vector.broadcast %broadcast_in_dim3A_16 : vector<1x128xf32> to vector<1024x128xf32>
    %add3A_17 = arith.addf %mul3A_15, %add3A : vector<1024x128xf32>
    %max3A_18 = arith.constant 0.000000e+00 : f32
    %max3A_19 = vector.broadcast %max3A_18 : f32 to vector<1024x128xf32>
    %max3A_20 = arith.maximumf %add3A_17, %max3A_19 : vector<1024x128xf32>
    %get3A_21 = arith.constant 0 : index
    %get3A_22 = arith.constant 0 : index
    %get3A_23 = vector.load %arg2[%get3A_21, %get3A_22] : memref<1024x128xf32, #tpu.memory_space<vmem>>, vector<1024x128xf32>
    %mul3A_24 = vector.broadcast %broadcast_in_dim3A : vector<1024x1xf32> to vector<1024x128xf32>
    %mul3A_25 = arith.mulf %get3A_23, %mul3A_24 : vector<1024x128xf32>
    %slice3A_26 = vector.extract_strided_slice %get3A_11 {offsets = [128], sizes = [128], strides = [1]} : vector<256xf32> to vector<128xf32>
    %broadcast_in_dim3A_27 = vector.shape_cast %slice3A_26 : vector<128xf32> to vector<1x128xf32>
    %add3A_28 = vector.broadcast %broadcast_in_dim3A_27 : vector<1x128xf32> to vector<1024x128xf32>
    %add3A_29 = arith.addf %mul3A_25, %add3A_28 : vector<1024x128xf32>
    %max3A_30 = arith.constant 0.000000e+00 : f32
    %max3A_31 = vector.broadcast %max3A_30 : f32 to vector<1024x128xf32>
    %max3A_32 = arith.maximumf %add3A_29, %max3A_31 : vector<1024x128xf32>
    %get3A_33 = arith.constant 0 : index
    %get3A_34 = arith.constant 0 : index
    %get3A_35 = vector.load %arg3[%get3A_33, %get3A_34] : memref<256x64xf32, #tpu.memory_space<vmem>>, vector<128x64xf32>
    %dot_general3A = arith.constant dense<0.000000e+00> : vector<1024x64xf32>
    %dot_general3A_36 = tpu.matmul %max3A_20, %get3A_35, %dot_general3A {dimension_numbers = #tpu.dot_dimension_numbers<[1], [0], [0], [1], [0, 0, 1, 1], [], []>, transpose_lhs_hint = false} : vector<1024x128xf32>, vector<128x64xf32>, vector<1024x64xf32> -> vector<1024x64xf32>
    %get3A_37 = arith.constant 128 : index
    %get3A_38 = arith.constant 0 : index
    %get3A_39 = vector.load %arg3[%get3A_37, %get3A_38] : memref<256x64xf32, #tpu.memory_space<vmem>>, vector<128x64xf32>
    %dot_general3A_40 = arith.constant dense<0.000000e+00> : vector<1024x64xf32>
    %dot_general3A_41 = tpu.matmul %max3A_32, %get3A_39, %dot_general3A_40 {dimension_numbers = #tpu.dot_dimension_numbers<[1], [0], [0], [1], [0, 0, 1, 1], [], []>, transpose_lhs_hint = false} : vector<1024x128xf32>, vector<128x64xf32>, vector<1024x64xf32> -> vector<1024x64xf32>
    %add3A_42 = arith.addf %dot_general3A_36, %dot_general3A_41 : vector<1024x64xf32>
    %mul3A_43 = vector.broadcast %broadcast_in_dim3A_9 : vector<1024x1xf32> to vector<1024x64xf32>
    %mul3A_44 = arith.mulf %add3A_42, %mul3A_43 : vector<1024x64xf32>
    %broadcast_in_dim3A_45 = arith.constant 0.000000e+00 : f32
    %broadcast_in_dim3A_46 = vector.broadcast %broadcast_in_dim3A_45 : f32 to vector<1024x64xf32>
    %concatenate3A = tpu.concatenate %mul3A_44, %broadcast_in_dim3A_46 in 1 : vector<1024x64xf32>, vector<1024x64xf32> -> vector<1024x128xf32>
    %swap3A = arith.constant 0 : index
    %swap3A_47 = arith.constant 0 : index
    %swap3A_48 = vector.load %arg7[%swap3A, %swap3A_47] : memref<1024x128xf32, #tpu.memory_space<vmem>>, vector<1024x128xf32>
    tpu.vector_store %arg7[%swap3A, %swap3A_47], %concatenate3A {strides = array<i32>} : memref<1024x128xf32, #tpu.memory_space<vmem>>, vector<1024x128xf32>,
    return
  }
  func.func @transform_0(%arg0: i32) -> (i32, i32) {
    %c0_i32 = arith.constant 0 : i32
    %c0_i32_0 = arith.constant 0 : i32
    return %arg0, %c0_i32 : i32, i32
  }
  func.func @transform_1(%arg0: i32) -> (i32, i32) {
    %c0_i32 = arith.constant 0 : i32
    %c0_i32_0 = arith.constant 0 : i32
    return %arg0, %c0_i32 : i32, i32
  }
  func.func @transform_2(%arg0: i32) -> (i32, i32) {
    %c0_i32 = arith.constant 0 : i32
    %c0_i32_0 = arith.constant 0 : i32
    %c0_i32_1 = arith.constant 0 : i32
    return %c0_i32, %c0_i32_0 : i32, i32
  }
  func.func @transform_3(%arg0: i32) -> i32 {
    %c0_i32 = arith.constant 0 : i32
    %c0_i32_0 = arith.constant 0 : i32
    return %c0_i32 : i32
  }
  func.func @transform_4(%arg0: i32) -> i32 {
    %c0_i32 = arith.constant 0 : i32
    return %arg0 : i32
  }
  func.func @transform_5(%arg0: i32) -> i32 {
    %c0_i32 = arith.constant 0 : i32
    return %arg0 : i32
  }
  func.func @transform_6(%arg0: i32) -> (i32, i32) {
    %c0_i32 = arith.constant 0 : i32
    %c0_i32_0 = arith.constant 0 : i32
    return %arg0, %c0_i32 : i32, i32
  }
}

module attributes {stable_mosaic.version = 14 : i64} {
  func.func @_fin_body(%arg0: i32, %arg1: memref<1024x128xf32, #tpu.memory_space<vmem>>, %arg2: memref<64xf32, #tpu.memory_space<vmem>>, %arg3: memref<1024xf32, #tpu.memory_space<vmem>>, %arg4: memref<1024x64xf32, #tpu.memory_space<vmem>>) attributes {dimension_semantics = [#tpu.dimension_semantics<arbitrary>], iteration_bounds = array<i64: 10>, scalar_prefetch = 0 : i64, scratch_operands = 0 : i64, tpu.core_type = #tpu.core_type<tc>, window_params = [{transform_indices = @transform_0, window_bounds = array<i64: 1024, 128>}, {pipeline_mode = #tpu.pipeline_mode<synchronous>, transform_indices = @transform_1, window_bounds = array<i64: 64>}, {transform_indices = @transform_2, window_bounds = array<i64: 1024>}, {transform_indices = @transform_3, window_bounds = array<i64: 1024, 64>}]} {
    %get3A = arith.constant 0 : index
    %get3A_0 = vector.load %arg3[%get3A] : memref<1024xf32, #tpu.memory_space<vmem>>, vector<1024xf32>
    %max3A = arith.constant 1.000000e+00 : f32
    %max3A_1 = vector.broadcast %max3A : f32 to vector<1024xf32>
    %max3A_2 = arith.maximumf %get3A_0, %max3A_1 : vector<1024xf32>
    %rsqrt3A = math.rsqrt %max3A_2 : vector<1024xf32>
    %broadcast_in_dim3A = vector.shape_cast %rsqrt3A : vector<1024xf32> to vector<1024x1xf32>
    %get3A_3 = arith.constant 0 : index
    %get3A_4 = arith.constant 0 : index
    %get3A_5 = vector.load %arg1[%get3A_3, %get3A_4] : memref<1024x128xf32, #tpu.memory_space<vmem>>, vector<1024x64xf32>
    %mul3A = vector.broadcast %broadcast_in_dim3A : vector<1024x1xf32> to vector<1024x64xf32>
    %mul3A_6 = arith.mulf %get3A_5, %mul3A : vector<1024x64xf32>
    %get3A_7 = arith.constant 0 : index
    %get3A_8 = vector.load %arg2[%get3A_7] : memref<64xf32, #tpu.memory_space<vmem>>, vector<64xf32>
    %broadcast_in_dim3A_9 = vector.shape_cast %get3A_8 : vector<64xf32> to vector<1x64xf32>
    %add3A = vector.broadcast %broadcast_in_dim3A_9 : vector<1x64xf32> to vector<1024x64xf32>
    %add3A_10 = arith.addf %mul3A_6, %add3A : vector<1024x64xf32>
    %swap3A = arith.constant 0 : index
    %swap3A_11 = arith.constant 0 : index
    %swap3A_12 = vector.load %arg4[%swap3A, %swap3A_11] : memref<1024x64xf32, #tpu.memory_space<vmem>>, vector<1024x64xf32>
    tpu.vector_store %arg4[%swap3A, %swap3A_11], %add3A_10 {strides = array<i32>} : memref<1024x64xf32, #tpu.memory_space<vmem>>, vector<1024x64xf32>,
    return
  }
  func.func @transform_0(%arg0: i32) -> (i32, i32) {
    %c0_i32 = arith.constant 0 : i32
    %c0_i32_0 = arith.constant 0 : i32
    return %arg0, %c0_i32 : i32, i32
  }
  func.func @transform_1(%arg0: i32) -> i32 {
    %c0_i32 = arith.constant 0 : i32
    %c0_i32_0 = arith.constant 0 : i32
    return %c0_i32 : i32
  }
  func.func @transform_2(%arg0: i32) -> i32 {
    %c0_i32 = arith.constant 0 : i32
    return %arg0 : i32
  }
  func.func @transform_3(%arg0: i32) -> (i32, i32) {
    %c0_i32 = arith.constant 0 : i32
    %c0_i32_0 = arith.constant 0 : i32
    return %arg0, %c0_i32 : i32, i32
  }
}

</mosaic_0001>

<sc_bundles>
// kernel: kernel.10.cloned.1.call-start
scs
__scs_entry_jumppad:
0x0: {  	(pc) =	sbr.rel $0x88, $3  }
0x1: {  	(tag) =	ssettag $0x0;
	lr =	simm.s32 $0x1  }
0x2: {  	[smem:$0x3F99] =	sst lr;
	_ =	strace $0xD0000000  }
0x3: {  	_ = 	snop  }
0x4: {  	_ = 	snop  }
0x5: {  	_ = 	snop  }
0x6: {  	_ = 	snop  }
0x7: {  	_ = 	snop  }
__scs_overlays_trampoline_lowered:
0x8: {  	[smem:$0x3FA8] =	sst s0  }
0x9: {  	[smem:$0x3FA9] =	sst s1  }
0xa: {  	[smem:$0x3FAA] =	sst s2  }
0xb: {  	[smem:$0x3FAB] =	sst s3  }
0xc: {  	[smem:$0x3FAC] =	sst s4  }
0xd: {  	[smem:$0x3FAD] =	sst s5  }
0xe: {  	[smem:$0x3FAE] =	sst s6  }
0xf: {  	[smem:$0x3FAF] =	sst s7  }
0x10: {  	[smem:$0x3FB0] =	sst s8  }
0x11: {  	[smem:$0x3FB1] =	sst s9;
	s0 =	simm.s32 @!p0 $0x0  }
0x12: {  	s1 =	sld [smem:$0x3F97];
	s0 =	simm.s32 @p0 $0x1  }
0x13: {  	[smem:$0x3FB2] =	sst s0;
	s0 =	simm.s32 @!p1 $0x0  }
0x14: {  	s2 =	sld [smem:$0x3F96];
	s0 =	simm.s32 @p1 $0x1  }
0x15: {  	[smem:$0x3FB3] =	sst s0;
	s0 =	simm.s32 @!p2 $0x0  }
0x16: {  	s3 =	sld [smem:$0x3FDB];
	s0 =	simm.s32 @p2 $0x1  }
0x17: {  	s4 =	simm.s32 $0x1BF5;
	[smem:$0x3FB5] =	sst s0  }
0x18: {  	s0 =	sld [smem:$0x3F98];
	_ =	swait.ge [sflag:s4], $0x0  }
0x19: {  	s7 =	sld [smem:$0x3F99]  }
0x1a: {  	s8 =	sadd.s32 $0xFFFFE003, lr  }
0x1b: {  	s9 =	sadd.s32 $0xFFFFFEF7, lr;
	s5 =	simm.s32 $0xFFFFFFFF;
	p2 =	slt.u32 s8, $0xFFFFF086  }
0x1c: {  	p1 =	slt.u32 s9, $0xF7A;
	s5 =	simm.s32 @!p2 $0x0  }
0x1d: {  	s5 =	simm.s32 @p1 $0x1;
	p0 =	seq.s32 s7, s2  }
0x1e: {  	s7 =	smul.u32 @!p0 $0xF7A, s2;
	p2 =	seq.s32 @!p0 s5, $0x0  }
0x1f: {  	s9 =	smul.u32 $0xF7A, s1;
	s8 =	simm.s32 @!p0 $0x1BF5;
	p2 =	por !p2, p0  }
0x20: {  	[sflag:s8] =	ssyncset.s32 @!p0 $0xFFFFF086;
	s6 =	sadd.s32 @!p0 s3, s7;
	s7 =	simm.s32 @!p0 $0x108  }
0x21: {  	s3 =	sadd.s32 s3, s9;
	s6 =	sadd.s32 @!p0 $0x88, s6;
	s7 =	simm.s32 @p2 $0x1082  }
0x22: {  	[simem:s7], [sflag:s8] =	dma.local @!p0 [hbm:s6], $0xF7A  }
0x23: {  	s9 =	sor.u32 $0xD0000000, s2;
	s6 =	simm.s32 $0x108;
	_ =	swait.ge @!p0 [sflag:s8], $0x0  }
0x24: {  	s3 =	sadd.s32 $0x88, s3;
	s6 =	simm.s32 @!p1 $0x1082;
	[sflag:s4] =	ssyncset.s32 $0xFFFFF086  }
0x25: {  	[simem:s6], [sflag:s4] =	dma.local [hbm:s3], $0xF7A  }
0x26: {  	[smem:$0x3F99] =	sst s1;
	(tag) =	ssettag s2;
	_ =	strace s9  }
0x27: {  	s1 =	sld [smem:$0x3FA9]  }
0x28: {  	s2 =	sld [smem:$0x3FAA]  }
0x29: {  	s4 =	sld [smem:$0x3FAC]  }
0x2a: {  	p0 =	seq.s32 s5, $0x0;
	s5 =	sld [smem:$0x3FAD]  }
0x2b: {  	s6 =	sld [smem:$0x3FAE]  }
0x2c: {  	s7 =	sld [smem:$0x3FAF]  }
0x2d: {  	s3 =	simm.s32 $0x108;
	s8 =	sld [smem:$0x3FB0]  }
0x2e: {  	s3 =	simm.s32 @!p0 $0x1082;
	s9 =	sld [smem:$0x3FB1]  }
0x2f: {  	lr =	sadd.s32 s0, s3;
	s0 =	sld [smem:$0x3FA8]  }
0x30: {  	s3 =	sld [smem:$0x3FAB]  }
0x31: {  	[smem:$0x3FB4] =	sst s10  }
0x32: {  	s10 =	sld [smem:$0x3FB2];
	_ =	sdelay $0x3  }
0x33: {  	p0 =	seq.s32 s10, $0x1;
	s10 =	sld [smem:$0x3FB4];
	_ =	sdelay $0x3  }
0x34: {  	[smem:$0x3FB4] =	sst s10  }
0x35: {  	s10 =	sld [smem:$0x3FB3];
	_ =	sdelay $0x3  }
0x36: {  	p1 =	seq.s32 s10, $0x1;
	s10 =	sld [smem:$0x3FB4];
	_ =	sdelay $0x3  }
0x37: {  	[smem:$0x3FB4] =	sst s10  }
0x38: {  	s10 =	sld [smem:$0x3FB5]  }
0x39: {  	_ = 	snop;
	(pc) =	sbr.ind lr, $3  }
0x3a: {  	_ = 	snop  }
0x3b: {  	_ = 	snop  }
0x3c: {  	p2 =	seq.s32 s10, $0x1;
	s10 =	sld [smem:$0x3FB4]  }
0x3d: {  	_ =	shalt  }
0x3e: {  	_ =	shalt  }
0x3f: {  	_ =	shalt  }
0x40: {  	_ =	shalt  }
0x41: {  	_ =	shalt  }
0x42: {  	_ =	shalt  }
0x43: {  	_ =	shalt  }
0x44: {  	_ =	shalt  }
0x45: {  	_ =	shalt  }
0x46: {  	_ =	shalt  }
0x47: {  	_ =	shalt  }
0x48: {  	_ =	shalt  }
0x49: {  	_ =	shalt  }
0x4a: {  	_ =	shalt  }
0x4b: {  	_ =	shalt  }
0x4c: {  	_ =	shalt  }
0x4d: {  	_ =	shalt  }
0x4e: {  	_ =	shalt  }
0x4f: {  	_ =	shalt  }
0x50: {  	_ =	shalt  }
0x51: {  	_ =	shalt  }
0x52: {  	_ =	shalt  }
0x53: {  	_ =	shalt  }
0x54: {  	_ =	shalt  }
0x55: {  	_ =	shalt  }
0x56: {  	_ =	shalt  }
0x57: {  	_ =	shalt  }
0x58: {  	_ =	shalt  }
0x59: {  	_ =	shalt  }
0x5a: {  	_ =	shalt  }
0x5b: {  	_ =	shalt  }
0x5c: {  	_ =	shalt  }
0x5d: {  	_ =	shalt  }
0x5e: {  	_ =	shalt  }
0x5f: {  	_ =	shalt  }
0x60: {  	_ =	shalt  }
0x61: {  	_ =	shalt  }
0x62: {  	_ =	shalt  }
0x63: {  	_ =	shalt  }
0x64: {  	_ =	shalt  }
0x65: {  	_ =	shalt  }
0x66: {  	_ =	shalt  }
0x67: {  	_ =	shalt  }
0x68: {  	_ =	shalt  }
0x69: {  	_ =	shalt  }
0x6a: {  	_ =	shalt  }
0x6b: {  	_ =	shalt  }
0x6c: {  	_ =	shalt  }
0x6d: {  	_ =	shalt  }
0x6e: {  	_ =	shalt  }
0x6f: {  	_ =	shalt  }
0x70: {  	_ =	shalt  }
0x71: {  	_ =	shalt  }
0x72: {  	_ =	shalt  }
0x73: {  	_ =	shalt  }
0x74: {  	_ =	shalt  }
0x75: {  	_ =	shalt  }
0x76: {  	_ =	shalt  }
0x77: {  	_ =	shalt  }
0x78: {  	_ =	shalt  }
0x79: {  	_ =	shalt  }
0x7a: {  	_ =	shalt  }
0x7b: {  	_ =	shalt  }
0x7c: {  	_ =	shalt  }
0x7d: {  	_ =	shalt  }
0x7e: {  	_ =	shalt  }
0x7f: {  	_ =	shalt  }
0x80: {  	_ =	shalt  }
0x81: {  	_ =	shalt  }
0x82: {  	_ =	shalt  }
0x83: {  	_ =	shalt  }
0x84: {  	_ =	shalt  }
0x85: {  	_ =	shalt  }
0x86: {  	_ =	shalt  }
0x87: {  	_ =	shalt  }
.Lfunc_end0:
.L_simem_size_0:
called_computation_lowered:
.L_overlay_start_0:
0x88: {  	s2 =	sld [smem:$0x3FD9]  }
0x89: {  	s3 =	sld [smem:$0x3FFE];
	_ =	sdelay $0x1  }
0x8a: {  	s1 =	srdreg.scid  }
0x8b: {  	s0 =	sand.u32 $0x1, s1  }
0x8c: {  	s17 =	sshll.u32 s0, $0xA;
	s2 =	sadd.s32 s3, s2  }
0x8d: {  	s2 =	sadd.s32 s2, s17  }
0x8e: {  	[smem:$0x3FC0] =	sst s2  }
0x8f: {  	_ = 	snop  }
0x90: {  	s2 =	sld [smem:$0x3FD0];
	(tm) =	ssettm $0x1  }
0x91: {  	s18 =	sld [smem:$0x3FFB];
	_ =	sdelay $0x3  }
0x92: {  	_ =	strace s18  }
0x93: {  	s3 =	sld [smem:$0x3FFC];
	_ =	sdelay $0x3  }
0x94: {  	_ =	strace s3  }
0x95: {  	s3 =	sld [smem:$0x3FFD];
	_ =	sdelay $0x3  }
0x96: {  	_ =	strace s3  }
0x97: {  	_ =	strace $0x8FFFFFFF  }
0x98: {  	s19 =	sld [smem:$0x3FDB];
	_ =	sdelay $0x1  }
0x99: {  	s4 =	simm.s32 $_scs_section_size  }
0x9a: {  	s5 =	simm.s32 $_size__tile_overlayer_lowered;
	s6 =	simm.s32 $_tile_overlayer_lowered  }
0x9b: {  	s22 =	simm.s32 $0x1BFF;
	s21 =	sshll.u32 s6, $0x1;
	s3 =	sadd.s32 s4, s19  }
0x9c: {  	s7 =	simm.s32 $0x0;
	s20 =	sshll.u32 s5, $0x1;
	s5 =	sadd.s32 s21, s3  }
0x9d: {  	[timem:s7], [sflag:s22] =	dma.local [hbm:s5], s20  }
0x9e: {  	_ =	swait.ge [sflag:s22], s20  }
0x9f: {  	s4 =	ssub.s32 $0x0, s20;
	[sflag:s22] =	ssyncset.done $0x0  }
0xa0: {  	[sflag:s22] =	ssyncadd.s32 s4;
	_ =	sdelay $0x1  }
0xa1: {  	s23 =	simm.s32 $0x1B8B  }
0xa2: {  	_ =	swait.ge [sflag:s23], $0x1  }
0xa3: {  	[sflag:s23] =	ssyncset.done $0x0  }
0xa4: {  	s25 =	simm.s32 $0x1B8E;
	s24 =	sld [smem:$0x3FFE];
	[sflag:s23] =	ssyncadd.s32 $0xFFFFFFFF  }
0xa5: {  	s26 =	simm.s32 $execute0_lowered;
	[smem:$0x3FD2] =	sst s25  }
0xa6: {  	s5 =	sshll.u32 s26, $0x1;
	_ =	strace $0x80000046;
	[dreg:$0x1] =	wrdreg $0xFFFFFFFF  }
0xa7: {  	s28 =	simm.s32 $_size_execute0_lowered;
	s3 =	sadd.s32 s3, s5;
	[dreg:$0x0] =	wrdreg $0x0  }
0xa8: {  	s5 =	sshll.u32 s28, $0x1;
	[dreg:$0x2] =	wrdreg s3  }
0xa9: {  	[dreg:$0x3] =	wrdreg s5  }
0xaa: {  	[dreg:$0x4] =	wrdreg $0xC0  }
0xab: {  	_ =	task [dreg:s7], $0x5FFFF  }
0xac: {  	[dreg:$0x1] =	wrdreg $0xFFFFFFFF  }
0xad: {  	[dreg:$0x0] =	wrdreg $0x60  }
0xae: {  	[dreg:$0x2] =	wrdreg s2  }
0xaf: {  	[dreg:$0x3] =	wrdreg s24  }
0xb0: {  	[dreg:$0x4] =	wrdreg $0x2800  }
0xb1: {  	[dreg:$0x5] =	wrdreg $0x9  }
0xb2: {  	_ =	task.clear_ibuf [dreg:s7], $0x6FFFF;
	_ =	strace $0x90000046  }
0xb3: {  	s29 =	simm.s32 $0x9;
	_ =	strace $0x80000048  }
0xb4: {  	_ =	swait.ge [sflag:s29], $0x1  }
0xb5: {  	[sflag:s29] =	ssyncadd.s32 $0xFFFFFFFF  }
0xb6: {  	_ =	strace $0x90000048  }
0xb7: {  	_ =	sfence  }
0xb8: {  	s30 =	sld [smem:$0x0];
	_ =	sdelay $0x2  }
0xb9: {  	s31 =	sshll.u32 s1, $0xD;
	s1 =	sshrl.u32 s1, $0x2  }
0xba: {  	s3 =	sand.u32 $0x4000, s31;
	s1 =	sadd.s32 s1, s30  }
0xbb: {  	s0 =	sor.u32 s3, s0;
	s1 =	sshll.u32 s1, $0x11  }
0xbc: {  	s0 =	sor.u32 s1, s0  }
0xbd: {  	s0 =	sadd.s32 $0x8F2B, s0  }
0xbe: {  	[sflag:s0] =	ssyncadd.remote.s32 $0x1  }
0xbf: {  	_ =	sfence.sel $0xFFFF  }
0xc0: {  	[dreg:$0x0] =	wrdreg $0xFFFFFFFF;
	(pc) =	sbr.abs _section_cstart, $3  }
0xc1: {  	[dreg:$0x1] =	wrdreg $0xFFFFFFFF  }
0xc2: {  	_ =	task.clear_ibuf [dreg:s7], $0x2FFFF;
	_ =	strace $0x9FFFFFFF  }
0xc3: {  	(tm) =	ssettm $0x7FFFFFFF  }
tec
execute0_lowered:
.L_overlay_start_1:
0x0: {  	(tag) =	ssettag $0x1  }
0x1: {  	s6 =	rddreg [dreg:$0x0]  }
0x2: {  	s4 =	rddreg [dreg:$0x1]  }
0x3: {  	s2 =	rddreg [dreg:$0x2]  }
0x4: {  	s0 =	rddreg [dreg:$0x3];
	s1 =	stileid.u32  }
0x5: {  	s5 =	srdreg.scid;
	s3 =	simm.s32 $0x0;
	s14 =	simm.s32 $0x2  }
0x6: {  	s15 =	simm.s32 $0x80;
	s16 =	simm.s32 $0x100;
	s17 =	simm.s32 $0x180  }
0x7: {  	s18 =	simm.s32 $0x1;
	s19 =	simm.s32 $0x50;
	s7 =	smul.u32 $0x280, s1  }
0x8: {  	s20 =	simm.s32 $0x200;
	s5 =	sand.u32 $0x1, s5;
	s11 =	smul.u32 $0x2710, s1  }
0x9: {  	s21 =	simm.s32 $0x0;
	[smem:$0x7FF] =	sst s3;
	s8 =	smul.u32 $0x2800, s5  }
0xa: {  	s30 =	sshll.u32 s1, $0x6;
	s10 =	smul.u32 $0x27100, s5;
	s5 =	ssub.s32 $0x2, s5  }
0xb: {  	_ =	strace $0x80000047;
	s9 =	sshrl.u32 s7, $0x3;
	s12 =	sshrl.u32 s5, $0x1  }
0xc: {  	s13 =	sadd.s32 s7, s2;
	s8 =	sadd.s32 s7, s8;
	s9 =	sadd.s32 s9, s4  }
0xd: {  	s12 =	ssub.s32 s5, s12;
	s29 =	sadd.s32 s11, s10;
	s5 =	sor.u32 $0x1C02, s30  }
0xe: {  	s13 =	sshrl.u32 s13, $0x3;
	s8 =	sshrl.u32 s8, $0x3;
	s31 =	sshrl.u32 s29, $0x3  }
0xf: {  	s8 =	sadd.s32 s8, s4;
	s4 =	sadd.s32 $0x4200, s9;
	s6 =	sadd.s32 s31, s6  }
0x10: {  	s9 =	smax.u32 s12, $0x1;
	s7 =	sadd.s32 $0x4D8, s6;
	s8 =	sadd.s32 $0x4800, s8  }
0x11: {  	v0 =	vimm.f32 $1.000000000e+00;
	s10 =	sadd.s32 $0x1E, s6;
	s11 =	sadd.s32 $0x14, s6;
	s12 =	sadd.s32 $0xA, s6  }
.LBB2_1:
0x12: {  	[spmem:s13], [sflag:s5] =	dma.local [hbm:s4], $0x50  }
0x13: {  	_ =	swait.ge [sflag:s14], $0x50  }
0x14: {  	[sflag:s14] =	ssyncset.done $0x0  }
0x15: {  	[sflag:s14] =	ssyncadd.s32 $0xFFFFFFB0  }
0x16: {  	[tilespmem:$0x200] =	vst v0  }
0x17: {  	[tilespmem:$0x210] =	vst v0  }
0x18: {  	[tilespmem:$0x220] =	vst v0  }
0x19: {  	[tilespmem:$0x230] =	vst v0  }
0x1a: {  	[tilespmem:$0x240] =	vst v0  }
0x1b: {  	s22 =	sadd.s32 $0x0, s6;
	[bflag:$0x0] =	sbarrier.arrive $0xFFFF  }
0x1c: {  	[tilespmem:s3], [sflag:$0x1] =	stream.linear.gather [hbm4b:s22+s3], $0x50, $0x38;
	[tilespmem:$0x500] =	vst v63  }
0x1d: {  	s29 =	sadd.s32 $0x0, s12  }
0x1e: {  	[tilespmem:s15], [sflag:$0x1] =	stream.linear.gather [hbm4b:s29+s3], $0x50, $0x38;
	[tilespmem:$0x500] =	vst v63  }
0x1f: {  	s30 =	sadd.s32 $0x0, s11  }
0x20: {  	[tilespmem:s16], [sflag:$0x1] =	stream.linear.gather [hbm4b:s30+s3], $0x50, $0x38;
	[tilespmem:$0x500] =	vst v63  }
0x21: {  	s31 =	sadd.s32 $0x0, s10  }
0x22: {  	[tilespmem:s17], [sflag:$0x1] =	stream.linear.gather [hbm4b:s31+s3], $0x50, $0x38;
	[tilespmem:$0x500] =	vst v63  }
0x23: {  	_ =	swait.ge [sflag:s18], $0x50  }
0x24: {  	[sflag:s18] =	ssyncset.done $0x0  }
0x25: {  	[sflag:s18] =	ssyncadd.s32 $0xFFFFFFB0  }
0x26: {  	[spmem:s2] =	stream.indirect.scatter.add.f32 [tilespmem:s20], [sflag:$0x2], $0x1, s3, s19, $0xb8;
	[tilespmem:$0x500] =	vst v63  }
0x27: {  	_ =	swait.ge [sflag:s14], $0x50  }
0x28: {  	[sflag:s14] =	ssyncset.done $0x0  }
0x29: {  	[sflag:s14] =	ssyncadd.s32 $0xFFFFFFB0  }
0x2a: {  	_ =	swait.ge [sflag:s18], $0x50  }
0x2b: {  	[sflag:s18] =	ssyncset.done $0x0  }
0x2c: {  	[sflag:s18] =	ssyncadd.s32 $0xFFFFFFB0  }
0x2d: {  	[spmem:s2] =	stream.indirect.scatter.add.f32 [tilespmem:s20], [sflag:$0x2], $0x1, s15, s19, $0xb8;
	[tilespmem:$0x500] =	vst v63  }
0x2e: {  	_ =	swait.ge [sflag:s14], $0x50  }
0x2f: {  	[sflag:s14] =	ssyncset.done $0x0  }
0x30: {  	[sflag:s14] =	ssyncadd.s32 $0xFFFFFFB0  }
0x31: {  	_ =	swait.ge [sflag:s18], $0x50  }
0x32: {  	[sflag:s18] =	ssyncset.done $0x0  }
0x33: {  	[sflag:s18] =	ssyncadd.s32 $0xFFFFFFB0  }
0x34: {  	[spmem:s2] =	stream.indirect.scatter.add.f32 [tilespmem:s20], [sflag:$0x2], $0x1, s16, s19, $0xb8;
	[tilespmem:$0x500] =	vst v63  }
0x35: {  	_ =	swait.ge [sflag:s14], $0x50  }
0x36: {  	[sflag:s14] =	ssyncset.done $0x0  }
0x37: {  	[sflag:s14] =	ssyncadd.s32 $0xFFFFFFB0  }
0x38: {  	_ =	swait.ge [sflag:s18], $0x50  }
0x39: {  	[sflag:s18] =	ssyncset.done $0x0  }
0x3a: {  	[sflag:s18] =	ssyncadd.s32 $0xFFFFFFB0  }
0x3b: {  	[spmem:s2] =	stream.indirect.scatter.add.f32 [tilespmem:s20], [sflag:$0x2], $0x1, s17, s19, $0xb8;
	[tilespmem:$0x500] =	vst v63  }
0x3c: {  	_ =	swait.ge [sflag:s14], $0x50  }
0x3d: {  	s24 =	simm.s32 $0x50;
	s22 =	simm.s32 $0x28;
	[sflag:s14] =	ssyncset.done $0x0  }
.LBB2_2:
0x3e: {  	s25 =	sadd.s32 s22, s6  }
0x3f: {  	[sflag:s14] =	ssyncadd.s32 $0xFFFFFFB0;
	s26 =	smov.u32 s24;
	s23 =	sadd.s32 $0x28, s24  }
0x40: {  	[tilespmem:s3], [sflag:$0x1] =	stream.linear.gather [hbm4b:s25+s3], $0x50, $0x38;
	[tilespmem:$0x500] =	vst v63  }
0x41: {  	p0 =	sne.s32 s24, $0x4B0;
	s24 =	sadd.s32 s22, s12  }
0x42: {  	[tilespmem:s15], [sflag:$0x1] =	stream.linear.gather [hbm4b:s24+s3], $0x50, $0x38;
	[tilespmem:$0x500] =	vst v63  }
0x43: {  	s24 =	sadd.s32 s22, s11  }
0x44: {  	[tilespmem:s16], [sflag:$0x1] =	stream.linear.gather [hbm4b:s24+s3], $0x50, $0x38;
	[tilespmem:$0x500] =	vst v63  }
0x45: {  	s24 =	sadd.s32 s22, s10;
	s22 =	smov.u32 s26  }
0x46: {  	[tilespmem:s17], [sflag:$0x1] =	stream.linear.gather [hbm4b:s24+s3], $0x50, $0x38;
	[tilespmem:$0x500] =	vst v63  }
0x47: {  	_ =	swait.ge [sflag:s18], $0x50  }
0x48: {  	[sflag:s18] =	ssyncset.done $0x0  }
0x49: {  	[sflag:s18] =	ssyncadd.s32 $0xFFFFFFB0  }
0x4a: {  	[spmem:s2] =	stream.indirect.scatter.add.f32 [tilespmem:s20], [sflag:$0x2], $0x1, s3, s19, $0xb8;
	[tilespmem:$0x500] =	vst v63  }
0x4b: {  	_ =	swait.ge [sflag:s14], $0x50  }
0x4c: {  	[sflag:s14] =	ssyncset.done $0x0  }
0x4d: {  	[sflag:s14] =	ssyncadd.s32 $0xFFFFFFB0  }
0x4e: {  	_ =	swait.ge [sflag:s18], $0x50  }
0x4f: {  	[sflag:s18] =	ssyncset.done $0x0  }
0x50: {  	[sflag:s18] =	ssyncadd.s32 $0xFFFFFFB0  }
0x51: {  	[spmem:s2] =	stream.indirect.scatter.add.f32 [tilespmem:s20], [sflag:$0x2], $0x1, s15, s19, $0xb8;
	[tilespmem:$0x500] =	vst v63  }
0x52: {  	_ =	swait.ge [sflag:s14], $0x50  }
0x53: {  	[sflag:s14] =	ssyncset.done $0x0  }
0x54: {  	[sflag:s14] =	ssyncadd.s32 $0xFFFFFFB0  }
0x55: {  	_ =	swait.ge [sflag:s18], $0x50  }
0x56: {  	[sflag:s18] =	ssyncset.done $0x0  }
0x57: {  	[sflag:s18] =	ssyncadd.s32 $0xFFFFFFB0  }
0x58: {  	[spmem:s2] =	stream.indirect.scatter.add.f32 [tilespmem:s20], [sflag:$0x2], $0x1, s16, s19, $0xb8;
	[tilespmem:$0x500] =	vst v63  }
0x59: {  	_ =	swait.ge [sflag:s14], $0x50  }
0x5a: {  	[sflag:s14] =	ssyncset.done $0x0  }
0x5b: {  	[sflag:s14] =	ssyncadd.s32 $0xFFFFFFB0  }
0x5c: {  	_ =	swait.ge [sflag:s18], $0x50  }
.Ltmp0:
0x5d: {  	[sflag:s18] =	ssyncset.done $0x0;
	(pc) =	sbr.rel @p0 .LBB2_2-.Ltmp0, $4  }
0x5e: {  	[sflag:s18] =	ssyncadd.s32 $0xFFFFFFB0  }
0x5f: {  	[spmem:s2] =	stream.indirect.scatter.add.f32 [tilespmem:s20], [sflag:$0x2], $0x1, s17, s19, $0xb8;
	[tilespmem:$0x500] =	vst v63  }
0x60: {  	_ =	swait.ge [sflag:s14], $0x50  }
0x61: {  	s24 =	smov.u32 s23;
	[sflag:s14] =	ssyncset.done $0x0  }
0x62: {  	s23 =	sadd.s32 s22, s6;
	[sflag:s14] =	ssyncadd.s32 $0xFFFFFFB0  }
0x63: {  	[tilespmem:s3], [sflag:$0x1] =	stream.linear.gather [hbm4b:s23+s3], $0x50, $0x38;
	[tilespmem:$0x500] =	vst v63  }
0x64: {  	s29 =	sadd.s32 s22, s12  }
0x65: {  	[tilespmem:s15], [sflag:$0x1] =	stream.linear.gather [hbm4b:s29+s3], $0x50, $0x38;
	[tilespmem:$0x500] =	vst v63  }
0x66: {  	s30 =	sadd.s32 s22, s11  }
0x67: {  	[tilespmem:s16], [sflag:$0x1] =	stream.linear.gather [hbm4b:s30+s3], $0x50, $0x38;
	[tilespmem:$0x500] =	vst v63  }
0x68: {  	s31 =	sadd.s32 s22, s10  }
0x69: {  	[tilespmem:s17], [sflag:$0x1] =	stream.linear.gather [hbm4b:s31+s3], $0x50, $0x38;
	[tilespmem:$0x500] =	vst v63  }
0x6a: {  	_ =	swait.ge [sflag:s18], $0x50  }
0x6b: {  	[sflag:s18] =	ssyncset.done $0x0  }
0x6c: {  	[sflag:s18] =	ssyncadd.s32 $0xFFFFFFB0  }
0x6d: {  	[spmem:s2] =	stream.indirect.scatter.add.f32 [tilespmem:s20], [sflag:$0x2], $0x1, s3, s19, $0xb8;
	[tilespmem:$0x500] =	vst v63  }
0x6e: {  	_ =	swait.ge [sflag:s14], $0x50  }
0x6f: {  	[sflag:s14] =	ssyncset.done $0x0  }
0x70: {  	[sflag:s14] =	ssyncadd.s32 $0xFFFFFFB0  }
0x71: {  	_ =	swait.ge [sflag:s18], $0x50  }
0x72: {  	[sflag:s18] =	ssyncset.done $0x0  }
0x73: {  	[sflag:s18] =	ssyncadd.s32 $0xFFFFFFB0  }
0x74: {  	[spmem:s2] =	stream.indirect.scatter.add.f32 [tilespmem:s20], [sflag:$0x2], $0x1, s15, s19, $0xb8;
	[tilespmem:$0x500] =	vst v63  }
0x75: {  	_ =	swait.ge [sflag:s14], $0x50  }
0x76: {  	[sflag:s14] =	ssyncset.done $0x0  }
0x77: {  	[sflag:s14] =	ssyncadd.s32 $0xFFFFFFB0  }
0x78: {  	_ =	swait.ge [sflag:s18], $0x50  }
0x79: {  	[sflag:s18] =	ssyncset.done $0x0  }
0x7a: {  	[sflag:s18] =	ssyncadd.s32 $0xFFFFFFB0  }
0x7b: {  	[spmem:s2] =	stream.indirect.scatter.add.f32 [tilespmem:s20], [sflag:$0x2], $0x1, s16, s19, $0xb8;
	[tilespmem:$0x500] =	vst v63  }
0x7c: {  	_ =	swait.ge [sflag:s14], $0x50  }
0x7d: {  	[sflag:s14] =	ssyncset.done $0x0  }
0x7e: {  	[sflag:s14] =	ssyncadd.s32 $0xFFFFFFB0  }
0x7f: {  	_ =	swait.ge [sflag:s18], $0x50  }
0x80: {  	[sflag:s18] =	ssyncset.done $0x0  }
0x81: {  	[sflag:s18] =	ssyncadd.s32 $0xFFFFFFB0  }
0x82: {  	[spmem:s2] =	stream.indirect.scatter.add.f32 [tilespmem:s20], [sflag:$0x2], $0x1, s17, s19, $0xb8;
	[tilespmem:$0x500] =	vst v63  }
0x83: {  	_ =	swait.ge [sflag:s14], $0x50  }
0x84: {  	[sflag:s14] =	ssyncset.done $0x0  }
0x85: {  	[sflag:s14] =	ssyncadd.s32 $0xFFFFFFB0  }
0x86: {  	[tilespmem:s3], [sflag:$0x2] =	stream.linear.gather [hbm4b:s7+s3], $0x50, $0x38;
	[tilespmem:$0x500] =	vst v63  }
0x87: {  	_ =	swait.ge [sflag:s14], $0x50  }
0x88: {  	[sflag:s14] =	ssyncset.done $0x0  }
0x89: {  	[sflag:s14] =	ssyncadd.s32 $0xFFFFFFB0  }
0x8a: {  	[spmem:s2] =	stream.indirect.scatter.add.f32 [tilespmem:s20], [sflag:$0x2], $0x1, s3, s19, $0xb8;
	[tilespmem:$0x500] =	vst v63  }
0x8b: {  	_ =	swait.ge [sflag:s14], $0x50  }
0x8c: {  	s21 =	sadd.s32 $0x1, s21;
	[sflag:s14] =	ssyncset.done $0x0  }
0x8d: {  	p0 =	sne.s32 s21, s9;
	[sflag:s14] =	ssyncadd.s32 $0xFFFFFFB0  }
.Ltmp1:
0x8e: {  	[bflag:$0x0] =	sbarrier.arrive $0xFFFF;
	(pc) =	sbr.rel @p0 .LBB2_1-.Ltmp1, $4  }
0x8f: {  	[hbm:s8], [sflag:s5] =	dma.local [spmem:s13], $0x50  }
0x90: {  	_ =	swait.ge [sflag:s14], $0x50  }
0x91: {  	[sflag:s14] =	ssyncset.done $0x0  }
0x92: {  	[sflag:s14] =	ssyncadd.s32 $0xFFFFFFB0  }
0x93: {  	_ =	sfence.sel $0x180000  }
0x94: {  	[bflag:$0x0] =	sbarrier.arrive $0xFFFF  }
0x95: {  	p0 =	sne.s32 s1, $0x0;
	_ =	strace $0x90000047  }
0x96: {  	s0 =	sadd.s32 @!p0 $0x100000, s0;
	[bflag:$0x2] =	sbarrier.arrive $0xFFFF  }
0x97: {  	[sflag:s0] =	ssyncadd.tile.s32 @!p0 $0x1;
	_ =	shalt  }
.Lfunc_end2:
_tile_overlayer_lowered:
.L_overlay_start_2:
0x98: {  	(tag) =	ssettag $0x2  }
0x99: {  	s0 =	rddreg [dreg:$0x0];
	s2 =	stileid.u32  }
0x9a: {  	s1 =	rddreg [dreg:$0x1];
	p0 =	sne.s32 s2, $0x0  }
0x9b: {  	s3 =	rddreg [dreg:$0x2];
	[bflag:$0x3] =	sbarrier.arrive $0xFFFF;
	s2 =	simm.s32 @!p0 $0x1C02  }
0x9c: {  	[timem:s3], [sflag:s2] =	dma.local @!p0 [hbm:s0], s1  }
0x9d: {  	s0 =	simm.s32 @!p0 $0x2  }
0x9e: {  	_ =	swait.ge @!p0 [sflag:s0], s1  }
0x9f: {  	s1 =	ssub.s32 @!p0 $0x0, s1;
	[sflag:s0] =	ssyncset.done @!p0 $0x0  }
0xa0: {  	[sflag:s0] =	ssyncadd.s32 @!p0 s1  }
0xa1: {  	[bflag:$0x3] =	sbarrier.arrive $0xFFFF  }
0xa2: {  	_ =	shalt  }

// kernel: kernel.13.cloned.1.call-start
scs
__scs_entry_jumppad:
0x0: {  	(pc) =	sbr.rel $0x88, $3  }
0x1: {  	(tag) =	ssettag $0x0;
	lr =	simm.s32 $0x1  }
0x2: {  	[smem:$0x3F99] =	sst lr;
	_ =	strace $0xD0000000  }
0x3: {  	_ = 	snop  }
0x4: {  	_ = 	snop  }
0x5: {  	_ = 	snop  }
0x6: {  	_ = 	snop  }
0x7: {  	_ = 	snop  }
__scs_overlays_trampoline_lowered:
0x8: {  	[smem:$0x3FA8] =	sst s0  }
0x9: {  	[smem:$0x3FA9] =	sst s1  }
0xa: {  	[smem:$0x3FAA] =	sst s2  }
0xb: {  	[smem:$0x3FAB] =	sst s3  }
0xc: {  	[smem:$0x3FAC] =	sst s4  }
0xd: {  	[smem:$0x3FAD] =	sst s5  }
0xe: {  	[smem:$0x3FAE] =	sst s6  }
0xf: {  	[smem:$0x3FAF] =	sst s7  }
0x10: {  	[smem:$0x3FB0] =	sst s8  }
0x11: {  	[smem:$0x3FB1] =	sst s9;
	s0 =	simm.s32 @!p0 $0x0  }
0x12: {  	s1 =	sld [smem:$0x3F97];
	s0 =	simm.s32 @p0 $0x1  }
0x13: {  	[smem:$0x3FB2] =	sst s0;
	s0 =	simm.s32 @!p1 $0x0  }
0x14: {  	s2 =	sld [smem:$0x3F96];
	s0 =	simm.s32 @p1 $0x1  }
0x15: {  	[smem:$0x3FB3] =	sst s0;
	s0 =	simm.s32 @!p2 $0x0  }
0x16: {  	s3 =	sld [smem:$0x3FDB];
	s0 =	simm.s32 @p2 $0x1  }
0x17: {  	s4 =	simm.s32 $0x1BF5;
	[smem:$0x3FB5] =	sst s0  }
0x18: {  	s0 =	sld [smem:$0x3F98];
	_ =	swait.ge [sflag:s4], $0x0  }
0x19: {  	s7 =	sld [smem:$0x3F99]  }
0x1a: {  	s8 =	sadd.s32 $0xFFFFE003, lr  }
0x1b: {  	s9 =	sadd.s32 $0xFFFFFEF7, lr;
	s5 =	simm.s32 $0xFFFFFFFF;
	p2 =	slt.u32 s8, $0xFFFFF086  }
0x1c: {  	p1 =	slt.u32 s9, $0xF7A;
	s5 =	simm.s32 @!p2 $0x0  }
0x1d: {  	s5 =	simm.s32 @p1 $0x1;
	p0 =	seq.s32 s7, s2  }
0x1e: {  	s7 =	smul.u32 @!p0 $0xF7A, s2;
	p2 =	seq.s32 @!p0 s5, $0x0  }
0x1f: {  	s9 =	smul.u32 $0xF7A, s1;
	s8 =	simm.s32 @!p0 $0x1BF5;
	p2 =	por !p2, p0  }
0x20: {  	[sflag:s8] =	ssyncset.s32 @!p0 $0xFFFFF086;
	s6 =	sadd.s32 @!p0 s3, s7;
	s7 =	simm.s32 @!p0 $0x108  }
0x21: {  	s3 =	sadd.s32 s3, s9;
	s6 =	sadd.s32 @!p0 $0x88, s6;
	s7 =	simm.s32 @p2 $0x1082  }
0x22: {  	[simem:s7], [sflag:s8] =	dma.local @!p0 [hbm:s6], $0xF7A  }
0x23: {  	s9 =	sor.u32 $0xD0000000, s2;
	s6 =	simm.s32 $0x108;
	_ =	swait.ge @!p0 [sflag:s8], $0x0  }
0x24: {  	s3 =	sadd.s32 $0x88, s3;
	s6 =	simm.s32 @!p1 $0x1082;
	[sflag:s4] =	ssyncset.s32 $0xFFFFF086  }
0x25: {  	[simem:s6], [sflag:s4] =	dma.local [hbm:s3], $0xF7A  }
0x26: {  	[smem:$0x3F99] =	sst s1;
	(tag) =	ssettag s2;
	_ =	strace s9  }
0x27: {  	s1 =	sld [smem:$0x3FA9]  }
0x28: {  	s2 =	sld [smem:$0x3FAA]  }
0x29: {  	s4 =	sld [smem:$0x3FAC]  }
0x2a: {  	p0 =	seq.s32 s5, $0x0;
	s5 =	sld [smem:$0x3FAD]  }
0x2b: {  	s6 =	sld [smem:$0x3FAE]  }
0x2c: {  	s7 =	sld [smem:$0x3FAF]  }
0x2d: {  	s3 =	simm.s32 $0x108;
	s8 =	sld [smem:$0x3FB0]  }
0x2e: {  	s3 =	simm.s32 @!p0 $0x1082;
	s9 =	sld [smem:$0x3FB1]  }
0x2f: {  	lr =	sadd.s32 s0, s3;
	s0 =	sld [smem:$0x3FA8]  }
0x30: {  	s3 =	sld [smem:$0x3FAB]  }
0x31: {  	[smem:$0x3FB4] =	sst s10  }
0x32: {  	s10 =	sld [smem:$0x3FB2];
	_ =	sdelay $0x3  }
0x33: {  	p0 =	seq.s32 s10, $0x1;
	s10 =	sld [smem:$0x3FB4];
	_ =	sdelay $0x3  }
0x34: {  	[smem:$0x3FB4] =	sst s10  }
0x35: {  	s10 =	sld [smem:$0x3FB3];
	_ =	sdelay $0x3  }
0x36: {  	p1 =	seq.s32 s10, $0x1;
	s10 =	sld [smem:$0x3FB4];
	_ =	sdelay $0x3  }
0x37: {  	[smem:$0x3FB4] =	sst s10  }
0x38: {  	s10 =	sld [smem:$0x3FB5]  }
0x39: {  	_ = 	snop;
	(pc) =	sbr.ind lr, $3  }
0x3a: {  	_ = 	snop  }
0x3b: {  	_ = 	snop  }
0x3c: {  	p2 =	seq.s32 s10, $0x1;
	s10 =	sld [smem:$0x3FB4]  }
0x3d: {  	_ =	shalt  }
0x3e: {  	_ =	shalt  }
0x3f: {  	_ =	shalt  }
0x40: {  	_ =	shalt  }
0x41: {  	_ =	shalt  }
0x42: {  	_ =	shalt  }
0x43: {  	_ =	shalt  }
0x44: {  	_ =	shalt  }
0x45: {  	_ =	shalt  }
0x46: {  	_ =	shalt  }
0x47: {  	_ =	shalt  }
0x48: {  	_ =	shalt  }
0x49: {  	_ =	shalt  }
0x4a: {  	_ =	shalt  }
0x4b: {  	_ =	shalt  }
0x4c: {  	_ =	shalt  }
0x4d: {  	_ =	shalt  }
0x4e: {  	_ =	shalt  }
0x4f: {  	_ =	shalt  }
0x50: {  	_ =	shalt  }
0x51: {  	_ =	shalt  }
0x52: {  	_ =	shalt  }
0x53: {  	_ =	shalt  }
0x54: {  	_ =	shalt  }
0x55: {  	_ =	shalt  }
0x56: {  	_ =	shalt  }
0x57: {  	_ =	shalt  }
0x58: {  	_ =	shalt  }
0x59: {  	_ =	shalt  }
0x5a: {  	_ =	shalt  }
0x5b: {  	_ =	shalt  }
0x5c: {  	_ =	shalt  }
0x5d: {  	_ =	shalt  }
0x5e: {  	_ =	shalt  }
0x5f: {  	_ =	shalt  }
0x60: {  	_ =	shalt  }
0x61: {  	_ =	shalt  }
0x62: {  	_ =	shalt  }
0x63: {  	_ =	shalt  }
0x64: {  	_ =	shalt  }
0x65: {  	_ =	shalt  }
0x66: {  	_ =	shalt  }
0x67: {  	_ =	shalt  }
0x68: {  	_ =	shalt  }
0x69: {  	_ =	shalt  }
0x6a: {  	_ =	shalt  }
0x6b: {  	_ =	shalt  }
0x6c: {  	_ =	shalt  }
0x6d: {  	_ =	shalt  }
0x6e: {  	_ =	shalt  }
0x6f: {  	_ =	shalt  }
0x70: {  	_ =	shalt  }
0x71: {  	_ =	shalt  }
0x72: {  	_ =	shalt  }
0x73: {  	_ =	shalt  }
0x74: {  	_ =	shalt  }
0x75: {  	_ =	shalt  }
0x76: {  	_ =	shalt  }
0x77: {  	_ =	shalt  }
0x78: {  	_ =	shalt  }
0x79: {  	_ =	shalt  }
0x7a: {  	_ =	shalt  }
0x7b: {  	_ =	shalt  }
0x7c: {  	_ =	shalt  }
0x7d: {  	_ =	shalt  }
0x7e: {  	_ =	shalt  }
0x7f: {  	_ =	shalt  }
0x80: {  	_ =	shalt  }
0x81: {  	_ =	shalt  }
0x82: {  	_ =	shalt  }
0x83: {  	_ =	shalt  }
0x84: {  	_ =	shalt  }
0x85: {  	_ =	shalt  }
0x86: {  	_ =	shalt  }
0x87: {  	_ =	shalt  }
.Lfunc_end0:
.L_simem_size_0:
called_computation.1_lowered:
.L_overlay_start_0:
0x88: {  	s2 =	sld [smem:$0x3FD9]  }
0x89: {  	s3 =	sld [smem:$0x3FFE];
	_ =	sdelay $0x1  }
0x8a: {  	s1 =	srdreg.scid  }
0x8b: {  	s0 =	sand.u32 $0x1, s1  }
0x8c: {  	s17 =	sshll.u32 s0, $0xA;
	s2 =	sadd.s32 s3, s2  }
0x8d: {  	s2 =	sadd.s32 s2, s17  }
0x8e: {  	[smem:$0x3FC0] =	sst s2  }
0x8f: {  	_ = 	snop  }
0x90: {  	s2 =	sld [smem:$0x3FD0];
	(tm) =	ssettm $0x1  }
0x91: {  	s18 =	sld [smem:$0x3FFB];
	_ =	sdelay $0x3  }
0x92: {  	_ =	strace s18  }
0x93: {  	s3 =	sld [smem:$0x3FFC];
	_ =	sdelay $0x3  }
0x94: {  	_ =	strace s3  }
0x95: {  	s3 =	sld [smem:$0x3FFD];
	_ =	sdelay $0x3  }
0x96: {  	_ =	strace s3  }
0x97: {  	_ =	strace $0x8FFFFFFF  }
0x98: {  	s19 =	sld [smem:$0x3FDB];
	_ =	sdelay $0x1  }
0x99: {  	s4 =	simm.s32 $_scs_section_size  }
0x9a: {  	s5 =	simm.s32 $_size__tile_overlayer_lowered;
	s6 =	simm.s32 $_tile_overlayer_lowered  }
0x9b: {  	s22 =	simm.s32 $0x1BFF;
	s21 =	sshll.u32 s6, $0x1;
	s3 =	sadd.s32 s4, s19  }
0x9c: {  	s7 =	simm.s32 $0x0;
	s20 =	sshll.u32 s5, $0x1;
	s5 =	sadd.s32 s21, s3  }
0x9d: {  	[timem:s7], [sflag:s22] =	dma.local [hbm:s5], s20  }
0x9e: {  	_ =	swait.ge [sflag:s22], s20  }
0x9f: {  	s4 =	ssub.s32 $0x0, s20;
	[sflag:s22] =	ssyncset.done $0x0  }
0xa0: {  	[sflag:s22] =	ssyncadd.s32 s4;
	_ =	sdelay $0x1  }
0xa1: {  	s23 =	simm.s32 $0x1B8B  }
0xa2: {  	_ =	swait.ge [sflag:s23], $0x1  }
0xa3: {  	[sflag:s23] =	ssyncset.done $0x0  }
0xa4: {  	s25 =	simm.s32 $0x1B8E;
	s24 =	sld [smem:$0x3FFE];
	[sflag:s23] =	ssyncadd.s32 $0xFFFFFFFF  }
0xa5: {  	s26 =	simm.s32 $execute0_lowered;
	[smem:$0x3FD2] =	sst s25  }
0xa6: {  	s5 =	sshll.u32 s26, $0x1;
	_ =	strace $0x80000049;
	[dreg:$0x1] =	wrdreg $0xFFFFFFFF  }
0xa7: {  	s28 =	simm.s32 $_size_execute0_lowered;
	s3 =	sadd.s32 s3, s5;
	[dreg:$0x0] =	wrdreg $0x0  }
0xa8: {  	s5 =	sshll.u32 s28, $0x1;
	[dreg:$0x2] =	wrdreg s3  }
0xa9: {  	[dreg:$0x3] =	wrdreg s5  }
0xaa: {  	[dreg:$0x4] =	wrdreg $0xC0  }
0xab: {  	_ =	task [dreg:s7], $0x5FFFF  }
0xac: {  	[dreg:$0x1] =	wrdreg $0xFFFFFFFF  }
0xad: {  	[dreg:$0x0] =	wrdreg $0x60  }
0xae: {  	[dreg:$0x2] =	wrdreg s24  }
0xaf: {  	[dreg:$0x3] =	wrdreg s2  }
0xb0: {  	[dreg:$0x4] =	wrdreg $0xA1000  }
0xb1: {  	[dreg:$0x5] =	wrdreg $0x9  }
0xb2: {  	_ =	task.clear_ibuf [dreg:s7], $0x6FFFF;
	_ =	strace $0x90000049  }
0xb3: {  	s29 =	simm.s32 $0x9;
	_ =	strace $0x8000004B  }
0xb4: {  	_ =	swait.ge [sflag:s29], $0x1  }
0xb5: {  	[sflag:s29] =	ssyncadd.s32 $0xFFFFFFFF  }
0xb6: {  	_ =	strace $0x9000004B  }
0xb7: {  	_ =	sfence  }
0xb8: {  	s30 =	sld [smem:$0x0];
	_ =	sdelay $0x2  }
0xb9: {  	s31 =	sshll.u32 s1, $0xD;
	s1 =	sshrl.u32 s1, $0x2  }
0xba: {  	s3 =	sand.u32 $0x4000, s31;
	s1 =	sadd.s32 s1, s30  }
0xbb: {  	s0 =	sor.u32 s3, s0;
	s1 =	sshll.u32 s1, $0x11  }
0xbc: {  	s0 =	sor.u32 s1, s0  }
0xbd: {  	s0 =	sadd.s32 $0x8F2B, s0  }
0xbe: {  	[sflag:s0] =	ssyncadd.remote.s32 $0x1  }
0xbf: {  	_ =	sfence.sel $0xFFFF  }
0xc0: {  	[dreg:$0x0] =	wrdreg $0xFFFFFFFF;
	(pc) =	sbr.abs _section_cstart, $3  }
0xc1: {  	[dreg:$0x1] =	wrdreg $0xFFFFFFFF  }
0xc2: {  	_ =	task.clear_ibuf [dreg:s7], $0x2FFFF;
	_ =	strace $0x9FFFFFFF  }
0xc3: {  	(tm) =	ssettm $0x7FFFFFFF  }
tec
execute0_lowered:
.L_overlay_start_1:
0x0: {  	(tag) =	ssettag $0x1  }
0x1: {  	s0 =	rddreg [dreg:$0x0]  }
0x2: {  	s2 =	rddreg [dreg:$0x1]  }
0x3: {  	s1 =	rddreg [dreg:$0x2];
	s3 =	simm.s32 $0x0;
	s12 =	stileid.u32  }
0x4: {  	s5 =	srdreg.scid;
	s29 =	simm.s32 $0x7900;
	s30 =	simm.s32 $0x1  }
0x5: {  	s31 =	simm.s32 $0x4;
	s28 =	simm.s32 $0x7;
	s8 =	smul.u32 $0x2800, s12  }
0x6: {  	[smem:$0x7FF] =	sst s3;
	s4 =	sadd.s32 $0x2C200, s0;
	s7 =	smul.u32 $0x50000, s12  }
0x7: {  	s6 =	sadd.s32 $0x4200, s0;
	s5 =	sand.u32 $0x1, s5;
	s10 =	smul.u32 $0x2710, s12  }
0x8: {  	s11 =	sadd.s32 $0x7C200, s0;
	s21 =	sshll.u32 s12, $0x6;
	s24 =	smul.u32 $0x4E2, s12  }
0x9: {  	s12 =	simm.s32 $0x0;
	_ =	strace $0x8000004A;
	s9 =	ssub.s32 $0x2, s5  }
0xa: {  	[dreg:$0x5] =	wrdreg s11;
	s11 =	sor.u32 $0x1C0A, s21;
	p0 =	seq.s32 s5, $0x0  }
0xb: {  	s21 =	simm.s32 $0x2780;
	s5 =	simm.s32 $0x8;
	[dreg:$0x4] =	wrdreg s8  }
0xc: {  	s8 =	sadd.s32 s8, s0;
	s0 =	sadd.s32 $0xA4200, s0;
	s19 =	sshrl.u32 s9, $0x1  }
0xd: {  	s7 =	sshrl.u32 s7, $0x2;
	s20 =	sshrl.u32 s10, $0x3;
	s18 =	sadd.s32 s24, s2  }
0xe: {  	s24 =	simm.s32 $0x2800;
	s10 =	simm.s32 $0x9;
	[dreg:$0x6] =	wrdreg s0  }
0xf: {  	s0 =	ssub.s32 s9, s19;
	s7 =	sadd.s32 s7, s1;
	s9 =	sadd.s32 s2, s20  }
0x10: {  	s8 =	sadd.s32 $0x54200, s8;
	s20 =	simm.s32 $0xA;
	s2 =	simm.s32 $0x5  }
0x11: {  	[dreg:$0x7] =	wrdreg s8;
	s22 =	sadd.s32 $0x52EE, s9;
	s23 =	sadd.s32 $0x52F8, s9  }
0x12: {  	s0 =	smax.u32 s0, $0x1;
	s25 =	sadd.s32 $0x4E20, s9;
	[dreg:$0x8] =	wrdreg s22  }
.Ltmp0:
0x13: {  	s26 =	sadd.s32 $0x4E2A, s9;
	[dreg:$0x9] =	wrdreg s23;
	(pc) =	sbr.rel .LBB2_1-.Ltmp0, $4  }
0x14: {  	s17 =	sadd.s32 $0x4E34, s9;
	s19 =	sshrl.u32 s7, $0x3;
	[dreg:$0xa] =	wrdreg s0  }
0x15: {  	s7 =	simm.s32 $0x3;
	s8 =	simm.s32 $0x6;
	[dreg:$0xb] =	wrdreg s25  }
0x16: {  	[dreg:$0xc] =	wrdreg s26;
	s22 =	simm.s32 $0x50;
	s23 =	simm.s32 $0x2900  }
0x17: {  	s25 =	simm.s32 $0x5100;
	s26 =	simm.s32 $0x2880;
	s0 =	simm.s32 $0x2  }
.LBB2_7:
0x18: {  	[spmem:s1] =	stream.indirect.scatter.add.f32 [tilespmem:s29], [sflag:$0x9], $0x80, s26, s22, $0xb8;
	[tilespmem:$0x1E100] =	vst v63  }
0x19: {  	s14 =	smov.u32 s4;
	s13 =	rddreg [dreg:$0x5]  }
.LBB2_8:
0x1a: {  	_ =	swait.ge [sflag:s28], $0x2800  }
0x1b: {  	[sflag:s28] =	ssyncset.done $0x0  }
0x1c: {  	[sflag:s28] =	ssyncadd.s32 $0xFFFFD800  }
0x1d: {  	_ =	swait.ge [sflag:s5], $0x2800  }
0x1e: {  	[sflag:s5] =	ssyncset.done $0x0  }
0x1f: {  	[sflag:s5] =	ssyncadd.s32 $0xFFFFD800  }
0x20: {  	_ =	swait.ge [sflag:s10], $0x2800  }
0x21: {  	[sflag:s10] =	ssyncset.done $0x0  }
0x22: {  	s15 =	rddreg [dreg:$0x8];
	[sflag:s10] =	ssyncadd.s32 $0xFFFFD800  }
0x23: {  	[tilespmem:s21], [sflag:$0xA] =	stream.linear.gather [hbm4b:s15+s3], $0x50, $0x38;
	[tilespmem:$0x1E100] =	vst v63  }
0x24: {  	_ =	swait.ge [sflag:s20], $0x50  }
0x25: {  	[sflag:s20] =	ssyncset.done $0x0  }
0x26: {  	s16 =	simm.s32 $0x2670;
	[sflag:s20] =	ssyncadd.s32 $0xFFFFFFB0  }
0x27: {  	[tilespmem:s23], [sflag:$0xA] =	stream.indirect.gather [hbm4b:s14+s22], $0x80, s16, s22, $0xb8;
	[tilespmem:$0x1E100] =	vst v63  }
0x28: {  	_ =	swait.ge [sflag:s20], $0x2800  }
0x29: {  	[sflag:s20] =	ssyncset.done $0x0  }
0x2a: {  	[sflag:s20] =	ssyncadd.s32 $0xFFFFD800  }
0x2b: {  	[spmem:s1] =	stream.indirect.scatter.add.f32 [tilespmem:s23], [sflag:$0xA], $0x80, s21, s22, $0xb8;
	[tilespmem:$0x1E100] =	vst v63  }
0x2c: {  	_ =	swait.ge [sflag:s20], $0x2800  }
0x2d: {  	[sflag:s20] =	ssyncset.done $0x0  }
0x2e: {  	s16 =	rddreg [dreg:$0x9];
	[sflag:s20] =	ssyncadd.s32 $0xFFFFD800  }
0x2f: {  	[tilespmem:s24], [sflag:$0xA] =	stream.linear.gather [hbm4b:s16+s3], $0x50, $0x38;
	[tilespmem:$0x1E100] =	vst v63  }
0x30: {  	_ =	swait.ge [sflag:s20], $0x50  }
0x31: {  	[sflag:s20] =	ssyncset.done $0x0  }
0x32: {  	s16 =	simm.s32 $0x26C0;
	[sflag:s20] =	ssyncadd.s32 $0xFFFFFFB0  }
0x33: {  	[tilespmem:s25], [sflag:$0xA] =	stream.indirect.gather [hbm4b:s14+s22], $0x80, s16, s22, $0xb8;
	[tilespmem:$0x1E100] =	vst v63  }
0x34: {  	_ =	swait.ge [sflag:s20], $0x2800  }
0x35: {  	[sflag:s20] =	ssyncset.done $0x0  }
0x36: {  	[sflag:s20] =	ssyncadd.s32 $0xFFFFD800  }
0x37: {  	[spmem:s1] =	stream.indirect.scatter.add.f32 [tilespmem:s25], [sflag:$0xA], $0x80, s24, s22, $0xb8;
	[tilespmem:$0x1E100] =	vst v63  }
0x38: {  	_ =	swait.ge [sflag:s20], $0x2800  }
0x39: {  	[sflag:s20] =	ssyncset.done $0x0  }
0x3a: {  	s15 =	rddreg [dreg:$0x4];
	[sflag:s20] =	ssyncadd.s32 $0xFFFFD800  }
0x3b: {  	s13 =	sadd.s32 s13, s15;
	[bflag:$0x0] =	sbarrier.arrive $0xFFFF  }
0x3c: {  	[hbm:s13], [sflag:s11] =	dma.local [spmem:s19], $0x2800  }
0x3d: {  	_ =	swait.ge [sflag:s20], $0x2800  }
0x3e: {  	s12 =	sadd.s32 $0x1, s12;
	s16 =	rddreg [dreg:$0xa]  }
0x3f: {  	p1 =	sne.s32 s12, s16  }
.Ltmp1:
0x40: {  	_ = 	snop;
	(pc) =	sbr.rel @!p1 .LBB2_9-.Ltmp1, $3  }
0x41: {  	_ =	sdelay $0x1  }
0x42: {  	[sflag:s20] =	ssyncset.done $0x0  }
0x43: {  	[sflag:s20] =	ssyncadd.s32 $0xFFFFD800  }
.LBB2_1:
0x44: {  	s13 =	rddreg [dreg:$0x7]  }
0x45: {  	[spmem:s19], [sflag:s11] =	dma.local [hbm:s13], $0x2800  }
0x46: {  	_ =	swait.ge [sflag:s20], $0x2800  }
0x47: {  	[sflag:s20] =	ssyncset.done $0x0  }
0x48: {  	[sflag:s20] =	ssyncadd.s32 $0xFFFFD800  }
0x49: {  	[tilespmem:s3], [sflag:$0xA] =	stream.linear.gather [hbm4b:s9+s3], $0x2710, $0x38;
	[tilespmem:$0x1E100] =	vst v63  }
.Ltmp2:
0x4a: {  	_ =	swait.ge [sflag:s20], $0x2710;
	(pc) =	sbr.rel @!p0 .LBB2_2-.Ltmp2, $4  }
0x4b: {  	[sflag:s20] =	ssyncset.done $0x0  }
0x4c: {  	[sflag:s20] =	ssyncadd.s32 $0xFFFFD8F0  }
0x4d: {  	[bflag:$0x0] =	sbarrier.arrive $0xFFFF  }
0x4e: {  	s13 =	simm.s32 $0x0  }
0x4f: {  	s14 =	rddreg [dreg:$0xb]  }
0x50: {  	[tilespmem:s21], [sflag:$0x1] =	stream.linear.gather [hbm4b:s14+s13], $0x50, $0x38;
	[tilespmem:$0x1E100] =	vst v63  }
0x51: {  	_ = 	snop  }
0x52: {  	[tilespmem:s23], [sflag:$0x4] =	stream.indirect.gather [hbm4b:s4+s22], $0x80, s13, s22, $0xb8;
	[tilespmem:$0x1E100] =	vst v63  }
0x53: {  	s16 =	rddreg [dreg:$0xc]  }
0x54: {  	[tilespmem:s24], [sflag:$0x2] =	stream.linear.gather [hbm4b:s16+s13], $0x50, $0x38;
	[tilespmem:$0x1E100] =	vst v63  }
0x55: {  	_ = 	snop  }
0x56: {  	[tilespmem:s25], [sflag:$0x5] =	stream.indirect.gather [hbm4b:s4+s22], $0x80, s22, s22, $0xb8;
	[tilespmem:$0x1E100] =	vst v63  }
0x57: {  	_ = 	snop  }
0x58: {  	[tilespmem:s26], [sflag:$0x3] =	stream.linear.gather [hbm4b:s17+s13], $0x50, $0x38;
	[tilespmem:$0x1E100] =	vst v63  }
0x59: {  	s15 =	simm.s32 $0xA0  }
0x5a: {  	[tilespmem:s29], [sflag:$0x6] =	stream.indirect.gather [hbm4b:s4+s22], $0x80, s15, s22, $0xb8;
	[tilespmem:$0x1E100] =	vst v63  }
0x5b: {  	_ =	swait.ge [sflag:s30], $0x50  }
0x5c: {  	[sflag:s30] =	ssyncset.done $0x0  }
0x5d: {  	[sflag:s30] =	ssyncadd.s32 $0xFFFFFFB0  }
0x5e: {  	_ =	swait.ge [sflag:s31], $0x2800  }
0x5f: {  	[sflag:s31] =	ssyncset.done $0x0  }
0x60: {  	[sflag:s31] =	ssyncadd.s32 $0xFFFFD800  }
0x61: {  	[spmem:s1] =	stream.indirect.scatter.add.f32 [tilespmem:s23], [sflag:$0x7], $0x80, s21, s22, $0xb8;
	[tilespmem:$0x1E100] =	vst v63  }
0x62: {  	_ =	swait.ge [sflag:s0], $0x50  }
0x63: {  	[sflag:s0] =	ssyncset.done $0x0  }
0x64: {  	[sflag:s0] =	ssyncadd.s32 $0xFFFFFFB0  }
0x65: {  	_ =	swait.ge [sflag:s2], $0x2800  }
0x66: {  	[sflag:s2] =	ssyncset.done $0x0  }
0x67: {  	[sflag:s2] =	ssyncadd.s32 $0xFFFFD800  }
0x68: {  	[spmem:s1] =	stream.indirect.scatter.add.f32 [tilespmem:s25], [sflag:$0x8], $0x80, s24, s22, $0xb8;
	[tilespmem:$0x1E100] =	vst v63  }
0x69: {  	_ =	swait.ge [sflag:s7], $0x50  }
0x6a: {  	[sflag:s7] =	ssyncset.done $0x0  }
0x6b: {  	[sflag:s7] =	ssyncadd.s32 $0xFFFFFFB0  }
0x6c: {  	_ =	swait.ge [sflag:s8], $0x2800  }
0x6d: {  	[sflag:s8] =	ssyncset.done $0x0  }
0x6e: {  	[sflag:s8] =	ssyncadd.s32 $0xFFFFD800  }
0x6f: {  	[spmem:s1] =	stream.indirect.scatter.add.f32 [tilespmem:s29], [sflag:$0x9], $0x80, s26, s22, $0xb8;
	[tilespmem:$0x1E100] =	vst v63  }
0x70: {  	_ =	swait.ge [sflag:s28], $0x2800  }
0x71: {  	s13 =	sadd.s32 $0x0, s18;
	[sflag:s28] =	ssyncset.done $0x0  }
0x72: {  	s16 =	sadd.s32 $0x4E3E, s13;
	[sflag:s28] =	ssyncadd.s32 $0xFFFFD800  }
0x73: {  	[tilespmem:s21], [sflag:$0x1] =	stream.linear.gather [hbm4b:s16+s3], $0x50, $0x38;
	[tilespmem:$0x1E100] =	vst v63  }
0x74: {  	s15 =	simm.s32 $0xF0  }
0x75: {  	[tilespmem:s23], [sflag:$0x4] =	stream.indirect.gather [hbm4b:s4+s22], $0x80, s15, s22, $0xb8;
	[tilespmem:$0x1E100] =	vst v63  }
0x76: {  	_ =	swait.ge [sflag:s5], $0x2800  }
0x77: {  	[sflag:s5] =	ssyncset.done $0x0  }
0x78: {  	s16 =	sadd.s32 $0x4E48, s13;
	[sflag:s5] =	ssyncadd.s32 $0xFFFFD800  }
0x79: {  	[tilespmem:s24], [sflag:$0x2] =	stream.linear.gather [hbm4b:s16+s3], $0x50, $0x38;
	[tilespmem:$0x1E100] =	vst v63  }
0x7a: {  	s15 =	simm.s32 $0x140  }
0x7b: {  	[tilespmem:s25], [sflag:$0x5] =	stream.indirect.gather [hbm4b:s4+s22], $0x80, s15, s22, $0xb8;
	[tilespmem:$0x1E100] =	vst v63  }
0x7c: {  	_ =	swait.ge [sflag:s10], $0x2800  }
0x7d: {  	[sflag:s10] =	ssyncset.done $0x0  }
0x7e: {  	s13 =	sadd.s32 $0x4E52, s13;
	[sflag:s10] =	ssyncadd.s32 $0xFFFFD800  }
0x7f: {  	[tilespmem:s26], [sflag:$0x3] =	stream.linear.gather [hbm4b:s13+s3], $0x50, $0x38;
	[tilespmem:$0x1E100] =	vst v63  }
0x80: {  	s16 =	simm.s32 $0x190  }
0x81: {  	[tilespmem:s29], [sflag:$0x6] =	stream.indirect.gather [hbm4b:s4+s22], $0x80, s16, s22, $0xb8;
	[tilespmem:$0x1E100] =	vst v63  }
0x82: {  	_ =	swait.ge [sflag:s30], $0x50  }
0x83: {  	[sflag:s30] =	ssyncset.done $0x0  }
0x84: {  	[sflag:s30] =	ssyncadd.s32 $0xFFFFFFB0  }
0x85: {  	_ =	swait.ge [sflag:s31], $0x2800  }
0x86: {  	[sflag:s31] =	ssyncset.done $0x0  }
0x87: {  	[sflag:s31] =	ssyncadd.s32 $0xFFFFD800  }
0x88: {  	[spmem:s1] =	stream.indirect.scatter.add.f32 [tilespmem:s23], [sflag:$0x7], $0x80, s21, s22, $0xb8;
	[tilespmem:$0x1E100] =	vst v63  }
0x89: {  	_ =	swait.ge [sflag:s0], $0x50  }
0x8a: {  	[sflag:s0] =	ssyncset.done $0x0  }
0x8b: {  	[sflag:s0] =	ssyncadd.s32 $0xFFFFFFB0  }
0x8c: {  	_ =	swait.ge [sflag:s2], $0x2800  }
0x8d: {  	[sflag:s2] =	ssyncset.done $0x0  }
0x8e: {  	[sflag:s2] =	ssyncadd.s32 $0xFFFFD800  }
0x8f: {  	[spmem:s1] =	stream.indirect.scatter.add.f32 [tilespmem:s25], [sflag:$0x8], $0x80, s24, s22, $0xb8;
	[tilespmem:$0x1E100] =	vst v63  }
0x90: {  	_ =	swait.ge [sflag:s7], $0x50  }
0x91: {  	[sflag:s7] =	ssyncset.done $0x0  }
0x92: {  	[sflag:s7] =	ssyncadd.s32 $0xFFFFFFB0  }
0x93: {  	_ =	swait.ge [sflag:s8], $0x2800  }
0x94: {  	[sflag:s8] =	ssyncset.done $0x0  }
0x95: {  	s14 =	simm.s32 $0x280;
	s13 =	simm.s32 $0x1E;
	[sflag:s8] =	ssyncadd.s32 $0xFFFFD800  }
.LBB2_6:
0x96: {  	[spmem:s1] =	stream.indirect.scatter.add.f32 [tilespmem:s29], [sflag:$0x9], $0x80, s26, s22, $0xb8;
	[tilespmem:$0x1E100] =	vst v63  }
0x97: {  	s15 =	smov.u32 s13  }
0x98: {  	p1 =	seq.s32 s13, $0x492;
	s13 =	sadd.s32 $0x1E, s13;
	_ =	swait.ge [sflag:s28], $0x2800  }
0x99: {  	s15 =	sadd.s32 s15, s18;
	[sflag:s28] =	ssyncset.done $0x0  }
0x9a: {  	s16 =	sadd.s32 $0x4E3E, s15;
	[sflag:s28] =	ssyncadd.s32 $0xFFFFD800  }
0x9b: {  	[tilespmem:s21], [sflag:$0x1] =	stream.linear.gather [hbm4b:s16+s3], $0x50, $0x38;
	[tilespmem:$0x1E100] =	vst v63  }
0x9c: {  	s16 =	sadd.s32 $0xFFFFFF60, s14  }
0x9d: {  	[tilespmem:s23], [sflag:$0x4] =	stream.indirect.gather [hbm4b:s4+s22], $0x80, s16, s22, $0xb8;
	[tilespmem:$0x1E100] =	vst v63  }
0x9e: {  	_ =	swait.ge [sflag:s5], $0x2800  }
0x9f: {  	[sflag:s5] =	ssyncset.done $0x0  }
0xa0: {  	s16 =	sadd.s32 $0x4E48, s15;
	[sflag:s5] =	ssyncadd.s32 $0xFFFFD800  }
0xa1: {  	[tilespmem:s24], [sflag:$0x2] =	stream.linear.gather [hbm4b:s16+s3], $0x50, $0x38;
	[tilespmem:$0x1E100] =	vst v63  }
0xa2: {  	s16 =	sadd.s32 $0xFFFFFFB0, s14  }
0xa3: {  	[tilespmem:s25], [sflag:$0x5] =	stream.indirect.gather [hbm4b:s4+s22], $0x80, s16, s22, $0xb8;
	[tilespmem:$0x1E100] =	vst v63  }
0xa4: {  	_ =	swait.ge [sflag:s10], $0x2800  }
0xa5: {  	[sflag:s10] =	ssyncset.done $0x0  }
0xa6: {  	s15 =	sadd.s32 $0x4E52, s15;
	[sflag:s10] =	ssyncadd.s32 $0xFFFFD800  }
0xa7: {  	[tilespmem:s26], [sflag:$0x3] =	stream.linear.gather [hbm4b:s15+s3], $0x50, $0x38;
	[tilespmem:$0x1E100] =	vst v63  }
0xa8: {  	_ = 	snop  }
0xa9: {  	[tilespmem:s29], [sflag:$0x6] =	stream.indirect.gather [hbm4b:s4+s22], $0x80, s14, s22, $0xb8;
	[tilespmem:$0x1E100] =	vst v63  }
0xaa: {  	_ =	swait.ge [sflag:s30], $0x50  }
0xab: {  	[sflag:s30] =	ssyncset.done $0x0  }
0xac: {  	[sflag:s30] =	ssyncadd.s32 $0xFFFFFFB0  }
0xad: {  	_ =	swait.ge [sflag:s31], $0x2800  }
0xae: {  	[sflag:s31] =	ssyncset.done $0x0  }
0xaf: {  	[sflag:s31] =	ssyncadd.s32 $0xFFFFD800  }
0xb0: {  	[spmem:s1] =	stream.indirect.scatter.add.f32 [tilespmem:s23], [sflag:$0x7], $0x80, s21, s22, $0xb8;
	[tilespmem:$0x1E100] =	vst v63  }
0xb1: {  	_ =	swait.ge [sflag:s0], $0x50  }
0xb2: {  	[sflag:s0] =	ssyncset.done $0x0  }
0xb3: {  	[sflag:s0] =	ssyncadd.s32 $0xFFFFFFB0  }
0xb4: {  	_ =	swait.ge [sflag:s2], $0x2800  }
0xb5: {  	[sflag:s2] =	ssyncset.done $0x0  }
0xb6: {  	[sflag:s2] =	ssyncadd.s32 $0xFFFFD800  }
0xb7: {  	[spmem:s1] =	stream.indirect.scatter.add.f32 [tilespmem:s25], [sflag:$0x8], $0x80, s24, s22, $0xb8;
	[tilespmem:$0x1E100] =	vst v63  }
0xb8: {  	_ =	swait.ge [sflag:s7], $0x50  }
.Ltmp3:
0xb9: {  	[sflag:s7] =	ssyncset.done $0x0;
	(pc) =	sbr.rel @!p1 .LBB2_6-.Ltmp3, $4  }
0xba: {  	[sflag:s7] =	ssyncadd.s32 $0xFFFFFFB0  }
0xbb: {  	_ =	swait.ge [sflag:s8], $0x2800  }
0xbc: {  	[sflag:s8] =	ssyncset.done $0x0  }
0xbd: {  	s14 =	sadd.s32 $0xF0, s14;
	[sflag:s8] =	ssyncadd.s32 $0xFFFFD800  }
.Ltmp4:
0xbe: {  	_ = 	snop;
	(pc) =	sbr.rel .LBB2_7-.Ltmp4, $1  }
0xbf: {  	_ =	sdelay $0x3  }
.LBB2_2:
0xc0: {  	s14 =	rddreg [dreg:$0xb]  }
0xc1: {  	[tilespmem:s21], [sflag:$0x1] =	stream.linear.gather [hbm4b:s14+s13], $0x50, $0x38;
	[tilespmem:$0x1E100] =	vst v63  }
0xc2: {  	_ = 	snop  }
0xc3: {  	[tilespmem:s23], [sflag:$0x4] =	stream.indirect.gather [hbm4b:s6+s22], $0x80, s13, s22, $0xb8;
	[tilespmem:$0x1E100] =	vst v63  }
0xc4: {  	s16 =	rddreg [dreg:$0xc]  }
0xc5: {  	[tilespmem:s24], [sflag:$0x2] =	stream.linear.gather [hbm4b:s16+s13], $0x50, $0x38;
	[tilespmem:$0x1E100] =	vst v63  }
0xc6: {  	_ = 	snop  }
0xc7: {  	[tilespmem:s25], [sflag:$0x5] =	stream.indirect.gather [hbm4b:s6+s22], $0x80, s22, s22, $0xb8;
	[tilespmem:$0x1E100] =	vst v63  }
0xc8: {  	_ = 	snop  }
0xc9: {  	[tilespmem:s26], [sflag:$0x3] =	stream.linear.gather [hbm4b:s17+s13], $0x50, $0x38;
	[tilespmem:$0x1E100] =	vst v63  }
0xca: {  	s15 =	simm.s32 $0xA0  }
0xcb: {  	[tilespmem:s29], [sflag:$0x6] =	stream.indirect.gather [hbm4b:s6+s22], $0x80, s15, s22, $0xb8;
	[tilespmem:$0x1E100] =	vst v63  }
0xcc: {  	_ =	swait.ge [sflag:s30], $0x50  }
0xcd: {  	[sflag:s30] =	ssyncset.done $0x0  }
0xce: {  	[sflag:s30] =	ssyncadd.s32 $0xFFFFFFB0  }
0xcf: {  	_ =	swait.ge [sflag:s31], $0x2800  }
0xd0: {  	[sflag:s31] =	ssyncset.done $0x0  }
0xd1: {  	[sflag:s31] =	ssyncadd.s32 $0xFFFFD800  }
0xd2: {  	[spmem:s1] =	stream.indirect.scatter.add.f32 [tilespmem:s23], [sflag:$0x7], $0x80, s21, s22, $0xb8;
	[tilespmem:$0x1E100] =	vst v63  }
0xd3: {  	_ =	swait.ge [sflag:s0], $0x50  }
0xd4: {  	[sflag:s0] =	ssyncset.done $0x0  }
0xd5: {  	[sflag:s0] =	ssyncadd.s32 $0xFFFFFFB0  }
0xd6: {  	_ =	swait.ge [sflag:s2], $0x2800  }
0xd7: {  	[sflag:s2] =	ssyncset.done $0x0  }
0xd8: {  	[sflag:s2] =	ssyncadd.s32 $0xFFFFD800  }
0xd9: {  	[spmem:s1] =	stream.indirect.scatter.add.f32 [tilespmem:s25], [sflag:$0x8], $0x80, s24, s22, $0xb8;
	[tilespmem:$0x1E100] =	vst v63  }
0xda: {  	_ =	swait.ge [sflag:s7], $0x50  }
0xdb: {  	[sflag:s7] =	ssyncset.done $0x0  }
0xdc: {  	[sflag:s7] =	ssyncadd.s32 $0xFFFFFFB0  }
0xdd: {  	_ =	swait.ge [sflag:s8], $0x2800  }
0xde: {  	[sflag:s8] =	ssyncset.done $0x0  }
0xdf: {  	[sflag:s8] =	ssyncadd.s32 $0xFFFFD800  }
0xe0: {  	[spmem:s1] =	stream.indirect.scatter.add.f32 [tilespmem:s29], [sflag:$0x9], $0x80, s26, s22, $0xb8;
	[tilespmem:$0x1E100] =	vst v63  }
0xe1: {  	_ =	swait.ge [sflag:s28], $0x2800  }
0xe2: {  	s14 =	sadd.s32 $0x0, s18;
	[sflag:s28] =	ssyncset.done $0x0  }
0xe3: {  	s15 =	sadd.s32 $0x4E3E, s14;
	[sflag:s28] =	ssyncadd.s32 $0xFFFFD800  }
0xe4: {  	[tilespmem:s21], [sflag:$0x1] =	stream.linear.gather [hbm4b:s15+s3], $0x50, $0x38;
	[tilespmem:$0x1E100] =	vst v63  }
0xe5: {  	s16 =	simm.s32 $0xF0  }
0xe6: {  	[tilespmem:s23], [sflag:$0x4] =	stream.indirect.gather [hbm4b:s6+s22], $0x80, s16, s22, $0xb8;
	[tilespmem:$0x1E100] =	vst v63  }
0xe7: {  	_ =	swait.ge [sflag:s5], $0x2800  }
0xe8: {  	[sflag:s5] =	ssyncset.done $0x0  }
0xe9: {  	s16 =	sadd.s32 $0x4E48, s14;
	[sflag:s5] =	ssyncadd.s32 $0xFFFFD800  }
0xea: {  	[tilespmem:s24], [sflag:$0x2] =	stream.linear.gather [hbm4b:s16+s3], $0x50, $0x38;
	[tilespmem:$0x1E100] =	vst v63  }
0xeb: {  	s16 =	simm.s32 $0x140  }
0xec: {  	[tilespmem:s25], [sflag:$0x5] =	stream.indirect.gather [hbm4b:s6+s22], $0x80, s16, s22, $0xb8;
	[tilespmem:$0x1E100] =	vst v63  }
0xed: {  	_ =	swait.ge [sflag:s10], $0x2800  }
0xee: {  	[sflag:s10] =	ssyncset.done $0x0  }
0xef: {  	s14 =	sadd.s32 $0x4E52, s14;
	[sflag:s10] =	ssyncadd.s32 $0xFFFFD800  }
0xf0: {  	[tilespmem:s26], [sflag:$0x3] =	stream.linear.gather [hbm4b:s14+s3], $0x50, $0x38;
	[tilespmem:$0x1E100] =	vst v63  }
0xf1: {  	s13 =	simm.s32 $0x190  }
0xf2: {  	[tilespmem:s29], [sflag:$0x6] =	stream.indirect.gather [hbm4b:s6+s22], $0x80, s13, s22, $0xb8;
	[tilespmem:$0x1E100] =	vst v63  }
0xf3: {  	_ =	swait.ge [sflag:s30], $0x50  }
0xf4: {  	[sflag:s30] =	ssyncset.done $0x0  }
0xf5: {  	[sflag:s30] =	ssyncadd.s32 $0xFFFFFFB0  }
0xf6: {  	_ =	swait.ge [sflag:s31], $0x2800  }
0xf7: {  	[sflag:s31] =	ssyncset.done $0x0  }
0xf8: {  	[sflag:s31] =	ssyncadd.s32 $0xFFFFD800  }
0xf9: {  	[spmem:s1] =	stream.indirect.scatter.add.f32 [tilespmem:s23], [sflag:$0x7], $0x80, s21, s22, $0xb8;
	[tilespmem:$0x1E100] =	vst v63  }
0xfa: {  	_ =	swait.ge [sflag:s0], $0x50  }
0xfb: {  	[sflag:s0] =	ssyncset.done $0x0  }
0xfc: {  	[sflag:s0] =	ssyncadd.s32 $0xFFFFFFB0  }
0xfd: {  	_ =	swait.ge [sflag:s2], $0x2800  }
0xfe: {  	[sflag:s2] =	ssyncset.done $0x0  }
0xff: {  	[sflag:s2] =	ssyncadd.s32 $0xFFFFD800  }
0x100: {  	[spmem:s1] =	stream.indirect.scatter.add.f32 [tilespmem:s25], [sflag:$0x8], $0x80, s24, s22, $0xb8;
	[tilespmem:$0x1E100] =	vst v63  }
0x101: {  	_ =	swait.ge [sflag:s7], $0x50  }
0x102: {  	[sflag:s7] =	ssyncset.done $0x0  }
0x103: {  	[sflag:s7] =	ssyncadd.s32 $0xFFFFFFB0  }
0x104: {  	_ =	swait.ge [sflag:s8], $0x2800  }
0x105: {  	[sflag:s8] =	ssyncset.done $0x0  }
0x106: {  	s14 =	simm.s32 $0x280;
	s13 =	simm.s32 $0x1E;
	[sflag:s8] =	ssyncadd.s32 $0xFFFFD800  }
.LBB2_3:
0x107: {  	[spmem:s1] =	stream.indirect.scatter.add.f32 [tilespmem:s29], [sflag:$0x9], $0x80, s26, s22, $0xb8;
	[tilespmem:$0x1E100] =	vst v63  }
0x108: {  	s15 =	smov.u32 s13  }
0x109: {  	p1 =	sne.s32 s13, $0x492;
	s13 =	sadd.s32 $0x1E, s13;
	_ =	swait.ge [sflag:s28], $0x2800  }
0x10a: {  	s15 =	sadd.s32 s15, s18;
	[sflag:s28] =	ssyncset.done $0x0  }
0x10b: {  	s16 =	sadd.s32 $0x4E3E, s15;
	[sflag:s28] =	ssyncadd.s32 $0xFFFFD800  }
0x10c: {  	[tilespmem:s21], [sflag:$0x1] =	stream.linear.gather [hbm4b:s16+s3], $0x50, $0x38;
	[tilespmem:$0x1E100] =	vst v63  }
0x10d: {  	s16 =	sadd.s32 $0xFFFFFF60, s14  }
0x10e: {  	[tilespmem:s23], [sflag:$0x4] =	stream.indirect.gather [hbm4b:s6+s22], $0x80, s16, s22, $0xb8;
	[tilespmem:$0x1E100] =	vst v63  }
0x10f: {  	_ =	swait.ge [sflag:s5], $0x2800  }
0x110: {  	[sflag:s5] =	ssyncset.done $0x0  }
0x111: {  	s16 =	sadd.s32 $0x4E48, s15;
	[sflag:s5] =	ssyncadd.s32 $0xFFFFD800  }
0x112: {  	[tilespmem:s24], [sflag:$0x2] =	stream.linear.gather [hbm4b:s16+s3], $0x50, $0x38;
	[tilespmem:$0x1E100] =	vst v63  }
0x113: {  	s16 =	sadd.s32 $0xFFFFFFB0, s14  }
0x114: {  	[tilespmem:s25], [sflag:$0x5] =	stream.indirect.gather [hbm4b:s6+s22], $0x80, s16, s22, $0xb8;
	[tilespmem:$0x1E100] =	vst v63  }
0x115: {  	_ =	swait.ge [sflag:s10], $0x2800  }
0x116: {  	[sflag:s10] =	ssyncset.done $0x0  }
0x117: {  	s15 =	sadd.s32 $0x4E52, s15;
	[sflag:s10] =	ssyncadd.s32 $0xFFFFD800  }
0x118: {  	[tilespmem:s26], [sflag:$0x3] =	stream.linear.gather [hbm4b:s15+s3], $0x50, $0x38;
	[tilespmem:$0x1E100] =	vst v63  }
0x119: {  	_ = 	snop  }
0x11a: {  	[tilespmem:s29], [sflag:$0x6] =	stream.indirect.gather [hbm4b:s6+s22], $0x80, s14, s22, $0xb8;
	[tilespmem:$0x1E100] =	vst v63  }
0x11b: {  	_ =	swait.ge [sflag:s30], $0x50  }
0x11c: {  	[sflag:s30] =	ssyncset.done $0x0  }
0x11d: {  	[sflag:s30] =	ssyncadd.s32 $0xFFFFFFB0  }
0x11e: {  	_ =	swait.ge [sflag:s31], $0x2800  }
0x11f: {  	[sflag:s31] =	ssyncset.done $0x0  }
0x120: {  	[sflag:s31] =	ssyncadd.s32 $0xFFFFD800  }
0x121: {  	[spmem:s1] =	stream.indirect.scatter.add.f32 [tilespmem:s23], [sflag:$0x7], $0x80, s21, s22, $0xb8;
	[tilespmem:$0x1E100] =	vst v63  }
0x122: {  	_ =	swait.ge [sflag:s0], $0x50  }
0x123: {  	[sflag:s0] =	ssyncset.done $0x0  }
0x124: {  	[sflag:s0] =	ssyncadd.s32 $0xFFFFFFB0  }
0x125: {  	_ =	swait.ge [sflag:s2], $0x2800  }
0x126: {  	[sflag:s2] =	ssyncset.done $0x0  }
0x127: {  	[sflag:s2] =	ssyncadd.s32 $0xFFFFD800  }
0x128: {  	[spmem:s1] =	stream.indirect.scatter.add.f32 [tilespmem:s25], [sflag:$0x8], $0x80, s24, s22, $0xb8;
	[tilespmem:$0x1E100] =	vst v63  }
0x129: {  	_ =	swait.ge [sflag:s7], $0x50  }
.Ltmp5:
0x12a: {  	[sflag:s7] =	ssyncset.done $0x0;
	(pc) =	sbr.rel @p1 .LBB2_3-.Ltmp5, $4  }
0x12b: {  	[sflag:s7] =	ssyncadd.s32 $0xFFFFFFB0  }
0x12c: {  	_ =	swait.ge [sflag:s8], $0x2800  }
0x12d: {  	[sflag:s8] =	ssyncset.done $0x0  }
0x12e: {  	s14 =	sadd.s32 $0xF0, s14;
	[sflag:s8] =	ssyncadd.s32 $0xFFFFD800  }
.Ltmp6:
0x12f: {  	(pc) =	sbr.rel .LBB2_8-.Ltmp6, $3  }
0x130: {  	_ =	sdelay $0x1  }
0x131: {  	[spmem:s1] =	stream.indirect.scatter.add.f32 [tilespmem:s29], [sflag:$0x9], $0x80, s26, s22, $0xb8;
	[tilespmem:$0x1E100] =	vst v63  }
0x132: {  	s14 =	smov.u32 s6;
	s13 =	rddreg [dreg:$0x6]  }
.LBB2_9:
0x133: {  	_ =	sfence.sel $0x180000  }
0x134: {  	[bflag:$0x0] =	sbarrier.arrive $0xFFFF  }
0x135: {  	_ =	strace $0x9000004A  }
0x136: {  	s0 =	stileid.u32;
	[bflag:$0x2] =	sbarrier.arrive $0xFFFF  }
0x137: {  	p0 =	sne.s32 s0, $0x0;
	s0 =	rddreg [dreg:$0x3]  }
0x138: {  	s0 =	sadd.s32 @!p0 $0x100000, s0  }
0x139: {  	[sflag:s0] =	ssyncadd.tile.s32 @!p0 $0x1;
	_ =	shalt  }
.Lfunc_end2:
_tile_overlayer_lowered:
.L_overlay_start_2:
0x13a: {  	(tag) =	ssettag $0x2  }
0x13b: {  	s0 =	rddreg [dreg:$0x0];
	s2 =	stileid.u32  }
0x13c: {  	s1 =	rddreg [dreg:$0x1];
	p0 =	sne.s32 s2, $0x0  }
0x13d: {  	s3 =	rddreg [dreg:$0x2];
	[bflag:$0x3] =	sbarrier.arrive $0xFFFF;
	s2 =	simm.s32 @!p0 $0x1C0A  }
0x13e: {  	[timem:s3], [sflag:s2] =	dma.local @!p0 [hbm:s0], s1  }
0x13f: {  	s0 =	simm.s32 @!p0 $0xA  }
0x140: {  	_ =	swait.ge @!p0 [sflag:s0], s1  }
0x141: {  	s1 =	ssub.s32 @!p0 $0x0, s1;
	[sflag:s0] =	ssyncset.done @!p0 $0x0  }
0x142: {  	[sflag:s0] =	ssyncadd.s32 @!p0 s1  }
0x143: {  	[bflag:$0x3] =	sbarrier.arrive $0xFFFF  }
0x144: {  	_ =	shalt  }

// kernel: kernel.16.cloned.1.call-start
scs
__scs_entry_jumppad:
0x0: {  	(pc) =	sbr.rel $0x88, $3  }
0x1: {  	(tag) =	ssettag $0x0;
	lr =	simm.s32 $0x1  }
0x2: {  	[smem:$0x3F99] =	sst lr;
	_ =	strace $0xD0000000  }
0x3: {  	_ = 	snop  }
0x4: {  	_ = 	snop  }
0x5: {  	_ = 	snop  }
0x6: {  	_ = 	snop  }
0x7: {  	_ = 	snop  }
__scs_overlays_trampoline_lowered:
0x8: {  	[smem:$0x3FA8] =	sst s0  }
0x9: {  	[smem:$0x3FA9] =	sst s1  }
0xa: {  	[smem:$0x3FAA] =	sst s2  }
0xb: {  	[smem:$0x3FAB] =	sst s3  }
0xc: {  	[smem:$0x3FAC] =	sst s4  }
0xd: {  	[smem:$0x3FAD] =	sst s5  }
0xe: {  	[smem:$0x3FAE] =	sst s6  }
0xf: {  	[smem:$0x3FAF] =	sst s7  }
0x10: {  	[smem:$0x3FB0] =	sst s8  }
0x11: {  	[smem:$0x3FB1] =	sst s9;
	s0 =	simm.s32 @!p0 $0x0  }
0x12: {  	s1 =	sld [smem:$0x3F97];
	s0 =	simm.s32 @p0 $0x1  }
0x13: {  	[smem:$0x3FB2] =	sst s0;
	s0 =	simm.s32 @!p1 $0x0  }
0x14: {  	s2 =	sld [smem:$0x3F96];
	s0 =	simm.s32 @p1 $0x1  }
0x15: {  	[smem:$0x3FB3] =	sst s0;
	s0 =	simm.s32 @!p2 $0x0  }
0x16: {  	s3 =	sld [smem:$0x3FDB];
	s0 =	simm.s32 @p2 $0x1  }
0x17: {  	s4 =	simm.s32 $0x1BF5;
	[smem:$0x3FB5] =	sst s0  }
0x18: {  	s0 =	sld [smem:$0x3F98];
	_ =	swait.ge [sflag:s4], $0x0  }
0x19: {  	s7 =	sld [smem:$0x3F99]  }
0x1a: {  	s8 =	sadd.s32 $0xFFFFE003, lr  }
0x1b: {  	s9 =	sadd.s32 $0xFFFFFEF7, lr;
	s5 =	simm.s32 $0xFFFFFFFF;
	p2 =	slt.u32 s8, $0xFFFFF086  }
0x1c: {  	p1 =	slt.u32 s9, $0xF7A;
	s5 =	simm.s32 @!p2 $0x0  }
0x1d: {  	s5 =	simm.s32 @p1 $0x1;
	p0 =	seq.s32 s7, s2  }
0x1e: {  	s7 =	smul.u32 @!p0 $0xF7A, s2;
	p2 =	seq.s32 @!p0 s5, $0x0  }
0x1f: {  	s9 =	smul.u32 $0xF7A, s1;
	s8 =	simm.s32 @!p0 $0x1BF5;
	p2 =	por !p2, p0  }
0x20: {  	[sflag:s8] =	ssyncset.s32 @!p0 $0xFFFFF086;
	s6 =	sadd.s32 @!p0 s3, s7;
	s7 =	simm.s32 @!p0 $0x108  }
0x21: {  	s3 =	sadd.s32 s3, s9;
	s6 =	sadd.s32 @!p0 $0x88, s6;
	s7 =	simm.s32 @p2 $0x1082  }
0x22: {  	[simem:s7], [sflag:s8] =	dma.local @!p0 [hbm:s6], $0xF7A  }
0x23: {  	s9 =	sor.u32 $0xD0000000, s2;
	s6 =	simm.s32 $0x108;
	_ =	swait.ge @!p0 [sflag:s8], $0x0  }
0x24: {  	s3 =	sadd.s32 $0x88, s3;
	s6 =	simm.s32 @!p1 $0x1082;
	[sflag:s4] =	ssyncset.s32 $0xFFFFF086  }
0x25: {  	[simem:s6], [sflag:s4] =	dma.local [hbm:s3], $0xF7A  }
0x26: {  	[smem:$0x3F99] =	sst s1;
	(tag) =	ssettag s2;
	_ =	strace s9  }
0x27: {  	s1 =	sld [smem:$0x3FA9]  }
0x28: {  	s2 =	sld [smem:$0x3FAA]  }
0x29: {  	s4 =	sld [smem:$0x3FAC]  }
0x2a: {  	p0 =	seq.s32 s5, $0x0;
	s5 =	sld [smem:$0x3FAD]  }
0x2b: {  	s6 =	sld [smem:$0x3FAE]  }
0x2c: {  	s7 =	sld [smem:$0x3FAF]  }
0x2d: {  	s3 =	simm.s32 $0x108;
	s8 =	sld [smem:$0x3FB0]  }
0x2e: {  	s3 =	simm.s32 @!p0 $0x1082;
	s9 =	sld [smem:$0x3FB1]  }
0x2f: {  	lr =	sadd.s32 s0, s3;
	s0 =	sld [smem:$0x3FA8]  }
0x30: {  	s3 =	sld [smem:$0x3FAB]  }
0x31: {  	[smem:$0x3FB4] =	sst s10  }
0x32: {  	s10 =	sld [smem:$0x3FB2];
	_ =	sdelay $0x3  }
0x33: {  	p0 =	seq.s32 s10, $0x1;
	s10 =	sld [smem:$0x3FB4];
	_ =	sdelay $0x3  }
0x34: {  	[smem:$0x3FB4] =	sst s10  }
0x35: {  	s10 =	sld [smem:$0x3FB3];
	_ =	sdelay $0x3  }
0x36: {  	p1 =	seq.s32 s10, $0x1;
	s10 =	sld [smem:$0x3FB4];
	_ =	sdelay $0x3  }
0x37: {  	[smem:$0x3FB4] =	sst s10  }
0x38: {  	s10 =	sld [smem:$0x3FB5]  }
0x39: {  	_ = 	snop;
	(pc) =	sbr.ind lr, $3  }
0x3a: {  	_ = 	snop  }
0x3b: {  	_ = 	snop  }
0x3c: {  	p2 =	seq.s32 s10, $0x1;
	s10 =	sld [smem:$0x3FB4]  }
0x3d: {  	_ =	shalt  }
0x3e: {  	_ =	shalt  }
0x3f: {  	_ =	shalt  }
0x40: {  	_ =	shalt  }
0x41: {  	_ =	shalt  }
0x42: {  	_ =	shalt  }
0x43: {  	_ =	shalt  }
0x44: {  	_ =	shalt  }
0x45: {  	_ =	shalt  }
0x46: {  	_ =	shalt  }
0x47: {  	_ =	shalt  }
0x48: {  	_ =	shalt  }
0x49: {  	_ =	shalt  }
0x4a: {  	_ =	shalt  }
0x4b: {  	_ =	shalt  }
0x4c: {  	_ =	shalt  }
0x4d: {  	_ =	shalt  }
0x4e: {  	_ =	shalt  }
0x4f: {  	_ =	shalt  }
0x50: {  	_ =	shalt  }
0x51: {  	_ =	shalt  }
0x52: {  	_ =	shalt  }
0x53: {  	_ =	shalt  }
0x54: {  	_ =	shalt  }
0x55: {  	_ =	shalt  }
0x56: {  	_ =	shalt  }
0x57: {  	_ =	shalt  }
0x58: {  	_ =	shalt  }
0x59: {  	_ =	shalt  }
0x5a: {  	_ =	shalt  }
0x5b: {  	_ =	shalt  }
0x5c: {  	_ =	shalt  }
0x5d: {  	_ =	shalt  }
0x5e: {  	_ =	shalt  }
0x5f: {  	_ =	shalt  }
0x60: {  	_ =	shalt  }
0x61: {  	_ =	shalt  }
0x62: {  	_ =	shalt  }
0x63: {  	_ =	shalt  }
0x64: {  	_ =	shalt  }
0x65: {  	_ =	shalt  }
0x66: {  	_ =	shalt  }
0x67: {  	_ =	shalt  }
0x68: {  	_ =	shalt  }
0x69: {  	_ =	shalt  }
0x6a: {  	_ =	shalt  }
0x6b: {  	_ =	shalt  }
0x6c: {  	_ =	shalt  }
0x6d: {  	_ =	shalt  }
0x6e: {  	_ =	shalt  }
0x6f: {  	_ =	shalt  }
0x70: {  	_ =	shalt  }
0x71: {  	_ =	shalt  }
0x72: {  	_ =	shalt  }
0x73: {  	_ =	shalt  }
0x74: {  	_ =	shalt  }
0x75: {  	_ =	shalt  }
0x76: {  	_ =	shalt  }
0x77: {  	_ =	shalt  }
0x78: {  	_ =	shalt  }
0x79: {  	_ =	shalt  }
0x7a: {  	_ =	shalt  }
0x7b: {  	_ =	shalt  }
0x7c: {  	_ =	shalt  }
0x7d: {  	_ =	shalt  }
0x7e: {  	_ =	shalt  }
0x7f: {  	_ =	shalt  }
0x80: {  	_ =	shalt  }
0x81: {  	_ =	shalt  }
0x82: {  	_ =	shalt  }
0x83: {  	_ =	shalt  }
0x84: {  	_ =	shalt  }
0x85: {  	_ =	shalt  }
0x86: {  	_ =	shalt  }
0x87: {  	_ =	shalt  }
.Lfunc_end0:
.L_simem_size_0:
called_computation.2_lowered:
.L_overlay_start_0:
0x88: {  	s2 =	sld [smem:$0x3FD9]  }
0x89: {  	s3 =	sld [smem:$0x3FFE];
	_ =	sdelay $0x1  }
0x8a: {  	s1 =	srdreg.scid  }
0x8b: {  	s0 =	sand.u32 $0x1, s1  }
0x8c: {  	s17 =	sshll.u32 s0, $0xA;
	s2 =	sadd.s32 s3, s2  }
0x8d: {  	s2 =	sadd.s32 s2, s17  }
0x8e: {  	[smem:$0x3FC0] =	sst s2  }
0x8f: {  	_ = 	snop  }
0x90: {  	s2 =	sld [smem:$0x3FD0];
	(tm) =	ssettm $0x1  }
0x91: {  	s18 =	sld [smem:$0x3FFB];
	_ =	sdelay $0x3  }
0x92: {  	_ =	strace s18  }
0x93: {  	s3 =	sld [smem:$0x3FFC];
	_ =	sdelay $0x3  }
0x94: {  	_ =	strace s3  }
0x95: {  	s3 =	sld [smem:$0x3FFD];
	_ =	sdelay $0x3  }
0x96: {  	_ =	strace s3  }
0x97: {  	_ =	strace $0x8FFFFFFF  }
0x98: {  	s19 =	sld [smem:$0x3FDB];
	_ =	sdelay $0x1  }
0x99: {  	s4 =	simm.s32 $_scs_section_size  }
0x9a: {  	s5 =	simm.s32 $_size__tile_overlayer_lowered;
	s6 =	simm.s32 $_tile_overlayer_lowered  }
0x9b: {  	s22 =	simm.s32 $0x1BFF;
	s21 =	sshll.u32 s6, $0x1;
	s3 =	sadd.s32 s4, s19  }
0x9c: {  	s7 =	simm.s32 $0x0;
	s20 =	sshll.u32 s5, $0x1;
	s5 =	sadd.s32 s21, s3  }
0x9d: {  	[timem:s7], [sflag:s22] =	dma.local [hbm:s5], s20  }
0x9e: {  	_ =	swait.ge [sflag:s22], s20  }
0x9f: {  	s4 =	ssub.s32 $0x0, s20;
	[sflag:s22] =	ssyncset.done $0x0  }
0xa0: {  	[sflag:s22] =	ssyncadd.s32 s4;
	_ =	sdelay $0x1  }
0xa1: {  	s23 =	simm.s32 $0x1B8B  }
0xa2: {  	_ =	swait.ge [sflag:s23], $0x1  }
0xa3: {  	[sflag:s23] =	ssyncset.done $0x0  }
0xa4: {  	s25 =	simm.s32 $0x1B8E;
	s24 =	sld [smem:$0x3FFE];
	[sflag:s23] =	ssyncadd.s32 $0xFFFFFFFF  }
0xa5: {  	s26 =	simm.s32 $execute0_lowered;
	[smem:$0x3FD2] =	sst s25  }
0xa6: {  	s5 =	sshll.u32 s26, $0x1;
	_ =	strace $0x8000004C;
	[dreg:$0x1] =	wrdreg $0xFFFFFFFF  }
0xa7: {  	s28 =	simm.s32 $_size_execute0_lowered;
	s3 =	sadd.s32 s3, s5;
	[dreg:$0x0] =	wrdreg $0x0  }
0xa8: {  	s5 =	sshll.u32 s28, $0x1;
	[dreg:$0x2] =	wrdreg s3  }
0xa9: {  	[dreg:$0x3] =	wrdreg s5  }
0xaa: {  	[dreg:$0x4] =	wrdreg $0xC0  }
0xab: {  	_ =	task [dreg:s7], $0x5FFFF  }
0xac: {  	[dreg:$0x1] =	wrdreg $0xFFFFFFFF  }
0xad: {  	[dreg:$0x0] =	wrdreg $0x60  }
0xae: {  	[dreg:$0x2] =	wrdreg s24  }
0xaf: {  	[dreg:$0x3] =	wrdreg s2  }
0xb0: {  	[dreg:$0x4] =	wrdreg $0xA1000  }
0xb1: {  	[dreg:$0x5] =	wrdreg $0x9  }
0xb2: {  	_ =	task.clear_ibuf [dreg:s7], $0x6FFFF;
	_ =	strace $0x9000004C  }
0xb3: {  	s29 =	simm.s32 $0x9;
	_ =	strace $0x8000004E  }
0xb4: {  	_ =	swait.ge [sflag:s29], $0x1  }
0xb5: {  	[sflag:s29] =	ssyncadd.s32 $0xFFFFFFFF  }
0xb6: {  	_ =	strace $0x9000004E  }
0xb7: {  	_ =	sfence  }
0xb8: {  	s30 =	sld [smem:$0x0];
	_ =	sdelay $0x2  }
0xb9: {  	s31 =	sshll.u32 s1, $0xD;
	s1 =	sshrl.u32 s1, $0x2  }
0xba: {  	s3 =	sand.u32 $0x4000, s31;
	s1 =	sadd.s32 s1, s30  }
0xbb: {  	s0 =	sor.u32 s3, s0;
	s1 =	sshll.u32 s1, $0x11  }
0xbc: {  	s0 =	sor.u32 s1, s0  }
0xbd: {  	s0 =	sadd.s32 $0x8F2B, s0  }
0xbe: {  	[sflag:s0] =	ssyncadd.remote.s32 $0x1  }
0xbf: {  	_ =	sfence.sel $0xFFFF  }
0xc0: {  	[dreg:$0x0] =	wrdreg $0xFFFFFFFF;
	(pc) =	sbr.abs _section_cstart, $3  }
0xc1: {  	[dreg:$0x1] =	wrdreg $0xFFFFFFFF  }
0xc2: {  	_ =	task.clear_ibuf [dreg:s7], $0x2FFFF;
	_ =	strace $0x9FFFFFFF  }
0xc3: {  	(tm) =	ssettm $0x7FFFFFFF  }
tec
execute0_lowered:
.L_overlay_start_1:
0x0: {  	(tag) =	ssettag $0x1  }
0x1: {  	s0 =	rddreg [dreg:$0x0]  }
0x2: {  	s2 =	rddreg [dreg:$0x1]  }
0x3: {  	s1 =	rddreg [dreg:$0x2];
	s3 =	simm.s32 $0x0;
	s12 =	stileid.u32  }
0x4: {  	s5 =	srdreg.scid;
	s29 =	simm.s32 $0x7900;
	s30 =	simm.s32 $0x1  }
0x5: {  	s31 =	simm.s32 $0x4;
	s28 =	simm.s32 $0x7;
	s8 =	smul.u32 $0x2800, s12  }
0x6: {  	[smem:$0x7FF] =	sst s3;
	s4 =	sadd.s32 $0x4200, s0;
	s7 =	smul.u32 $0x50000, s12  }
0x7: {  	s6 =	sadd.s32 $0x2C200, s0;
	s5 =	sand.u32 $0x1, s5;
	s10 =	smul.u32 $0x2710, s12  }
0x8: {  	s11 =	sadd.s32 $0x7C200, s0;
	s21 =	sshll.u32 s12, $0x6;
	s24 =	smul.u32 $0x4E2, s12  }
0x9: {  	s12 =	simm.s32 $0x0;
	_ =	strace $0x8000004D;
	s9 =	ssub.s32 $0x2, s5  }
0xa: {  	[dreg:$0x5] =	wrdreg s11;
	s11 =	sor.u32 $0x1C0A, s21;
	p0 =	seq.s32 s5, $0x0  }
0xb: {  	s21 =	simm.s32 $0x2780;
	s5 =	simm.s32 $0x8;
	[dreg:$0x4] =	wrdreg s8  }
0xc: {  	s8 =	sadd.s32 s8, s0;
	s0 =	sadd.s32 $0xA4200, s0;
	s19 =	sshrl.u32 s9, $0x1  }
0xd: {  	s7 =	sshrl.u32 s7, $0x2;
	s20 =	sshrl.u32 s10, $0x3;
	s18 =	sadd.s32 s24, s2  }
0xe: {  	s24 =	simm.s32 $0x2800;
	s10 =	simm.s32 $0x9;
	[dreg:$0x6] =	wrdreg s0  }
0xf: {  	s0 =	ssub.s32 s9, s19;
	s7 =	sadd.s32 s7, s1;
	s9 =	sadd.s32 s2, s20  }
0x10: {  	s8 =	sadd.s32 $0x54200, s8;
	s20 =	simm.s32 $0xA;
	s2 =	simm.s32 $0x5  }
0x11: {  	[dreg:$0x7] =	wrdreg s8;
	s22 =	sadd.s32 $0x52EE, s9;
	s23 =	sadd.s32 $0x52F8, s9  }
0x12: {  	s0 =	smax.u32 s0, $0x1;
	s25 =	sadd.s32 $0x4E20, s9;
	[dreg:$0x8] =	wrdreg s22  }
.Ltmp0:
0x13: {  	s26 =	sadd.s32 $0x4E2A, s9;
	[dreg:$0x9] =	wrdreg s23;
	(pc) =	sbr.rel .LBB2_1-.Ltmp0, $4  }
0x14: {  	s17 =	sadd.s32 $0x4E34, s9;
	s19 =	sshrl.u32 s7, $0x3;
	[dreg:$0xa] =	wrdreg s0  }
0x15: {  	s7 =	simm.s32 $0x3;
	s8 =	simm.s32 $0x6;
	[dreg:$0xb] =	wrdreg s25  }
0x16: {  	[dreg:$0xc] =	wrdreg s26;
	s22 =	simm.s32 $0x50;
	s23 =	simm.s32 $0x2900  }
0x17: {  	s25 =	simm.s32 $0x5100;
	s26 =	simm.s32 $0x2880;
	s0 =	simm.s32 $0x2  }
.LBB2_7:
0x18: {  	[spmem:s1] =	stream.indirect.scatter.add.f32 [tilespmem:s29], [sflag:$0x9], $0x80, s26, s22, $0xb8;
	[tilespmem:$0x1E100] =	vst v63  }
0x19: {  	s14 =	smov.u32 s4;
	s13 =	rddreg [dreg:$0x5]  }
.LBB2_8:
0x1a: {  	_ =	swait.ge [sflag:s28], $0x2800  }
0x1b: {  	[sflag:s28] =	ssyncset.done $0x0  }
0x1c: {  	[sflag:s28] =	ssyncadd.s32 $0xFFFFD800  }
0x1d: {  	_ =	swait.ge [sflag:s5], $0x2800  }
0x1e: {  	[sflag:s5] =	ssyncset.done $0x0  }
0x1f: {  	[sflag:s5] =	ssyncadd.s32 $0xFFFFD800  }
0x20: {  	_ =	swait.ge [sflag:s10], $0x2800  }
0x21: {  	[sflag:s10] =	ssyncset.done $0x0  }
0x22: {  	s15 =	rddreg [dreg:$0x8];
	[sflag:s10] =	ssyncadd.s32 $0xFFFFD800  }
0x23: {  	[tilespmem:s21], [sflag:$0xA] =	stream.linear.gather [hbm4b:s15+s3], $0x50, $0x38;
	[tilespmem:$0x1E100] =	vst v63  }
0x24: {  	_ =	swait.ge [sflag:s20], $0x50  }
0x25: {  	[sflag:s20] =	ssyncset.done $0x0  }
0x26: {  	s16 =	simm.s32 $0x2670;
	[sflag:s20] =	ssyncadd.s32 $0xFFFFFFB0  }
0x27: {  	[tilespmem:s23], [sflag:$0xA] =	stream.indirect.gather [hbm4b:s14+s22], $0x80, s16, s22, $0xb8;
	[tilespmem:$0x1E100] =	vst v63  }
0x28: {  	_ =	swait.ge [sflag:s20], $0x2800  }
0x29: {  	[sflag:s20] =	ssyncset.done $0x0  }
0x2a: {  	[sflag:s20] =	ssyncadd.s32 $0xFFFFD800  }
0x2b: {  	[spmem:s1] =	stream.indirect.scatter.add.f32 [tilespmem:s23], [sflag:$0xA], $0x80, s21, s22, $0xb8;
	[tilespmem:$0x1E100] =	vst v63  }
0x2c: {  	_ =	swait.ge [sflag:s20], $0x2800  }
0x2d: {  	[sflag:s20] =	ssyncset.done $0x0  }
0x2e: {  	s16 =	rddreg [dreg:$0x9];
	[sflag:s20] =	ssyncadd.s32 $0xFFFFD800  }
0x2f: {  	[tilespmem:s24], [sflag:$0xA] =	stream.linear.gather [hbm4b:s16+s3], $0x50, $0x38;
	[tilespmem:$0x1E100] =	vst v63  }
0x30: {  	_ =	swait.ge [sflag:s20], $0x50  }
0x31: {  	[sflag:s20] =	ssyncset.done $0x0  }
0x32: {  	s16 =	simm.s32 $0x26C0;
	[sflag:s20] =	ssyncadd.s32 $0xFFFFFFB0  }
0x33: {  	[tilespmem:s25], [sflag:$0xA] =	stream.indirect.gather [hbm4b:s14+s22], $0x80, s16, s22, $0xb8;
	[tilespmem:$0x1E100] =	vst v63  }
0x34: {  	_ =	swait.ge [sflag:s20], $0x2800  }
0x35: {  	[sflag:s20] =	ssyncset.done $0x0  }
0x36: {  	[sflag:s20] =	ssyncadd.s32 $0xFFFFD800  }
0x37: {  	[spmem:s1] =	stream.indirect.scatter.add.f32 [tilespmem:s25], [sflag:$0xA], $0x80, s24, s22, $0xb8;
	[tilespmem:$0x1E100] =	vst v63  }
0x38: {  	_ =	swait.ge [sflag:s20], $0x2800  }
0x39: {  	[sflag:s20] =	ssyncset.done $0x0  }
0x3a: {  	s15 =	rddreg [dreg:$0x4];
	[sflag:s20] =	ssyncadd.s32 $0xFFFFD800  }
0x3b: {  	s13 =	sadd.s32 s13, s15;
	[bflag:$0x0] =	sbarrier.arrive $0xFFFF  }
0x3c: {  	[hbm:s13], [sflag:s11] =	dma.local [spmem:s19], $0x2800  }
0x3d: {  	_ =	swait.ge [sflag:s20], $0x2800  }
0x3e: {  	s12 =	sadd.s32 $0x1, s12;
	s16 =	rddreg [dreg:$0xa]  }
0x3f: {  	p1 =	sne.s32 s12, s16  }
.Ltmp1:
0x40: {  	_ = 	snop;
	(pc) =	sbr.rel @!p1 .LBB2_9-.Ltmp1, $3  }
0x41: {  	_ =	sdelay $0x1  }
0x42: {  	[sflag:s20] =	ssyncset.done $0x0  }
0x43: {  	[sflag:s20] =	ssyncadd.s32 $0xFFFFD800  }
.LBB2_1:
0x44: {  	s13 =	rddreg [dreg:$0x7]  }
0x45: {  	[spmem:s19], [sflag:s11] =	dma.local [hbm:s13], $0x2800  }
0x46: {  	_ =	swait.ge [sflag:s20], $0x2800  }
0x47: {  	[sflag:s20] =	ssyncset.done $0x0  }
0x48: {  	[sflag:s20] =	ssyncadd.s32 $0xFFFFD800  }
0x49: {  	[tilespmem:s3], [sflag:$0xA] =	stream.linear.gather [hbm4b:s9+s3], $0x2710, $0x38;
	[tilespmem:$0x1E100] =	vst v63  }
.Ltmp2:
0x4a: {  	_ =	swait.ge [sflag:s20], $0x2710;
	(pc) =	sbr.rel @!p0 .LBB2_2-.Ltmp2, $4  }
0x4b: {  	[sflag:s20] =	ssyncset.done $0x0  }
0x4c: {  	[sflag:s20] =	ssyncadd.s32 $0xFFFFD8F0  }
0x4d: {  	[bflag:$0x0] =	sbarrier.arrive $0xFFFF  }
0x4e: {  	s13 =	simm.s32 $0x0  }
0x4f: {  	s14 =	rddreg [dreg:$0xb]  }
0x50: {  	[tilespmem:s21], [sflag:$0x1] =	stream.linear.gather [hbm4b:s14+s13], $0x50, $0x38;
	[tilespmem:$0x1E100] =	vst v63  }
0x51: {  	_ = 	snop  }
0x52: {  	[tilespmem:s23], [sflag:$0x4] =	stream.indirect.gather [hbm4b:s4+s22], $0x80, s13, s22, $0xb8;
	[tilespmem:$0x1E100] =	vst v63  }
0x53: {  	s16 =	rddreg [dreg:$0xc]  }
0x54: {  	[tilespmem:s24], [sflag:$0x2] =	stream.linear.gather [hbm4b:s16+s13], $0x50, $0x38;
	[tilespmem:$0x1E100] =	vst v63  }
0x55: {  	_ = 	snop  }
0x56: {  	[tilespmem:s25], [sflag:$0x5] =	stream.indirect.gather [hbm4b:s4+s22], $0x80, s22, s22, $0xb8;
	[tilespmem:$0x1E100] =	vst v63  }
0x57: {  	_ = 	snop  }
0x58: {  	[tilespmem:s26], [sflag:$0x3] =	stream.linear.gather [hbm4b:s17+s13], $0x50, $0x38;
	[tilespmem:$0x1E100] =	vst v63  }
0x59: {  	s15 =	simm.s32 $0xA0  }
0x5a: {  	[tilespmem:s29], [sflag:$0x6] =	stream.indirect.gather [hbm4b:s4+s22], $0x80, s15, s22, $0xb8;
	[tilespmem:$0x1E100] =	vst v63  }
0x5b: {  	_ =	swait.ge [sflag:s30], $0x50  }
0x5c: {  	[sflag:s30] =	ssyncset.done $0x0  }
0x5d: {  	[sflag:s30] =	ssyncadd.s32 $0xFFFFFFB0  }
0x5e: {  	_ =	swait.ge [sflag:s31], $0x2800  }
0x5f: {  	[sflag:s31] =	ssyncset.done $0x0  }
0x60: {  	[sflag:s31] =	ssyncadd.s32 $0xFFFFD800  }
0x61: {  	[spmem:s1] =	stream.indirect.scatter.add.f32 [tilespmem:s23], [sflag:$0x7], $0x80, s21, s22, $0xb8;
	[tilespmem:$0x1E100] =	vst v63  }
0x62: {  	_ =	swait.ge [sflag:s0], $0x50  }
0x63: {  	[sflag:s0] =	ssyncset.done $0x0  }
0x64: {  	[sflag:s0] =	ssyncadd.s32 $0xFFFFFFB0  }
0x65: {  	_ =	swait.ge [sflag:s2], $0x2800  }
0x66: {  	[sflag:s2] =	ssyncset.done $0x0  }
0x67: {  	[sflag:s2] =	ssyncadd.s32 $0xFFFFD800  }
0x68: {  	[spmem:s1] =	stream.indirect.scatter.add.f32 [tilespmem:s25], [sflag:$0x8], $0x80, s24, s22, $0xb8;
	[tilespmem:$0x1E100] =	vst v63  }
0x69: {  	_ =	swait.ge [sflag:s7], $0x50  }
0x6a: {  	[sflag:s7] =	ssyncset.done $0x0  }
0x6b: {  	[sflag:s7] =	ssyncadd.s32 $0xFFFFFFB0  }
0x6c: {  	_ =	swait.ge [sflag:s8], $0x2800  }
0x6d: {  	[sflag:s8] =	ssyncset.done $0x0  }
0x6e: {  	[sflag:s8] =	ssyncadd.s32 $0xFFFFD800  }
0x6f: {  	[spmem:s1] =	stream.indirect.scatter.add.f32 [tilespmem:s29], [sflag:$0x9], $0x80, s26, s22, $0xb8;
	[tilespmem:$0x1E100] =	vst v63  }
0x70: {  	_ =	swait.ge [sflag:s28], $0x2800  }
0x71: {  	s13 =	sadd.s32 $0x0, s18;
	[sflag:s28] =	ssyncset.done $0x0  }
0x72: {  	s16 =	sadd.s32 $0x4E3E, s13;
	[sflag:s28] =	ssyncadd.s32 $0xFFFFD800  }
0x73: {  	[tilespmem:s21], [sflag:$0x1] =	stream.linear.gather [hbm4b:s16+s3], $0x50, $0x38;
	[tilespmem:$0x1E100] =	vst v63  }
0x74: {  	s15 =	simm.s32 $0xF0  }
0x75: {  	[tilespmem:s23], [sflag:$0x4] =	stream.indirect.gather [hbm4b:s4+s22], $0x80, s15, s22, $0xb8;
	[tilespmem:$0x1E100] =	vst v63  }
0x76: {  	_ =	swait.ge [sflag:s5], $0x2800  }
0x77: {  	[sflag:s5] =	ssyncset.done $0x0  }
0x78: {  	s16 =	sadd.s32 $0x4E48, s13;
	[sflag:s5] =	ssyncadd.s32 $0xFFFFD800  }
0x79: {  	[tilespmem:s24], [sflag:$0x2] =	stream.linear.gather [hbm4b:s16+s3], $0x50, $0x38;
	[tilespmem:$0x1E100] =	vst v63  }
0x7a: {  	s15 =	simm.s32 $0x140  }
0x7b: {  	[tilespmem:s25], [sflag:$0x5] =	stream.indirect.gather [hbm4b:s4+s22], $0x80, s15, s22, $0xb8;
	[tilespmem:$0x1E100] =	vst v63  }
0x7c: {  	_ =	swait.ge [sflag:s10], $0x2800  }
0x7d: {  	[sflag:s10] =	ssyncset.done $0x0  }
0x7e: {  	s13 =	sadd.s32 $0x4E52, s13;
	[sflag:s10] =	ssyncadd.s32 $0xFFFFD800  }
0x7f: {  	[tilespmem:s26], [sflag:$0x3] =	stream.linear.gather [hbm4b:s13+s3], $0x50, $0x38;
	[tilespmem:$0x1E100] =	vst v63  }
0x80: {  	s16 =	simm.s32 $0x190  }
0x81: {  	[tilespmem:s29], [sflag:$0x6] =	stream.indirect.gather [hbm4b:s4+s22], $0x80, s16, s22, $0xb8;
	[tilespmem:$0x1E100] =	vst v63  }
0x82: {  	_ =	swait.ge [sflag:s30], $0x50  }
0x83: {  	[sflag:s30] =	ssyncset.done $0x0  }
0x84: {  	[sflag:s30] =	ssyncadd.s32 $0xFFFFFFB0  }
0x85: {  	_ =	swait.ge [sflag:s31], $0x2800  }
0x86: {  	[sflag:s31] =	ssyncset.done $0x0  }
0x87: {  	[sflag:s31] =	ssyncadd.s32 $0xFFFFD800  }
0x88: {  	[spmem:s1] =	stream.indirect.scatter.add.f32 [tilespmem:s23], [sflag:$0x7], $0x80, s21, s22, $0xb8;
	[tilespmem:$0x1E100] =	vst v63  }
0x89: {  	_ =	swait.ge [sflag:s0], $0x50  }
0x8a: {  	[sflag:s0] =	ssyncset.done $0x0  }
0x8b: {  	[sflag:s0] =	ssyncadd.s32 $0xFFFFFFB0  }
0x8c: {  	_ =	swait.ge [sflag:s2], $0x2800  }
0x8d: {  	[sflag:s2] =	ssyncset.done $0x0  }
0x8e: {  	[sflag:s2] =	ssyncadd.s32 $0xFFFFD800  }
0x8f: {  	[spmem:s1] =	stream.indirect.scatter.add.f32 [tilespmem:s25], [sflag:$0x8], $0x80, s24, s22, $0xb8;
	[tilespmem:$0x1E100] =	vst v63  }
0x90: {  	_ =	swait.ge [sflag:s7], $0x50  }
0x91: {  	[sflag:s7] =	ssyncset.done $0x0  }
0x92: {  	[sflag:s7] =	ssyncadd.s32 $0xFFFFFFB0  }
0x93: {  	_ =	swait.ge [sflag:s8], $0x2800  }
0x94: {  	[sflag:s8] =	ssyncset.done $0x0  }
0x95: {  	s14 =	simm.s32 $0x280;
	s13 =	simm.s32 $0x1E;
	[sflag:s8] =	ssyncadd.s32 $0xFFFFD800  }
.LBB2_6:
0x96: {  	[spmem:s1] =	stream.indirect.scatter.add.f32 [tilespmem:s29], [sflag:$0x9], $0x80, s26, s22, $0xb8;
	[tilespmem:$0x1E100] =	vst v63  }
0x97: {  	s15 =	smov.u32 s13  }
0x98: {  	p1 =	seq.s32 s13, $0x492;
	s13 =	sadd.s32 $0x1E, s13;
	_ =	swait.ge [sflag:s28], $0x2800  }
0x99: {  	s15 =	sadd.s32 s15, s18;
	[sflag:s28] =	ssyncset.done $0x0  }
0x9a: {  	s16 =	sadd.s32 $0x4E3E, s15;
	[sflag:s28] =	ssyncadd.s32 $0xFFFFD800  }
0x9b: {  	[tilespmem:s21], [sflag:$0x1] =	stream.linear.gather [hbm4b:s16+s3], $0x50, $0x38;
	[tilespmem:$0x1E100] =	vst v63  }
0x9c: {  	s16 =	sadd.s32 $0xFFFFFF60, s14  }
0x9d: {  	[tilespmem:s23], [sflag:$0x4] =	stream.indirect.gather [hbm4b:s4+s22], $0x80, s16, s22, $0xb8;
	[tilespmem:$0x1E100] =	vst v63  }
0x9e: {  	_ =	swait.ge [sflag:s5], $0x2800  }
0x9f: {  	[sflag:s5] =	ssyncset.done $0x0  }
0xa0: {  	s16 =	sadd.s32 $0x4E48, s15;
	[sflag:s5] =	ssyncadd.s32 $0xFFFFD800  }
0xa1: {  	[tilespmem:s24], [sflag:$0x2] =	stream.linear.gather [hbm4b:s16+s3], $0x50, $0x38;
	[tilespmem:$0x1E100] =	vst v63  }
0xa2: {  	s16 =	sadd.s32 $0xFFFFFFB0, s14  }
0xa3: {  	[tilespmem:s25], [sflag:$0x5] =	stream.indirect.gather [hbm4b:s4+s22], $0x80, s16, s22, $0xb8;
	[tilespmem:$0x1E100] =	vst v63  }
0xa4: {  	_ =	swait.ge [sflag:s10], $0x2800  }
0xa5: {  	[sflag:s10] =	ssyncset.done $0x0  }
0xa6: {  	s15 =	sadd.s32 $0x4E52, s15;
	[sflag:s10] =	ssyncadd.s32 $0xFFFFD800  }
0xa7: {  	[tilespmem:s26], [sflag:$0x3] =	stream.linear.gather [hbm4b:s15+s3], $0x50, $0x38;
	[tilespmem:$0x1E100] =	vst v63  }
0xa8: {  	_ = 	snop  }
0xa9: {  	[tilespmem:s29], [sflag:$0x6] =	stream.indirect.gather [hbm4b:s4+s22], $0x80, s14, s22, $0xb8;
	[tilespmem:$0x1E100] =	vst v63  }
0xaa: {  	_ =	swait.ge [sflag:s30], $0x50  }
0xab: {  	[sflag:s30] =	ssyncset.done $0x0  }
0xac: {  	[sflag:s30] =	ssyncadd.s32 $0xFFFFFFB0  }
0xad: {  	_ =	swait.ge [sflag:s31], $0x2800  }
0xae: {  	[sflag:s31] =	ssyncset.done $0x0  }
0xaf: {  	[sflag:s31] =	ssyncadd.s32 $0xFFFFD800  }
0xb0: {  	[spmem:s1] =	stream.indirect.scatter.add.f32 [tilespmem:s23], [sflag:$0x7], $0x80, s21, s22, $0xb8;
	[tilespmem:$0x1E100] =	vst v63  }
0xb1: {  	_ =	swait.ge [sflag:s0], $0x50  }
0xb2: {  	[sflag:s0] =	ssyncset.done $0x0  }
0xb3: {  	[sflag:s0] =	ssyncadd.s32 $0xFFFFFFB0  }
0xb4: {  	_ =	swait.ge [sflag:s2], $0x2800  }
0xb5: {  	[sflag:s2] =	ssyncset.done $0x0  }
0xb6: {  	[sflag:s2] =	ssyncadd.s32 $0xFFFFD800  }
0xb7: {  	[spmem:s1] =	stream.indirect.scatter.add.f32 [tilespmem:s25], [sflag:$0x8], $0x80, s24, s22, $0xb8;
	[tilespmem:$0x1E100] =	vst v63  }
0xb8: {  	_ =	swait.ge [sflag:s7], $0x50  }
.Ltmp3:
0xb9: {  	[sflag:s7] =	ssyncset.done $0x0;
	(pc) =	sbr.rel @!p1 .LBB2_6-.Ltmp3, $4  }
0xba: {  	[sflag:s7] =	ssyncadd.s32 $0xFFFFFFB0  }
0xbb: {  	_ =	swait.ge [sflag:s8], $0x2800  }
0xbc: {  	[sflag:s8] =	ssyncset.done $0x0  }
0xbd: {  	s14 =	sadd.s32 $0xF0, s14;
	[sflag:s8] =	ssyncadd.s32 $0xFFFFD800  }
.Ltmp4:
0xbe: {  	_ = 	snop;
	(pc) =	sbr.rel .LBB2_7-.Ltmp4, $1  }
0xbf: {  	_ =	sdelay $0x3  }
.LBB2_2:
0xc0: {  	s14 =	rddreg [dreg:$0xb]  }
0xc1: {  	[tilespmem:s21], [sflag:$0x1] =	stream.linear.gather [hbm4b:s14+s13], $0x50, $0x38;
	[tilespmem:$0x1E100] =	vst v63  }
0xc2: {  	_ = 	snop  }
0xc3: {  	[tilespmem:s23], [sflag:$0x4] =	stream.indirect.gather [hbm4b:s6+s22], $0x80, s13, s22, $0xb8;
	[tilespmem:$0x1E100] =	vst v63  }
0xc4: {  	s16 =	rddreg [dreg:$0xc]  }
0xc5: {  	[tilespmem:s24], [sflag:$0x2] =	stream.linear.gather [hbm4b:s16+s13], $0x50, $0x38;
	[tilespmem:$0x1E100] =	vst v63  }
0xc6: {  	_ = 	snop  }
0xc7: {  	[tilespmem:s25], [sflag:$0x5] =	stream.indirect.gather [hbm4b:s6+s22], $0x80, s22, s22, $0xb8;
	[tilespmem:$0x1E100] =	vst v63  }
0xc8: {  	_ = 	snop  }
0xc9: {  	[tilespmem:s26], [sflag:$0x3] =	stream.linear.gather [hbm4b:s17+s13], $0x50, $0x38;
	[tilespmem:$0x1E100] =	vst v63  }
0xca: {  	s15 =	simm.s32 $0xA0  }
0xcb: {  	[tilespmem:s29], [sflag:$0x6] =	stream.indirect.gather [hbm4b:s6+s22], $0x80, s15, s22, $0xb8;
	[tilespmem:$0x1E100] =	vst v63  }
0xcc: {  	_ =	swait.ge [sflag:s30], $0x50  }
0xcd: {  	[sflag:s30] =	ssyncset.done $0x0  }
0xce: {  	[sflag:s30] =	ssyncadd.s32 $0xFFFFFFB0  }
0xcf: {  	_ =	swait.ge [sflag:s31], $0x2800  }
0xd0: {  	[sflag:s31] =	ssyncset.done $0x0  }
0xd1: {  	[sflag:s31] =	ssyncadd.s32 $0xFFFFD800  }
0xd2: {  	[spmem:s1] =	stream.indirect.scatter.add.f32 [tilespmem:s23], [sflag:$0x7], $0x80, s21, s22, $0xb8;
	[tilespmem:$0x1E100] =	vst v63  }
0xd3: {  	_ =	swait.ge [sflag:s0], $0x50  }
0xd4: {  	[sflag:s0] =	ssyncset.done $0x0  }
0xd5: {  	[sflag:s0] =	ssyncadd.s32 $0xFFFFFFB0  }
0xd6: {  	_ =	swait.ge [sflag:s2], $0x2800  }
0xd7: {  	[sflag:s2] =	ssyncset.done $0x0  }
0xd8: {  	[sflag:s2] =	ssyncadd.s32 $0xFFFFD800  }
0xd9: {  	[spmem:s1] =	stream.indirect.scatter.add.f32 [tilespmem:s25], [sflag:$0x8], $0x80, s24, s22, $0xb8;
	[tilespmem:$0x1E100] =	vst v63  }
0xda: {  	_ =	swait.ge [sflag:s7], $0x50  }
0xdb: {  	[sflag:s7] =	ssyncset.done $0x0  }
0xdc: {  	[sflag:s7] =	ssyncadd.s32 $0xFFFFFFB0  }
0xdd: {  	_ =	swait.ge [sflag:s8], $0x2800  }
0xde: {  	[sflag:s8] =	ssyncset.done $0x0  }
0xdf: {  	[sflag:s8] =	ssyncadd.s32 $0xFFFFD800  }
0xe0: {  	[spmem:s1] =	stream.indirect.scatter.add.f32 [tilespmem:s29], [sflag:$0x9], $0x80, s26, s22, $0xb8;
	[tilespmem:$0x1E100] =	vst v63  }
0xe1: {  	_ =	swait.ge [sflag:s28], $0x2800  }
0xe2: {  	s14 =	sadd.s32 $0x0, s18;
	[sflag:s28] =	ssyncset.done $0x0  }
0xe3: {  	s15 =	sadd.s32 $0x4E3E, s14;
	[sflag:s28] =	ssyncadd.s32 $0xFFFFD800  }
0xe4: {  	[tilespmem:s21], [sflag:$0x1] =	stream.linear.gather [hbm4b:s15+s3], $0x50, $0x38;
	[tilespmem:$0x1E100] =	vst v63  }
0xe5: {  	s16 =	simm.s32 $0xF0  }
0xe6: {  	[tilespmem:s23], [sflag:$0x4] =	stream.indirect.gather [hbm4b:s6+s22], $0x80, s16, s22, $0xb8;
	[tilespmem:$0x1E100] =	vst v63  }
0xe7: {  	_ =	swait.ge [sflag:s5], $0x2800  }
0xe8: {  	[sflag:s5] =	ssyncset.done $0x0  }
0xe9: {  	s16 =	sadd.s32 $0x4E48, s14;
	[sflag:s5] =	ssyncadd.s32 $0xFFFFD800  }
0xea: {  	[tilespmem:s24], [sflag:$0x2] =	stream.linear.gather [hbm4b:s16+s3], $0x50, $0x38;
	[tilespmem:$0x1E100] =	vst v63  }
0xeb: {  	s16 =	simm.s32 $0x140  }
0xec: {  	[tilespmem:s25], [sflag:$0x5] =	stream.indirect.gather [hbm4b:s6+s22], $0x80, s16, s22, $0xb8;
	[tilespmem:$0x1E100] =	vst v63  }
0xed: {  	_ =	swait.ge [sflag:s10], $0x2800  }
0xee: {  	[sflag:s10] =	ssyncset.done $0x0  }
0xef: {  	s14 =	sadd.s32 $0x4E52, s14;
	[sflag:s10] =	ssyncadd.s32 $0xFFFFD800  }
0xf0: {  	[tilespmem:s26], [sflag:$0x3] =	stream.linear.gather [hbm4b:s14+s3], $0x50, $0x38;
	[tilespmem:$0x1E100] =	vst v63  }
0xf1: {  	s13 =	simm.s32 $0x190  }
0xf2: {  	[tilespmem:s29], [sflag:$0x6] =	stream.indirect.gather [hbm4b:s6+s22], $0x80, s13, s22, $0xb8;
	[tilespmem:$0x1E100] =	vst v63  }
0xf3: {  	_ =	swait.ge [sflag:s30], $0x50  }
0xf4: {  	[sflag:s30] =	ssyncset.done $0x0  }
0xf5: {  	[sflag:s30] =	ssyncadd.s32 $0xFFFFFFB0  }
0xf6: {  	_ =	swait.ge [sflag:s31], $0x2800  }
0xf7: {  	[sflag:s31] =	ssyncset.done $0x0  }
0xf8: {  	[sflag:s31] =	ssyncadd.s32 $0xFFFFD800  }
0xf9: {  	[spmem:s1] =	stream.indirect.scatter.add.f32 [tilespmem:s23], [sflag:$0x7], $0x80, s21, s22, $0xb8;
	[tilespmem:$0x1E100] =	vst v63  }
0xfa: {  	_ =	swait.ge [sflag:s0], $0x50  }
0xfb: {  	[sflag:s0] =	ssyncset.done $0x0  }
0xfc: {  	[sflag:s0] =	ssyncadd.s32 $0xFFFFFFB0  }
0xfd: {  	_ =	swait.ge [sflag:s2], $0x2800  }
0xfe: {  	[sflag:s2] =	ssyncset.done $0x0  }
0xff: {  	[sflag:s2] =	ssyncadd.s32 $0xFFFFD800  }
0x100: {  	[spmem:s1] =	stream.indirect.scatter.add.f32 [tilespmem:s25], [sflag:$0x8], $0x80, s24, s22, $0xb8;
	[tilespmem:$0x1E100] =	vst v63  }
0x101: {  	_ =	swait.ge [sflag:s7], $0x50  }
0x102: {  	[sflag:s7] =	ssyncset.done $0x0  }
0x103: {  	[sflag:s7] =	ssyncadd.s32 $0xFFFFFFB0  }
0x104: {  	_ =	swait.ge [sflag:s8], $0x2800  }
0x105: {  	[sflag:s8] =	ssyncset.done $0x0  }
0x106: {  	s14 =	simm.s32 $0x280;
	s13 =	simm.s32 $0x1E;
	[sflag:s8] =	ssyncadd.s32 $0xFFFFD800  }
.LBB2_3:
0x107: {  	[spmem:s1] =	stream.indirect.scatter.add.f32 [tilespmem:s29], [sflag:$0x9], $0x80, s26, s22, $0xb8;
	[tilespmem:$0x1E100] =	vst v63  }
0x108: {  	s15 =	smov.u32 s13  }
0x109: {  	p1 =	sne.s32 s13, $0x492;
	s13 =	sadd.s32 $0x1E, s13;
	_ =	swait.ge [sflag:s28], $0x2800  }
0x10a: {  	s15 =	sadd.s32 s15, s18;
	[sflag:s28] =	ssyncset.done $0x0  }
0x10b: {  	s16 =	sadd.s32 $0x4E3E, s15;
	[sflag:s28] =	ssyncadd.s32 $0xFFFFD800  }
0x10c: {  	[tilespmem:s21], [sflag:$0x1] =	stream.linear.gather [hbm4b:s16+s3], $0x50, $0x38;
	[tilespmem:$0x1E100] =	vst v63  }
0x10d: {  	s16 =	sadd.s32 $0xFFFFFF60, s14  }
0x10e: {  	[tilespmem:s23], [sflag:$0x4] =	stream.indirect.gather [hbm4b:s6+s22], $0x80, s16, s22, $0xb8;
	[tilespmem:$0x1E100] =	vst v63  }
0x10f: {  	_ =	swait.ge [sflag:s5], $0x2800  }
0x110: {  	[sflag:s5] =	ssyncset.done $0x0  }
0x111: {  	s16 =	sadd.s32 $0x4E48, s15;
	[sflag:s5] =	ssyncadd.s32 $0xFFFFD800  }
0x112: {  	[tilespmem:s24], [sflag:$0x2] =	stream.linear.gather [hbm4b:s16+s3], $0x50, $0x38;
	[tilespmem:$0x1E100] =	vst v63  }
0x113: {  	s16 =	sadd.s32 $0xFFFFFFB0, s14  }
0x114: {  	[tilespmem:s25], [sflag:$0x5] =	stream.indirect.gather [hbm4b:s6+s22], $0x80, s16, s22, $0xb8;
	[tilespmem:$0x1E100] =	vst v63  }
0x115: {  	_ =	swait.ge [sflag:s10], $0x2800  }
0x116: {  	[sflag:s10] =	ssyncset.done $0x0  }
0x117: {  	s15 =	sadd.s32 $0x4E52, s15;
	[sflag:s10] =	ssyncadd.s32 $0xFFFFD800  }
0x118: {  	[tilespmem:s26], [sflag:$0x3] =	stream.linear.gather [hbm4b:s15+s3], $0x50, $0x38;
	[tilespmem:$0x1E100] =	vst v63  }
0x119: {  	_ = 	snop  }
0x11a: {  	[tilespmem:s29], [sflag:$0x6] =	stream.indirect.gather [hbm4b:s6+s22], $0x80, s14, s22, $0xb8;
	[tilespmem:$0x1E100] =	vst v63  }
0x11b: {  	_ =	swait.ge [sflag:s30], $0x50  }
0x11c: {  	[sflag:s30] =	ssyncset.done $0x0  }
0x11d: {  	[sflag:s30] =	ssyncadd.s32 $0xFFFFFFB0  }
0x11e: {  	_ =	swait.ge [sflag:s31], $0x2800  }
0x11f: {  	[sflag:s31] =	ssyncset.done $0x0  }
0x120: {  	[sflag:s31] =	ssyncadd.s32 $0xFFFFD800  }
0x121: {  	[spmem:s1] =	stream.indirect.scatter.add.f32 [tilespmem:s23], [sflag:$0x7], $0x80, s21, s22, $0xb8;
	[tilespmem:$0x1E100] =	vst v63  }
0x122: {  	_ =	swait.ge [sflag:s0], $0x50  }
0x123: {  	[sflag:s0] =	ssyncset.done $0x0  }
0x124: {  	[sflag:s0] =	ssyncadd.s32 $0xFFFFFFB0  }
0x125: {  	_ =	swait.ge [sflag:s2], $0x2800  }
0x126: {  	[sflag:s2] =	ssyncset.done $0x0  }
0x127: {  	[sflag:s2] =	ssyncadd.s32 $0xFFFFD800  }
0x128: {  	[spmem:s1] =	stream.indirect.scatter.add.f32 [tilespmem:s25], [sflag:$0x8], $0x80, s24, s22, $0xb8;
	[tilespmem:$0x1E100] =	vst v63  }
0x129: {  	_ =	swait.ge [sflag:s7], $0x50  }
.Ltmp5:
0x12a: {  	[sflag:s7] =	ssyncset.done $0x0;
	(pc) =	sbr.rel @p1 .LBB2_3-.Ltmp5, $4  }
0x12b: {  	[sflag:s7] =	ssyncadd.s32 $0xFFFFFFB0  }
0x12c: {  	_ =	swait.ge [sflag:s8], $0x2800  }
0x12d: {  	[sflag:s8] =	ssyncset.done $0x0  }
0x12e: {  	s14 =	sadd.s32 $0xF0, s14;
	[sflag:s8] =	ssyncadd.s32 $0xFFFFD800  }
.Ltmp6:
0x12f: {  	(pc) =	sbr.rel .LBB2_8-.Ltmp6, $3  }
0x130: {  	_ =	sdelay $0x1  }
0x131: {  	[spmem:s1] =	stream.indirect.scatter.add.f32 [tilespmem:s29], [sflag:$0x9], $0x80, s26, s22, $0xb8;
	[tilespmem:$0x1E100] =	vst v63  }
0x132: {  	s14 =	smov.u32 s6;
	s13 =	rddreg [dreg:$0x6]  }
.LBB2_9:
0x133: {  	_ =	sfence.sel $0x180000  }
0x134: {  	[bflag:$0x0] =	sbarrier.arrive $0xFFFF  }
0x135: {  	_ =	strace $0x9000004D  }
0x136: {  	s0 =	stileid.u32;
	[bflag:$0x2] =	sbarrier.arrive $0xFFFF  }
0x137: {  	p0 =	sne.s32 s0, $0x0;
	s0 =	rddreg [dreg:$0x3]  }
0x138: {  	s0 =	sadd.s32 @!p0 $0x100000, s0  }
0x139: {  	[sflag:s0] =	ssyncadd.tile.s32 @!p0 $0x1;
	_ =	shalt  }
.Lfunc_end2:
_tile_overlayer_lowered:
.L_overlay_start_2:
0x13a: {  	(tag) =	ssettag $0x2  }
0x13b: {  	s0 =	rddreg [dreg:$0x0];
	s2 =	stileid.u32  }
0x13c: {  	s1 =	rddreg [dreg:$0x1];
	p0 =	sne.s32 s2, $0x0  }
0x13d: {  	s3 =	rddreg [dreg:$0x2];
	[bflag:$0x3] =	sbarrier.arrive $0xFFFF;
	s2 =	simm.s32 @!p0 $0x1C0A  }
0x13e: {  	[timem:s3], [sflag:s2] =	dma.local @!p0 [hbm:s0], s1  }
0x13f: {  	s0 =	simm.s32 @!p0 $0xA  }
0x140: {  	_ =	swait.ge @!p0 [sflag:s0], s1  }
0x141: {  	s1 =	ssub.s32 @!p0 $0x0, s1;
	[sflag:s0] =	ssyncset.done @!p0 $0x0  }
0x142: {  	[sflag:s0] =	ssyncadd.s32 @!p0 s1  }
0x143: {  	[bflag:$0x3] =	sbarrier.arrive $0xFFFF  }
0x144: {  	_ =	shalt  }

// kernel: kernel.19.cloned.1.call-start
scs
__scs_entry_jumppad:
0x0: {  	(pc) =	sbr.rel $0x88, $3  }
0x1: {  	(tag) =	ssettag $0x0;
	lr =	simm.s32 $0x1  }
0x2: {  	[smem:$0x3F99] =	sst lr;
	_ =	strace $0xD0000000  }
0x3: {  	_ = 	snop  }
0x4: {  	_ = 	snop  }
0x5: {  	_ = 	snop  }
0x6: {  	_ = 	snop  }
0x7: {  	_ = 	snop  }
__scs_overlays_trampoline_lowered:
0x8: {  	[smem:$0x3FA8] =	sst s0  }
0x9: {  	[smem:$0x3FA9] =	sst s1  }
0xa: {  	[smem:$0x3FAA] =	sst s2  }
0xb: {  	[smem:$0x3FAB] =	sst s3  }
0xc: {  	[smem:$0x3FAC] =	sst s4  }
0xd: {  	[smem:$0x3FAD] =	sst s5  }
0xe: {  	[smem:$0x3FAE] =	sst s6  }
0xf: {  	[smem:$0x3FAF] =	sst s7  }
0x10: {  	[smem:$0x3FB0] =	sst s8  }
0x11: {  	[smem:$0x3FB1] =	sst s9;
	s0 =	simm.s32 @!p0 $0x0  }
0x12: {  	s1 =	sld [smem:$0x3F97];
	s0 =	simm.s32 @p0 $0x1  }
0x13: {  	[smem:$0x3FB2] =	sst s0;
	s0 =	simm.s32 @!p1 $0x0  }
0x14: {  	s2 =	sld [smem:$0x3F96];
	s0 =	simm.s32 @p1 $0x1  }
0x15: {  	[smem:$0x3FB3] =	sst s0;
	s0 =	simm.s32 @!p2 $0x0  }
0x16: {  	s3 =	sld [smem:$0x3FDB];
	s0 =	simm.s32 @p2 $0x1  }
0x17: {  	s4 =	simm.s32 $0x1BF5;
	[smem:$0x3FB5] =	sst s0  }
0x18: {  	s0 =	sld [smem:$0x3F98];
	_ =	swait.ge [sflag:s4], $0x0  }
0x19: {  	s7 =	sld [smem:$0x3F99]  }
0x1a: {  	s8 =	sadd.s32 $0xFFFFE003, lr  }
0x1b: {  	s9 =	sadd.s32 $0xFFFFFEF7, lr;
	s5 =	simm.s32 $0xFFFFFFFF;
	p2 =	slt.u32 s8, $0xFFFFF086  }
0x1c: {  	p1 =	slt.u32 s9, $0xF7A;
	s5 =	simm.s32 @!p2 $0x0  }
0x1d: {  	s5 =	simm.s32 @p1 $0x1;
	p0 =	seq.s32 s7, s2  }
0x1e: {  	s7 =	smul.u32 @!p0 $0xF7A, s2;
	p2 =	seq.s32 @!p0 s5, $0x0  }
0x1f: {  	s9 =	smul.u32 $0xF7A, s1;
	s8 =	simm.s32 @!p0 $0x1BF5;
	p2 =	por !p2, p0  }
0x20: {  	[sflag:s8] =	ssyncset.s32 @!p0 $0xFFFFF086;
	s6 =	sadd.s32 @!p0 s3, s7;
	s7 =	simm.s32 @!p0 $0x108  }
0x21: {  	s3 =	sadd.s32 s3, s9;
	s6 =	sadd.s32 @!p0 $0x88, s6;
	s7 =	simm.s32 @p2 $0x1082  }
0x22: {  	[simem:s7], [sflag:s8] =	dma.local @!p0 [hbm:s6], $0xF7A  }
0x23: {  	s9 =	sor.u32 $0xD0000000, s2;
	s6 =	simm.s32 $0x108;
	_ =	swait.ge @!p0 [sflag:s8], $0x0  }
0x24: {  	s3 =	sadd.s32 $0x88, s3;
	s6 =	simm.s32 @!p1 $0x1082;
	[sflag:s4] =	ssyncset.s32 $0xFFFFF086  }
0x25: {  	[simem:s6], [sflag:s4] =	dma.local [hbm:s3], $0xF7A  }
0x26: {  	[smem:$0x3F99] =	sst s1;
	(tag) =	ssettag s2;
	_ =	strace s9  }
0x27: {  	s1 =	sld [smem:$0x3FA9]  }
0x28: {  	s2 =	sld [smem:$0x3FAA]  }
0x29: {  	s4 =	sld [smem:$0x3FAC]  }
0x2a: {  	p0 =	seq.s32 s5, $0x0;
	s5 =	sld [smem:$0x3FAD]  }
0x2b: {  	s6 =	sld [smem:$0x3FAE]  }
0x2c: {  	s7 =	sld [smem:$0x3FAF]  }
0x2d: {  	s3 =	simm.s32 $0x108;
	s8 =	sld [smem:$0x3FB0]  }
0x2e: {  	s3 =	simm.s32 @!p0 $0x1082;
	s9 =	sld [smem:$0x3FB1]  }
0x2f: {  	lr =	sadd.s32 s0, s3;
	s0 =	sld [smem:$0x3FA8]  }
0x30: {  	s3 =	sld [smem:$0x3FAB]  }
0x31: {  	[smem:$0x3FB4] =	sst s10  }
0x32: {  	s10 =	sld [smem:$0x3FB2];
	_ =	sdelay $0x3  }
0x33: {  	p0 =	seq.s32 s10, $0x1;
	s10 =	sld [smem:$0x3FB4];
	_ =	sdelay $0x3  }
0x34: {  	[smem:$0x3FB4] =	sst s10  }
0x35: {  	s10 =	sld [smem:$0x3FB3];
	_ =	sdelay $0x3  }
0x36: {  	p1 =	seq.s32 s10, $0x1;
	s10 =	sld [smem:$0x3FB4];
	_ =	sdelay $0x3  }
0x37: {  	[smem:$0x3FB4] =	sst s10  }
0x38: {  	s10 =	sld [smem:$0x3FB5]  }
0x39: {  	_ = 	snop;
	(pc) =	sbr.ind lr, $3  }
0x3a: {  	_ = 	snop  }
0x3b: {  	_ = 	snop  }
0x3c: {  	p2 =	seq.s32 s10, $0x1;
	s10 =	sld [smem:$0x3FB4]  }
0x3d: {  	_ =	shalt  }
0x3e: {  	_ =	shalt  }
0x3f: {  	_ =	shalt  }
0x40: {  	_ =	shalt  }
0x41: {  	_ =	shalt  }
0x42: {  	_ =	shalt  }
0x43: {  	_ =	shalt  }
0x44: {  	_ =	shalt  }
0x45: {  	_ =	shalt  }
0x46: {  	_ =	shalt  }
0x47: {  	_ =	shalt  }
0x48: {  	_ =	shalt  }
0x49: {  	_ =	shalt  }
0x4a: {  	_ =	shalt  }
0x4b: {  	_ =	shalt  }
0x4c: {  	_ =	shalt  }
0x4d: {  	_ =	shalt  }
0x4e: {  	_ =	shalt  }
0x4f: {  	_ =	shalt  }
0x50: {  	_ =	shalt  }
0x51: {  	_ =	shalt  }
0x52: {  	_ =	shalt  }
0x53: {  	_ =	shalt  }
0x54: {  	_ =	shalt  }
0x55: {  	_ =	shalt  }
0x56: {  	_ =	shalt  }
0x57: {  	_ =	shalt  }
0x58: {  	_ =	shalt  }
0x59: {  	_ =	shalt  }
0x5a: {  	_ =	shalt  }
0x5b: {  	_ =	shalt  }
0x5c: {  	_ =	shalt  }
0x5d: {  	_ =	shalt  }
0x5e: {  	_ =	shalt  }
0x5f: {  	_ =	shalt  }
0x60: {  	_ =	shalt  }
0x61: {  	_ =	shalt  }
0x62: {  	_ =	shalt  }
0x63: {  	_ =	shalt  }
0x64: {  	_ =	shalt  }
0x65: {  	_ =	shalt  }
0x66: {  	_ =	shalt  }
0x67: {  	_ =	shalt  }
0x68: {  	_ =	shalt  }
0x69: {  	_ =	shalt  }
0x6a: {  	_ =	shalt  }
0x6b: {  	_ =	shalt  }
0x6c: {  	_ =	shalt  }
0x6d: {  	_ =	shalt  }
0x6e: {  	_ =	shalt  }
0x6f: {  	_ =	shalt  }
0x70: {  	_ =	shalt  }
0x71: {  	_ =	shalt  }
0x72: {  	_ =	shalt  }
0x73: {  	_ =	shalt  }
0x74: {  	_ =	shalt  }
0x75: {  	_ =	shalt  }
0x76: {  	_ =	shalt  }
0x77: {  	_ =	shalt  }
0x78: {  	_ =	shalt  }
0x79: {  	_ =	shalt  }
0x7a: {  	_ =	shalt  }
0x7b: {  	_ =	shalt  }
0x7c: {  	_ =	shalt  }
0x7d: {  	_ =	shalt  }
0x7e: {  	_ =	shalt  }
0x7f: {  	_ =	shalt  }
0x80: {  	_ =	shalt  }
0x81: {  	_ =	shalt  }
0x82: {  	_ =	shalt  }
0x83: {  	_ =	shalt  }
0x84: {  	_ =	shalt  }
0x85: {  	_ =	shalt  }
0x86: {  	_ =	shalt  }
0x87: {  	_ =	shalt  }
.Lfunc_end0:
.L_simem_size_0:
called_computation.3_lowered:
.L_overlay_start_0:
0x88: {  	s2 =	sld [smem:$0x3FD9]  }
0x89: {  	s3 =	sld [smem:$0x3FFE];
	_ =	sdelay $0x1  }
0x8a: {  	s1 =	srdreg.scid  }
0x8b: {  	s0 =	sand.u32 $0x1, s1  }
0x8c: {  	s17 =	sshll.u32 s0, $0xA;
	s2 =	sadd.s32 s3, s2  }
0x8d: {  	s2 =	sadd.s32 s2, s17  }
0x8e: {  	[smem:$0x3FC0] =	sst s2  }
0x8f: {  	_ = 	snop  }
0x90: {  	s2 =	sld [smem:$0x3FD0];
	(tm) =	ssettm $0x1  }
0x91: {  	s18 =	sld [smem:$0x3FFB];
	_ =	sdelay $0x3  }
0x92: {  	_ =	strace s18  }
0x93: {  	s3 =	sld [smem:$0x3FFC];
	_ =	sdelay $0x3  }
0x94: {  	_ =	strace s3  }
0x95: {  	s3 =	sld [smem:$0x3FFD];
	_ =	sdelay $0x3  }
0x96: {  	_ =	strace s3  }
0x97: {  	_ =	strace $0x8FFFFFFF  }
0x98: {  	s19 =	sld [smem:$0x3FDB];
	_ =	sdelay $0x1  }
0x99: {  	s4 =	simm.s32 $_scs_section_size  }
0x9a: {  	s5 =	simm.s32 $_size__tile_overlayer_lowered;
	s6 =	simm.s32 $_tile_overlayer_lowered  }
0x9b: {  	s22 =	simm.s32 $0x1BFF;
	s21 =	sshll.u32 s6, $0x1;
	s3 =	sadd.s32 s4, s19  }
0x9c: {  	s7 =	simm.s32 $0x0;
	s20 =	sshll.u32 s5, $0x1;
	s5 =	sadd.s32 s21, s3  }
0x9d: {  	[timem:s7], [sflag:s22] =	dma.local [hbm:s5], s20  }
0x9e: {  	_ =	swait.ge [sflag:s22], s20  }
0x9f: {  	s4 =	ssub.s32 $0x0, s20;
	[sflag:s22] =	ssyncset.done $0x0  }
0xa0: {  	[sflag:s22] =	ssyncadd.s32 s4;
	_ =	sdelay $0x1  }
0xa1: {  	s23 =	simm.s32 $0x1B8B  }
0xa2: {  	_ =	swait.ge [sflag:s23], $0x1  }
0xa3: {  	[sflag:s23] =	ssyncset.done $0x0  }
0xa4: {  	s25 =	simm.s32 $0x1B8E;
	s24 =	sld [smem:$0x3FFE];
	[sflag:s23] =	ssyncadd.s32 $0xFFFFFFFF  }
0xa5: {  	s26 =	simm.s32 $execute0_lowered;
	[smem:$0x3FD2] =	sst s25  }
0xa6: {  	s5 =	sshll.u32 s26, $0x1;
	_ =	strace $0x8000004F;
	[dreg:$0x1] =	wrdreg $0xFFFFFFFF  }
0xa7: {  	s28 =	simm.s32 $_size_execute0_lowered;
	s3 =	sadd.s32 s3, s5;
	[dreg:$0x0] =	wrdreg $0x0  }
0xa8: {  	s5 =	sshll.u32 s28, $0x1;
	[dreg:$0x2] =	wrdreg s3  }
0xa9: {  	[dreg:$0x3] =	wrdreg s5  }
0xaa: {  	[dreg:$0x4] =	wrdreg $0xC0  }
0xab: {  	_ =	task [dreg:s7], $0x5FFFF  }
0xac: {  	[dreg:$0x1] =	wrdreg $0xFFFFFFFF  }
0xad: {  	[dreg:$0x0] =	wrdreg $0x60  }
0xae: {  	[dreg:$0x2] =	wrdreg s24  }
0xaf: {  	[dreg:$0x3] =	wrdreg s2  }
0xb0: {  	[dreg:$0x4] =	wrdreg $0xA1000  }
0xb1: {  	[dreg:$0x5] =	wrdreg $0x9  }
0xb2: {  	_ =	task.clear_ibuf [dreg:s7], $0x6FFFF;
	_ =	strace $0x9000004F  }
0xb3: {  	s29 =	simm.s32 $0x9;
	_ =	strace $0x80000051  }
0xb4: {  	_ =	swait.ge [sflag:s29], $0x1  }
0xb5: {  	[sflag:s29] =	ssyncadd.s32 $0xFFFFFFFF  }
0xb6: {  	_ =	strace $0x90000051  }
0xb7: {  	_ =	sfence  }
0xb8: {  	s30 =	sld [smem:$0x0];
	_ =	sdelay $0x2  }
0xb9: {  	s31 =	sshll.u32 s1, $0xD;
	s1 =	sshrl.u32 s1, $0x2  }
0xba: {  	s3 =	sand.u32 $0x4000, s31;
	s1 =	sadd.s32 s1, s30  }
0xbb: {  	s0 =	sor.u32 s3, s0;
	s1 =	sshll.u32 s1, $0x11  }
0xbc: {  	s0 =	sor.u32 s1, s0  }
0xbd: {  	s0 =	sadd.s32 $0x8F2B, s0  }
0xbe: {  	[sflag:s0] =	ssyncadd.remote.s32 $0x1  }
0xbf: {  	_ =	sfence.sel $0xFFFF  }
0xc0: {  	[dreg:$0x0] =	wrdreg $0xFFFFFFFF;
	(pc) =	sbr.abs _section_cstart, $3  }
0xc1: {  	[dreg:$0x1] =	wrdreg $0xFFFFFFFF  }
0xc2: {  	_ =	task.clear_ibuf [dreg:s7], $0x2FFFF;
	_ =	strace $0x9FFFFFFF  }
0xc3: {  	(tm) =	ssettm $0x7FFFFFFF  }
tec
execute0_lowered:
.L_overlay_start_1:
0x0: {  	(tag) =	ssettag $0x1  }
0x1: {  	s0 =	rddreg [dreg:$0x0]  }
0x2: {  	s1 =	rddreg [dreg:$0x1]  }
0x3: {  	s2 =	rddreg [dreg:$0x2]  }
0x4: {  	s3 =	simm.s32 $0x0;
	s11 =	stileid.u32;
	s4 =	srdreg.scid  }
0x5: {  	s19 =	simm.s32 $0xA;
	s28 =	simm.s32 $0x7900;
	s29 =	simm.s32 $0x1  }
0x6: {  	s30 =	simm.s32 $0x4;
	s31 =	simm.s32 $0x2;
	s7 =	smul.u32 $0x2800, s11  }
0x7: {  	[smem:$0x7FF] =	sst s3;
	s5 =	sadd.s32 $0x4200, s0;
	s6 =	smul.u32 $0x50000, s11  }
0x8: {  	s4 =	sand.u32 $0x1, s4;
	s9 =	smul.u32 $0x2710, s11;
	s10 =	sadd.s32 $0x7C200, s0  }
0x9: {  	s22 =	sshll.u32 s11, $0x6;
	s25 =	smul.u32 $0x4E2, s11;
	_ =	strace $0x80000050  }
0xa: {  	s8 =	ssub.s32 $0x2, s4;
	[dreg:$0x5] =	wrdreg s10;
	s10 =	sor.u32 $0x1C0A, s22  }
0xb: {  	p0 =	seq.s32 s4, $0x0;
	s22 =	simm.s32 $0x2900;
	s4 =	simm.s32 $0x9  }
0xc: {  	[dreg:$0x4] =	wrdreg s7;
	s7 =	sadd.s32 s7, s0;
	s0 =	sadd.s32 $0x2C200, s0  }
0xd: {  	s20 =	sshrl.u32 s8, $0x1;
	s6 =	sshrl.u32 s6, $0x2;
	s21 =	sshrl.u32 s9, $0x3  }
0xe: {  	s17 =	sadd.s32 s25, s1;
	s25 =	simm.s32 $0x2880;
	s9 =	simm.s32 $0x0  }
0xf: {  	[dreg:$0x6] =	wrdreg s0;
	s0 =	ssub.s32 s8, s20;
	s6 =	sadd.s32 s6, s2  }
0x10: {  	s8 =	sadd.s32 s1, s21;
	s7 =	sadd.s32 $0x54200, s7;
	s20 =	simm.s32 $0x2780  }
0x11: {  	s21 =	simm.s32 $0x50;
	s1 =	simm.s32 $0x3;
	[dreg:$0x7] =	wrdreg s7  }
0x12: {  	s23 =	sadd.s32 $0x52EE, s8;
	s24 =	sadd.s32 $0x52F8, s8;
	s0 =	smax.u32 s0, $0x1  }
.Ltmp0:
0x13: {  	s26 =	sadd.s32 $0x4E20, s8;
	[dreg:$0x8] =	wrdreg s23;
	(pc) =	sbr.rel .LBB2_1-.Ltmp0, $4  }
0x14: {  	s15 =	sadd.s32 $0x4E2A, s8;
	s16 =	sadd.s32 $0x4E34, s8;
	[dreg:$0x9] =	wrdreg s24  }
0x15: {  	s18 =	sshrl.u32 s6, $0x3;
	s6 =	simm.s32 $0x6;
	[dreg:$0xa] =	wrdreg s0  }
0x16: {  	s7 =	simm.s32 $0x7;
	[dreg:$0xb] =	wrdreg s26;
	s23 =	simm.s32 $0x2800  }
0x17: {  	s24 =	simm.s32 $0x5100;
	s0 =	simm.s32 $0x5;
	s26 =	simm.s32 $0x8  }
.LBB2_7:
0x18: {  	[spmem:s2] =	stream.indirect.scatter.add.f32 [tilespmem:s28], [sflag:$0x9], $0x80, s25, s21, $0xb8;
	[tilespmem:$0x1E100] =	vst v63  }
0x19: {  	s11 =	rddreg [dreg:$0x5]  }
.LBB2_8:
0x1a: {  	_ =	swait.ge [sflag:s7], $0x2800  }
0x1b: {  	[sflag:s7] =	ssyncset.done $0x0  }
0x1c: {  	[sflag:s7] =	ssyncadd.s32 $0xFFFFD800  }
0x1d: {  	_ =	swait.ge [sflag:s26], $0x2800  }
0x1e: {  	[sflag:s26] =	ssyncset.done $0x0  }
0x1f: {  	[sflag:s26] =	ssyncadd.s32 $0xFFFFD800  }
0x20: {  	_ =	swait.ge [sflag:s4], $0x2800  }
0x21: {  	[sflag:s4] =	ssyncset.done $0x0  }
0x22: {  	s12 =	rddreg [dreg:$0x8];
	[sflag:s4] =	ssyncadd.s32 $0xFFFFD800  }
0x23: {  	[tilespmem:s20], [sflag:$0xA] =	stream.linear.gather [hbm4b:s12+s3], $0x50, $0x38;
	[tilespmem:$0x1E100] =	vst v63  }
0x24: {  	_ =	swait.ge [sflag:s19], $0x50  }
0x25: {  	[sflag:s19] =	ssyncset.done $0x0  }
0x26: {  	s14 =	simm.s32 $0x2670;
	[sflag:s19] =	ssyncadd.s32 $0xFFFFFFB0  }
0x27: {  	[tilespmem:s22], [sflag:$0xA] =	stream.indirect.gather [hbm4b:s5+s21], $0x80, s14, s21, $0xb8;
	[tilespmem:$0x1E100] =	vst v63  }
0x28: {  	_ =	swait.ge [sflag:s19], $0x2800  }
0x29: {  	[sflag:s19] =	ssyncset.done $0x0  }
0x2a: {  	[sflag:s19] =	ssyncadd.s32 $0xFFFFD800  }
0x2b: {  	[spmem:s2] =	stream.indirect.scatter.add.f32 [tilespmem:s22], [sflag:$0xA], $0x80, s20, s21, $0xb8;
	[tilespmem:$0x1E100] =	vst v63  }
0x2c: {  	_ =	swait.ge [sflag:s19], $0x2800  }
0x2d: {  	[sflag:s19] =	ssyncset.done $0x0  }
0x2e: {  	s13 =	rddreg [dreg:$0x9];
	[sflag:s19] =	ssyncadd.s32 $0xFFFFD800  }
0x2f: {  	[tilespmem:s23], [sflag:$0xA] =	stream.linear.gather [hbm4b:s13+s3], $0x50, $0x38;
	[tilespmem:$0x1E100] =	vst v63  }
0x30: {  	_ =	swait.ge [sflag:s19], $0x50  }
0x31: {  	[sflag:s19] =	ssyncset.done $0x0  }
0x32: {  	s14 =	simm.s32 $0x26C0;
	[sflag:s19] =	ssyncadd.s32 $0xFFFFFFB0  }
0x33: {  	[tilespmem:s24], [sflag:$0xA] =	stream.indirect.gather [hbm4b:s5+s21], $0x80, s14, s21, $0xb8;
	[tilespmem:$0x1E100] =	vst v63  }
0x34: {  	_ =	swait.ge [sflag:s19], $0x2800  }
0x35: {  	[sflag:s19] =	ssyncset.done $0x0  }
0x36: {  	[sflag:s19] =	ssyncadd.s32 $0xFFFFD800  }
0x37: {  	[spmem:s2] =	stream.indirect.scatter.add.f32 [tilespmem:s24], [sflag:$0xA], $0x80, s23, s21, $0xb8;
	[tilespmem:$0x1E100] =	vst v63  }
0x38: {  	_ =	swait.ge [sflag:s19], $0x2800  }
0x39: {  	[sflag:s19] =	ssyncset.done $0x0  }
0x3a: {  	s13 =	rddreg [dreg:$0x4];
	[sflag:s19] =	ssyncadd.s32 $0xFFFFD800  }
0x3b: {  	s11 =	sadd.s32 s11, s13;
	[bflag:$0x0] =	sbarrier.arrive $0xFFFF  }
0x3c: {  	[hbm:s11], [sflag:s10] =	dma.local [spmem:s18], $0x2800  }
0x3d: {  	_ =	swait.ge [sflag:s19], $0x2800  }
0x3e: {  	s9 =	sadd.s32 $0x1, s9;
	s14 =	rddreg [dreg:$0xa]  }
0x3f: {  	p1 =	sne.s32 s9, s14  }
.Ltmp1:
0x40: {  	_ = 	snop;
	(pc) =	sbr.rel @!p1 .LBB2_9-.Ltmp1, $3  }
0x41: {  	_ =	sdelay $0x1  }
0x42: {  	[sflag:s19] =	ssyncset.done $0x0  }
0x43: {  	[sflag:s19] =	ssyncadd.s32 $0xFFFFD800  }
.LBB2_1:
0x44: {  	s11 =	rddreg [dreg:$0x7]  }
0x45: {  	[spmem:s18], [sflag:s10] =	dma.local [hbm:s11], $0x2800  }
0x46: {  	_ =	swait.ge [sflag:s19], $0x2800  }
0x47: {  	[sflag:s19] =	ssyncset.done $0x0  }
0x48: {  	[sflag:s19] =	ssyncadd.s32 $0xFFFFD800  }
0x49: {  	[tilespmem:s3], [sflag:$0xA] =	stream.linear.gather [hbm4b:s8+s3], $0x2710, $0x38;
	[tilespmem:$0x1E100] =	vst v63  }
.Ltmp2:
0x4a: {  	_ =	swait.ge [sflag:s19], $0x2710;
	(pc) =	sbr.rel @!p0 .LBB2_2-.Ltmp2, $4  }
0x4b: {  	[sflag:s19] =	ssyncset.done $0x0  }
0x4c: {  	[sflag:s19] =	ssyncadd.s32 $0xFFFFD8F0  }
0x4d: {  	[bflag:$0x0] =	sbarrier.arrive $0xFFFF  }
0x4e: {  	s11 =	simm.s32 $0x0  }
0x4f: {  	s12 =	rddreg [dreg:$0xb]  }
0x50: {  	[tilespmem:s20], [sflag:$0x1] =	stream.linear.gather [hbm4b:s12+s11], $0x50, $0x38;
	[tilespmem:$0x1E100] =	vst v63  }
0x51: {  	_ = 	snop  }
0x52: {  	[tilespmem:s22], [sflag:$0x4] =	stream.indirect.gather [hbm4b:s5+s21], $0x80, s11, s21, $0xb8;
	[tilespmem:$0x1E100] =	vst v63  }
0x53: {  	_ = 	snop  }
0x54: {  	[tilespmem:s23], [sflag:$0x2] =	stream.linear.gather [hbm4b:s15+s11], $0x50, $0x38;
	[tilespmem:$0x1E100] =	vst v63  }
0x55: {  	_ = 	snop  }
0x56: {  	[tilespmem:s24], [sflag:$0x5] =	stream.indirect.gather [hbm4b:s5+s21], $0x80, s21, s21, $0xb8;
	[tilespmem:$0x1E100] =	vst v63  }
0x57: {  	_ = 	snop  }
0x58: {  	[tilespmem:s25], [sflag:$0x3] =	stream.linear.gather [hbm4b:s16+s11], $0x50, $0x38;
	[tilespmem:$0x1E100] =	vst v63  }
0x59: {  	s13 =	simm.s32 $0xA0  }
0x5a: {  	[tilespmem:s28], [sflag:$0x6] =	stream.indirect.gather [hbm4b:s5+s21], $0x80, s13, s21, $0xb8;
	[tilespmem:$0x1E100] =	vst v63  }
0x5b: {  	_ =	swait.ge [sflag:s29], $0x50  }
0x5c: {  	[sflag:s29] =	ssyncset.done $0x0  }
0x5d: {  	[sflag:s29] =	ssyncadd.s32 $0xFFFFFFB0  }
0x5e: {  	_ =	swait.ge [sflag:s30], $0x2800  }
0x5f: {  	[sflag:s30] =	ssyncset.done $0x0  }
0x60: {  	[sflag:s30] =	ssyncadd.s32 $0xFFFFD800  }
0x61: {  	[spmem:s2] =	stream.indirect.scatter.add.f32 [tilespmem:s22], [sflag:$0x7], $0x80, s20, s21, $0xb8;
	[tilespmem:$0x1E100] =	vst v63  }
0x62: {  	_ =	swait.ge [sflag:s31], $0x50  }
0x63: {  	[sflag:s31] =	ssyncset.done $0x0  }
0x64: {  	[sflag:s31] =	ssyncadd.s32 $0xFFFFFFB0  }
0x65: {  	_ =	swait.ge [sflag:s0], $0x2800  }
0x66: {  	[sflag:s0] =	ssyncset.done $0x0  }
0x67: {  	[sflag:s0] =	ssyncadd.s32 $0xFFFFD800  }
0x68: {  	[spmem:s2] =	stream.indirect.scatter.add.f32 [tilespmem:s24], [sflag:$0x8], $0x80, s23, s21, $0xb8;
	[tilespmem:$0x1E100] =	vst v63  }
0x69: {  	_ =	swait.ge [sflag:s1], $0x50  }
0x6a: {  	[sflag:s1] =	ssyncset.done $0x0  }
0x6b: {  	[sflag:s1] =	ssyncadd.s32 $0xFFFFFFB0  }
0x6c: {  	_ =	swait.ge [sflag:s6], $0x2800  }
0x6d: {  	[sflag:s6] =	ssyncset.done $0x0  }
0x6e: {  	[sflag:s6] =	ssyncadd.s32 $0xFFFFD800  }
0x6f: {  	[spmem:s2] =	stream.indirect.scatter.add.f32 [tilespmem:s28], [sflag:$0x9], $0x80, s25, s21, $0xb8;
	[tilespmem:$0x1E100] =	vst v63  }
0x70: {  	_ =	swait.ge [sflag:s7], $0x2800  }
0x71: {  	s11 =	sadd.s32 $0x0, s17;
	[sflag:s7] =	ssyncset.done $0x0  }
0x72: {  	s14 =	sadd.s32 $0x4E3E, s11;
	[sflag:s7] =	ssyncadd.s32 $0xFFFFD800  }
0x73: {  	[tilespmem:s20], [sflag:$0x1] =	stream.linear.gather [hbm4b:s14+s3], $0x50, $0x38;
	[tilespmem:$0x1E100] =	vst v63  }
0x74: {  	s13 =	simm.s32 $0xF0  }
0x75: {  	[tilespmem:s22], [sflag:$0x4] =	stream.indirect.gather [hbm4b:s5+s21], $0x80, s13, s21, $0xb8;
	[tilespmem:$0x1E100] =	vst v63  }
0x76: {  	_ =	swait.ge [sflag:s26], $0x2800  }
0x77: {  	[sflag:s26] =	ssyncset.done $0x0  }
0x78: {  	s14 =	sadd.s32 $0x4E48, s11;
	[sflag:s26] =	ssyncadd.s32 $0xFFFFD800  }
0x79: {  	[tilespmem:s23], [sflag:$0x2] =	stream.linear.gather [hbm4b:s14+s3], $0x50, $0x38;
	[tilespmem:$0x1E100] =	vst v63  }
0x7a: {  	s13 =	simm.s32 $0x140  }
0x7b: {  	[tilespmem:s24], [sflag:$0x5] =	stream.indirect.gather [hbm4b:s5+s21], $0x80, s13, s21, $0xb8;
	[tilespmem:$0x1E100] =	vst v63  }
0x7c: {  	_ =	swait.ge [sflag:s4], $0x2800  }
0x7d: {  	[sflag:s4] =	ssyncset.done $0x0  }
0x7e: {  	s11 =	sadd.s32 $0x4E52, s11;
	[sflag:s4] =	ssyncadd.s32 $0xFFFFD800  }
0x7f: {  	[tilespmem:s25], [sflag:$0x3] =	stream.linear.gather [hbm4b:s11+s3], $0x50, $0x38;
	[tilespmem:$0x1E100] =	vst v63  }
0x80: {  	s14 =	simm.s32 $0x190  }
0x81: {  	[tilespmem:s28], [sflag:$0x6] =	stream.indirect.gather [hbm4b:s5+s21], $0x80, s14, s21, $0xb8;
	[tilespmem:$0x1E100] =	vst v63  }
0x82: {  	_ =	swait.ge [sflag:s29], $0x50  }
0x83: {  	[sflag:s29] =	ssyncset.done $0x0  }
0x84: {  	[sflag:s29] =	ssyncadd.s32 $0xFFFFFFB0  }
0x85: {  	_ =	swait.ge [sflag:s30], $0x2800  }
0x86: {  	[sflag:s30] =	ssyncset.done $0x0  }
0x87: {  	[sflag:s30] =	ssyncadd.s32 $0xFFFFD800  }
0x88: {  	[spmem:s2] =	stream.indirect.scatter.add.f32 [tilespmem:s22], [sflag:$0x7], $0x80, s20, s21, $0xb8;
	[tilespmem:$0x1E100] =	vst v63  }
0x89: {  	_ =	swait.ge [sflag:s31], $0x50  }
0x8a: {  	[sflag:s31] =	ssyncset.done $0x0  }
0x8b: {  	[sflag:s31] =	ssyncadd.s32 $0xFFFFFFB0  }
0x8c: {  	_ =	swait.ge [sflag:s0], $0x2800  }
0x8d: {  	[sflag:s0] =	ssyncset.done $0x0  }
0x8e: {  	[sflag:s0] =	ssyncadd.s32 $0xFFFFD800  }
0x8f: {  	[spmem:s2] =	stream.indirect.scatter.add.f32 [tilespmem:s24], [sflag:$0x8], $0x80, s23, s21, $0xb8;
	[tilespmem:$0x1E100] =	vst v63  }
0x90: {  	_ =	swait.ge [sflag:s1], $0x50  }
0x91: {  	[sflag:s1] =	ssyncset.done $0x0  }
0x92: {  	[sflag:s1] =	ssyncadd.s32 $0xFFFFFFB0  }
0x93: {  	_ =	swait.ge [sflag:s6], $0x2800  }
0x94: {  	[sflag:s6] =	ssyncset.done $0x0  }
0x95: {  	s12 =	simm.s32 $0x280;
	s11 =	simm.s32 $0x1E;
	[sflag:s6] =	ssyncadd.s32 $0xFFFFD800  }
.LBB2_6:
0x96: {  	[spmem:s2] =	stream.indirect.scatter.add.f32 [tilespmem:s28], [sflag:$0x9], $0x80, s25, s21, $0xb8;
	[tilespmem:$0x1E100] =	vst v63  }
0x97: {  	s13 =	smov.u32 s11  }
0x98: {  	p1 =	seq.s32 s11, $0x492;
	s11 =	sadd.s32 $0x1E, s11;
	_ =	swait.ge [sflag:s7], $0x2800  }
0x99: {  	s13 =	sadd.s32 s13, s17;
	[sflag:s7] =	ssyncset.done $0x0  }
0x9a: {  	s14 =	sadd.s32 $0x4E3E, s13;
	[sflag:s7] =	ssyncadd.s32 $0xFFFFD800  }
0x9b: {  	[tilespmem:s20], [sflag:$0x1] =	stream.linear.gather [hbm4b:s14+s3], $0x50, $0x38;
	[tilespmem:$0x1E100] =	vst v63  }
0x9c: {  	s14 =	sadd.s32 $0xFFFFFF60, s12  }
0x9d: {  	[tilespmem:s22], [sflag:$0x4] =	stream.indirect.gather [hbm4b:s5+s21], $0x80, s14, s21, $0xb8;
	[tilespmem:$0x1E100] =	vst v63  }
0x9e: {  	_ =	swait.ge [sflag:s26], $0x2800  }
0x9f: {  	[sflag:s26] =	ssyncset.done $0x0  }
0xa0: {  	s14 =	sadd.s32 $0x4E48, s13;
	[sflag:s26] =	ssyncadd.s32 $0xFFFFD800  }
0xa1: {  	[tilespmem:s23], [sflag:$0x2] =	stream.linear.gather [hbm4b:s14+s3], $0x50, $0x38;
	[tilespmem:$0x1E100] =	vst v63  }
0xa2: {  	s14 =	sadd.s32 $0xFFFFFFB0, s12  }
0xa3: {  	[tilespmem:s24], [sflag:$0x5] =	stream.indirect.gather [hbm4b:s5+s21], $0x80, s14, s21, $0xb8;
	[tilespmem:$0x1E100] =	vst v63  }
0xa4: {  	_ =	swait.ge [sflag:s4], $0x2800  }
0xa5: {  	[sflag:s4] =	ssyncset.done $0x0  }
0xa6: {  	s13 =	sadd.s32 $0x4E52, s13;
	[sflag:s4] =	ssyncadd.s32 $0xFFFFD800  }
0xa7: {  	[tilespmem:s25], [sflag:$0x3] =	stream.linear.gather [hbm4b:s13+s3], $0x50, $0x38;
	[tilespmem:$0x1E100] =	vst v63  }
0xa8: {  	_ = 	snop  }
0xa9: {  	[tilespmem:s28], [sflag:$0x6] =	stream.indirect.gather [hbm4b:s5+s21], $0x80, s12, s21, $0xb8;
	[tilespmem:$0x1E100] =	vst v63  }
0xaa: {  	_ =	swait.ge [sflag:s29], $0x50  }
0xab: {  	[sflag:s29] =	ssyncset.done $0x0  }
0xac: {  	[sflag:s29] =	ssyncadd.s32 $0xFFFFFFB0  }
0xad: {  	_ =	swait.ge [sflag:s30], $0x2800  }
0xae: {  	[sflag:s30] =	ssyncset.done $0x0  }
0xaf: {  	[sflag:s30] =	ssyncadd.s32 $0xFFFFD800  }
0xb0: {  	[spmem:s2] =	stream.indirect.scatter.add.f32 [tilespmem:s22], [sflag:$0x7], $0x80, s20, s21, $0xb8;
	[tilespmem:$0x1E100] =	vst v63  }
0xb1: {  	_ =	swait.ge [sflag:s31], $0x50  }
0xb2: {  	[sflag:s31] =	ssyncset.done $0x0  }
0xb3: {  	[sflag:s31] =	ssyncadd.s32 $0xFFFFFFB0  }
0xb4: {  	_ =	swait.ge [sflag:s0], $0x2800  }
0xb5: {  	[sflag:s0] =	ssyncset.done $0x0  }
0xb6: {  	[sflag:s0] =	ssyncadd.s32 $0xFFFFD800  }
0xb7: {  	[spmem:s2] =	stream.indirect.scatter.add.f32 [tilespmem:s24], [sflag:$0x8], $0x80, s23, s21, $0xb8;
	[tilespmem:$0x1E100] =	vst v63  }
0xb8: {  	_ =	swait.ge [sflag:s1], $0x50  }
.Ltmp3:
0xb9: {  	[sflag:s1] =	ssyncset.done $0x0;
	(pc) =	sbr.rel @!p1 .LBB2_6-.Ltmp3, $4  }
0xba: {  	[sflag:s1] =	ssyncadd.s32 $0xFFFFFFB0  }
0xbb: {  	_ =	swait.ge [sflag:s6], $0x2800  }
0xbc: {  	[sflag:s6] =	ssyncset.done $0x0  }
0xbd: {  	s12 =	sadd.s32 $0xF0, s12;
	[sflag:s6] =	ssyncadd.s32 $0xFFFFD800  }
.Ltmp4:
0xbe: {  	_ = 	snop;
	(pc) =	sbr.rel .LBB2_7-.Ltmp4, $1  }
0xbf: {  	_ =	sdelay $0x3  }
.LBB2_2:
0xc0: {  	s12 =	rddreg [dreg:$0xb]  }
0xc1: {  	[tilespmem:s20], [sflag:$0x1] =	stream.linear.gather [hbm4b:s12+s11], $0x50, $0x38;
	[tilespmem:$0x1E100] =	vst v63  }
0xc2: {  	_ = 	snop  }
0xc3: {  	[tilespmem:s22], [sflag:$0x4] =	stream.indirect.gather [hbm4b:s5+s21], $0x80, s11, s21, $0xb8;
	[tilespmem:$0x1E100] =	vst v63  }
0xc4: {  	_ = 	snop  }
0xc5: {  	[tilespmem:s23], [sflag:$0x2] =	stream.linear.gather [hbm4b:s15+s11], $0x50, $0x38;
	[tilespmem:$0x1E100] =	vst v63  }
0xc6: {  	_ = 	snop  }
0xc7: {  	[tilespmem:s24], [sflag:$0x5] =	stream.indirect.gather [hbm4b:s5+s21], $0x80, s21, s21, $0xb8;
	[tilespmem:$0x1E100] =	vst v63  }
0xc8: {  	_ = 	snop  }
0xc9: {  	[tilespmem:s25], [sflag:$0x3] =	stream.linear.gather [hbm4b:s16+s11], $0x50, $0x38;
	[tilespmem:$0x1E100] =	vst v63  }
0xca: {  	s13 =	simm.s32 $0xA0  }
0xcb: {  	[tilespmem:s28], [sflag:$0x6] =	stream.indirect.gather [hbm4b:s5+s21], $0x80, s13, s21, $0xb8;
	[tilespmem:$0x1E100] =	vst v63  }
0xcc: {  	_ =	swait.ge [sflag:s29], $0x50  }
0xcd: {  	[sflag:s29] =	ssyncset.done $0x0  }
0xce: {  	[sflag:s29] =	ssyncadd.s32 $0xFFFFFFB0  }
0xcf: {  	_ =	swait.ge [sflag:s30], $0x2800  }
0xd0: {  	[sflag:s30] =	ssyncset.done $0x0  }
0xd1: {  	[sflag:s30] =	ssyncadd.s32 $0xFFFFD800  }
0xd2: {  	[spmem:s2] =	stream.indirect.scatter.add.f32 [tilespmem:s22], [sflag:$0x7], $0x80, s20, s21, $0xb8;
	[tilespmem:$0x1E100] =	vst v63  }
0xd3: {  	_ =	swait.ge [sflag:s31], $0x50  }
0xd4: {  	[sflag:s31] =	ssyncset.done $0x0  }
0xd5: {  	[sflag:s31] =	ssyncadd.s32 $0xFFFFFFB0  }
0xd6: {  	_ =	swait.ge [sflag:s0], $0x2800  }
0xd7: {  	[sflag:s0] =	ssyncset.done $0x0  }
0xd8: {  	[sflag:s0] =	ssyncadd.s32 $0xFFFFD800  }
0xd9: {  	[spmem:s2] =	stream.indirect.scatter.add.f32 [tilespmem:s24], [sflag:$0x8], $0x80, s23, s21, $0xb8;
	[tilespmem:$0x1E100] =	vst v63  }
0xda: {  	_ =	swait.ge [sflag:s1], $0x50  }
0xdb: {  	[sflag:s1] =	ssyncset.done $0x0  }
0xdc: {  	[sflag:s1] =	ssyncadd.s32 $0xFFFFFFB0  }
0xdd: {  	_ =	swait.ge [sflag:s6], $0x2800  }
0xde: {  	[sflag:s6] =	ssyncset.done $0x0  }
0xdf: {  	[sflag:s6] =	ssyncadd.s32 $0xFFFFD800  }
0xe0: {  	[spmem:s2] =	stream.indirect.scatter.add.f32 [tilespmem:s28], [sflag:$0x9], $0x80, s25, s21, $0xb8;
	[tilespmem:$0x1E100] =	vst v63  }
0xe1: {  	_ =	swait.ge [sflag:s7], $0x2800  }
0xe2: {  	s12 =	sadd.s32 $0x0, s17;
	[sflag:s7] =	ssyncset.done $0x0  }
0xe3: {  	s13 =	sadd.s32 $0x4E3E, s12;
	[sflag:s7] =	ssyncadd.s32 $0xFFFFD800  }
0xe4: {  	[tilespmem:s20], [sflag:$0x1] =	stream.linear.gather [hbm4b:s13+s3], $0x50, $0x38;
	[tilespmem:$0x1E100] =	vst v63  }
0xe5: {  	s14 =	simm.s32 $0xF0  }
0xe6: {  	[tilespmem:s22], [sflag:$0x4] =	stream.indirect.gather [hbm4b:s5+s21], $0x80, s14, s21, $0xb8;
	[tilespmem:$0x1E100] =	vst v63  }
0xe7: {  	_ =	swait.ge [sflag:s26], $0x2800  }
0xe8: {  	[sflag:s26] =	ssyncset.done $0x0  }
0xe9: {  	s14 =	sadd.s32 $0x4E48, s12;
	[sflag:s26] =	ssyncadd.s32 $0xFFFFD800  }
0xea: {  	[tilespmem:s23], [sflag:$0x2] =	stream.linear.gather [hbm4b:s14+s3], $0x50, $0x38;
	[tilespmem:$0x1E100] =	vst v63  }
0xeb: {  	s14 =	simm.s32 $0x140  }
0xec: {  	[tilespmem:s24], [sflag:$0x5] =	stream.indirect.gather [hbm4b:s5+s21], $0x80, s14, s21, $0xb8;
	[tilespmem:$0x1E100] =	vst v63  }
0xed: {  	_ =	swait.ge [sflag:s4], $0x2800  }
0xee: {  	[sflag:s4] =	ssyncset.done $0x0  }
0xef: {  	s12 =	sadd.s32 $0x4E52, s12;
	[sflag:s4] =	ssyncadd.s32 $0xFFFFD800  }
0xf0: {  	[tilespmem:s25], [sflag:$0x3] =	stream.linear.gather [hbm4b:s12+s3], $0x50, $0x38;
	[tilespmem:$0x1E100] =	vst v63  }
0xf1: {  	s11 =	simm.s32 $0x190  }
0xf2: {  	[tilespmem:s28], [sflag:$0x6] =	stream.indirect.gather [hbm4b:s5+s21], $0x80, s11, s21, $0xb8;
	[tilespmem:$0x1E100] =	vst v63  }
0xf3: {  	_ =	swait.ge [sflag:s29], $0x50  }
0xf4: {  	[sflag:s29] =	ssyncset.done $0x0  }
0xf5: {  	[sflag:s29] =	ssyncadd.s32 $0xFFFFFFB0  }
0xf6: {  	_ =	swait.ge [sflag:s30], $0x2800  }
0xf7: {  	[sflag:s30] =	ssyncset.done $0x0  }
0xf8: {  	[sflag:s30] =	ssyncadd.s32 $0xFFFFD800  }
0xf9: {  	[spmem:s2] =	stream.indirect.scatter.add.f32 [tilespmem:s22], [sflag:$0x7], $0x80, s20, s21, $0xb8;
	[tilespmem:$0x1E100] =	vst v63  }
0xfa: {  	_ =	swait.ge [sflag:s31], $0x50  }
0xfb: {  	[sflag:s31] =	ssyncset.done $0x0  }
0xfc: {  	[sflag:s31] =	ssyncadd.s32 $0xFFFFFFB0  }
0xfd: {  	_ =	swait.ge [sflag:s0], $0x2800  }
0xfe: {  	[sflag:s0] =	ssyncset.done $0x0  }
0xff: {  	[sflag:s0] =	ssyncadd.s32 $0xFFFFD800  }
0x100: {  	[spmem:s2] =	stream.indirect.scatter.add.f32 [tilespmem:s24], [sflag:$0x8], $0x80, s23, s21, $0xb8;
	[tilespmem:$0x1E100] =	vst v63  }
0x101: {  	_ =	swait.ge [sflag:s1], $0x50  }
0x102: {  	[sflag:s1] =	ssyncset.done $0x0  }
0x103: {  	[sflag:s1] =	ssyncadd.s32 $0xFFFFFFB0  }
0x104: {  	_ =	swait.ge [sflag:s6], $0x2800  }
0x105: {  	[sflag:s6] =	ssyncset.done $0x0  }
0x106: {  	s12 =	simm.s32 $0x280;
	s11 =	simm.s32 $0x1E;
	[sflag:s6] =	ssyncadd.s32 $0xFFFFD800  }
.LBB2_3:
0x107: {  	[spmem:s2] =	stream.indirect.scatter.add.f32 [tilespmem:s28], [sflag:$0x9], $0x80, s25, s21, $0xb8;
	[tilespmem:$0x1E100] =	vst v63  }
0x108: {  	s13 =	smov.u32 s11  }
0x109: {  	p1 =	sne.s32 s11, $0x492;
	s11 =	sadd.s32 $0x1E, s11;
	_ =	swait.ge [sflag:s7], $0x2800  }
0x10a: {  	s13 =	sadd.s32 s13, s17;
	[sflag:s7] =	ssyncset.done $0x0  }
0x10b: {  	s14 =	sadd.s32 $0x4E3E, s13;
	[sflag:s7] =	ssyncadd.s32 $0xFFFFD800  }
0x10c: {  	[tilespmem:s20], [sflag:$0x1] =	stream.linear.gather [hbm4b:s14+s3], $0x50, $0x38;
	[tilespmem:$0x1E100] =	vst v63  }
0x10d: {  	s14 =	sadd.s32 $0xFFFFFF60, s12  }
0x10e: {  	[tilespmem:s22], [sflag:$0x4] =	stream.indirect.gather [hbm4b:s5+s21], $0x80, s14, s21, $0xb8;
	[tilespmem:$0x1E100] =	vst v63  }
0x10f: {  	_ =	swait.ge [sflag:s26], $0x2800  }
0x110: {  	[sflag:s26] =	ssyncset.done $0x0  }
0x111: {  	s14 =	sadd.s32 $0x4E48, s13;
	[sflag:s26] =	ssyncadd.s32 $0xFFFFD800  }
0x112: {  	[tilespmem:s23], [sflag:$0x2] =	stream.linear.gather [hbm4b:s14+s3], $0x50, $0x38;
	[tilespmem:$0x1E100] =	vst v63  }
0x113: {  	s14 =	sadd.s32 $0xFFFFFFB0, s12  }
0x114: {  	[tilespmem:s24], [sflag:$0x5] =	stream.indirect.gather [hbm4b:s5+s21], $0x80, s14, s21, $0xb8;
	[tilespmem:$0x1E100] =	vst v63  }
0x115: {  	_ =	swait.ge [sflag:s4], $0x2800  }
0x116: {  	[sflag:s4] =	ssyncset.done $0x0  }
0x117: {  	s13 =	sadd.s32 $0x4E52, s13;
	[sflag:s4] =	ssyncadd.s32 $0xFFFFD800  }
0x118: {  	[tilespmem:s25], [sflag:$0x3] =	stream.linear.gather [hbm4b:s13+s3], $0x50, $0x38;
	[tilespmem:$0x1E100] =	vst v63  }
0x119: {  	_ = 	snop  }
0x11a: {  	[tilespmem:s28], [sflag:$0x6] =	stream.indirect.gather [hbm4b:s5+s21], $0x80, s12, s21, $0xb8;
	[tilespmem:$0x1E100] =	vst v63  }
0x11b: {  	_ =	swait.ge [sflag:s29], $0x50  }
0x11c: {  	[sflag:s29] =	ssyncset.done $0x0  }
0x11d: {  	[sflag:s29] =	ssyncadd.s32 $0xFFFFFFB0  }
0x11e: {  	_ =	swait.ge [sflag:s30], $0x2800  }
0x11f: {  	[sflag:s30] =	ssyncset.done $0x0  }
0x120: {  	[sflag:s30] =	ssyncadd.s32 $0xFFFFD800  }
0x121: {  	[spmem:s2] =	stream.indirect.scatter.add.f32 [tilespmem:s22], [sflag:$0x7], $0x80, s20, s21, $0xb8;
	[tilespmem:$0x1E100] =	vst v63  }
0x122: {  	_ =	swait.ge [sflag:s31], $0x50  }
0x123: {  	[sflag:s31] =	ssyncset.done $0x0  }
0x124: {  	[sflag:s31] =	ssyncadd.s32 $0xFFFFFFB0  }
0x125: {  	_ =	swait.ge [sflag:s0], $0x2800  }
0x126: {  	[sflag:s0] =	ssyncset.done $0x0  }
0x127: {  	[sflag:s0] =	ssyncadd.s32 $0xFFFFD800  }
0x128: {  	[spmem:s2] =	stream.indirect.scatter.add.f32 [tilespmem:s24], [sflag:$0x8], $0x80, s23, s21, $0xb8;
	[tilespmem:$0x1E100] =	vst v63  }
0x129: {  	_ =	swait.ge [sflag:s1], $0x50  }
.Ltmp5:
0x12a: {  	[sflag:s1] =	ssyncset.done $0x0;
	(pc) =	sbr.rel @p1 .LBB2_3-.Ltmp5, $4  }
0x12b: {  	[sflag:s1] =	ssyncadd.s32 $0xFFFFFFB0  }
0x12c: {  	_ =	swait.ge [sflag:s6], $0x2800  }
0x12d: {  	[sflag:s6] =	ssyncset.done $0x0  }
0x12e: {  	s12 =	sadd.s32 $0xF0, s12;
	[sflag:s6] =	ssyncadd.s32 $0xFFFFD800  }
.Ltmp6:
0x12f: {  	(pc) =	sbr.rel .LBB2_8-.Ltmp6, $3  }
0x130: {  	_ =	sdelay $0x1  }
0x131: {  	[spmem:s2] =	stream.indirect.scatter.add.f32 [tilespmem:s28], [sflag:$0x9], $0x80, s25, s21, $0xb8;
	[tilespmem:$0x1E100] =	vst v63  }
0x132: {  	s11 =	rddreg [dreg:$0x6]  }
.LBB2_9:
0x133: {  	_ =	sfence.sel $0x180000  }
0x134: {  	[bflag:$0x0] =	sbarrier.arrive $0xFFFF  }
0x135: {  	_ =	strace $0x90000050  }
0x136: {  	s0 =	stileid.u32;
	[bflag:$0x2] =	sbarrier.arrive $0xFFFF  }
0x137: {  	p0 =	sne.s32 s0, $0x0;
	s0 =	rddreg [dreg:$0x3]  }
0x138: {  	s0 =	sadd.s32 @!p0 $0x100000, s0  }
0x139: {  	[sflag:s0] =	ssyncadd.tile.s32 @!p0 $0x1;
	_ =	shalt  }
.Lfunc_end2:
_tile_overlayer_lowered:
.L_overlay_start_2:
0x13a: {  	(tag) =	ssettag $0x2  }
0x13b: {  	s0 =	rddreg [dreg:$0x0];
	s2 =	stileid.u32  }
0x13c: {  	s1 =	rddreg [dreg:$0x1];
	p0 =	sne.s32 s2, $0x0  }
0x13d: {  	s3 =	rddreg [dreg:$0x2];
	[bflag:$0x3] =	sbarrier.arrive $0xFFFF;
	s2 =	simm.s32 @!p0 $0x1C0A  }
0x13e: {  	[timem:s3], [sflag:s2] =	dma.local @!p0 [hbm:s0], s1  }
0x13f: {  	s0 =	simm.s32 @!p0 $0xA  }
0x140: {  	_ =	swait.ge @!p0 [sflag:s0], s1  }
0x141: {  	s1 =	ssub.s32 @!p0 $0x0, s1;
	[sflag:s0] =	ssyncset.done @!p0 $0x0  }
0x142: {  	[sflag:s0] =	ssyncadd.s32 @!p0 s1  }
0x143: {  	[bflag:$0x3] =	sbarrier.arrive $0xFFFF  }
0x144: {  	_ =	shalt  }

</sc_bundles>
